<compile_context>
chip_gen: v7x
topology: tpu7x:2x2x1
jax: 0.10.2.dev20260603
libtpu: 0.0.44.dev20260713+nightly
codegen_flags: <defaults>
</compile_context>

<pallas_src>
import jax
import jax.numpy as jnp
from jax import lax
from jax.experimental import pallas as pl
from jax.experimental.pallas import tpu as pltpu
from jax.experimental.pallas import tpu_sc as plsc

N = 10000
E = 320000
D = 128
ALPHA = 0.2

NC = 2
NS = 16
NW = NC * NS
EPT = E // NW
CH = 80
NCH = EPT // CH
N2 = 10240
RPT = N2 // NS
ZR = 16

_f32 = jnp.float32
_i32 = jnp.int32
_bf16 = jnp.bfloat16


def _prep_body(x_ref, w_ref, a_ref, hb_ref, s_ref):
    h = jnp.dot(x_ref[...], w_ref[...], preferred_element_type=_f32)
    a2 = a_ref[...].reshape(2, D)
    s = lax.dot_general(h, a2, (((1,), (1,)), ((), ())),
                        preferred_element_type=_f32)
    s_ref[...] = s
    row = lax.broadcasted_iota(_i32, (D, D), 0)
    col = lax.broadcasted_iota(_i32, (D, D), 1)
    src_col = (col // 32) * 32 + (col % 2) * 16 + (col % 32) // 2
    perm = jnp.where(row == src_col, 1.0, 0.0).astype(_f32)
    hb_ref[...] = jnp.dot(h, perm, preferred_element_type=_f32).astype(_bf16)


def _tc_prep(x, W, a):
    blk = 1000
    grid = N // blk
    return pl.pallas_call(
        _prep_body,
        grid=(grid,),
        in_specs=[
            pl.BlockSpec((blk, D), lambda i: (i, 0)),
            pl.BlockSpec((D, D), lambda i: (0, 0)),
            pl.BlockSpec((1, 2 * D), lambda i: (0, 0)),
        ],
        out_specs=[
            pl.BlockSpec((blk, D), lambda i: (i, 0)),
            pl.BlockSpec((blk, 2), lambda i: (i, 0)),
        ],
        out_shape=[
            jax.ShapeDtypeStruct((N, D), _bf16),
            jax.ShapeDtypeStruct((N, 2), _f32),
        ],
    )(x, W, a)


def _sc_body(eidx_hbm, s1_hbm, s2_hbm, hb_hbm, u_out, dn_out,
             src_v, dst_b, sv1, sv2, pbuf, rows_bf, srows, zbuf, zdn,
             u_sh, dn_sh, gsem, ssem0, ssem1, dsem0, dsem1, sems, isem):
    cid = lax.axis_index("c")
    sid = lax.axis_index("s")
    wid = cid * NS + sid

    for i in range(ZR):
        for c in range(D // 16):
            zbuf[i, pl.ds(c * 16, 16)] = jnp.zeros((16,), _f32)
    for k in range(RPT // 16):
        zdn[pl.ds(k * 16, 16)] = jnp.zeros((16,), _f32)
    for k in range(RPT // ZR):
        pltpu.sync_copy(zbuf, u_sh.at[pl.ds(sid * RPT + k * ZR, ZR)])
    pltpu.sync_copy(zdn, dn_sh.at[pl.ds(sid * RPT, RPT)])

    pltpu.sync_copy(eidx_hbm.at[0, wid], src_v)
    plsc.subcore_barrier()

    pltpu.sync_copy(eidx_hbm.at[1, wid, 0], dst_b.at[0])
    pltpu.async_copy(s1_hbm.at[src_v.at[0]], sv1.at[0], sems)
    pltpu.async_copy(s2_hbm.at[dst_b.at[0]], sv2.at[0], sems)
    pltpu.async_copy(hb_hbm.at[dst_b.at[0]], rows_bf.at[0], gsem)
    pltpu.async_copy(eidx_hbm.at[1, wid, 1], dst_b.at[1], isem)

    def _chunk(j, _):
        b = lax.rem(j, 2)
        pltpu.make_async_copy(s1_hbm.at[src_v.at[j]], sv1.at[b], sems).wait()
        pltpu.make_async_copy(s2_hbm.at[dst_b.at[b]], sv2.at[b], sems).wait()

        @pl.when(j + 1 < NCH)
        def _():
            pltpu.make_async_copy(eidx_hbm.at[1, wid, j + 1],
                                  dst_b.at[1 - b], isem).wait()
            pltpu.async_copy(s1_hbm.at[src_v.at[j + 1]], sv1.at[1 - b], sems)
            pltpu.async_copy(s2_hbm.at[dst_b.at[1 - b]], sv2.at[1 - b], sems)
            pltpu.async_copy(hb_hbm.at[dst_b.at[1 - b]], rows_bf.at[1 - b],
                             gsem)

        @pl.when((j >= 2) & (b == 0))
        def _():
            pltpu.make_async_copy(pbuf.at[b], dn_sh.at[src_v.at[j - 2]],
                                  dsem0).wait()
            pltpu.make_async_copy(srows.at[b], u_sh.at[src_v.at[j - 2]],
                                  ssem0).wait()

        @pl.when((j >= 2) & (b == 1))
        def _():
            pltpu.make_async_copy(pbuf.at[b], dn_sh.at[src_v.at[j - 2]],
                                  dsem1).wait()
            pltpu.make_async_copy(srows.at[b], u_sh.at[src_v.at[j - 2]],
                                  ssem1).wait()

        for m in range(CH // 16):
            sl = pl.ds(m * 16, 16)
            e = sv1[b, sl] + sv2[b, sl]
            e = jnp.where(e > 0, e, ALPHA * e)
            pbuf[b, sl] = jnp.exp(e)

        @pl.when(b == 0)
        def _():
            pltpu.async_copy(pbuf.at[b], dn_sh.at[src_v.at[j]], dsem0,
                             add=True)

        @pl.when(b == 1)
        def _():
            pltpu.async_copy(pbuf.at[b], dn_sh.at[src_v.at[j]], dsem1,
                             add=True)

        pltpu.make_async_copy(hb_hbm.at[dst_b.at[b]], rows_bf.at[b],
                              gsem).wait()

        @plsc.parallel_loop(0, CH, 1, unroll=8)
        def _scale(r):
            pb = plsc.load_gather(pbuf, [jnp.full((16,), b, _i32),
                                         jnp.full((16,), r, _i32)])
            for c in range(D // 32):
                v = rows_bf[b, r, pl.ds(c * 32, 32)]
                lo, hi = plsc.unpack(v, format=plsc.PackFormat.INTERLEAVED)
                srows[b, r, pl.ds(c * 32, 16)] = lo * pb
                srows[b, r, pl.ds(c * 32 + 16, 16)] = hi * pb

        @pl.when(b == 0)
        def _():
            pltpu.async_copy(srows.at[b], u_sh.at[src_v.at[j]], ssem0,
                             add=True)

        @pl.when(b == 1)
        def _():
            pltpu.async_copy(srows.at[b], u_sh.at[src_v.at[j]], ssem1,
                             add=True)

        @pl.when(j + 2 < NCH)
        def _():
            pltpu.async_copy(eidx_hbm.at[1, wid, j + 2], dst_b.at[b], isem)
        return 0

    lax.fori_loop(0, NCH, _chunk, 0)
    pltpu.make_async_copy(pbuf.at[0], dn_sh.at[src_v.at[0]], dsem0).wait()
    pltpu.make_async_copy(pbuf.at[1], dn_sh.at[src_v.at[0]], dsem1).wait()
    pltpu.make_async_copy(srows.at[0], u_sh.at[src_v.at[0]], ssem0).wait()
    pltpu.make_async_copy(srows.at[1], u_sh.at[src_v.at[0]], ssem1).wait()
    plsc.subcore_barrier()

    pltpu.sync_copy(u_sh.at[pl.ds(sid * RPT, RPT)],
                    u_out.at[cid, pl.ds(sid * RPT, RPT)])
    pltpu.sync_copy(dn_sh.at[pl.ds(sid * RPT, RPT)],
                    dn_out.at[cid, pl.ds(sid * RPT, RPT)])


def _sc_agg(eidx, s1, s2, hb):
    mesh = plsc.VectorSubcoreMesh(core_axis_name="c", subcore_axis_name="s")
    return pl.kernel(
        _sc_body,
        out_type=(jax.ShapeDtypeStruct((NC, N2, D), _f32),
                  jax.ShapeDtypeStruct((NC, N2), _f32)),
        mesh=mesh,
        compiler_params=pltpu.CompilerParams(
            needs_layout_passes=False, use_tc_tiling_on_sc=False),
        scratch_types=[
            pltpu.VMEM((NCH, CH), _i32),
            pltpu.VMEM((2, CH), _i32),
            pltpu.VMEM((2, CH), _f32),
            pltpu.VMEM((2, CH), _f32),
            pltpu.VMEM((2, CH), _f32),
            pltpu.VMEM((2, CH, D), _bf16),
            pltpu.VMEM((2, CH, D), _f32),
            pltpu.VMEM((ZR, D), _f32),
            pltpu.VMEM((RPT,), _f32),
            pltpu.VMEM_SHARED((N2, D), _f32),
            pltpu.VMEM_SHARED((N2,), _f32),
            pltpu.SemaphoreType.DMA,
            pltpu.SemaphoreType.DMA,
            pltpu.SemaphoreType.DMA,
            pltpu.SemaphoreType.DMA,
            pltpu.SemaphoreType.DMA,
            pltpu.SemaphoreType.DMA,
            pltpu.SemaphoreType.DMA,
        ],
    )(eidx, s1, s2, hb)


def _combine_body(u_ref, dn_ref, o_ref):
    num = u_ref[0] + u_ref[1]
    den = dn_ref[0] + dn_ref[1]
    den = jnp.where(den > 0, den, 1.0)
    r = num / den[:, None]
    o_ref[...] = jnp.where(r > 0, r, jnp.exp(jnp.minimum(r, 0.0)) - 1.0)


def _tc_combine(u, dn):
    blk = 1024
    grid = N2 // blk
    return pl.pallas_call(
        _combine_body,
        grid=(grid,),
        in_specs=[
            pl.BlockSpec((NC, blk, D), lambda i: (0, i, 0)),
            pl.BlockSpec((NC, blk), lambda i: (0, i)),
        ],
        out_specs=pl.BlockSpec((blk, D), lambda i: (i, 0)),
        out_shape=jax.ShapeDtypeStruct((N, D), _f32),
    )(u, dn)


def kernel(x, edge_index, W, a):
    hb, s = _tc_prep(x, W, a)
    s1 = s[:, 0]
    s2 = s[:, 1]
    eidx = edge_index.reshape(2, NW, NCH, CH)
    u, dn = _sc_agg(eidx, s1, s2, hb)
    return _tc_combine(u, dn)

# --- scband reference (transcript-rebuilt; emitter-appended) ---
"""Pipeline reference for scband-sp-graph-attention-layer-29892972380479 (READ-ONLY COPY).

The authoritative reference and input builder live on the scoring server;
editing this copy changes nothing except your own understanding.
"""

import jax, jax.numpy as jnp
import numpy as np

N = 10000
E = 320000
D_IN = 128
D_OUT = 128
ALPHA = 0.2


def _xavier(key, shape, gain=1.414):
    fan_in, fan_out = shape[0], shape[1]
    bound = gain * np.sqrt(6.0 / (fan_in + fan_out))
    return jax.random.uniform(key, shape, dtype=jnp.float32, minval=-bound, maxval=bound)


def setup_inputs(seed: int = 0) -> dict:
    key = jax.random.key(seed)
    k1, k2, k3, k4 = jax.random.split(key, 4)
    x = jax.random.normal(k1, (N, D_IN), dtype=jnp.float32)
    edge_index = jax.random.randint(k2, (2, E), 0, N, dtype=jnp.int32)
    W = _xavier(k3, (D_IN, D_OUT))
    a = _xavier(k4, (1, 2 * D_OUT))
    return {"x": x, "edge_index": edge_index, "W": W, "a": a}


def reference(x, edge_index, W, a):
    # h = x @ W
    h = jnp.dot(x, W)
    src = edge_index[0]
    dst = edge_index[1]
    # edge features: concat of endpoint features
    edge_h = jnp.concatenate([jnp.take(h, src, axis=0), jnp.take(h, dst, axis=0)], axis=1)  # [E, 2*D_OUT]
    edge_e = jnp.squeeze(jnp.dot(edge_h, a.T), axis=-1)  # [E]
    # LeakyReLU
    edge_e = jnp.where(edge_e > 0, edge_e, ALPHA * edge_e)
    # sparse softmax over dim=1 (per source row)
    row_max = jax.ops.segment_max(edge_e, src, num_segments=N)  # [N]
    row_max = jnp.where(jnp.isfinite(row_max), row_max, 0.0)
    exp_e = jnp.exp(edge_e - jnp.take(row_max, src))
    denom = jax.ops.segment_sum(exp_e, src, num_segments=N)  # [N]
    att = exp_e / jnp.take(jnp.where(denom > 0, denom, 1.0), src)
    # dropout with p=0.0 (eval / deterministic) is identity
    # h_prime = sparse.mm(attention, h): scatter-add weighted neighbor features
    msgs = att[:, None] * jnp.take(h, dst, axis=0)  # [E, D_OUT]
    h_prime = jax.ops.segment_sum(msgs, src, num_segments=N)  # [N, D_OUT]
    # concat=True -> ELU
    return jax.nn.elu(h_prime)

if __name__ == "__main__":
    import jax
    _d = setup_inputs()
    print(jax.jit(kernel)(*tuple(_d.values())))

</pallas_src>

<mosaic_0001>
#map = affine_map<(d0, d1) -> (0, 0, 0, 0)>
#map1 = affine_map<(d0, d1) -> (0)>
#map2 = affine_map<(d0, d1) -> (0, 0)>
#map3 = affine_map<(d0, d1) -> (0, 0, 0)>
module attributes {stable_mosaic.version = 14 : i64} {
  func.func @_sc_body(%arg0: i32, %arg1: i32, %arg2: memref<2x32x125x80xi32, #tpu.memory_space<hbm>>, %arg3: memref<10000xf32, #tpu.memory_space<hbm>>, %arg4: memref<10000xf32, #tpu.memory_space<hbm>>, %arg5: memref<10000x128xbf16, #tpu.memory_space<hbm>>, %arg6: memref<2x10240x128xf32, #tpu.memory_space<hbm>>, %arg7: memref<2x10240xf32, #tpu.memory_space<hbm>>, %arg8: memref<125x80xi32, #tpu.memory_space<vmem>>, %arg9: memref<2x80xi32, #tpu.memory_space<vmem>>, %arg10: memref<2x80xf32, #tpu.memory_space<vmem>>, %arg11: memref<2x80xf32, #tpu.memory_space<vmem>>, %arg12: memref<2x80xf32, #tpu.memory_space<vmem>>, %arg13: memref<2x80x128xbf16, #tpu.memory_space<vmem>>, %arg14: memref<2x80x128xf32, #tpu.memory_space<vmem>>, %arg15: memref<16x128xf32, #tpu.memory_space<vmem>>, %arg16: memref<640xf32, #tpu.memory_space<vmem>>, %arg17: memref<10240x128xf32, #tpu.memory_space<vmem_shared>>, %arg18: memref<10240xf32, #tpu.memory_space<vmem_shared>>, %arg19: memref<!tpu.dma_semaphore, #tpu.memory_space<semaphore_mem>>, %arg20: memref<!tpu.dma_semaphore, #tpu.memory_space<semaphore_mem>>, %arg21: memref<!tpu.dma_semaphore, #tpu.memory_space<semaphore_mem>>, %arg22: memref<!tpu.dma_semaphore, #tpu.memory_space<semaphore_mem>>, %arg23: memref<!tpu.dma_semaphore, #tpu.memory_space<semaphore_mem>>, %arg24: memref<!tpu.dma_semaphore, #tpu.memory_space<semaphore_mem>>, %arg25: memref<!tpu.dma_semaphore, #tpu.memory_space<semaphore_mem>>) attributes {dimension_semantics = [#tpu.dimension_semantics<core_parallel>, #tpu.dimension_semantics<subcore_parallel>], iteration_bounds = array<i64: 2, 16>, scalar_prefetch = 0 : i64, scratch_operands = 18 : i64, tpu.core_type = #tpu.core_type<sc_vector_subcore>, window_params = [{transform_indices = #map}, {transform_indices = #map1}, {transform_indices = #map1}, {transform_indices = #map2}, {transform_indices = #map3}, {transform_indices = #map2}]} {
    %mul3A = arith.constant 16 : i32
    %mul3A_0 = arith.muli %arg0, %mul3A : i32
    %add3A = arith.addi %mul3A_0, %arg1 : i32
    %broadcast_in_dim3A = arith.constant 0.000000e+00 : f32
    %broadcast_in_dim3A_1 = vector.broadcast %broadcast_in_dim3A : f32 to vector<16xf32>
    %swap3A = arith.constant 0 : i32
    %swap3A_2 = arith.index_cast %swap3A : i32 to index
    %swap3A_3 = arith.constant 0 : index
    %swap3A_4 = tpu.vector_load %arg15[%swap3A_2, %swap3A_3] {strides = array<i32>} : memref<16x128xf32, #tpu.memory_space<vmem>>, vector<16xf32>,
    tpu.vector_store %arg15[%swap3A_2, %swap3A_3], %broadcast_in_dim3A_1 {strides = array<i32>} : memref<16x128xf32, #tpu.memory_space<vmem>>, vector<16xf32>,
    %broadcast_in_dim3A_5 = arith.constant 0.000000e+00 : f32
    %broadcast_in_dim3A_6 = vector.broadcast %broadcast_in_dim3A_5 : f32 to vector<16xf32>
    %swap3A_7 = arith.constant 0 : i32
    %swap3A_8 = arith.index_cast %swap3A_7 : i32 to index
    %swap3A_9 = arith.constant 16 : index
    %swap3A_10 = tpu.vector_load %arg15[%swap3A_8, %swap3A_9] {strides = array<i32>} : memref<16x128xf32, #tpu.memory_space<vmem>>, vector<16xf32>,
    tpu.vector_store %arg15[%swap3A_8, %swap3A_9], %broadcast_in_dim3A_6 {strides = array<i32>} : memref<16x128xf32, #tpu.memory_space<vmem>>, vector<16xf32>,
    %broadcast_in_dim3A_11 = arith.constant 0.000000e+00 : f32
    %broadcast_in_dim3A_12 = vector.broadcast %broadcast_in_dim3A_11 : f32 to vector<16xf32>
    %swap3A_13 = arith.constant 0 : i32
    %swap3A_14 = arith.index_cast %swap3A_13 : i32 to index
    %swap3A_15 = arith.constant 32 : index
    %swap3A_16 = tpu.vector_load %arg15[%swap3A_14, %swap3A_15] {strides = array<i32>} : memref<16x128xf32, #tpu.memory_space<vmem>>, vector<16xf32>,
    tpu.vector_store %arg15[%swap3A_14, %swap3A_15], %broadcast_in_dim3A_12 {strides = array<i32>} : memref<16x128xf32, #tpu.memory_space<vmem>>, vector<16xf32>,
    %broadcast_in_dim3A_17 = arith.constant 0.000000e+00 : f32
    %broadcast_in_dim3A_18 = vector.broadcast %broadcast_in_dim3A_17 : f32 to vector<16xf32>
    %swap3A_19 = arith.constant 0 : i32
    %swap3A_20 = arith.index_cast %swap3A_19 : i32 to index
    %swap3A_21 = arith.constant 48 : index
    %swap3A_22 = tpu.vector_load %arg15[%swap3A_20, %swap3A_21] {strides = array<i32>} : memref<16x128xf32, #tpu.memory_space<vmem>>, vector<16xf32>,
    tpu.vector_store %arg15[%swap3A_20, %swap3A_21], %broadcast_in_dim3A_18 {strides = array<i32>} : memref<16x128xf32, #tpu.memory_space<vmem>>, vector<16xf32>,
    %broadcast_in_dim3A_23 = arith.constant 0.000000e+00 : f32
    %broadcast_in_dim3A_24 = vector.broadcast %broadcast_in_dim3A_23 : f32 to vector<16xf32>
    %swap3A_25 = arith.constant 0 : i32
    %swap3A_26 = arith.index_cast %swap3A_25 : i32 to index
    %swap3A_27 = arith.constant 64 : index
    %swap3A_28 = tpu.vector_load %arg15[%swap3A_26, %swap3A_27] {strides = array<i32>} : memref<16x128xf32, #tpu.memory_space<vmem>>, vector<16xf32>,
    tpu.vector_store %arg15[%swap3A_26, %swap3A_27], %broadcast_in_dim3A_24 {strides = array<i32>} : memref<16x128xf32, #tpu.memory_space<vmem>>, vector<16xf32>,
    %broadcast_in_dim3A_29 = arith.constant 0.000000e+00 : f32
    %broadcast_in_dim3A_30 = vector.broadcast %broadcast_in_dim3A_29 : f32 to vector<16xf32>
    %swap3A_31 = arith.constant 0 : i32
    %swap3A_32 = arith.index_cast %swap3A_31 : i32 to index
    %swap3A_33 = arith.constant 80 : index
    %swap3A_34 = tpu.vector_load %arg15[%swap3A_32, %swap3A_33] {strides = array<i32>} : memref<16x128xf32, #tpu.memory_space<vmem>>, vector<16xf32>,
    tpu.vector_store %arg15[%swap3A_32, %swap3A_33], %broadcast_in_dim3A_30 {strides = array<i32>} : memref<16x128xf32, #tpu.memory_space<vmem>>, vector<16xf32>,
    %broadcast_in_dim3A_35 = arith.constant 0.000000e+00 : f32
    %broadcast_in_dim3A_36 = vector.broadcast %broadcast_in_dim3A_35 : f32 to vector<16xf32>
    %swap3A_37 = arith.constant 0 : i32
    %swap3A_38 = arith.index_cast %swap3A_37 : i32 to index
    %swap3A_39 = arith.constant 96 : index
    %swap3A_40 = tpu.vector_load %arg15[%swap3A_38, %swap3A_39] {strides = array<i32>} : memref<16x128xf32, #tpu.memory_space<vmem>>, vector<16xf32>,
    tpu.vector_store %arg15[%swap3A_38, %swap3A_39], %broadcast_in_dim3A_36 {strides = array<i32>} : memref<16x128xf32, #tpu.memory_space<vmem>>, vector<16xf32>,
    %broadcast_in_dim3A_41 = arith.constant 0.000000e+00 : f32
    %broadcast_in_dim3A_42 = vector.broadcast %broadcast_in_dim3A_41 : f32 to vector<16xf32>
    %swap3A_43 = arith.constant 0 : i32
    %swap3A_44 = arith.index_cast %swap3A_43 : i32 to index
    %swap3A_45 = arith.constant 112 : index
    %swap3A_46 = tpu.vector_load %arg15[%swap3A_44, %swap3A_45] {strides = array<i32>} : memref<16x128xf32, #tpu.memory_space<vmem>>, vector<16xf32>,
    tpu.vector_store %arg15[%swap3A_44, %swap3A_45], %broadcast_in_dim3A_42 {strides = array<i32>} : memref<16x128xf32, #tpu.memory_space<vmem>>, vector<16xf32>,
    %broadcast_in_dim3A_47 = arith.constant 0.000000e+00 : f32
    %broadcast_in_dim3A_48 = vector.broadcast %broadcast_in_dim3A_47 : f32 to vector<16xf32>
    %swap3A_49 = arith.constant 1 : i32
    %swap3A_50 = arith.index_cast %swap3A_49 : i32 to index
    %swap3A_51 = arith.constant 0 : index
    %swap3A_52 = tpu.vector_load %arg15[%swap3A_50, %swap3A_51] {strides = array<i32>} : memref<16x128xf32, #tpu.memory_space<vmem>>, vector<16xf32>,
    tpu.vector_store %arg15[%swap3A_50, %swap3A_51], %broadcast_in_dim3A_48 {strides = array<i32>} : memref<16x128xf32, #tpu.memory_space<vmem>>, vector<16xf32>,
    %broadcast_in_dim3A_53 = arith.constant 0.000000e+00 : f32
    %broadcast_in_dim3A_54 = vector.broadcast %broadcast_in_dim3A_53 : f32 to vector<16xf32>
    %swap3A_55 = arith.constant 1 : i32
    %swap3A_56 = arith.index_cast %swap3A_55 : i32 to index
    %swap3A_57 = arith.constant 16 : index
    %swap3A_58 = tpu.vector_load %arg15[%swap3A_56, %swap3A_57] {strides = array<i32>} : memref<16x128xf32, #tpu.memory_space<vmem>>, vector<16xf32>,
    tpu.vector_store %arg15[%swap3A_56, %swap3A_57], %broadcast_in_dim3A_54 {strides = array<i32>} : memref<16x128xf32, #tpu.memory_space<vmem>>, vector<16xf32>,
    %broadcast_in_dim3A_59 = arith.constant 0.000000e+00 : f32
    %broadcast_in_dim3A_60 = vector.broadcast %broadcast_in_dim3A_59 : f32 to vector<16xf32>
    %swap3A_61 = arith.constant 1 : i32
    %swap3A_62 = arith.index_cast %swap3A_61 : i32 to index
    %swap3A_63 = arith.constant 32 : index
    %swap3A_64 = tpu.vector_load %arg15[%swap3A_62, %swap3A_63] {strides = array<i32>} : memref<16x128xf32, #tpu.memory_space<vmem>>, vector<16xf32>,
    tpu.vector_store %arg15[%swap3A_62, %swap3A_63], %broadcast_in_dim3A_60 {strides = array<i32>} : memref<16x128xf32, #tpu.memory_space<vmem>>, vector<16xf32>,
    %broadcast_in_dim3A_65 = arith.constant 0.000000e+00 : f32
    %broadcast_in_dim3A_66 = vector.broadcast %broadcast_in_dim3A_65 : f32 to vector<16xf32>
    %swap3A_67 = arith.constant 1 : i32
    %swap3A_68 = arith.index_cast %swap3A_67 : i32 to index
    %swap3A_69 = arith.constant 48 : index
    %swap3A_70 = tpu.vector_load %arg15[%swap3A_68, %swap3A_69] {strides = array<i32>} : memref<16x128xf32, #tpu.memory_space<vmem>>, vector<16xf32>,
    tpu.vector_store %arg15[%swap3A_68, %swap3A_69], %broadcast_in_dim3A_66 {strides = array<i32>} : memref<16x128xf32, #tpu.memory_space<vmem>>, vector<16xf32>,
    %broadcast_in_dim3A_71 = arith.constant 0.000000e+00 : f32
    %broadcast_in_dim3A_72 = vector.broadcast %broadcast_in_dim3A_71 : f32 to vector<16xf32>
    %swap3A_73 = arith.constant 1 : i32
    %swap3A_74 = arith.index_cast %swap3A_73 : i32 to index
    %swap3A_75 = arith.constant 64 : index
    %swap3A_76 = tpu.vector_load %arg15[%swap3A_74, %swap3A_75] {strides = array<i32>} : memref<16x128xf32, #tpu.memory_space<vmem>>, vector<16xf32>,
    tpu.vector_store %arg15[%swap3A_74, %swap3A_75], %broadcast_in_dim3A_72 {strides = array<i32>} : memref<16x128xf32, #tpu.memory_space<vmem>>, vector<16xf32>,
    %broadcast_in_dim3A_77 = arith.constant 0.000000e+00 : f32
    %broadcast_in_dim3A_78 = vector.broadcast %broadcast_in_dim3A_77 : f32 to vector<16xf32>
    %swap3A_79 = arith.constant 1 : i32
    %swap3A_80 = arith.index_cast %swap3A_79 : i32 to index
    %swap3A_81 = arith.constant 80 : index
    %swap3A_82 = tpu.vector_load %arg15[%swap3A_80, %swap3A_81] {strides = array<i32>} : memref<16x128xf32, #tpu.memory_space<vmem>>, vector<16xf32>,
    tpu.vector_store %arg15[%swap3A_80, %swap3A_81], %broadcast_in_dim3A_78 {strides = array<i32>} : memref<16x128xf32, #tpu.memory_space<vmem>>, vector<16xf32>,
    %broadcast_in_dim3A_83 = arith.constant 0.000000e+00 : f32
    %broadcast_in_dim3A_84 = vector.broadcast %broadcast_in_dim3A_83 : f32 to vector<16xf32>
    %swap3A_85 = arith.constant 1 : i32
    %swap3A_86 = arith.index_cast %swap3A_85 : i32 to index
    %swap3A_87 = arith.constant 96 : index
    %swap3A_88 = tpu.vector_load %arg15[%swap3A_86, %swap3A_87] {strides = array<i32>} : memref<16x128xf32, #tpu.memory_space<vmem>>, vector<16xf32>,
    tpu.vector_store %arg15[%swap3A_86, %swap3A_87], %broadcast_in_dim3A_84 {strides = array<i32>} : memref<16x128xf32, #tpu.memory_space<vmem>>, vector<16xf32>,
    %broadcast_in_dim3A_89 = arith.constant 0.000000e+00 : f32
    %broadcast_in_dim3A_90 = vector.broadcast %broadcast_in_dim3A_89 : f32 to vector<16xf32>
    %swap3A_91 = arith.constant 1 : i32
    %swap3A_92 = arith.index_cast %swap3A_91 : i32 to index
    %swap3A_93 = arith.constant 112 : index
    %swap3A_94 = tpu.vector_load %arg15[%swap3A_92, %swap3A_93] {strides = array<i32>} : memref<16x128xf32, #tpu.memory_space<vmem>>, vector<16xf32>,
    tpu.vector_store %arg15[%swap3A_92, %swap3A_93], %broadcast_in_dim3A_90 {strides = array<i32>} : memref<16x128xf32, #tpu.memory_space<vmem>>, vector<16xf32>,
    %broadcast_in_dim3A_95 = arith.constant 0.000000e+00 : f32
    %broadcast_in_dim3A_96 = vector.broadcast %broadcast_in_dim3A_95 : f32 to vector<16xf32>
    %swap3A_97 = arith.constant 2 : i32
    %swap3A_98 = arith.index_cast %swap3A_97 : i32 to index
    %swap3A_99 = arith.constant 0 : index
    %swap3A_100 = tpu.vector_load %arg15[%swap3A_98, %swap3A_99] {strides = array<i32>} : memref<16x128xf32, #tpu.memory_space<vmem>>, vector<16xf32>,
    tpu.vector_store %arg15[%swap3A_98, %swap3A_99], %broadcast_in_dim3A_96 {strides = array<i32>} : memref<16x128xf32, #tpu.memory_space<vmem>>, vector<16xf32>,
    %broadcast_in_dim3A_101 = arith.constant 0.000000e+00 : f32
    %broadcast_in_dim3A_102 = vector.broadcast %broadcast_in_dim3A_101 : f32 to vector<16xf32>
    %swap3A_103 = arith.constant 2 : i32
    %swap3A_104 = arith.index_cast %swap3A_103 : i32 to index
    %swap3A_105 = arith.constant 16 : index
    %swap3A_106 = tpu.vector_load %arg15[%swap3A_104, %swap3A_105] {strides = array<i32>} : memref<16x128xf32, #tpu.memory_space<vmem>>, vector<16xf32>,
    tpu.vector_store %arg15[%swap3A_104, %swap3A_105], %broadcast_in_dim3A_102 {strides = array<i32>} : memref<16x128xf32, #tpu.memory_space<vmem>>, vector<16xf32>,
    %broadcast_in_dim3A_107 = arith.constant 0.000000e+00 : f32
    %broadcast_in_dim3A_108 = vector.broadcast %broadcast_in_dim3A_107 : f32 to vector<16xf32>
    %swap3A_109 = arith.constant 2 : i32
    %swap3A_110 = arith.index_cast %swap3A_109 : i32 to index
    %swap3A_111 = arith.constant 32 : index
    %swap3A_112 = tpu.vector_load %arg15[%swap3A_110, %swap3A_111] {strides = array<i32>} : memref<16x128xf32, #tpu.memory_space<vmem>>, vector<16xf32>,
    tpu.vector_store %arg15[%swap3A_110, %swap3A_111], %broadcast_in_dim3A_108 {strides = array<i32>} : memref<16x128xf32, #tpu.memory_space<vmem>>, vector<16xf32>,
    %broadcast_in_dim3A_113 = arith.constant 0.000000e+00 : f32
    %broadcast_in_dim3A_114 = vector.broadcast %broadcast_in_dim3A_113 : f32 to vector<16xf32>
    %swap3A_115 = arith.constant 2 : i32
    %swap3A_116 = arith.index_cast %swap3A_115 : i32 to index
    %swap3A_117 = arith.constant 48 : index
    %swap3A_118 = tpu.vector_load %arg15[%swap3A_116, %swap3A_117] {strides = array<i32>} : memref<16x128xf32, #tpu.memory_space<vmem>>, vector<16xf32>,
    tpu.vector_store %arg15[%swap3A_116, %swap3A_117], %broadcast_in_dim3A_114 {strides = array<i32>} : memref<16x128xf32, #tpu.memory_space<vmem>>, vector<16xf32>,
    %broadcast_in_dim3A_119 = arith.constant 0.000000e+00 : f32
    %broadcast_in_dim3A_120 = vector.broadcast %broadcast_in_dim3A_119 : f32 to vector<16xf32>
    %swap3A_121 = arith.constant 2 : i32
    %swap3A_122 = arith.index_cast %swap3A_121 : i32 to index
    %swap3A_123 = arith.constant 64 : index
    %swap3A_124 = tpu.vector_load %arg15[%swap3A_122, %swap3A_123] {strides = array<i32>} : memref<16x128xf32, #tpu.memory_space<vmem>>, vector<16xf32>,
    tpu.vector_store %arg15[%swap3A_122, %swap3A_123], %broadcast_in_dim3A_120 {strides = array<i32>} : memref<16x128xf32, #tpu.memory_space<vmem>>, vector<16xf32>,
    %broadcast_in_dim3A_125 = arith.constant 0.000000e+00 : f32
    %broadcast_in_dim3A_126 = vector.broadcast %broadcast_in_dim3A_125 : f32 to vector<16xf32>
    %swap3A_127 = arith.constant 2 : i32
    %swap3A_128 = arith.index_cast %swap3A_127 : i32 to index
    %swap3A_129 = arith.constant 80 : index
    %swap3A_130 = tpu.vector_load %arg15[%swap3A_128, %swap3A_129] {strides = array<i32>} : memref<16x128xf32, #tpu.memory_space<vmem>>, vector<16xf32>,
    tpu.vector_store %arg15[%swap3A_128, %swap3A_129], %broadcast_in_dim3A_126 {strides = array<i32>} : memref<16x128xf32, #tpu.memory_space<vmem>>, vector<16xf32>,
    %broadcast_in_dim3A_131 = arith.constant 0.000000e+00 : f32
    %broadcast_in_dim3A_132 = vector.broadcast %broadcast_in_dim3A_131 : f32 to vector<16xf32>
    %swap3A_133 = arith.constant 2 : i32
    %swap3A_134 = arith.index_cast %swap3A_133 : i32 to index
    %swap3A_135 = arith.constant 96 : index
    %swap3A_136 = tpu.vector_load %arg15[%swap3A_134, %swap3A_135] {strides = array<i32>} : memref<16x128xf32, #tpu.memory_space<vmem>>, vector<16xf32>,
    tpu.vector_store %arg15[%swap3A_134, %swap3A_135], %broadcast_in_dim3A_132 {strides = array<i32>} : memref<16x128xf32, #tpu.memory_space<vmem>>, vector<16xf32>,
    %broadcast_in_dim3A_137 = arith.constant 0.000000e+00 : f32
    %broadcast_in_dim3A_138 = vector.broadcast %broadcast_in_dim3A_137 : f32 to vector<16xf32>
    %swap3A_139 = arith.constant 2 : i32
    %swap3A_140 = arith.index_cast %swap3A_139 : i32 to index
    %swap3A_141 = arith.constant 112 : index
    %swap3A_142 = tpu.vector_load %arg15[%swap3A_140, %swap3A_141] {strides = array<i32>} : memref<16x128xf32, #tpu.memory_space<vmem>>, vector<16xf32>,
    tpu.vector_store %arg15[%swap3A_140, %swap3A_141], %broadcast_in_dim3A_138 {strides = array<i32>} : memref<16x128xf32, #tpu.memory_space<vmem>>, vector<16xf32>,
    %broadcast_in_dim3A_143 = arith.constant 0.000000e+00 : f32
    %broadcast_in_dim3A_144 = vector.broadcast %broadcast_in_dim3A_143 : f32 to vector<16xf32>
    %swap3A_145 = arith.constant 3 : i32
    %swap3A_146 = arith.index_cast %swap3A_145 : i32 to index
    %swap3A_147 = arith.constant 0 : index
    %swap3A_148 = tpu.vector_load %arg15[%swap3A_146, %swap3A_147] {strides = array<i32>} : memref<16x128xf32, #tpu.memory_space<vmem>>, vector<16xf32>,
    tpu.vector_store %arg15[%swap3A_146, %swap3A_147], %broadcast_in_dim3A_144 {strides = array<i32>} : memref<16x128xf32, #tpu.memory_space<vmem>>, vector<16xf32>,
    %broadcast_in_dim3A_149 = arith.constant 0.000000e+00 : f32
    %broadcast_in_dim3A_150 = vector.broadcast %broadcast_in_dim3A_149 : f32 to vector<16xf32>
    %swap3A_151 = arith.constant 3 : i32
    %swap3A_152 = arith.index_cast %swap3A_151 : i32 to index
    %swap3A_153 = arith.constant 16 : index
    %swap3A_154 = tpu.vector_load %arg15[%swap3A_152, %swap3A_153] {strides = array<i32>} : memref<16x128xf32, #tpu.memory_space<vmem>>, vector<16xf32>,
    tpu.vector_store %arg15[%swap3A_152, %swap3A_153], %broadcast_in_dim3A_150 {strides = array<i32>} : memref<16x128xf32, #tpu.memory_space<vmem>>, vector<16xf32>,
    %broadcast_in_dim3A_155 = arith.constant 0.000000e+00 : f32
    %broadcast_in_dim3A_156 = vector.broadcast %broadcast_in_dim3A_155 : f32 to vector<16xf32>
    %swap3A_157 = arith.constant 3 : i32
    %swap3A_158 = arith.index_cast %swap3A_157 : i32 to index
    %swap3A_159 = arith.constant 32 : index
    %swap3A_160 = tpu.vector_load %arg15[%swap3A_158, %swap3A_159] {strides = array<i32>} : memref<16x128xf32, #tpu.memory_space<vmem>>, vector<16xf32>,
    tpu.vector_store %arg15[%swap3A_158, %swap3A_159], %broadcast_in_dim3A_156 {strides = array<i32>} : memref<16x128xf32, #tpu.memory_space<vmem>>, vector<16xf32>,
    %broadcast_in_dim3A_161 = arith.constant 0.000000e+00 : f32
    %broadcast_in_dim3A_162 = vector.broadcast %broadcast_in_dim3A_161 : f32 to vector<16xf32>
    %swap3A_163 = arith.constant 3 : i32
    %swap3A_164 = arith.index_cast %swap3A_163 : i32 to index
    %swap3A_165 = arith.constant 48 : index
    %swap3A_166 = tpu.vector_load %arg15[%swap3A_164, %swap3A_165] {strides = array<i32>} : memref<16x128xf32, #tpu.memory_space<vmem>>, vector<16xf32>,
    tpu.vector_store %arg15[%swap3A_164, %swap3A_165], %broadcast_in_dim3A_162 {strides = array<i32>} : memref<16x128xf32, #tpu.memory_space<vmem>>, vector<16xf32>,
    %broadcast_in_dim3A_167 = arith.constant 0.000000e+00 : f32
    %broadcast_in_dim3A_168 = vector.broadcast %broadcast_in_dim3A_167 : f32 to vector<16xf32>
    %swap3A_169 = arith.constant 3 : i32
    %swap3A_170 = arith.index_cast %swap3A_169 : i32 to index
    %swap3A_171 = arith.constant 64 : index
    %swap3A_172 = tpu.vector_load %arg15[%swap3A_170, %swap3A_171] {strides = array<i32>} : memref<16x128xf32, #tpu.memory_space<vmem>>, vector<16xf32>,
    tpu.vector_store %arg15[%swap3A_170, %swap3A_171], %broadcast_in_dim3A_168 {strides = array<i32>} : memref<16x128xf32, #tpu.memory_space<vmem>>, vector<16xf32>,
    %broadcast_in_dim3A_173 = arith.constant 0.000000e+00 : f32
    %broadcast_in_dim3A_174 = vector.broadcast %broadcast_in_dim3A_173 : f32 to vector<16xf32>
    %swap3A_175 = arith.constant 3 : i32
    %swap3A_176 = arith.index_cast %swap3A_175 : i32 to index
    %swap3A_177 = arith.constant 80 : index
    %swap3A_178 = tpu.vector_load %arg15[%swap3A_176, %swap3A_177] {strides = array<i32>} : memref<16x128xf32, #tpu.memory_space<vmem>>, vector<16xf32>,
    tpu.vector_store %arg15[%swap3A_176, %swap3A_177], %broadcast_in_dim3A_174 {strides = array<i32>} : memref<16x128xf32, #tpu.memory_space<vmem>>, vector<16xf32>,
    %broadcast_in_dim3A_179 = arith.constant 0.000000e+00 : f32
    %broadcast_in_dim3A_180 = vector.broadcast %broadcast_in_dim3A_179 : f32 to vector<16xf32>
    %swap3A_181 = arith.constant 3 : i32
    %swap3A_182 = arith.index_cast %swap3A_181 : i32 to index
    %swap3A_183 = arith.constant 96 : index
    %swap3A_184 = tpu.vector_load %arg15[%swap3A_182, %swap3A_183] {strides = array<i32>} : memref<16x128xf32, #tpu.memory_space<vmem>>, vector<16xf32>,
    tpu.vector_store %arg15[%swap3A_182, %swap3A_183], %broadcast_in_dim3A_180 {strides = array<i32>} : memref<16x128xf32, #tpu.memory_space<vmem>>, vector<16xf32>,
    %broadcast_in_dim3A_185 = arith.constant 0.000000e+00 : f32
    %broadcast_in_dim3A_186 = vector.broadcast %broadcast_in_dim3A_185 : f32 to vector<16xf32>
    %swap3A_187 = arith.constant 3 : i32
    %swap3A_188 = arith.index_cast %swap3A_187 : i32 to index
    %swap3A_189 = arith.constant 112 : index
    %swap3A_190 = tpu.vector_load %arg15[%swap3A_188, %swap3A_189] {strides = array<i32>} : memref<16x128xf32, #tpu.memory_space<vmem>>, vector<16xf32>,
    tpu.vector_store %arg15[%swap3A_188, %swap3A_189], %broadcast_in_dim3A_186 {strides = array<i32>} : memref<16x128xf32, #tpu.memory_space<vmem>>, vector<16xf32>,
    %broadcast_in_dim3A_191 = arith.constant 0.000000e+00 : f32
    %broadcast_in_dim3A_192 = vector.broadcast %broadcast_in_dim3A_191 : f32 to vector<16xf32>
    %swap3A_193 = arith.constant 4 : i32
    %swap3A_194 = arith.index_cast %swap3A_193 : i32 to index
    %swap3A_195 = arith.constant 0 : index
    %swap3A_196 = tpu.vector_load %arg15[%swap3A_194, %swap3A_195] {strides = array<i32>} : memref<16x128xf32, #tpu.memory_space<vmem>>, vector<16xf32>,
    tpu.vector_store %arg15[%swap3A_194, %swap3A_195], %broadcast_in_dim3A_192 {strides = array<i32>} : memref<16x128xf32, #tpu.memory_space<vmem>>, vector<16xf32>,
    %broadcast_in_dim3A_197 = arith.constant 0.000000e+00 : f32
    %broadcast_in_dim3A_198 = vector.broadcast %broadcast_in_dim3A_197 : f32 to vector<16xf32>
    %swap3A_199 = arith.constant 4 : i32
    %swap3A_200 = arith.index_cast %swap3A_199 : i32 to index
    %swap3A_201 = arith.constant 16 : index
    %swap3A_202 = tpu.vector_load %arg15[%swap3A_200, %swap3A_201] {strides = array<i32>} : memref<16x128xf32, #tpu.memory_space<vmem>>, vector<16xf32>,
    tpu.vector_store %arg15[%swap3A_200, %swap3A_201], %broadcast_in_dim3A_198 {strides = array<i32>} : memref<16x128xf32, #tpu.memory_space<vmem>>, vector<16xf32>,
    %broadcast_in_dim3A_203 = arith.constant 0.000000e+00 : f32
    %broadcast_in_dim3A_204 = vector.broadcast %broadcast_in_dim3A_203 : f32 to vector<16xf32>
    %swap3A_205 = arith.constant 4 : i32
    %swap3A_206 = arith.index_cast %swap3A_205 : i32 to index
    %swap3A_207 = arith.constant 32 : index
    %swap3A_208 = tpu.vector_load %arg15[%swap3A_206, %swap3A_207] {strides = array<i32>} : memref<16x128xf32, #tpu.memory_space<vmem>>, vector<16xf32>,
    tpu.vector_store %arg15[%swap3A_206, %swap3A_207], %broadcast_in_dim3A_204 {strides = array<i32>} : memref<16x128xf32, #tpu.memory_space<vmem>>, vector<16xf32>,
    %broadcast_in_dim3A_209 = arith.constant 0.000000e+00 : f32
    %broadcast_in_dim3A_210 = vector.broadcast %broadcast_in_dim3A_209 : f32 to vector<16xf32>
    %swap3A_211 = arith.constant 4 : i32
    %swap3A_212 = arith.index_cast %swap3A_211 : i32 to index
    %swap3A_213 = arith.constant 48 : index
    %swap3A_214 = tpu.vector_load %arg15[%swap3A_212, %swap3A_213] {strides = array<i32>} : memref<16x128xf32, #tpu.memory_space<vmem>>, vector<16xf32>,
    tpu.vector_store %arg15[%swap3A_212, %swap3A_213], %broadcast_in_dim3A_210 {strides = array<i32>} : memref<16x128xf32, #tpu.memory_space<vmem>>, vector<16xf32>,
    %broadcast_in_dim3A_215 = arith.constant 0.000000e+00 : f32
    %broadcast_in_dim3A_216 = vector.broadcast %broadcast_in_dim3A_215 : f32 to vector<16xf32>
    %swap3A_217 = arith.constant 4 : i32
    %swap3A_218 = arith.index_cast %swap3A_217 : i32 to index
    %swap3A_219 = arith.constant 64 : index
    %swap3A_220 = tpu.vector_load %arg15[%swap3A_218, %swap3A_219] {strides = array<i32>} : memref<16x128xf32, #tpu.memory_space<vmem>>, vector<16xf32>,
    tpu.vector_store %arg15[%swap3A_218, %swap3A_219], %broadcast_in_dim3A_216 {strides = array<i32>} : memref<16x128xf32, #tpu.memory_space<vmem>>, vector<16xf32>,
    %broadcast_in_dim3A_221 = arith.constant 0.000000e+00 : f32
    %broadcast_in_dim3A_222 = vector.broadcast %broadcast_in_dim3A_221 : f32 to vector<16xf32>
    %swap3A_223 = arith.constant 4 : i32
    %swap3A_224 = arith.index_cast %swap3A_223 : i32 to index
    %swap3A_225 = arith.constant 80 : index
    %swap3A_226 = tpu.vector_load %arg15[%swap3A_224, %swap3A_225] {strides = array<i32>} : memref<16x128xf32, #tpu.memory_space<vmem>>, vector<16xf32>,
    tpu.vector_store %arg15[%swap3A_224, %swap3A_225], %broadcast_in_dim3A_222 {strides = array<i32>} : memref<16x128xf32, #tpu.memory_space<vmem>>, vector<16xf32>,
    %broadcast_in_dim3A_227 = arith.constant 0.000000e+00 : f32
    %broadcast_in_dim3A_228 = vector.broadcast %broadcast_in_dim3A_227 : f32 to vector<16xf32>
    %swap3A_229 = arith.constant 4 : i32
    %swap3A_230 = arith.index_cast %swap3A_229 : i32 to index
    %swap3A_231 = arith.constant 96 : index
    %swap3A_232 = tpu.vector_load %arg15[%swap3A_230, %swap3A_231] {strides = array<i32>} : memref<16x128xf32, #tpu.memory_space<vmem>>, vector<16xf32>,
    tpu.vector_store %arg15[%swap3A_230, %swap3A_231], %broadcast_in_dim3A_228 {strides = array<i32>} : memref<16x128xf32, #tpu.memory_space<vmem>>, vector<16xf32>,
    %broadcast_in_dim3A_233 = arith.constant 0.000000e+00 : f32
    %broadcast_in_dim3A_234 = vector.broadcast %broadcast_in_dim3A_233 : f32 to vector<16xf32>
    %swap3A_235 = arith.constant 4 : i32
    %swap3A_236 = arith.index_cast %swap3A_235 : i32 to index
    %swap3A_237 = arith.constant 112 : index
    %swap3A_238 = tpu.vector_load %arg15[%swap3A_236, %swap3A_237] {strides = array<i32>} : memref<16x128xf32, #tpu.memory_space<vmem>>, vector<16xf32>,
    tpu.vector_store %arg15[%swap3A_236, %swap3A_237], %broadcast_in_dim3A_234 {strides = array<i32>} : memref<16x128xf32, #tpu.memory_space<vmem>>, vector<16xf32>,
    %broadcast_in_dim3A_239 = arith.constant 0.000000e+00 : f32
    %broadcast_in_dim3A_240 = vector.broadcast %broadcast_in_dim3A_239 : f32 to vector<16xf32>
    %swap3A_241 = arith.constant 5 : i32
    %swap3A_242 = arith.index_cast %swap3A_241 : i32 to index
    %swap3A_243 = arith.constant 0 : index
    %swap3A_244 = tpu.vector_load %arg15[%swap3A_242, %swap3A_243] {strides = array<i32>} : memref<16x128xf32, #tpu.memory_space<vmem>>, vector<16xf32>,
    tpu.vector_store %arg15[%swap3A_242, %swap3A_243], %broadcast_in_dim3A_240 {strides = array<i32>} : memref<16x128xf32, #tpu.memory_space<vmem>>, vector<16xf32>,
    %broadcast_in_dim3A_245 = arith.constant 0.000000e+00 : f32
    %broadcast_in_dim3A_246 = vector.broadcast %broadcast_in_dim3A_245 : f32 to vector<16xf32>
    %swap3A_247 = arith.constant 5 : i32
    %swap3A_248 = arith.index_cast %swap3A_247 : i32 to index
    %swap3A_249 = arith.constant 16 : index
    %swap3A_250 = tpu.vector_load %arg15[%swap3A_248, %swap3A_249] {strides = array<i32>} : memref<16x128xf32, #tpu.memory_space<vmem>>, vector<16xf32>,
    tpu.vector_store %arg15[%swap3A_248, %swap3A_249], %broadcast_in_dim3A_246 {strides = array<i32>} : memref<16x128xf32, #tpu.memory_space<vmem>>, vector<16xf32>,
    %broadcast_in_dim3A_251 = arith.constant 0.000000e+00 : f32
    %broadcast_in_dim3A_252 = vector.broadcast %broadcast_in_dim3A_251 : f32 to vector<16xf32>
    %swap3A_253 = arith.constant 5 : i32
    %swap3A_254 = arith.index_cast %swap3A_253 : i32 to index
    %swap3A_255 = arith.constant 32 : index
    %swap3A_256 = tpu.vector_load %arg15[%swap3A_254, %swap3A_255] {strides = array<i32>} : memref<16x128xf32, #tpu.memory_space<vmem>>, vector<16xf32>,
    tpu.vector_store %arg15[%swap3A_254, %swap3A_255], %broadcast_in_dim3A_252 {strides = array<i32>} : memref<16x128xf32, #tpu.memory_space<vmem>>, vector<16xf32>,
    %broadcast_in_dim3A_257 = arith.constant 0.000000e+00 : f32
    %broadcast_in_dim3A_258 = vector.broadcast %broadcast_in_dim3A_257 : f32 to vector<16xf32>
    %swap3A_259 = arith.constant 5 : i32
    %swap3A_260 = arith.index_cast %swap3A_259 : i32 to index
    %swap3A_261 = arith.constant 48 : index
    %swap3A_262 = tpu.vector_load %arg15[%swap3A_260, %swap3A_261] {strides = array<i32>} : memref<16x128xf32, #tpu.memory_space<vmem>>, vector<16xf32>,
    tpu.vector_store %arg15[%swap3A_260, %swap3A_261], %broadcast_in_dim3A_258 {strides = array<i32>} : memref<16x128xf32, #tpu.memory_space<vmem>>, vector<16xf32>,
    %broadcast_in_dim3A_263 = arith.constant 0.000000e+00 : f32
    %broadcast_in_dim3A_264 = vector.broadcast %broadcast_in_dim3A_263 : f32 to vector<16xf32>
    %swap3A_265 = arith.constant 5 : i32
    %swap3A_266 = arith.index_cast %swap3A_265 : i32 to index
    %swap3A_267 = arith.constant 64 : index
    %swap3A_268 = tpu.vector_load %arg15[%swap3A_266, %swap3A_267] {strides = array<i32>} : memref<16x128xf32, #tpu.memory_space<vmem>>, vector<16xf32>,
    tpu.vector_store %arg15[%swap3A_266, %swap3A_267], %broadcast_in_dim3A_264 {strides = array<i32>} : memref<16x128xf32, #tpu.memory_space<vmem>>, vector<16xf32>,
    %broadcast_in_dim3A_269 = arith.constant 0.000000e+00 : f32
    %broadcast_in_dim3A_270 = vector.broadcast %broadcast_in_dim3A_269 : f32 to vector<16xf32>
    %swap3A_271 = arith.constant 5 : i32
    %swap3A_272 = arith.index_cast %swap3A_271 : i32 to index
    %swap3A_273 = arith.constant 80 : index
    %swap3A_274 = tpu.vector_load %arg15[%swap3A_272, %swap3A_273] {strides = array<i32>} : memref<16x128xf32, #tpu.memory_space<vmem>>, vector<16xf32>,
    tpu.vector_store %arg15[%swap3A_272, %swap3A_273], %broadcast_in_dim3A_270 {strides = array<i32>} : memref<16x128xf32, #tpu.memory_space<vmem>>, vector<16xf32>,
    %broadcast_in_dim3A_275 = arith.constant 0.000000e+00 : f32
    %broadcast_in_dim3A_276 = vector.broadcast %broadcast_in_dim3A_275 : f32 to vector<16xf32>
    %swap3A_277 = arith.constant 5 : i32
    %swap3A_278 = arith.index_cast %swap3A_277 : i32 to index
    %swap3A_279 = arith.constant 96 : index
    %swap3A_280 = tpu.vector_load %arg15[%swap3A_278, %swap3A_279] {strides = array<i32>} : memref<16x128xf32, #tpu.memory_space<vmem>>, vector<16xf32>,
    tpu.vector_store %arg15[%swap3A_278, %swap3A_279], %broadcast_in_dim3A_276 {strides = array<i32>} : memref<16x128xf32, #tpu.memory_space<vmem>>, vector<16xf32>,
    %broadcast_in_dim3A_281 = arith.constant 0.000000e+00 : f32
    %broadcast_in_dim3A_282 = vector.broadcast %broadcast_in_dim3A_281 : f32 to vector<16xf32>
    %swap3A_283 = arith.constant 5 : i32
    %swap3A_284 = arith.index_cast %swap3A_283 : i32 to index
    %swap3A_285 = arith.constant 112 : index
    %swap3A_286 = tpu.vector_load %arg15[%swap3A_284, %swap3A_285] {strides = array<i32>} : memref<16x128xf32, #tpu.memory_space<vmem>>, vector<16xf32>,
    tpu.vector_store %arg15[%swap3A_284, %swap3A_285], %broadcast_in_dim3A_282 {strides = array<i32>} : memref<16x128xf32, #tpu.memory_space<vmem>>, vector<16xf32>,
    %broadcast_in_dim3A_287 = arith.constant 0.000000e+00 : f32
    %broadcast_in_dim3A_288 = vector.broadcast %broadcast_in_dim3A_287 : f32 to vector<16xf32>
    %swap3A_289 = arith.constant 6 : i32
    %swap3A_290 = arith.index_cast %swap3A_289 : i32 to index
    %swap3A_291 = arith.constant 0 : index
    %swap3A_292 = tpu.vector_load %arg15[%swap3A_290, %swap3A_291] {strides = array<i32>} : memref<16x128xf32, #tpu.memory_space<vmem>>, vector<16xf32>,
    tpu.vector_store %arg15[%swap3A_290, %swap3A_291], %broadcast_in_dim3A_288 {strides = array<i32>} : memref<16x128xf32, #tpu.memory_space<vmem>>, vector<16xf32>,
    %broadcast_in_dim3A_293 = arith.constant 0.000000e+00 : f32
    %broadcast_in_dim3A_294 = vector.broadcast %broadcast_in_dim3A_293 : f32 to vector<16xf32>
    %swap3A_295 = arith.constant 6 : i32
    %swap3A_296 = arith.index_cast %swap3A_295 : i32 to index
    %swap3A_297 = arith.constant 16 : index
    %swap3A_298 = tpu.vector_load %arg15[%swap3A_296, %swap3A_297] {strides = array<i32>} : memref<16x128xf32, #tpu.memory_space<vmem>>, vector<16xf32>,
    tpu.vector_store %arg15[%swap3A_296, %swap3A_297], %broadcast_in_dim3A_294 {strides = array<i32>} : memref<16x128xf32, #tpu.memory_space<vmem>>, vector<16xf32>,
    %broadcast_in_dim3A_299 = arith.constant 0.000000e+00 : f32
    %broadcast_in_dim3A_300 = vector.broadcast %broadcast_in_dim3A_299 : f32 to vector<16xf32>
    %swap3A_301 = arith.constant 6 : i32
    %swap3A_302 = arith.index_cast %swap3A_301 : i32 to index
    %swap3A_303 = arith.constant 32 : index
    %swap3A_304 = tpu.vector_load %arg15[%swap3A_302, %swap3A_303] {strides = array<i32>} : memref<16x128xf32, #tpu.memory_space<vmem>>, vector<16xf32>,
    tpu.vector_store %arg15[%swap3A_302, %swap3A_303], %broadcast_in_dim3A_300 {strides = array<i32>} : memref<16x128xf32, #tpu.memory_space<vmem>>, vector<16xf32>,
    %broadcast_in_dim3A_305 = arith.constant 0.000000e+00 : f32
    %broadcast_in_dim3A_306 = vector.broadcast %broadcast_in_dim3A_305 : f32 to vector<16xf32>
    %swap3A_307 = arith.constant 6 : i32
    %swap3A_308 = arith.index_cast %swap3A_307 : i32 to index
    %swap3A_309 = arith.constant 48 : index
    %swap3A_310 = tpu.vector_load %arg15[%swap3A_308, %swap3A_309] {strides = array<i32>} : memref<16x128xf32, #tpu.memory_space<vmem>>, vector<16xf32>,
    tpu.vector_store %arg15[%swap3A_308, %swap3A_309], %broadcast_in_dim3A_306 {strides = array<i32>} : memref<16x128xf32, #tpu.memory_space<vmem>>, vector<16xf32>,
    %broadcast_in_dim3A_311 = arith.constant 0.000000e+00 : f32
    %broadcast_in_dim3A_312 = vector.broadcast %broadcast_in_dim3A_311 : f32 to vector<16xf32>
    %swap3A_313 = arith.constant 6 : i32
    %swap3A_314 = arith.index_cast %swap3A_313 : i32 to index
    %swap3A_315 = arith.constant 64 : index
    %swap3A_316 = tpu.vector_load %arg15[%swap3A_314, %swap3A_315] {strides = array<i32>} : memref<16x128xf32, #tpu.memory_space<vmem>>, vector<16xf32>,
    tpu.vector_store %arg15[%swap3A_314, %swap3A_315], %broadcast_in_dim3A_312 {strides = array<i32>} : memref<16x128xf32, #tpu.memory_space<vmem>>, vector<16xf32>,
    %broadcast_in_dim3A_317 = arith.constant 0.000000e+00 : f32
    %broadcast_in_dim3A_318 = vector.broadcast %broadcast_in_dim3A_317 : f32 to vector<16xf32>
    %swap3A_319 = arith.constant 6 : i32
    %swap3A_320 = arith.index_cast %swap3A_319 : i32 to index
    %swap3A_321 = arith.constant 80 : index
    %swap3A_322 = tpu.vector_load %arg15[%swap3A_320, %swap3A_321] {strides = array<i32>} : memref<16x128xf32, #tpu.memory_space<vmem>>, vector<16xf32>,
    tpu.vector_store %arg15[%swap3A_320, %swap3A_321], %broadcast_in_dim3A_318 {strides = array<i32>} : memref<16x128xf32, #tpu.memory_space<vmem>>, vector<16xf32>,
    %broadcast_in_dim3A_323 = arith.constant 0.000000e+00 : f32
    %broadcast_in_dim3A_324 = vector.broadcast %broadcast_in_dim3A_323 : f32 to vector<16xf32>
    %swap3A_325 = arith.constant 6 : i32
    %swap3A_326 = arith.index_cast %swap3A_325 : i32 to index
    %swap3A_327 = arith.constant 96 : index
    %swap3A_328 = tpu.vector_load %arg15[%swap3A_326, %swap3A_327] {strides = array<i32>} : memref<16x128xf32, #tpu.memory_space<vmem>>, vector<16xf32>,
    tpu.vector_store %arg15[%swap3A_326, %swap3A_327], %broadcast_in_dim3A_324 {strides = array<i32>} : memref<16x128xf32, #tpu.memory_space<vmem>>, vector<16xf32>,
    %broadcast_in_dim3A_329 = arith.constant 0.000000e+00 : f32
    %broadcast_in_dim3A_330 = vector.broadcast %broadcast_in_dim3A_329 : f32 to vector<16xf32>
    %swap3A_331 = arith.constant 6 : i32
    %swap3A_332 = arith.index_cast %swap3A_331 : i32 to index
    %swap3A_333 = arith.constant 112 : index
    %swap3A_334 = tpu.vector_load %arg15[%swap3A_332, %swap3A_333] {strides = array<i32>} : memref<16x128xf32, #tpu.memory_space<vmem>>, vector<16xf32>,
    tpu.vector_store %arg15[%swap3A_332, %swap3A_333], %broadcast_in_dim3A_330 {strides = array<i32>} : memref<16x128xf32, #tpu.memory_space<vmem>>, vector<16xf32>,
    %broadcast_in_dim3A_335 = arith.constant 0.000000e+00 : f32
    %broadcast_in_dim3A_336 = vector.broadcast %broadcast_in_dim3A_335 : f32 to vector<16xf32>
    %swap3A_337 = arith.constant 7 : i32
    %swap3A_338 = arith.index_cast %swap3A_337 : i32 to index
    %swap3A_339 = arith.constant 0 : index
    %swap3A_340 = tpu.vector_load %arg15[%swap3A_338, %swap3A_339] {strides = array<i32>} : memref<16x128xf32, #tpu.memory_space<vmem>>, vector<16xf32>,
    tpu.vector_store %arg15[%swap3A_338, %swap3A_339], %broadcast_in_dim3A_336 {strides = array<i32>} : memref<16x128xf32, #tpu.memory_space<vmem>>, vector<16xf32>,
    %broadcast_in_dim3A_341 = arith.constant 0.000000e+00 : f32
    %broadcast_in_dim3A_342 = vector.broadcast %broadcast_in_dim3A_341 : f32 to vector<16xf32>
    %swap3A_343 = arith.constant 7 : i32
    %swap3A_344 = arith.index_cast %swap3A_343 : i32 to index
    %swap3A_345 = arith.constant 16 : index
    %swap3A_346 = tpu.vector_load %arg15[%swap3A_344, %swap3A_345] {strides = array<i32>} : memref<16x128xf32, #tpu.memory_space<vmem>>, vector<16xf32>,
    tpu.vector_store %arg15[%swap3A_344, %swap3A_345], %broadcast_in_dim3A_342 {strides = array<i32>} : memref<16x128xf32, #tpu.memory_space<vmem>>, vector<16xf32>,
    %broadcast_in_dim3A_347 = arith.constant 0.000000e+00 : f32
    %broadcast_in_dim3A_348 = vector.broadcast %broadcast_in_dim3A_347 : f32 to vector<16xf32>
    %swap3A_349 = arith.constant 7 : i32
    %swap3A_350 = arith.index_cast %swap3A_349 : i32 to index
    %swap3A_351 = arith.constant 32 : index
    %swap3A_352 = tpu.vector_load %arg15[%swap3A_350, %swap3A_351] {strides = array<i32>} : memref<16x128xf32, #tpu.memory_space<vmem>>, vector<16xf32>,
    tpu.vector_store %arg15[%swap3A_350, %swap3A_351], %broadcast_in_dim3A_348 {strides = array<i32>} : memref<16x128xf32, #tpu.memory_space<vmem>>, vector<16xf32>,
    %broadcast_in_dim3A_353 = arith.constant 0.000000e+00 : f32
    %broadcast_in_dim3A_354 = vector.broadcast %broadcast_in_dim3A_353 : f32 to vector<16xf32>
    %swap3A_355 = arith.constant 7 : i32
    %swap3A_356 = arith.index_cast %swap3A_355 : i32 to index
    %swap3A_357 = arith.constant 48 : index
    %swap3A_358 = tpu.vector_load %arg15[%swap3A_356, %swap3A_357] {strides = array<i32>} : memref<16x128xf32, #tpu.memory_space<vmem>>, vector<16xf32>,
    tpu.vector_store %arg15[%swap3A_356, %swap3A_357], %broadcast_in_dim3A_354 {strides = array<i32>} : memref<16x128xf32, #tpu.memory_space<vmem>>, vector<16xf32>,
    %broadcast_in_dim3A_359 = arith.constant 0.000000e+00 : f32
    %broadcast_in_dim3A_360 = vector.broadcast %broadcast_in_dim3A_359 : f32 to vector<16xf32>
    %swap3A_361 = arith.constant 7 : i32
    %swap3A_362 = arith.index_cast %swap3A_361 : i32 to index
    %swap3A_363 = arith.constant 64 : index
    %swap3A_364 = tpu.vector_load %arg15[%swap3A_362, %swap3A_363] {strides = array<i32>} : memref<16x128xf32, #tpu.memory_space<vmem>>, vector<16xf32>,
    tpu.vector_store %arg15[%swap3A_362, %swap3A_363], %broadcast_in_dim3A_360 {strides = array<i32>} : memref<16x128xf32, #tpu.memory_space<vmem>>, vector<16xf32>,
    %broadcast_in_dim3A_365 = arith.constant 0.000000e+00 : f32
    %broadcast_in_dim3A_366 = vector.broadcast %broadcast_in_dim3A_365 : f32 to vector<16xf32>
    %swap3A_367 = arith.constant 7 : i32
    %swap3A_368 = arith.index_cast %swap3A_367 : i32 to index
    %swap3A_369 = arith.constant 80 : index
    %swap3A_370 = tpu.vector_load %arg15[%swap3A_368, %swap3A_369] {strides = array<i32>} : memref<16x128xf32, #tpu.memory_space<vmem>>, vector<16xf32>,
    tpu.vector_store %arg15[%swap3A_368, %swap3A_369], %broadcast_in_dim3A_366 {strides = array<i32>} : memref<16x128xf32, #tpu.memory_space<vmem>>, vector<16xf32>,
    %broadcast_in_dim3A_371 = arith.constant 0.000000e+00 : f32
    %broadcast_in_dim3A_372 = vector.broadcast %broadcast_in_dim3A_371 : f32 to vector<16xf32>
    %swap3A_373 = arith.constant 7 : i32
    %swap3A_374 = arith.index_cast %swap3A_373 : i32 to index
    %swap3A_375 = arith.constant 96 : index
    %swap3A_376 = tpu.vector_load %arg15[%swap3A_374, %swap3A_375] {strides = array<i32>} : memref<16x128xf32, #tpu.memory_space<vmem>>, vector<16xf32>,
    tpu.vector_store %arg15[%swap3A_374, %swap3A_375], %broadcast_in_dim3A_372 {strides = array<i32>} : memref<16x128xf32, #tpu.memory_space<vmem>>, vector<16xf32>,
    %broadcast_in_dim3A_377 = arith.constant 0.000000e+00 : f32
    %broadcast_in_dim3A_378 = vector.broadcast %broadcast_in_dim3A_377 : f32 to vector<16xf32>
    %swap3A_379 = arith.constant 7 : i32
    %swap3A_380 = arith.index_cast %swap3A_379 : i32 to index
    %swap3A_381 = arith.constant 112 : index
    %swap3A_382 = tpu.vector_load %arg15[%swap3A_380, %swap3A_381] {strides = array<i32>} : memref<16x128xf32, #tpu.memory_space<vmem>>, vector<16xf32>,
    tpu.vector_store %arg15[%swap3A_380, %swap3A_381], %broadcast_in_dim3A_378 {strides = array<i32>} : memref<16x128xf32, #tpu.memory_space<vmem>>, vector<16xf32>,
    %broadcast_in_dim3A_383 = arith.constant 0.000000e+00 : f32
    %broadcast_in_dim3A_384 = vector.broadcast %broadcast_in_dim3A_383 : f32 to vector<16xf32>
    %swap3A_385 = arith.constant 8 : i32
    %swap3A_386 = arith.index_cast %swap3A_385 : i32 to index
    %swap3A_387 = arith.constant 0 : index
    %swap3A_388 = tpu.vector_load %arg15[%swap3A_386, %swap3A_387] {strides = array<i32>} : memref<16x128xf32, #tpu.memory_space<vmem>>, vector<16xf32>,
    tpu.vector_store %arg15[%swap3A_386, %swap3A_387], %broadcast_in_dim3A_384 {strides = array<i32>} : memref<16x128xf32, #tpu.memory_space<vmem>>, vector<16xf32>,
    %broadcast_in_dim3A_389 = arith.constant 0.000000e+00 : f32
    %broadcast_in_dim3A_390 = vector.broadcast %broadcast_in_dim3A_389 : f32 to vector<16xf32>
    %swap3A_391 = arith.constant 8 : i32
    %swap3A_392 = arith.index_cast %swap3A_391 : i32 to index
    %swap3A_393 = arith.constant 16 : index
    %swap3A_394 = tpu.vector_load %arg15[%swap3A_392, %swap3A_393] {strides = array<i32>} : memref<16x128xf32, #tpu.memory_space<vmem>>, vector<16xf32>,
    tpu.vector_store %arg15[%swap3A_392, %swap3A_393], %broadcast_in_dim3A_390 {strides = array<i32>} : memref<16x128xf32, #tpu.memory_space<vmem>>, vector<16xf32>,
    %broadcast_in_dim3A_395 = arith.constant 0.000000e+00 : f32
    %broadcast_in_dim3A_396 = vector.broadcast %broadcast_in_dim3A_395 : f32 to vector<16xf32>
    %swap3A_397 = arith.constant 8 : i32
    %swap3A_398 = arith.index_cast %swap3A_397 : i32 to index
    %swap3A_399 = arith.constant 32 : index
    %swap3A_400 = tpu.vector_load %arg15[%swap3A_398, %swap3A_399] {strides = array<i32>} : memref<16x128xf32, #tpu.memory_space<vmem>>, vector<16xf32>,
    tpu.vector_store %arg15[%swap3A_398, %swap3A_399], %broadcast_in_dim3A_396 {strides = array<i32>} : memref<16x128xf32, #tpu.memory_space<vmem>>, vector<16xf32>,
    %broadcast_in_dim3A_401 = arith.constant 0.000000e+00 : f32
    %broadcast_in_dim3A_402 = vector.broadcast %broadcast_in_dim3A_401 : f32 to vector<16xf32>
    %swap3A_403 = arith.constant 8 : i32
    %swap3A_404 = arith.index_cast %swap3A_403 : i32 to index
    %swap3A_405 = arith.constant 48 : index
    %swap3A_406 = tpu.vector_load %arg15[%swap3A_404, %swap3A_405] {strides = array<i32>} : memref<16x128xf32, #tpu.memory_space<vmem>>, vector<16xf32>,
    tpu.vector_store %arg15[%swap3A_404, %swap3A_405], %broadcast_in_dim3A_402 {strides = array<i32>} : memref<16x128xf32, #tpu.memory_space<vmem>>, vector<16xf32>,
    %broadcast_in_dim3A_407 = arith.constant 0.000000e+00 : f32
    %broadcast_in_dim3A_408 = vector.broadcast %broadcast_in_dim3A_407 : f32 to vector<16xf32>
    %swap3A_409 = arith.constant 8 : i32
    %swap3A_410 = arith.index_cast %swap3A_409 : i32 to index
    %swap3A_411 = arith.constant 64 : index
    %swap3A_412 = tpu.vector_load %arg15[%swap3A_410, %swap3A_411] {strides = array<i32>} : memref<16x128xf32, #tpu.memory_space<vmem>>, vector<16xf32>,
    tpu.vector_store %arg15[%swap3A_410, %swap3A_411], %broadcast_in_dim3A_408 {strides = array<i32>} : memref<16x128xf32, #tpu.memory_space<vmem>>, vector<16xf32>,
    %broadcast_in_dim3A_413 = arith.constant 0.000000e+00 : f32
    %broadcast_in_dim3A_414 = vector.broadcast %broadcast_in_dim3A_413 : f32 to vector<16xf32>
    %swap3A_415 = arith.constant 8 : i32
    %swap3A_416 = arith.index_cast %swap3A_415 : i32 to index
    %swap3A_417 = arith.constant 80 : index
    %swap3A_418 = tpu.vector_load %arg15[%swap3A_416, %swap3A_417] {strides = array<i32>} : memref<16x128xf32, #tpu.memory_space<vmem>>, vector<16xf32>,
    tpu.vector_store %arg15[%swap3A_416, %swap3A_417], %broadcast_in_dim3A_414 {strides = array<i32>} : memref<16x128xf32, #tpu.memory_space<vmem>>, vector<16xf32>,
    %broadcast_in_dim3A_419 = arith.constant 0.000000e+00 : f32
    %broadcast_in_dim3A_420 = vector.broadcast %broadcast_in_dim3A_419 : f32 to vector<16xf32>
    %swap3A_421 = arith.constant 8 : i32
    %swap3A_422 = arith.index_cast %swap3A_421 : i32 to index
    %swap3A_423 = arith.constant 96 : index
    %swap3A_424 = tpu.vector_load %arg15[%swap3A_422, %swap3A_423] {strides = array<i32>} : memref<16x128xf32, #tpu.memory_space<vmem>>, vector<16xf32>,
    tpu.vector_store %arg15[%swap3A_422, %swap3A_423], %broadcast_in_dim3A_420 {strides = array<i32>} : memref<16x128xf32, #tpu.memory_space<vmem>>, vector<16xf32>,
    %broadcast_in_dim3A_425 = arith.constant 0.000000e+00 : f32
    %broadcast_in_dim3A_426 = vector.broadcast %broadcast_in_dim3A_425 : f32 to vector<16xf32>
    %swap3A_427 = arith.constant 8 : i32
    %swap3A_428 = arith.index_cast %swap3A_427 : i32 to index
    %swap3A_429 = arith.constant 112 : index
    %swap3A_430 = tpu.vector_load %arg15[%swap3A_428, %swap3A_429] {strides = array<i32>} : memref<16x128xf32, #tpu.memory_space<vmem>>, vector<16xf32>,
    tpu.vector_store %arg15[%swap3A_428, %swap3A_429], %broadcast_in_dim3A_426 {strides = array<i32>} : memref<16x128xf32, #tpu.memory_space<vmem>>, vector<16xf32>,
    %broadcast_in_dim3A_431 = arith.constant 0.000000e+00 : f32
    %broadcast_in_dim3A_432 = vector.broadcast %broadcast_in_dim3A_431 : f32 to vector<16xf32>
    %swap3A_433 = arith.constant 9 : i32
    %swap3A_434 = arith.index_cast %swap3A_433 : i32 to index
    %swap3A_435 = arith.constant 0 : index
    %swap3A_436 = tpu.vector_load %arg15[%swap3A_434, %swap3A_435] {strides = array<i32>} : memref<16x128xf32, #tpu.memory_space<vmem>>, vector<16xf32>,
    tpu.vector_store %arg15[%swap3A_434, %swap3A_435], %broadcast_in_dim3A_432 {strides = array<i32>} : memref<16x128xf32, #tpu.memory_space<vmem>>, vector<16xf32>,
    %broadcast_in_dim3A_437 = arith.constant 0.000000e+00 : f32
    %broadcast_in_dim3A_438 = vector.broadcast %broadcast_in_dim3A_437 : f32 to vector<16xf32>
    %swap3A_439 = arith.constant 9 : i32
    %swap3A_440 = arith.index_cast %swap3A_439 : i32 to index
    %swap3A_441 = arith.constant 16 : index
    %swap3A_442 = tpu.vector_load %arg15[%swap3A_440, %swap3A_441] {strides = array<i32>} : memref<16x128xf32, #tpu.memory_space<vmem>>, vector<16xf32>,
    tpu.vector_store %arg15[%swap3A_440, %swap3A_441], %broadcast_in_dim3A_438 {strides = array<i32>} : memref<16x128xf32, #tpu.memory_space<vmem>>, vector<16xf32>,
    %broadcast_in_dim3A_443 = arith.constant 0.000000e+00 : f32
    %broadcast_in_dim3A_444 = vector.broadcast %broadcast_in_dim3A_443 : f32 to vector<16xf32>
    %swap3A_445 = arith.constant 9 : i32
    %swap3A_446 = arith.index_cast %swap3A_445 : i32 to index
    %swap3A_447 = arith.constant 32 : index
    %swap3A_448 = tpu.vector_load %arg15[%swap3A_446, %swap3A_447] {strides = array<i32>} : memref<16x128xf32, #tpu.memory_space<vmem>>, vector<16xf32>,
    tpu.vector_store %arg15[%swap3A_446, %swap3A_447], %broadcast_in_dim3A_444 {strides = array<i32>} : memref<16x128xf32, #tpu.memory_space<vmem>>, vector<16xf32>,
    %broadcast_in_dim3A_449 = arith.constant 0.000000e+00 : f32
    %broadcast_in_dim3A_450 = vector.broadcast %broadcast_in_dim3A_449 : f32 to vector<16xf32>
    %swap3A_451 = arith.constant 9 : i32
    %swap3A_452 = arith.index_cast %swap3A_451 : i32 to index
    %swap3A_453 = arith.constant 48 : index
    %swap3A_454 = tpu.vector_load %arg15[%swap3A_452, %swap3A_453] {strides = array<i32>} : memref<16x128xf32, #tpu.memory_space<vmem>>, vector<16xf32>,
    tpu.vector_store %arg15[%swap3A_452, %swap3A_453], %broadcast_in_dim3A_450 {strides = array<i32>} : memref<16x128xf32, #tpu.memory_space<vmem>>, vector<16xf32>,
    %broadcast_in_dim3A_455 = arith.constant 0.000000e+00 : f32
    %broadcast_in_dim3A_456 = vector.broadcast %broadcast_in_dim3A_455 : f32 to vector<16xf32>
    %swap3A_457 = arith.constant 9 : i32
    %swap3A_458 = arith.index_cast %swap3A_457 : i32 to index
    %swap3A_459 = arith.constant 64 : index
    %swap3A_460 = tpu.vector_load %arg15[%swap3A_458, %swap3A_459] {strides = array<i32>} : memref<16x128xf32, #tpu.memory_space<vmem>>, vector<16xf32>,
    tpu.vector_store %arg15[%swap3A_458, %swap3A_459], %broadcast_in_dim3A_456 {strides = array<i32>} : memref<16x128xf32, #tpu.memory_space<vmem>>, vector<16xf32>,
    %broadcast_in_dim3A_461 = arith.constant 0.000000e+00 : f32
    %broadcast_in_dim3A_462 = vector.broadcast %broadcast_in_dim3A_461 : f32 to vector<16xf32>
    %swap3A_463 = arith.constant 9 : i32
    %swap3A_464 = arith.index_cast %swap3A_463 : i32 to index
    %swap3A_465 = arith.constant 80 : index
    %swap3A_466 = tpu.vector_load %arg15[%swap3A_464, %swap3A_465] {strides = array<i32>} : memref<16x128xf32, #tpu.memory_space<vmem>>, vector<16xf32>,
    tpu.vector_store %arg15[%swap3A_464, %swap3A_465], %broadcast_in_dim3A_462 {strides = array<i32>} : memref<16x128xf32, #tpu.memory_space<vmem>>, vector<16xf32>,
    %broadcast_in_dim3A_467 = arith.constant 0.000000e+00 : f32
    %broadcast_in_dim3A_468 = vector.broadcast %broadcast_in_dim3A_467 : f32 to vector<16xf32>
    %swap3A_469 = arith.constant 9 : i32
    %swap3A_470 = arith.index_cast %swap3A_469 : i32 to index
    %swap3A_471 = arith.constant 96 : index
    %swap3A_472 = tpu.vector_load %arg15[%swap3A_470, %swap3A_471] {strides = array<i32>} : memref<16x128xf32, #tpu.memory_space<vmem>>, vector<16xf32>,
    tpu.vector_store %arg15[%swap3A_470, %swap3A_471], %broadcast_in_dim3A_468 {strides = array<i32>} : memref<16x128xf32, #tpu.memory_space<vmem>>, vector<16xf32>,
    %broadcast_in_dim3A_473 = arith.constant 0.000000e+00 : f32
    %broadcast_in_dim3A_474 = vector.broadcast %broadcast_in_dim3A_473 : f32 to vector<16xf32>
    %swap3A_475 = arith.constant 9 : i32
    %swap3A_476 = arith.index_cast %swap3A_475 : i32 to index
    %swap3A_477 = arith.constant 112 : index
    %swap3A_478 = tpu.vector_load %arg15[%swap3A_476, %swap3A_477] {strides = array<i32>} : memref<16x128xf32, #tpu.memory_space<vmem>>, vector<16xf32>,
    tpu.vector_store %arg15[%swap3A_476, %swap3A_477], %broadcast_in_dim3A_474 {strides = array<i32>} : memref<16x128xf32, #tpu.memory_space<vmem>>, vector<16xf32>,
    %broadcast_in_dim3A_479 = arith.constant 0.000000e+00 : f32
    %broadcast_in_dim3A_480 = vector.broadcast %broadcast_in_dim3A_479 : f32 to vector<16xf32>
    %swap3A_481 = arith.constant 10 : i32
    %swap3A_482 = arith.index_cast %swap3A_481 : i32 to index
    %swap3A_483 = arith.constant 0 : index
    %swap3A_484 = tpu.vector_load %arg15[%swap3A_482, %swap3A_483] {strides = array<i32>} : memref<16x128xf32, #tpu.memory_space<vmem>>, vector<16xf32>,
    tpu.vector_store %arg15[%swap3A_482, %swap3A_483], %broadcast_in_dim3A_480 {strides = array<i32>} : memref<16x128xf32, #tpu.memory_space<vmem>>, vector<16xf32>,
    %broadcast_in_dim3A_485 = arith.constant 0.000000e+00 : f32
    %broadcast_in_dim3A_486 = vector.broadcast %broadcast_in_dim3A_485 : f32 to vector<16xf32>
    %swap3A_487 = arith.constant 10 : i32
    %swap3A_488 = arith.index_cast %swap3A_487 : i32 to index
    %swap3A_489 = arith.constant 16 : index
    %swap3A_490 = tpu.vector_load %arg15[%swap3A_488, %swap3A_489] {strides = array<i32>} : memref<16x128xf32, #tpu.memory_space<vmem>>, vector<16xf32>,
    tpu.vector_store %arg15[%swap3A_488, %swap3A_489], %broadcast_in_dim3A_486 {strides = array<i32>} : memref<16x128xf32, #tpu.memory_space<vmem>>, vector<16xf32>,
    %broadcast_in_dim3A_491 = arith.constant 0.000000e+00 : f32
    %broadcast_in_dim3A_492 = vector.broadcast %broadcast_in_dim3A_491 : f32 to vector<16xf32>
    %swap3A_493 = arith.constant 10 : i32
    %swap3A_494 = arith.index_cast %swap3A_493 : i32 to index
    %swap3A_495 = arith.constant 32 : index
    %swap3A_496 = tpu.vector_load %arg15[%swap3A_494, %swap3A_495] {strides = array<i32>} : memref<16x128xf32, #tpu.memory_space<vmem>>, vector<16xf32>,
    tpu.vector_store %arg15[%swap3A_494, %swap3A_495], %broadcast_in_dim3A_492 {strides = array<i32>} : memref<16x128xf32, #tpu.memory_space<vmem>>, vector<16xf32>,
    %broadcast_in_dim3A_497 = arith.constant 0.000000e+00 : f32
    %broadcast_in_dim3A_498 = vector.broadcast %broadcast_in_dim3A_497 : f32 to vector<16xf32>
    %swap3A_499 = arith.constant 10 : i32
    %swap3A_500 = arith.index_cast %swap3A_499 : i32 to index
    %swap3A_501 = arith.constant 48 : index
    %swap3A_502 = tpu.vector_load %arg15[%swap3A_500, %swap3A_501] {strides = array<i32>} : memref<16x128xf32, #tpu.memory_space<vmem>>, vector<16xf32>,
    tpu.vector_store %arg15[%swap3A_500, %swap3A_501], %broadcast_in_dim3A_498 {strides = array<i32>} : memref<16x128xf32, #tpu.memory_space<vmem>>, vector<16xf32>,
    %broadcast_in_dim3A_503 = arith.constant 0.000000e+00 : f32
    %broadcast_in_dim3A_504 = vector.broadcast %broadcast_in_dim3A_503 : f32 to vector<16xf32>
    %swap3A_505 = arith.constant 10 : i32
    %swap3A_506 = arith.index_cast %swap3A_505 : i32 to index
    %swap3A_507 = arith.constant 64 : index
    %swap3A_508 = tpu.vector_load %arg15[%swap3A_506, %swap3A_507] {strides = array<i32>} : memref<16x128xf32, #tpu.memory_space<vmem>>, vector<16xf32>,
    tpu.vector_store %arg15[%swap3A_506, %swap3A_507], %broadcast_in_dim3A_504 {strides = array<i32>} : memref<16x128xf32, #tpu.memory_space<vmem>>, vector<16xf32>,
    %broadcast_in_dim3A_509 = arith.constant 0.000000e+00 : f32
    %broadcast_in_dim3A_510 = vector.broadcast %broadcast_in_dim3A_509 : f32 to vector<16xf32>
    %swap3A_511 = arith.constant 10 : i32
    %swap3A_512 = arith.index_cast %swap3A_511 : i32 to index
    %swap3A_513 = arith.constant 80 : index
    %swap3A_514 = tpu.vector_load %arg15[%swap3A_512, %swap3A_513] {strides = array<i32>} : memref<16x128xf32, #tpu.memory_space<vmem>>, vector<16xf32>,
    tpu.vector_store %arg15[%swap3A_512, %swap3A_513], %broadcast_in_dim3A_510 {strides = array<i32>} : memref<16x128xf32, #tpu.memory_space<vmem>>, vector<16xf32>,
    %broadcast_in_dim3A_515 = arith.constant 0.000000e+00 : f32
    %broadcast_in_dim3A_516 = vector.broadcast %broadcast_in_dim3A_515 : f32 to vector<16xf32>
    %swap3A_517 = arith.constant 10 : i32
    %swap3A_518 = arith.index_cast %swap3A_517 : i32 to index
    %swap3A_519 = arith.constant 96 : index
    %swap3A_520 = tpu.vector_load %arg15[%swap3A_518, %swap3A_519] {strides = array<i32>} : memref<16x128xf32, #tpu.memory_space<vmem>>, vector<16xf32>,
    tpu.vector_store %arg15[%swap3A_518, %swap3A_519], %broadcast_in_dim3A_516 {strides = array<i32>} : memref<16x128xf32, #tpu.memory_space<vmem>>, vector<16xf32>,
    %broadcast_in_dim3A_521 = arith.constant 0.000000e+00 : f32
    %broadcast_in_dim3A_522 = vector.broadcast %broadcast_in_dim3A_521 : f32 to vector<16xf32>
    %swap3A_523 = arith.constant 10 : i32
    %swap3A_524 = arith.index_cast %swap3A_523 : i32 to index
    %swap3A_525 = arith.constant 112 : index
    %swap3A_526 = tpu.vector_load %arg15[%swap3A_524, %swap3A_525] {strides = array<i32>} : memref<16x128xf32, #tpu.memory_space<vmem>>, vector<16xf32>,
    tpu.vector_store %arg15[%swap3A_524, %swap3A_525], %broadcast_in_dim3A_522 {strides = array<i32>} : memref<16x128xf32, #tpu.memory_space<vmem>>, vector<16xf32>,
    %broadcast_in_dim3A_527 = arith.constant 0.000000e+00 : f32
    %broadcast_in_dim3A_528 = vector.broadcast %broadcast_in_dim3A_527 : f32 to vector<16xf32>
    %swap3A_529 = arith.constant 11 : i32
    %swap3A_530 = arith.index_cast %swap3A_529 : i32 to index
    %swap3A_531 = arith.constant 0 : index
    %swap3A_532 = tpu.vector_load %arg15[%swap3A_530, %swap3A_531] {strides = array<i32>} : memref<16x128xf32, #tpu.memory_space<vmem>>, vector<16xf32>,
    tpu.vector_store %arg15[%swap3A_530, %swap3A_531], %broadcast_in_dim3A_528 {strides = array<i32>} : memref<16x128xf32, #tpu.memory_space<vmem>>, vector<16xf32>,
    %broadcast_in_dim3A_533 = arith.constant 0.000000e+00 : f32
    %broadcast_in_dim3A_534 = vector.broadcast %broadcast_in_dim3A_533 : f32 to vector<16xf32>
    %swap3A_535 = arith.constant 11 : i32
    %swap3A_536 = arith.index_cast %swap3A_535 : i32 to index
    %swap3A_537 = arith.constant 16 : index
    %swap3A_538 = tpu.vector_load %arg15[%swap3A_536, %swap3A_537] {strides = array<i32>} : memref<16x128xf32, #tpu.memory_space<vmem>>, vector<16xf32>,
    tpu.vector_store %arg15[%swap3A_536, %swap3A_537], %broadcast_in_dim3A_534 {strides = array<i32>} : memref<16x128xf32, #tpu.memory_space<vmem>>, vector<16xf32>,
    %broadcast_in_dim3A_539 = arith.constant 0.000000e+00 : f32
    %broadcast_in_dim3A_540 = vector.broadcast %broadcast_in_dim3A_539 : f32 to vector<16xf32>
    %swap3A_541 = arith.constant 11 : i32
    %swap3A_542 = arith.index_cast %swap3A_541 : i32 to index
    %swap3A_543 = arith.constant 32 : index
    %swap3A_544 = tpu.vector_load %arg15[%swap3A_542, %swap3A_543] {strides = array<i32>} : memref<16x128xf32, #tpu.memory_space<vmem>>, vector<16xf32>,
    tpu.vector_store %arg15[%swap3A_542, %swap3A_543], %broadcast_in_dim3A_540 {strides = array<i32>} : memref<16x128xf32, #tpu.memory_space<vmem>>, vector<16xf32>,
    %broadcast_in_dim3A_545 = arith.constant 0.000000e+00 : f32
    %broadcast_in_dim3A_546 = vector.broadcast %broadcast_in_dim3A_545 : f32 to vector<16xf32>
    %swap3A_547 = arith.constant 11 : i32
    %swap3A_548 = arith.index_cast %swap3A_547 : i32 to index
    %swap3A_549 = arith.constant 48 : index
    %swap3A_550 = tpu.vector_load %arg15[%swap3A_548, %swap3A_549] {strides = array<i32>} : memref<16x128xf32, #tpu.memory_space<vmem>>, vector<16xf32>,
    tpu.vector_store %arg15[%swap3A_548, %swap3A_549], %broadcast_in_dim3A_546 {strides = array<i32>} : memref<16x128xf32, #tpu.memory_space<vmem>>, vector<16xf32>,
    %broadcast_in_dim3A_551 = arith.constant 0.000000e+00 : f32
    %broadcast_in_dim3A_552 = vector.broadcast %broadcast_in_dim3A_551 : f32 to vector<16xf32>
    %swap3A_553 = arith.constant 11 : i32
    %swap3A_554 = arith.index_cast %swap3A_553 : i32 to index
    %swap3A_555 = arith.constant 64 : index
    %swap3A_556 = tpu.vector_load %arg15[%swap3A_554, %swap3A_555] {strides = array<i32>} : memref<16x128xf32, #tpu.memory_space<vmem>>, vector<16xf32>,
    tpu.vector_store %arg15[%swap3A_554, %swap3A_555], %broadcast_in_dim3A_552 {strides = array<i32>} : memref<16x128xf32, #tpu.memory_space<vmem>>, vector<16xf32>,
    %broadcast_in_dim3A_557 = arith.constant 0.000000e+00 : f32
    %broadcast_in_dim3A_558 = vector.broadcast %broadcast_in_dim3A_557 : f32 to vector<16xf32>
    %swap3A_559 = arith.constant 11 : i32
    %swap3A_560 = arith.index_cast %swap3A_559 : i32 to index
    %swap3A_561 = arith.constant 80 : index
    %swap3A_562 = tpu.vector_load %arg15[%swap3A_560, %swap3A_561] {strides = array<i32>} : memref<16x128xf32, #tpu.memory_space<vmem>>, vector<16xf32>,
    tpu.vector_store %arg15[%swap3A_560, %swap3A_561], %broadcast_in_dim3A_558 {strides = array<i32>} : memref<16x128xf32, #tpu.memory_space<vmem>>, vector<16xf32>,
    %broadcast_in_dim3A_563 = arith.constant 0.000000e+00 : f32
    %broadcast_in_dim3A_564 = vector.broadcast %broadcast_in_dim3A_563 : f32 to vector<16xf32>
    %swap3A_565 = arith.constant 11 : i32
    %swap3A_566 = arith.index_cast %swap3A_565 : i32 to index
    %swap3A_567 = arith.constant 96 : index
    %swap3A_568 = tpu.vector_load %arg15[%swap3A_566, %swap3A_567] {strides = array<i32>} : memref<16x128xf32, #tpu.memory_space<vmem>>, vector<16xf32>,
    tpu.vector_store %arg15[%swap3A_566, %swap3A_567], %broadcast_in_dim3A_564 {strides = array<i32>} : memref<16x128xf32, #tpu.memory_space<vmem>>, vector<16xf32>,
    %broadcast_in_dim3A_569 = arith.constant 0.000000e+00 : f32
    %broadcast_in_dim3A_570 = vector.broadcast %broadcast_in_dim3A_569 : f32 to vector<16xf32>
    %swap3A_571 = arith.constant 11 : i32
    %swap3A_572 = arith.index_cast %swap3A_571 : i32 to index
    %swap3A_573 = arith.constant 112 : index
    %swap3A_574 = tpu.vector_load %arg15[%swap3A_572, %swap3A_573] {strides = array<i32>} : memref<16x128xf32, #tpu.memory_space<vmem>>, vector<16xf32>,
    tpu.vector_store %arg15[%swap3A_572, %swap3A_573], %broadcast_in_dim3A_570 {strides = array<i32>} : memref<16x128xf32, #tpu.memory_space<vmem>>, vector<16xf32>,
    %broadcast_in_dim3A_575 = arith.constant 0.000000e+00 : f32
    %broadcast_in_dim3A_576 = vector.broadcast %broadcast_in_dim3A_575 : f32 to vector<16xf32>
    %swap3A_577 = arith.constant 12 : i32
    %swap3A_578 = arith.index_cast %swap3A_577 : i32 to index
    %swap3A_579 = arith.constant 0 : index
    %swap3A_580 = tpu.vector_load %arg15[%swap3A_578, %swap3A_579] {strides = array<i32>} : memref<16x128xf32, #tpu.memory_space<vmem>>, vector<16xf32>,
    tpu.vector_store %arg15[%swap3A_578, %swap3A_579], %broadcast_in_dim3A_576 {strides = array<i32>} : memref<16x128xf32, #tpu.memory_space<vmem>>, vector<16xf32>,
    %broadcast_in_dim3A_581 = arith.constant 0.000000e+00 : f32
    %broadcast_in_dim3A_582 = vector.broadcast %broadcast_in_dim3A_581 : f32 to vector<16xf32>
    %swap3A_583 = arith.constant 12 : i32
    %swap3A_584 = arith.index_cast %swap3A_583 : i32 to index
    %swap3A_585 = arith.constant 16 : index
    %swap3A_586 = tpu.vector_load %arg15[%swap3A_584, %swap3A_585] {strides = array<i32>} : memref<16x128xf32, #tpu.memory_space<vmem>>, vector<16xf32>,
    tpu.vector_store %arg15[%swap3A_584, %swap3A_585], %broadcast_in_dim3A_582 {strides = array<i32>} : memref<16x128xf32, #tpu.memory_space<vmem>>, vector<16xf32>,
    %broadcast_in_dim3A_587 = arith.constant 0.000000e+00 : f32
    %broadcast_in_dim3A_588 = vector.broadcast %broadcast_in_dim3A_587 : f32 to vector<16xf32>
    %swap3A_589 = arith.constant 12 : i32
    %swap3A_590 = arith.index_cast %swap3A_589 : i32 to index
    %swap3A_591 = arith.constant 32 : index
    %swap3A_592 = tpu.vector_load %arg15[%swap3A_590, %swap3A_591] {strides = array<i32>} : memref<16x128xf32, #tpu.memory_space<vmem>>, vector<16xf32>,
    tpu.vector_store %arg15[%swap3A_590, %swap3A_591], %broadcast_in_dim3A_588 {strides = array<i32>} : memref<16x128xf32, #tpu.memory_space<vmem>>, vector<16xf32>,
    %broadcast_in_dim3A_593 = arith.constant 0.000000e+00 : f32
    %broadcast_in_dim3A_594 = vector.broadcast %broadcast_in_dim3A_593 : f32 to vector<16xf32>
    %swap3A_595 = arith.constant 12 : i32
    %swap3A_596 = arith.index_cast %swap3A_595 : i32 to index
    %swap3A_597 = arith.constant 48 : index
    %swap3A_598 = tpu.vector_load %arg15[%swap3A_596, %swap3A_597] {strides = array<i32>} : memref<16x128xf32, #tpu.memory_space<vmem>>, vector<16xf32>,
    tpu.vector_store %arg15[%swap3A_596, %swap3A_597], %broadcast_in_dim3A_594 {strides = array<i32>} : memref<16x128xf32, #tpu.memory_space<vmem>>, vector<16xf32>,
    %broadcast_in_dim3A_599 = arith.constant 0.000000e+00 : f32
    %broadcast_in_dim3A_600 = vector.broadcast %broadcast_in_dim3A_599 : f32 to vector<16xf32>
    %swap3A_601 = arith.constant 12 : i32
    %swap3A_602 = arith.index_cast %swap3A_601 : i32 to index
    %swap3A_603 = arith.constant 64 : index
    %swap3A_604 = tpu.vector_load %arg15[%swap3A_602, %swap3A_603] {strides = array<i32>} : memref<16x128xf32, #tpu.memory_space<vmem>>, vector<16xf32>,
    tpu.vector_store %arg15[%swap3A_602, %swap3A_603], %broadcast_in_dim3A_600 {strides = array<i32>} : memref<16x128xf32, #tpu.memory_space<vmem>>, vector<16xf32>,
    %broadcast_in_dim3A_605 = arith.constant 0.000000e+00 : f32
    %broadcast_in_dim3A_606 = vector.broadcast %broadcast_in_dim3A_605 : f32 to vector<16xf32>
    %swap3A_607 = arith.constant 12 : i32
    %swap3A_608 = arith.index_cast %swap3A_607 : i32 to index
    %swap3A_609 = arith.constant 80 : index
    %swap3A_610 = tpu.vector_load %arg15[%swap3A_608, %swap3A_609] {strides = array<i32>} : memref<16x128xf32, #tpu.memory_space<vmem>>, vector<16xf32>,
    tpu.vector_store %arg15[%swap3A_608, %swap3A_609], %broadcast_in_dim3A_606 {strides = array<i32>} : memref<16x128xf32, #tpu.memory_space<vmem>>, vector<16xf32>,
    %broadcast_in_dim3A_611 = arith.constant 0.000000e+00 : f32
    %broadcast_in_dim3A_612 = vector.broadcast %broadcast_in_dim3A_611 : f32 to vector<16xf32>
    %swap3A_613 = arith.constant 12 : i32
    %swap3A_614 = arith.index_cast %swap3A_613 : i32 to index
    %swap3A_615 = arith.constant 96 : index
    %swap3A_616 = tpu.vector_load %arg15[%swap3A_614, %swap3A_615] {strides = array<i32>} : memref<16x128xf32, #tpu.memory_space<vmem>>, vector<16xf32>,
    tpu.vector_store %arg15[%swap3A_614, %swap3A_615], %broadcast_in_dim3A_612 {strides = array<i32>} : memref<16x128xf32, #tpu.memory_space<vmem>>, vector<16xf32>,
    %broadcast_in_dim3A_617 = arith.constant 0.000000e+00 : f32
    %broadcast_in_dim3A_618 = vector.broadcast %broadcast_in_dim3A_617 : f32 to vector<16xf32>
    %swap3A_619 = arith.constant 12 : i32
    %swap3A_620 = arith.index_cast %swap3A_619 : i32 to index
    %swap3A_621 = arith.constant 112 : index
    %swap3A_622 = tpu.vector_load %arg15[%swap3A_620, %swap3A_621] {strides = array<i32>} : memref<16x128xf32, #tpu.memory_space<vmem>>, vector<16xf32>,
    tpu.vector_store %arg15[%swap3A_620, %swap3A_621], %broadcast_in_dim3A_618 {strides = array<i32>} : memref<16x128xf32, #tpu.memory_space<vmem>>, vector<16xf32>,
    %broadcast_in_dim3A_623 = arith.constant 0.000000e+00 : f32
    %broadcast_in_dim3A_624 = vector.broadcast %broadcast_in_dim3A_623 : f32 to vector<16xf32>
    %swap3A_625 = arith.constant 13 : i32
    %swap3A_626 = arith.index_cast %swap3A_625 : i32 to index
    %swap3A_627 = arith.constant 0 : index
    %swap3A_628 = tpu.vector_load %arg15[%swap3A_626, %swap3A_627] {strides = array<i32>} : memref<16x128xf32, #tpu.memory_space<vmem>>, vector<16xf32>,
    tpu.vector_store %arg15[%swap3A_626, %swap3A_627], %broadcast_in_dim3A_624 {strides = array<i32>} : memref<16x128xf32, #tpu.memory_space<vmem>>, vector<16xf32>,
    %broadcast_in_dim3A_629 = arith.constant 0.000000e+00 : f32
    %broadcast_in_dim3A_630 = vector.broadcast %broadcast_in_dim3A_629 : f32 to vector<16xf32>
    %swap3A_631 = arith.constant 13 : i32
    %swap3A_632 = arith.index_cast %swap3A_631 : i32 to index
    %swap3A_633 = arith.constant 16 : index
    %swap3A_634 = tpu.vector_load %arg15[%swap3A_632, %swap3A_633] {strides = array<i32>} : memref<16x128xf32, #tpu.memory_space<vmem>>, vector<16xf32>,
    tpu.vector_store %arg15[%swap3A_632, %swap3A_633], %broadcast_in_dim3A_630 {strides = array<i32>} : memref<16x128xf32, #tpu.memory_space<vmem>>, vector<16xf32>,
    %broadcast_in_dim3A_635 = arith.constant 0.000000e+00 : f32
    %broadcast_in_dim3A_636 = vector.broadcast %broadcast_in_dim3A_635 : f32 to vector<16xf32>
    %swap3A_637 = arith.constant 13 : i32
    %swap3A_638 = arith.index_cast %swap3A_637 : i32 to index
    %swap3A_639 = arith.constant 32 : index
    %swap3A_640 = tpu.vector_load %arg15[%swap3A_638, %swap3A_639] {strides = array<i32>} : memref<16x128xf32, #tpu.memory_space<vmem>>, vector<16xf32>,
    tpu.vector_store %arg15[%swap3A_638, %swap3A_639], %broadcast_in_dim3A_636 {strides = array<i32>} : memref<16x128xf32, #tpu.memory_space<vmem>>, vector<16xf32>,
    %broadcast_in_dim3A_641 = arith.constant 0.000000e+00 : f32
    %broadcast_in_dim3A_642 = vector.broadcast %broadcast_in_dim3A_641 : f32 to vector<16xf32>
    %swap3A_643 = arith.constant 13 : i32
    %swap3A_644 = arith.index_cast %swap3A_643 : i32 to index
    %swap3A_645 = arith.constant 48 : index
    %swap3A_646 = tpu.vector_load %arg15[%swap3A_644, %swap3A_645] {strides = array<i32>} : memref<16x128xf32, #tpu.memory_space<vmem>>, vector<16xf32>,
    tpu.vector_store %arg15[%swap3A_644, %swap3A_645], %broadcast_in_dim3A_642 {strides = array<i32>} : memref<16x128xf32, #tpu.memory_space<vmem>>, vector<16xf32>,
    %broadcast_in_dim3A_647 = arith.constant 0.000000e+00 : f32
    %broadcast_in_dim3A_648 = vector.broadcast %broadcast_in_dim3A_647 : f32 to vector<16xf32>
    %swap3A_649 = arith.constant 13 : i32
    %swap3A_650 = arith.index_cast %swap3A_649 : i32 to index
    %swap3A_651 = arith.constant 64 : index
    %swap3A_652 = tpu.vector_load %arg15[%swap3A_650, %swap3A_651] {strides = array<i32>} : memref<16x128xf32, #tpu.memory_space<vmem>>, vector<16xf32>,
    tpu.vector_store %arg15[%swap3A_650, %swap3A_651], %broadcast_in_dim3A_648 {strides = array<i32>} : memref<16x128xf32, #tpu.memory_space<vmem>>, vector<16xf32>,
    %broadcast_in_dim3A_653 = arith.constant 0.000000e+00 : f32
    %broadcast_in_dim3A_654 = vector.broadcast %broadcast_in_dim3A_653 : f32 to vector<16xf32>
    %swap3A_655 = arith.constant 13 : i32
    %swap3A_656 = arith.index_cast %swap3A_655 : i32 to index
    %swap3A_657 = arith.constant 80 : index
    %swap3A_658 = tpu.vector_load %arg15[%swap3A_656, %swap3A_657] {strides = array<i32>} : memref<16x128xf32, #tpu.memory_space<vmem>>, vector<16xf32>,
    tpu.vector_store %arg15[%swap3A_656, %swap3A_657], %broadcast_in_dim3A_654 {strides = array<i32>} : memref<16x128xf32, #tpu.memory_space<vmem>>, vector<16xf32>,
    %broadcast_in_dim3A_659 = arith.constant 0.000000e+00 : f32
    %broadcast_in_dim3A_660 = vector.broadcast %broadcast_in_dim3A_659 : f32 to vector<16xf32>
    %swap3A_661 = arith.constant 13 : i32
    %swap3A_662 = arith.index_cast %swap3A_661 : i32 to index
    %swap3A_663 = arith.constant 96 : index
    %swap3A_664 = tpu.vector_load %arg15[%swap3A_662, %swap3A_663] {strides = array<i32>} : memref<16x128xf32, #tpu.memory_space<vmem>>, vector<16xf32>,
    tpu.vector_store %arg15[%swap3A_662, %swap3A_663], %broadcast_in_dim3A_660 {strides = array<i32>} : memref<16x128xf32, #tpu.memory_space<vmem>>, vector<16xf32>,
    %broadcast_in_dim3A_665 = arith.constant 0.000000e+00 : f32
    %broadcast_in_dim3A_666 = vector.broadcast %broadcast_in_dim3A_665 : f32 to vector<16xf32>
    %swap3A_667 = arith.constant 13 : i32
    %swap3A_668 = arith.index_cast %swap3A_667 : i32 to index
    %swap3A_669 = arith.constant 112 : index
    %swap3A_670 = tpu.vector_load %arg15[%swap3A_668, %swap3A_669] {strides = array<i32>} : memref<16x128xf32, #tpu.memory_space<vmem>>, vector<16xf32>,
    tpu.vector_store %arg15[%swap3A_668, %swap3A_669], %broadcast_in_dim3A_666 {strides = array<i32>} : memref<16x128xf32, #tpu.memory_space<vmem>>, vector<16xf32>,
    %broadcast_in_dim3A_671 = arith.constant 0.000000e+00 : f32
    %broadcast_in_dim3A_672 = vector.broadcast %broadcast_in_dim3A_671 : f32 to vector<16xf32>
    %swap3A_673 = arith.constant 14 : i32
    %swap3A_674 = arith.index_cast %swap3A_673 : i32 to index
    %swap3A_675 = arith.constant 0 : index
    %swap3A_676 = tpu.vector_load %arg15[%swap3A_674, %swap3A_675] {strides = array<i32>} : memref<16x128xf32, #tpu.memory_space<vmem>>, vector<16xf32>,
    tpu.vector_store %arg15[%swap3A_674, %swap3A_675], %broadcast_in_dim3A_672 {strides = array<i32>} : memref<16x128xf32, #tpu.memory_space<vmem>>, vector<16xf32>,
    %broadcast_in_dim3A_677 = arith.constant 0.000000e+00 : f32
    %broadcast_in_dim3A_678 = vector.broadcast %broadcast_in_dim3A_677 : f32 to vector<16xf32>
    %swap3A_679 = arith.constant 14 : i32
    %swap3A_680 = arith.index_cast %swap3A_679 : i32 to index
    %swap3A_681 = arith.constant 16 : index
    %swap3A_682 = tpu.vector_load %arg15[%swap3A_680, %swap3A_681] {strides = array<i32>} : memref<16x128xf32, #tpu.memory_space<vmem>>, vector<16xf32>,
    tpu.vector_store %arg15[%swap3A_680, %swap3A_681], %broadcast_in_dim3A_678 {strides = array<i32>} : memref<16x128xf32, #tpu.memory_space<vmem>>, vector<16xf32>,
    %broadcast_in_dim3A_683 = arith.constant 0.000000e+00 : f32
    %broadcast_in_dim3A_684 = vector.broadcast %broadcast_in_dim3A_683 : f32 to vector<16xf32>
    %swap3A_685 = arith.constant 14 : i32
    %swap3A_686 = arith.index_cast %swap3A_685 : i32 to index
    %swap3A_687 = arith.constant 32 : index
    %swap3A_688 = tpu.vector_load %arg15[%swap3A_686, %swap3A_687] {strides = array<i32>} : memref<16x128xf32, #tpu.memory_space<vmem>>, vector<16xf32>,
    tpu.vector_store %arg15[%swap3A_686, %swap3A_687], %broadcast_in_dim3A_684 {strides = array<i32>} : memref<16x128xf32, #tpu.memory_space<vmem>>, vector<16xf32>,
    %broadcast_in_dim3A_689 = arith.constant 0.000000e+00 : f32
    %broadcast_in_dim3A_690 = vector.broadcast %broadcast_in_dim3A_689 : f32 to vector<16xf32>
    %swap3A_691 = arith.constant 14 : i32
    %swap3A_692 = arith.index_cast %swap3A_691 : i32 to index
    %swap3A_693 = arith.constant 48 : index
    %swap3A_694 = tpu.vector_load %arg15[%swap3A_692, %swap3A_693] {strides = array<i32>} : memref<16x128xf32, #tpu.memory_space<vmem>>, vector<16xf32>,
    tpu.vector_store %arg15[%swap3A_692, %swap3A_693], %broadcast_in_dim3A_690 {strides = array<i32>} : memref<16x128xf32, #tpu.memory_space<vmem>>, vector<16xf32>,
    %broadcast_in_dim3A_695 = arith.constant 0.000000e+00 : f32
    %broadcast_in_dim3A_696 = vector.broadcast %broadcast_in_dim3A_695 : f32 to vector<16xf32>
    %swap3A_697 = arith.constant 14 : i32
    %swap3A_698 = arith.index_cast %swap3A_697 : i32 to index
    %swap3A_699 = arith.constant 64 : index
    %swap3A_700 = tpu.vector_load %arg15[%swap3A_698, %swap3A_699] {strides = array<i32>} : memref<16x128xf32, #tpu.memory_space<vmem>>, vector<16xf32>,
    tpu.vector_store %arg15[%swap3A_698, %swap3A_699], %broadcast_in_dim3A_696 {strides = array<i32>} : memref<16x128xf32, #tpu.memory_space<vmem>>, vector<16xf32>,
    %broadcast_in_dim3A_701 = arith.constant 0.000000e+00 : f32
    %broadcast_in_dim3A_702 = vector.broadcast %broadcast_in_dim3A_701 : f32 to vector<16xf32>
    %swap3A_703 = arith.constant 14 : i32
    %swap3A_704 = arith.index_cast %swap3A_703 : i32 to index
    %swap3A_705 = arith.constant 80 : index
    %swap3A_706 = tpu.vector_load %arg15[%swap3A_704, %swap3A_705] {strides = array<i32>} : memref<16x128xf32, #tpu.memory_space<vmem>>, vector<16xf32>,
    tpu.vector_store %arg15[%swap3A_704, %swap3A_705], %broadcast_in_dim3A_702 {strides = array<i32>} : memref<16x128xf32, #tpu.memory_space<vmem>>, vector<16xf32>,
    %broadcast_in_dim3A_707 = arith.constant 0.000000e+00 : f32
    %broadcast_in_dim3A_708 = vector.broadcast %broadcast_in_dim3A_707 : f32 to vector<16xf32>
    %swap3A_709 = arith.constant 14 : i32
    %swap3A_710 = arith.index_cast %swap3A_709 : i32 to index
    %swap3A_711 = arith.constant 96 : index
    %swap3A_712 = tpu.vector_load %arg15[%swap3A_710, %swap3A_711] {strides = array<i32>} : memref<16x128xf32, #tpu.memory_space<vmem>>, vector<16xf32>,
    tpu.vector_store %arg15[%swap3A_710, %swap3A_711], %broadcast_in_dim3A_708 {strides = array<i32>} : memref<16x128xf32, #tpu.memory_space<vmem>>, vector<16xf32>,
    %broadcast_in_dim3A_713 = arith.constant 0.000000e+00 : f32
    %broadcast_in_dim3A_714 = vector.broadcast %broadcast_in_dim3A_713 : f32 to vector<16xf32>
    %swap3A_715 = arith.constant 14 : i32
    %swap3A_716 = arith.index_cast %swap3A_715 : i32 to index
    %swap3A_717 = arith.constant 112 : index
    %swap3A_718 = tpu.vector_load %arg15[%swap3A_716, %swap3A_717] {strides = array<i32>} : memref<16x128xf32, #tpu.memory_space<vmem>>, vector<16xf32>,
    tpu.vector_store %arg15[%swap3A_716, %swap3A_717], %broadcast_in_dim3A_714 {strides = array<i32>} : memref<16x128xf32, #tpu.memory_space<vmem>>, vector<16xf32>,
    %broadcast_in_dim3A_719 = arith.constant 0.000000e+00 : f32
    %broadcast_in_dim3A_720 = vector.broadcast %broadcast_in_dim3A_719 : f32 to vector<16xf32>
    %swap3A_721 = arith.constant 15 : i32
    %swap3A_722 = arith.index_cast %swap3A_721 : i32 to index
    %swap3A_723 = arith.constant 0 : index
    %swap3A_724 = tpu.vector_load %arg15[%swap3A_722, %swap3A_723] {strides = array<i32>} : memref<16x128xf32, #tpu.memory_space<vmem>>, vector<16xf32>,
    tpu.vector_store %arg15[%swap3A_722, %swap3A_723], %broadcast_in_dim3A_720 {strides = array<i32>} : memref<16x128xf32, #tpu.memory_space<vmem>>, vector<16xf32>,
    %broadcast_in_dim3A_725 = arith.constant 0.000000e+00 : f32
    %broadcast_in_dim3A_726 = vector.broadcast %broadcast_in_dim3A_725 : f32 to vector<16xf32>
    %swap3A_727 = arith.constant 15 : i32
    %swap3A_728 = arith.index_cast %swap3A_727 : i32 to index
    %swap3A_729 = arith.constant 16 : index
    %swap3A_730 = tpu.vector_load %arg15[%swap3A_728, %swap3A_729] {strides = array<i32>} : memref<16x128xf32, #tpu.memory_space<vmem>>, vector<16xf32>,
    tpu.vector_store %arg15[%swap3A_728, %swap3A_729], %broadcast_in_dim3A_726 {strides = array<i32>} : memref<16x128xf32, #tpu.memory_space<vmem>>, vector<16xf32>,
    %broadcast_in_dim3A_731 = arith.constant 0.000000e+00 : f32
    %broadcast_in_dim3A_732 = vector.broadcast %broadcast_in_dim3A_731 : f32 to vector<16xf32>
    %swap3A_733 = arith.constant 15 : i32
    %swap3A_734 = arith.index_cast %swap3A_733 : i32 to index
    %swap3A_735 = arith.constant 32 : index
    %swap3A_736 = tpu.vector_load %arg15[%swap3A_734, %swap3A_735] {strides = array<i32>} : memref<16x128xf32, #tpu.memory_space<vmem>>, vector<16xf32>,
    tpu.vector_store %arg15[%swap3A_734, %swap3A_735], %broadcast_in_dim3A_732 {strides = array<i32>} : memref<16x128xf32, #tpu.memory_space<vmem>>, vector<16xf32>,
    %broadcast_in_dim3A_737 = arith.constant 0.000000e+00 : f32
    %broadcast_in_dim3A_738 = vector.broadcast %broadcast_in_dim3A_737 : f32 to vector<16xf32>
    %swap3A_739 = arith.constant 15 : i32
    %swap3A_740 = arith.index_cast %swap3A_739 : i32 to index
    %swap3A_741 = arith.constant 48 : index
    %swap3A_742 = tpu.vector_load %arg15[%swap3A_740, %swap3A_741] {strides = array<i32>} : memref<16x128xf32, #tpu.memory_space<vmem>>, vector<16xf32>,
    tpu.vector_store %arg15[%swap3A_740, %swap3A_741], %broadcast_in_dim3A_738 {strides = array<i32>} : memref<16x128xf32, #tpu.memory_space<vmem>>, vector<16xf32>,
    %broadcast_in_dim3A_743 = arith.constant 0.000000e+00 : f32
    %broadcast_in_dim3A_744 = vector.broadcast %broadcast_in_dim3A_743 : f32 to vector<16xf32>
    %swap3A_745 = arith.constant 15 : i32
    %swap3A_746 = arith.index_cast %swap3A_745 : i32 to index
    %swap3A_747 = arith.constant 64 : index
    %swap3A_748 = tpu.vector_load %arg15[%swap3A_746, %swap3A_747] {strides = array<i32>} : memref<16x128xf32, #tpu.memory_space<vmem>>, vector<16xf32>,
    tpu.vector_store %arg15[%swap3A_746, %swap3A_747], %broadcast_in_dim3A_744 {strides = array<i32>} : memref<16x128xf32, #tpu.memory_space<vmem>>, vector<16xf32>,
    %broadcast_in_dim3A_749 = arith.constant 0.000000e+00 : f32
    %broadcast_in_dim3A_750 = vector.broadcast %broadcast_in_dim3A_749 : f32 to vector<16xf32>
    %swap3A_751 = arith.constant 15 : i32
    %swap3A_752 = arith.index_cast %swap3A_751 : i32 to index
    %swap3A_753 = arith.constant 80 : index
    %swap3A_754 = tpu.vector_load %arg15[%swap3A_752, %swap3A_753] {strides = array<i32>} : memref<16x128xf32, #tpu.memory_space<vmem>>, vector<16xf32>,
    tpu.vector_store %arg15[%swap3A_752, %swap3A_753], %broadcast_in_dim3A_750 {strides = array<i32>} : memref<16x128xf32, #tpu.memory_space<vmem>>, vector<16xf32>,
    %broadcast_in_dim3A_755 = arith.constant 0.000000e+00 : f32
    %broadcast_in_dim3A_756 = vector.broadcast %broadcast_in_dim3A_755 : f32 to vector<16xf32>
    %swap3A_757 = arith.constant 15 : i32
    %swap3A_758 = arith.index_cast %swap3A_757 : i32 to index
    %swap3A_759 = arith.constant 96 : index
    %swap3A_760 = tpu.vector_load %arg15[%swap3A_758, %swap3A_759] {strides = array<i32>} : memref<16x128xf32, #tpu.memory_space<vmem>>, vector<16xf32>,
    tpu.vector_store %arg15[%swap3A_758, %swap3A_759], %broadcast_in_dim3A_756 {strides = array<i32>} : memref<16x128xf32, #tpu.memory_space<vmem>>, vector<16xf32>,
    %broadcast_in_dim3A_761 = arith.constant 0.000000e+00 : f32
    %broadcast_in_dim3A_762 = vector.broadcast %broadcast_in_dim3A_761 : f32 to vector<16xf32>
    %swap3A_763 = arith.constant 15 : i32
    %swap3A_764 = arith.index_cast %swap3A_763 : i32 to index
    %swap3A_765 = arith.constant 112 : index
    %swap3A_766 = tpu.vector_load %arg15[%swap3A_764, %swap3A_765] {strides = array<i32>} : memref<16x128xf32, #tpu.memory_space<vmem>>, vector<16xf32>,
    tpu.vector_store %arg15[%swap3A_764, %swap3A_765], %broadcast_in_dim3A_762 {strides = array<i32>} : memref<16x128xf32, #tpu.memory_space<vmem>>, vector<16xf32>,
    %broadcast_in_dim3A_767 = arith.constant 0.000000e+00 : f32
    %broadcast_in_dim3A_768 = vector.broadcast %broadcast_in_dim3A_767 : f32 to vector<16xf32>
    %swap3A_769 = arith.constant 0 : index
    %swap3A_770 = tpu.vector_load %arg16[%swap3A_769] {strides = array<i32>} : memref<640xf32, #tpu.memory_space<vmem>>, vector<16xf32>,
    tpu.vector_store %arg16[%swap3A_769], %broadcast_in_dim3A_768 {strides = array<i32>} : memref<640xf32, #tpu.memory_space<vmem>>, vector<16xf32>,
    %broadcast_in_dim3A_771 = arith.constant 0.000000e+00 : f32
    %broadcast_in_dim3A_772 = vector.broadcast %broadcast_in_dim3A_771 : f32 to vector<16xf32>
    %swap3A_773 = arith.constant 16 : index
    %swap3A_774 = tpu.vector_load %arg16[%swap3A_773] {strides = array<i32>} : memref<640xf32, #tpu.memory_space<vmem>>, vector<16xf32>,
    tpu.vector_store %arg16[%swap3A_773], %broadcast_in_dim3A_772 {strides = array<i32>} : memref<640xf32, #tpu.memory_space<vmem>>, vector<16xf32>,
    %broadcast_in_dim3A_775 = arith.constant 0.000000e+00 : f32
    %broadcast_in_dim3A_776 = vector.broadcast %broadcast_in_dim3A_775 : f32 to vector<16xf32>
    %swap3A_777 = arith.constant 32 : index
    %swap3A_778 = tpu.vector_load %arg16[%swap3A_777] {strides = array<i32>} : memref<640xf32, #tpu.memory_space<vmem>>, vector<16xf32>,
    tpu.vector_store %arg16[%swap3A_777], %broadcast_in_dim3A_776 {strides = array<i32>} : memref<640xf32, #tpu.memory_space<vmem>>, vector<16xf32>,
    %broadcast_in_dim3A_779 = arith.constant 0.000000e+00 : f32
    %broadcast_in_dim3A_780 = vector.broadcast %broadcast_in_dim3A_779 : f32 to vector<16xf32>
    %swap3A_781 = arith.constant 48 : index
    %swap3A_782 = tpu.vector_load %arg16[%swap3A_781] {strides = array<i32>} : memref<640xf32, #tpu.memory_space<vmem>>, vector<16xf32>,
    tpu.vector_store %arg16[%swap3A_781], %broadcast_in_dim3A_780 {strides = array<i32>} : memref<640xf32, #tpu.memory_space<vmem>>, vector<16xf32>,
    %broadcast_in_dim3A_783 = arith.constant 0.000000e+00 : f32
    %broadcast_in_dim3A_784 = vector.broadcast %broadcast_in_dim3A_783 : f32 to vector<16xf32>
    %swap3A_785 = arith.constant 64 : index
    %swap3A_786 = tpu.vector_load %arg16[%swap3A_785] {strides = array<i32>} : memref<640xf32, #tpu.memory_space<vmem>>, vector<16xf32>,
    tpu.vector_store %arg16[%swap3A_785], %broadcast_in_dim3A_784 {strides = array<i32>} : memref<640xf32, #tpu.memory_space<vmem>>, vector<16xf32>,
    %broadcast_in_dim3A_787 = arith.constant 0.000000e+00 : f32
    %broadcast_in_dim3A_788 = vector.broadcast %broadcast_in_dim3A_787 : f32 to vector<16xf32>
    %swap3A_789 = arith.constant 80 : index
    %swap3A_790 = tpu.vector_load %arg16[%swap3A_789] {strides = array<i32>} : memref<640xf32, #tpu.memory_space<vmem>>, vector<16xf32>,
    tpu.vector_store %arg16[%swap3A_789], %broadcast_in_dim3A_788 {strides = array<i32>} : memref<640xf32, #tpu.memory_space<vmem>>, vector<16xf32>,
    %broadcast_in_dim3A_791 = arith.constant 0.000000e+00 : f32
    %broadcast_in_dim3A_792 = vector.broadcast %broadcast_in_dim3A_791 : f32 to vector<16xf32>
    %swap3A_793 = arith.constant 96 : index
    %swap3A_794 = tpu.vector_load %arg16[%swap3A_793] {strides = array<i32>} : memref<640xf32, #tpu.memory_space<vmem>>, vector<16xf32>,
    tpu.vector_store %arg16[%swap3A_793], %broadcast_in_dim3A_792 {strides = array<i32>} : memref<640xf32, #tpu.memory_space<vmem>>, vector<16xf32>,
    %broadcast_in_dim3A_795 = arith.constant 0.000000e+00 : f32
    %broadcast_in_dim3A_796 = vector.broadcast %broadcast_in_dim3A_795 : f32 to vector<16xf32>
    %swap3A_797 = arith.constant 112 : index
    %swap3A_798 = tpu.vector_load %arg16[%swap3A_797] {strides = array<i32>} : memref<640xf32, #tpu.memory_space<vmem>>, vector<16xf32>,
    tpu.vector_store %arg16[%swap3A_797], %broadcast_in_dim3A_796 {strides = array<i32>} : memref<640xf32, #tpu.memory_space<vmem>>, vector<16xf32>,
    %broadcast_in_dim3A_799 = arith.constant 0.000000e+00 : f32
    %broadcast_in_dim3A_800 = vector.broadcast %broadcast_in_dim3A_799 : f32 to vector<16xf32>
    %swap3A_801 = arith.constant 128 : index
    %swap3A_802 = tpu.vector_load %arg16[%swap3A_801] {strides = array<i32>} : memref<640xf32, #tpu.memory_space<vmem>>, vector<16xf32>,
    tpu.vector_store %arg16[%swap3A_801], %broadcast_in_dim3A_800 {strides = array<i32>} : memref<640xf32, #tpu.memory_space<vmem>>, vector<16xf32>,
    %broadcast_in_dim3A_803 = arith.constant 0.000000e+00 : f32
    %broadcast_in_dim3A_804 = vector.broadcast %broadcast_in_dim3A_803 : f32 to vector<16xf32>
    %swap3A_805 = arith.constant 144 : index
    %swap3A_806 = tpu.vector_load %arg16[%swap3A_805] {strides = array<i32>} : memref<640xf32, #tpu.memory_space<vmem>>, vector<16xf32>,
    tpu.vector_store %arg16[%swap3A_805], %broadcast_in_dim3A_804 {strides = array<i32>} : memref<640xf32, #tpu.memory_space<vmem>>, vector<16xf32>,
    %broadcast_in_dim3A_807 = arith.constant 0.000000e+00 : f32
    %broadcast_in_dim3A_808 = vector.broadcast %broadcast_in_dim3A_807 : f32 to vector<16xf32>
    %swap3A_809 = arith.constant 160 : index
    %swap3A_810 = tpu.vector_load %arg16[%swap3A_809] {strides = array<i32>} : memref<640xf32, #tpu.memory_space<vmem>>, vector<16xf32>,
    tpu.vector_store %arg16[%swap3A_809], %broadcast_in_dim3A_808 {strides = array<i32>} : memref<640xf32, #tpu.memory_space<vmem>>, vector<16xf32>,
    %broadcast_in_dim3A_811 = arith.constant 0.000000e+00 : f32
    %broadcast_in_dim3A_812 = vector.broadcast %broadcast_in_dim3A_811 : f32 to vector<16xf32>
    %swap3A_813 = arith.constant 176 : index
    %swap3A_814 = tpu.vector_load %arg16[%swap3A_813] {strides = array<i32>} : memref<640xf32, #tpu.memory_space<vmem>>, vector<16xf32>,
    tpu.vector_store %arg16[%swap3A_813], %broadcast_in_dim3A_812 {strides = array<i32>} : memref<640xf32, #tpu.memory_space<vmem>>, vector<16xf32>,
    %broadcast_in_dim3A_815 = arith.constant 0.000000e+00 : f32
    %broadcast_in_dim3A_816 = vector.broadcast %broadcast_in_dim3A_815 : f32 to vector<16xf32>
    %swap3A_817 = arith.constant 192 : index
    %swap3A_818 = tpu.vector_load %arg16[%swap3A_817] {strides = array<i32>} : memref<640xf32, #tpu.memory_space<vmem>>, vector<16xf32>,
    tpu.vector_store %arg16[%swap3A_817], %broadcast_in_dim3A_816 {strides = array<i32>} : memref<640xf32, #tpu.memory_space<vmem>>, vector<16xf32>,
    %broadcast_in_dim3A_819 = arith.constant 0.000000e+00 : f32
    %broadcast_in_dim3A_820 = vector.broadcast %broadcast_in_dim3A_819 : f32 to vector<16xf32>
    %swap3A_821 = arith.constant 208 : index
    %swap3A_822 = tpu.vector_load %arg16[%swap3A_821] {strides = array<i32>} : memref<640xf32, #tpu.memory_space<vmem>>, vector<16xf32>,
    tpu.vector_store %arg16[%swap3A_821], %broadcast_in_dim3A_820 {strides = array<i32>} : memref<640xf32, #tpu.memory_space<vmem>>, vector<16xf32>,
    %broadcast_in_dim3A_823 = arith.constant 0.000000e+00 : f32
    %broadcast_in_dim3A_824 = vector.broadcast %broadcast_in_dim3A_823 : f32 to vector<16xf32>
    %swap3A_825 = arith.constant 224 : index
    %swap3A_826 = tpu.vector_load %arg16[%swap3A_825] {strides = array<i32>} : memref<640xf32, #tpu.memory_space<vmem>>, vector<16xf32>,
    tpu.vector_store %arg16[%swap3A_825], %broadcast_in_dim3A_824 {strides = array<i32>} : memref<640xf32, #tpu.memory_space<vmem>>, vector<16xf32>,
    %broadcast_in_dim3A_827 = arith.constant 0.000000e+00 : f32
    %broadcast_in_dim3A_828 = vector.broadcast %broadcast_in_dim3A_827 : f32 to vector<16xf32>
    %swap3A_829 = arith.constant 240 : index
    %swap3A_830 = tpu.vector_load %arg16[%swap3A_829] {strides = array<i32>} : memref<640xf32, #tpu.memory_space<vmem>>, vector<16xf32>,
    tpu.vector_store %arg16[%swap3A_829], %broadcast_in_dim3A_828 {strides = array<i32>} : memref<640xf32, #tpu.memory_space<vmem>>, vector<16xf32>,
    %broadcast_in_dim3A_831 = arith.constant 0.000000e+00 : f32
    %broadcast_in_dim3A_832 = vector.broadcast %broadcast_in_dim3A_831 : f32 to vector<16xf32>
    %swap3A_833 = arith.constant 256 : index
    %swap3A_834 = tpu.vector_load %arg16[%swap3A_833] {strides = array<i32>} : memref<640xf32, #tpu.memory_space<vmem>>, vector<16xf32>,
    tpu.vector_store %arg16[%swap3A_833], %broadcast_in_dim3A_832 {strides = array<i32>} : memref<640xf32, #tpu.memory_space<vmem>>, vector<16xf32>,
    %broadcast_in_dim3A_835 = arith.constant 0.000000e+00 : f32
    %broadcast_in_dim3A_836 = vector.broadcast %broadcast_in_dim3A_835 : f32 to vector<16xf32>
    %swap3A_837 = arith.constant 272 : index
    %swap3A_838 = tpu.vector_load %arg16[%swap3A_837] {strides = array<i32>} : memref<640xf32, #tpu.memory_space<vmem>>, vector<16xf32>,
    tpu.vector_store %arg16[%swap3A_837], %broadcast_in_dim3A_836 {strides = array<i32>} : memref<640xf32, #tpu.memory_space<vmem>>, vector<16xf32>,
    %broadcast_in_dim3A_839 = arith.constant 0.000000e+00 : f32
    %broadcast_in_dim3A_840 = vector.broadcast %broadcast_in_dim3A_839 : f32 to vector<16xf32>
    %swap3A_841 = arith.constant 288 : index
    %swap3A_842 = tpu.vector_load %arg16[%swap3A_841] {strides = array<i32>} : memref<640xf32, #tpu.memory_space<vmem>>, vector<16xf32>,
    tpu.vector_store %arg16[%swap3A_841], %broadcast_in_dim3A_840 {strides = array<i32>} : memref<640xf32, #tpu.memory_space<vmem>>, vector<16xf32>,
    %broadcast_in_dim3A_843 = arith.constant 0.000000e+00 : f32
    %broadcast_in_dim3A_844 = vector.broadcast %broadcast_in_dim3A_843 : f32 to vector<16xf32>
    %swap3A_845 = arith.constant 304 : index
    %swap3A_846 = tpu.vector_load %arg16[%swap3A_845] {strides = array<i32>} : memref<640xf32, #tpu.memory_space<vmem>>, vector<16xf32>,
    tpu.vector_store %arg16[%swap3A_845], %broadcast_in_dim3A_844 {strides = array<i32>} : memref<640xf32, #tpu.memory_space<vmem>>, vector<16xf32>,
    %broadcast_in_dim3A_847 = arith.constant 0.000000e+00 : f32
    %broadcast_in_dim3A_848 = vector.broadcast %broadcast_in_dim3A_847 : f32 to vector<16xf32>
    %swap3A_849 = arith.constant 320 : index
    %swap3A_850 = tpu.vector_load %arg16[%swap3A_849] {strides = array<i32>} : memref<640xf32, #tpu.memory_space<vmem>>, vector<16xf32>,
    tpu.vector_store %arg16[%swap3A_849], %broadcast_in_dim3A_848 {strides = array<i32>} : memref<640xf32, #tpu.memory_space<vmem>>, vector<16xf32>,
    %broadcast_in_dim3A_851 = arith.constant 0.000000e+00 : f32
    %broadcast_in_dim3A_852 = vector.broadcast %broadcast_in_dim3A_851 : f32 to vector<16xf32>
    %swap3A_853 = arith.constant 336 : index
    %swap3A_854 = tpu.vector_load %arg16[%swap3A_853] {strides = array<i32>} : memref<640xf32, #tpu.memory_space<vmem>>, vector<16xf32>,
    tpu.vector_store %arg16[%swap3A_853], %broadcast_in_dim3A_852 {strides = array<i32>} : memref<640xf32, #tpu.memory_space<vmem>>, vector<16xf32>,
    %broadcast_in_dim3A_855 = arith.constant 0.000000e+00 : f32
    %broadcast_in_dim3A_856 = vector.broadcast %broadcast_in_dim3A_855 : f32 to vector<16xf32>
    %swap3A_857 = arith.constant 352 : index
    %swap3A_858 = tpu.vector_load %arg16[%swap3A_857] {strides = array<i32>} : memref<640xf32, #tpu.memory_space<vmem>>, vector<16xf32>,
    tpu.vector_store %arg16[%swap3A_857], %broadcast_in_dim3A_856 {strides = array<i32>} : memref<640xf32, #tpu.memory_space<vmem>>, vector<16xf32>,
    %broadcast_in_dim3A_859 = arith.constant 0.000000e+00 : f32
    %broadcast_in_dim3A_860 = vector.broadcast %broadcast_in_dim3A_859 : f32 to vector<16xf32>
    %swap3A_861 = arith.constant 368 : index
    %swap3A_862 = tpu.vector_load %arg16[%swap3A_861] {strides = array<i32>} : memref<640xf32, #tpu.memory_space<vmem>>, vector<16xf32>,
    tpu.vector_store %arg16[%swap3A_861], %broadcast_in_dim3A_860 {strides = array<i32>} : memref<640xf32, #tpu.memory_space<vmem>>, vector<16xf32>,
    %broadcast_in_dim3A_863 = arith.constant 0.000000e+00 : f32
    %broadcast_in_dim3A_864 = vector.broadcast %broadcast_in_dim3A_863 : f32 to vector<16xf32>
    %swap3A_865 = arith.constant 384 : index
    %swap3A_866 = tpu.vector_load %arg16[%swap3A_865] {strides = array<i32>} : memref<640xf32, #tpu.memory_space<vmem>>, vector<16xf32>,
    tpu.vector_store %arg16[%swap3A_865], %broadcast_in_dim3A_864 {strides = array<i32>} : memref<640xf32, #tpu.memory_space<vmem>>, vector<16xf32>,
    %broadcast_in_dim3A_867 = arith.constant 0.000000e+00 : f32
    %broadcast_in_dim3A_868 = vector.broadcast %broadcast_in_dim3A_867 : f32 to vector<16xf32>
    %swap3A_869 = arith.constant 400 : index
    %swap3A_870 = tpu.vector_load %arg16[%swap3A_869] {strides = array<i32>} : memref<640xf32, #tpu.memory_space<vmem>>, vector<16xf32>,
    tpu.vector_store %arg16[%swap3A_869], %broadcast_in_dim3A_868 {strides = array<i32>} : memref<640xf32, #tpu.memory_space<vmem>>, vector<16xf32>,
    %broadcast_in_dim3A_871 = arith.constant 0.000000e+00 : f32
    %broadcast_in_dim3A_872 = vector.broadcast %broadcast_in_dim3A_871 : f32 to vector<16xf32>
    %swap3A_873 = arith.constant 416 : index
    %swap3A_874 = tpu.vector_load %arg16[%swap3A_873] {strides = array<i32>} : memref<640xf32, #tpu.memory_space<vmem>>, vector<16xf32>,
    tpu.vector_store %arg16[%swap3A_873], %broadcast_in_dim3A_872 {strides = array<i32>} : memref<640xf32, #tpu.memory_space<vmem>>, vector<16xf32>,
    %broadcast_in_dim3A_875 = arith.constant 0.000000e+00 : f32
    %broadcast_in_dim3A_876 = vector.broadcast %broadcast_in_dim3A_875 : f32 to vector<16xf32>
    %swap3A_877 = arith.constant 432 : index
    %swap3A_878 = tpu.vector_load %arg16[%swap3A_877] {strides = array<i32>} : memref<640xf32, #tpu.memory_space<vmem>>, vector<16xf32>,
    tpu.vector_store %arg16[%swap3A_877], %broadcast_in_dim3A_876 {strides = array<i32>} : memref<640xf32, #tpu.memory_space<vmem>>, vector<16xf32>,
    %broadcast_in_dim3A_879 = arith.constant 0.000000e+00 : f32
    %broadcast_in_dim3A_880 = vector.broadcast %broadcast_in_dim3A_879 : f32 to vector<16xf32>
    %swap3A_881 = arith.constant 448 : index
    %swap3A_882 = tpu.vector_load %arg16[%swap3A_881] {strides = array<i32>} : memref<640xf32, #tpu.memory_space<vmem>>, vector<16xf32>,
    tpu.vector_store %arg16[%swap3A_881], %broadcast_in_dim3A_880 {strides = array<i32>} : memref<640xf32, #tpu.memory_space<vmem>>, vector<16xf32>,
    %broadcast_in_dim3A_883 = arith.constant 0.000000e+00 : f32
    %broadcast_in_dim3A_884 = vector.broadcast %broadcast_in_dim3A_883 : f32 to vector<16xf32>
    %swap3A_885 = arith.constant 464 : index
    %swap3A_886 = tpu.vector_load %arg16[%swap3A_885] {strides = array<i32>} : memref<640xf32, #tpu.memory_space<vmem>>, vector<16xf32>,
    tpu.vector_store %arg16[%swap3A_885], %broadcast_in_dim3A_884 {strides = array<i32>} : memref<640xf32, #tpu.memory_space<vmem>>, vector<16xf32>,
    %broadcast_in_dim3A_887 = arith.constant 0.000000e+00 : f32
    %broadcast_in_dim3A_888 = vector.broadcast %broadcast_in_dim3A_887 : f32 to vector<16xf32>
    %swap3A_889 = arith.constant 480 : index
    %swap3A_890 = tpu.vector_load %arg16[%swap3A_889] {strides = array<i32>} : memref<640xf32, #tpu.memory_space<vmem>>, vector<16xf32>,
    tpu.vector_store %arg16[%swap3A_889], %broadcast_in_dim3A_888 {strides = array<i32>} : memref<640xf32, #tpu.memory_space<vmem>>, vector<16xf32>,
    %broadcast_in_dim3A_891 = arith.constant 0.000000e+00 : f32
    %broadcast_in_dim3A_892 = vector.broadcast %broadcast_in_dim3A_891 : f32 to vector<16xf32>
    %swap3A_893 = arith.constant 496 : index
    %swap3A_894 = tpu.vector_load %arg16[%swap3A_893] {strides = array<i32>} : memref<640xf32, #tpu.memory_space<vmem>>, vector<16xf32>,
    tpu.vector_store %arg16[%swap3A_893], %broadcast_in_dim3A_892 {strides = array<i32>} : memref<640xf32, #tpu.memory_space<vmem>>, vector<16xf32>,
    %broadcast_in_dim3A_895 = arith.constant 0.000000e+00 : f32
    %broadcast_in_dim3A_896 = vector.broadcast %broadcast_in_dim3A_895 : f32 to vector<16xf32>
    %swap3A_897 = arith.constant 512 : index
    %swap3A_898 = tpu.vector_load %arg16[%swap3A_897] {strides = array<i32>} : memref<640xf32, #tpu.memory_space<vmem>>, vector<16xf32>,
    tpu.vector_store %arg16[%swap3A_897], %broadcast_in_dim3A_896 {strides = array<i32>} : memref<640xf32, #tpu.memory_space<vmem>>, vector<16xf32>,
    %broadcast_in_dim3A_899 = arith.constant 0.000000e+00 : f32
    %broadcast_in_dim3A_900 = vector.broadcast %broadcast_in_dim3A_899 : f32 to vector<16xf32>
    %swap3A_901 = arith.constant 528 : index
    %swap3A_902 = tpu.vector_load %arg16[%swap3A_901] {strides = array<i32>} : memref<640xf32, #tpu.memory_space<vmem>>, vector<16xf32>,
    tpu.vector_store %arg16[%swap3A_901], %broadcast_in_dim3A_900 {strides = array<i32>} : memref<640xf32, #tpu.memory_space<vmem>>, vector<16xf32>,
    %broadcast_in_dim3A_903 = arith.constant 0.000000e+00 : f32
    %broadcast_in_dim3A_904 = vector.broadcast %broadcast_in_dim3A_903 : f32 to vector<16xf32>
    %swap3A_905 = arith.constant 544 : index
    %swap3A_906 = tpu.vector_load %arg16[%swap3A_905] {strides = array<i32>} : memref<640xf32, #tpu.memory_space<vmem>>, vector<16xf32>,
    tpu.vector_store %arg16[%swap3A_905], %broadcast_in_dim3A_904 {strides = array<i32>} : memref<640xf32, #tpu.memory_space<vmem>>, vector<16xf32>,
    %broadcast_in_dim3A_907 = arith.constant 0.000000e+00 : f32
    %broadcast_in_dim3A_908 = vector.broadcast %broadcast_in_dim3A_907 : f32 to vector<16xf32>
    %swap3A_909 = arith.constant 560 : index
    %swap3A_910 = tpu.vector_load %arg16[%swap3A_909] {strides = array<i32>} : memref<640xf32, #tpu.memory_space<vmem>>, vector<16xf32>,
    tpu.vector_store %arg16[%swap3A_909], %broadcast_in_dim3A_908 {strides = array<i32>} : memref<640xf32, #tpu.memory_space<vmem>>, vector<16xf32>,
    %broadcast_in_dim3A_911 = arith.constant 0.000000e+00 : f32
    %broadcast_in_dim3A_912 = vector.broadcast %broadcast_in_dim3A_911 : f32 to vector<16xf32>
    %swap3A_913 = arith.constant 576 : index
    %swap3A_914 = tpu.vector_load %arg16[%swap3A_913] {strides = array<i32>} : memref<640xf32, #tpu.memory_space<vmem>>, vector<16xf32>,
    tpu.vector_store %arg16[%swap3A_913], %broadcast_in_dim3A_912 {strides = array<i32>} : memref<640xf32, #tpu.memory_space<vmem>>, vector<16xf32>,
    %broadcast_in_dim3A_915 = arith.constant 0.000000e+00 : f32
    %broadcast_in_dim3A_916 = vector.broadcast %broadcast_in_dim3A_915 : f32 to vector<16xf32>
    %swap3A_917 = arith.constant 592 : index
    %swap3A_918 = tpu.vector_load %arg16[%swap3A_917] {strides = array<i32>} : memref<640xf32, #tpu.memory_space<vmem>>, vector<16xf32>,
    tpu.vector_store %arg16[%swap3A_917], %broadcast_in_dim3A_916 {strides = array<i32>} : memref<640xf32, #tpu.memory_space<vmem>>, vector<16xf32>,
    %broadcast_in_dim3A_919 = arith.constant 0.000000e+00 : f32
    %broadcast_in_dim3A_920 = vector.broadcast %broadcast_in_dim3A_919 : f32 to vector<16xf32>
    %swap3A_921 = arith.constant 608 : index
    %swap3A_922 = tpu.vector_load %arg16[%swap3A_921] {strides = array<i32>} : memref<640xf32, #tpu.memory_space<vmem>>, vector<16xf32>,
    tpu.vector_store %arg16[%swap3A_921], %broadcast_in_dim3A_920 {strides = array<i32>} : memref<640xf32, #tpu.memory_space<vmem>>, vector<16xf32>,
    %broadcast_in_dim3A_923 = arith.constant 0.000000e+00 : f32
    %broadcast_in_dim3A_924 = vector.broadcast %broadcast_in_dim3A_923 : f32 to vector<16xf32>
    %swap3A_925 = arith.constant 624 : index
    %swap3A_926 = tpu.vector_load %arg16[%swap3A_925] {strides = array<i32>} : memref<640xf32, #tpu.memory_space<vmem>>, vector<16xf32>,
    tpu.vector_store %arg16[%swap3A_925], %broadcast_in_dim3A_924 {strides = array<i32>} : memref<640xf32, #tpu.memory_space<vmem>>, vector<16xf32>,
    %mul3A_927 = arith.constant 640 : i32
    %mul3A_928 = arith.muli %arg1, %mul3A_927 : i32
    %add3A_929 = arith.constant 0 : i32
    %add3A_930 = arith.addi %mul3A_928, %add3A_929 : i32
    "tpu.region"() ({
      %run_scoped3A_1196 = tpu.sem_alloc : memref<!tpu.dma_semaphore, #tpu.memory_space<semaphore_mem>>
      %dma_start3A_1197 = arith.constant 0 : i32
      %dma_start3A_1198 = tpu.memref_slice %arg17[%add3A_930, %dma_start3A_1197] : memref<10240x128xf32, #tpu.memory_space<vmem_shared>> -> memref<16x128xf32, #tpu.memory_space<vmem_shared>>
      %dma_start3A_1199 = arith.constant 0 : i32
      %dma_start3A_1200 = tpu.memref_slice %arg17[%add3A_930, %dma_start3A_1199] : memref<10240x128xf32, #tpu.memory_space<vmem_shared>> -> memref<16x128xf32, #tpu.memory_space<vmem_shared>>
      tpu.enqueue_dma source(%arg15 : memref<16x128xf32, #tpu.memory_space<vmem>>) target(%dma_start3A_1200 : memref<16x128xf32, #tpu.memory_space<vmem_shared>>) target_semaphore(%run_scoped3A_1196 : memref<!tpu.dma_semaphore, #tpu.memory_space<semaphore_mem>>)
      %dma_wait3A_1201 = arith.constant 0 : i32
      %dma_wait3A_1202 = tpu.memref_slice %arg17[%add3A_930, %dma_wait3A_1201] : memref<10240x128xf32, #tpu.memory_space<vmem_shared>> -> memref<16x128xf32, #tpu.memory_space<vmem_shared>>
      %dma_wait3A_1203 = arith.constant 0 : i32
      %dma_wait3A_1204 = tpu.memref_slice %arg17[%add3A_930, %dma_wait3A_1203] : memref<10240x128xf32, #tpu.memory_space<vmem_shared>> -> memref<16x128xf32, #tpu.memory_space<vmem_shared>>
      tpu.wait_dma2 semaphore(%run_scoped3A_1196 : memref<!tpu.dma_semaphore, #tpu.memory_space<semaphore_mem>>) src(%arg15 : memref<16x128xf32, #tpu.memory_space<vmem>>) dst(%dma_wait3A_1204 : memref<16x128xf32, #tpu.memory_space<vmem_shared>>)
      tpu.yield
    }) : () -> ()
    %mul3A_931 = arith.constant 640 : i32
    %mul3A_932 = arith.muli %arg1, %mul3A_931 : i32
    %add3A_933 = arith.constant 16 : i32
    %add3A_934 = arith.addi %mul3A_932, %add3A_933 : i32
    "tpu.region"() ({
      %run_scoped3A_1196 = tpu.sem_alloc : memref<!tpu.dma_semaphore, #tpu.memory_space<semaphore_mem>>
      %dma_start3A_1197 = arith.constant 0 : i32
      %dma_start3A_1198 = tpu.memref_slice %arg17[%add3A_934, %dma_start3A_1197] : memref<10240x128xf32, #tpu.memory_space<vmem_shared>> -> memref<16x128xf32, #tpu.memory_space<vmem_shared>>
      %dma_start3A_1199 = arith.constant 0 : i32
      %dma_start3A_1200 = tpu.memref_slice %arg17[%add3A_934, %dma_start3A_1199] : memref<10240x128xf32, #tpu.memory_space<vmem_shared>> -> memref<16x128xf32, #tpu.memory_space<vmem_shared>>
      tpu.enqueue_dma source(%arg15 : memref<16x128xf32, #tpu.memory_space<vmem>>) target(%dma_start3A_1200 : memref<16x128xf32, #tpu.memory_space<vmem_shared>>) target_semaphore(%run_scoped3A_1196 : memref<!tpu.dma_semaphore, #tpu.memory_space<semaphore_mem>>)
      %dma_wait3A_1201 = arith.constant 0 : i32
      %dma_wait3A_1202 = tpu.memref_slice %arg17[%add3A_934, %dma_wait3A_1201] : memref<10240x128xf32, #tpu.memory_space<vmem_shared>> -> memref<16x128xf32, #tpu.memory_space<vmem_shared>>
      %dma_wait3A_1203 = arith.constant 0 : i32
      %dma_wait3A_1204 = tpu.memref_slice %arg17[%add3A_934, %dma_wait3A_1203] : memref<10240x128xf32, #tpu.memory_space<vmem_shared>> -> memref<16x128xf32, #tpu.memory_space<vmem_shared>>
      tpu.wait_dma2 semaphore(%run_scoped3A_1196 : memref<!tpu.dma_semaphore, #tpu.memory_space<semaphore_mem>>) src(%arg15 : memref<16x128xf32, #tpu.memory_space<vmem>>) dst(%dma_wait3A_1204 : memref<16x128xf32, #tpu.memory_space<vmem_shared>>)
      tpu.yield
    }) : () -> ()
    %mul3A_935 = arith.constant 640 : i32
    %mul3A_936 = arith.muli %arg1, %mul3A_935 : i32
    %add3A_937 = arith.constant 32 : i32
    %add3A_938 = arith.addi %mul3A_936, %add3A_937 : i32
    "tpu.region"() ({
      %run_scoped3A_1196 = tpu.sem_alloc : memref<!tpu.dma_semaphore, #tpu.memory_space<semaphore_mem>>
      %dma_start3A_1197 = arith.constant 0 : i32
      %dma_start3A_1198 = tpu.memref_slice %arg17[%add3A_938, %dma_start3A_1197] : memref<10240x128xf32, #tpu.memory_space<vmem_shared>> -> memref<16x128xf32, #tpu.memory_space<vmem_shared>>
      %dma_start3A_1199 = arith.constant 0 : i32
      %dma_start3A_1200 = tpu.memref_slice %arg17[%add3A_938, %dma_start3A_1199] : memref<10240x128xf32, #tpu.memory_space<vmem_shared>> -> memref<16x128xf32, #tpu.memory_space<vmem_shared>>
      tpu.enqueue_dma source(%arg15 : memref<16x128xf32, #tpu.memory_space<vmem>>) target(%dma_start3A_1200 : memref<16x128xf32, #tpu.memory_space<vmem_shared>>) target_semaphore(%run_scoped3A_1196 : memref<!tpu.dma_semaphore, #tpu.memory_space<semaphore_mem>>)
      %dma_wait3A_1201 = arith.constant 0 : i32
      %dma_wait3A_1202 = tpu.memref_slice %arg17[%add3A_938, %dma_wait3A_1201] : memref<10240x128xf32, #tpu.memory_space<vmem_shared>> -> memref<16x128xf32, #tpu.memory_space<vmem_shared>>
      %dma_wait3A_1203 = arith.constant 0 : i32
      %dma_wait3A_1204 = tpu.memref_slice %arg17[%add3A_938, %dma_wait3A_1203] : memref<10240x128xf32, #tpu.memory_space<vmem_shared>> -> memref<16x128xf32, #tpu.memory_space<vmem_shared>>
      tpu.wait_dma2 semaphore(%run_scoped3A_1196 : memref<!tpu.dma_semaphore, #tpu.memory_space<semaphore_mem>>) src(%arg15 : memref<16x128xf32, #tpu.memory_space<vmem>>) dst(%dma_wait3A_1204 : memref<16x128xf32, #tpu.memory_space<vmem_shared>>)
      tpu.yield
    }) : () -> ()
    %mul3A_939 = arith.constant 640 : i32
    %mul3A_940 = arith.muli %arg1, %mul3A_939 : i32
    %add3A_941 = arith.constant 48 : i32
    %add3A_942 = arith.addi %mul3A_940, %add3A_941 : i32
    "tpu.region"() ({
      %run_scoped3A_1196 = tpu.sem_alloc : memref<!tpu.dma_semaphore, #tpu.memory_space<semaphore_mem>>
      %dma_start3A_1197 = arith.constant 0 : i32
      %dma_start3A_1198 = tpu.memref_slice %arg17[%add3A_942, %dma_start3A_1197] : memref<10240x128xf32, #tpu.memory_space<vmem_shared>> -> memref<16x128xf32, #tpu.memory_space<vmem_shared>>
      %dma_start3A_1199 = arith.constant 0 : i32
      %dma_start3A_1200 = tpu.memref_slice %arg17[%add3A_942, %dma_start3A_1199] : memref<10240x128xf32, #tpu.memory_space<vmem_shared>> -> memref<16x128xf32, #tpu.memory_space<vmem_shared>>
      tpu.enqueue_dma source(%arg15 : memref<16x128xf32, #tpu.memory_space<vmem>>) target(%dma_start3A_1200 : memref<16x128xf32, #tpu.memory_space<vmem_shared>>) target_semaphore(%run_scoped3A_1196 : memref<!tpu.dma_semaphore, #tpu.memory_space<semaphore_mem>>)
      %dma_wait3A_1201 = arith.constant 0 : i32
      %dma_wait3A_1202 = tpu.memref_slice %arg17[%add3A_942, %dma_wait3A_1201] : memref<10240x128xf32, #tpu.memory_space<vmem_shared>> -> memref<16x128xf32, #tpu.memory_space<vmem_shared>>
      %dma_wait3A_1203 = arith.constant 0 : i32
      %dma_wait3A_1204 = tpu.memref_slice %arg17[%add3A_942, %dma_wait3A_1203] : memref<10240x128xf32, #tpu.memory_space<vmem_shared>> -> memref<16x128xf32, #tpu.memory_space<vmem_shared>>
      tpu.wait_dma2 semaphore(%run_scoped3A_1196 : memref<!tpu.dma_semaphore, #tpu.memory_space<semaphore_mem>>) src(%arg15 : memref<16x128xf32, #tpu.memory_space<vmem>>) dst(%dma_wait3A_1204 : memref<16x128xf32, #tpu.memory_space<vmem_shared>>)
      tpu.yield
    }) : () -> ()
    %mul3A_943 = arith.constant 640 : i32
    %mul3A_944 = arith.muli %arg1, %mul3A_943 : i32
    %add3A_945 = arith.constant 64 : i32
    %add3A_946 = arith.addi %mul3A_944, %add3A_945 : i32
    "tpu.region"() ({
      %run_scoped3A_1196 = tpu.sem_alloc : memref<!tpu.dma_semaphore, #tpu.memory_space<semaphore_mem>>
      %dma_start3A_1197 = arith.constant 0 : i32
      %dma_start3A_1198 = tpu.memref_slice %arg17[%add3A_946, %dma_start3A_1197] : memref<10240x128xf32, #tpu.memory_space<vmem_shared>> -> memref<16x128xf32, #tpu.memory_space<vmem_shared>>
      %dma_start3A_1199 = arith.constant 0 : i32
      %dma_start3A_1200 = tpu.memref_slice %arg17[%add3A_946, %dma_start3A_1199] : memref<10240x128xf32, #tpu.memory_space<vmem_shared>> -> memref<16x128xf32, #tpu.memory_space<vmem_shared>>
      tpu.enqueue_dma source(%arg15 : memref<16x128xf32, #tpu.memory_space<vmem>>) target(%dma_start3A_1200 : memref<16x128xf32, #tpu.memory_space<vmem_shared>>) target_semaphore(%run_scoped3A_1196 : memref<!tpu.dma_semaphore, #tpu.memory_space<semaphore_mem>>)
      %dma_wait3A_1201 = arith.constant 0 : i32
      %dma_wait3A_1202 = tpu.memref_slice %arg17[%add3A_946, %dma_wait3A_1201] : memref<10240x128xf32, #tpu.memory_space<vmem_shared>> -> memref<16x128xf32, #tpu.memory_space<vmem_shared>>
      %dma_wait3A_1203 = arith.constant 0 : i32
      %dma_wait3A_1204 = tpu.memref_slice %arg17[%add3A_946, %dma_wait3A_1203] : memref<10240x128xf32, #tpu.memory_space<vmem_shared>> -> memref<16x128xf32, #tpu.memory_space<vmem_shared>>
      tpu.wait_dma2 semaphore(%run_scoped3A_1196 : memref<!tpu.dma_semaphore, #tpu.memory_space<semaphore_mem>>) src(%arg15 : memref<16x128xf32, #tpu.memory_space<vmem>>) dst(%dma_wait3A_1204 : memref<16x128xf32, #tpu.memory_space<vmem_shared>>)
      tpu.yield
    }) : () -> ()
    %mul3A_947 = arith.constant 640 : i32
    %mul3A_948 = arith.muli %arg1, %mul3A_947 : i32
    %add3A_949 = arith.constant 80 : i32
    %add3A_950 = arith.addi %mul3A_948, %add3A_949 : i32
    "tpu.region"() ({
      %run_scoped3A_1196 = tpu.sem_alloc : memref<!tpu.dma_semaphore, #tpu.memory_space<semaphore_mem>>
      %dma_start3A_1197 = arith.constant 0 : i32
      %dma_start3A_1198 = tpu.memref_slice %arg17[%add3A_950, %dma_start3A_1197] : memref<10240x128xf32, #tpu.memory_space<vmem_shared>> -> memref<16x128xf32, #tpu.memory_space<vmem_shared>>
      %dma_start3A_1199 = arith.constant 0 : i32
      %dma_start3A_1200 = tpu.memref_slice %arg17[%add3A_950, %dma_start3A_1199] : memref<10240x128xf32, #tpu.memory_space<vmem_shared>> -> memref<16x128xf32, #tpu.memory_space<vmem_shared>>
      tpu.enqueue_dma source(%arg15 : memref<16x128xf32, #tpu.memory_space<vmem>>) target(%dma_start3A_1200 : memref<16x128xf32, #tpu.memory_space<vmem_shared>>) target_semaphore(%run_scoped3A_1196 : memref<!tpu.dma_semaphore, #tpu.memory_space<semaphore_mem>>)
      %dma_wait3A_1201 = arith.constant 0 : i32
      %dma_wait3A_1202 = tpu.memref_slice %arg17[%add3A_950, %dma_wait3A_1201] : memref<10240x128xf32, #tpu.memory_space<vmem_shared>> -> memref<16x128xf32, #tpu.memory_space<vmem_shared>>
      %dma_wait3A_1203 = arith.constant 0 : i32
      %dma_wait3A_1204 = tpu.memref_slice %arg17[%add3A_950, %dma_wait3A_1203] : memref<10240x128xf32, #tpu.memory_space<vmem_shared>> -> memref<16x128xf32, #tpu.memory_space<vmem_shared>>
      tpu.wait_dma2 semaphore(%run_scoped3A_1196 : memref<!tpu.dma_semaphore, #tpu.memory_space<semaphore_mem>>) src(%arg15 : memref<16x128xf32, #tpu.memory_space<vmem>>) dst(%dma_wait3A_1204 : memref<16x128xf32, #tpu.memory_space<vmem_shared>>)
      tpu.yield
    }) : () -> ()
    %mul3A_951 = arith.constant 640 : i32
    %mul3A_952 = arith.muli %arg1, %mul3A_951 : i32
    %add3A_953 = arith.constant 96 : i32
    %add3A_954 = arith.addi %mul3A_952, %add3A_953 : i32
    "tpu.region"() ({
      %run_scoped3A_1196 = tpu.sem_alloc : memref<!tpu.dma_semaphore, #tpu.memory_space<semaphore_mem>>
      %dma_start3A_1197 = arith.constant 0 : i32
      %dma_start3A_1198 = tpu.memref_slice %arg17[%add3A_954, %dma_start3A_1197] : memref<10240x128xf32, #tpu.memory_space<vmem_shared>> -> memref<16x128xf32, #tpu.memory_space<vmem_shared>>
      %dma_start3A_1199 = arith.constant 0 : i32
      %dma_start3A_1200 = tpu.memref_slice %arg17[%add3A_954, %dma_start3A_1199] : memref<10240x128xf32, #tpu.memory_space<vmem_shared>> -> memref<16x128xf32, #tpu.memory_space<vmem_shared>>
      tpu.enqueue_dma source(%arg15 : memref<16x128xf32, #tpu.memory_space<vmem>>) target(%dma_start3A_1200 : memref<16x128xf32, #tpu.memory_space<vmem_shared>>) target_semaphore(%run_scoped3A_1196 : memref<!tpu.dma_semaphore, #tpu.memory_space<semaphore_mem>>)
      %dma_wait3A_1201 = arith.constant 0 : i32
      %dma_wait3A_1202 = tpu.memref_slice %arg17[%add3A_954, %dma_wait3A_1201] : memref<10240x128xf32, #tpu.memory_space<vmem_shared>> -> memref<16x128xf32, #tpu.memory_space<vmem_shared>>
      %dma_wait3A_1203 = arith.constant 0 : i32
      %dma_wait3A_1204 = tpu.memref_slice %arg17[%add3A_954, %dma_wait3A_1203] : memref<10240x128xf32, #tpu.memory_space<vmem_shared>> -> memref<16x128xf32, #tpu.memory_space<vmem_shared>>
      tpu.wait_dma2 semaphore(%run_scoped3A_1196 : memref<!tpu.dma_semaphore, #tpu.memory_space<semaphore_mem>>) src(%arg15 : memref<16x128xf32, #tpu.memory_space<vmem>>) dst(%dma_wait3A_1204 : memref<16x128xf32, #tpu.memory_space<vmem_shared>>)
      tpu.yield
    }) : () -> ()
    %mul3A_955 = arith.constant 640 : i32
    %mul3A_956 = arith.muli %arg1, %mul3A_955 : i32
    %add3A_957 = arith.constant 112 : i32
    %add3A_958 = arith.addi %mul3A_956, %add3A_957 : i32
    "tpu.region"() ({
      %run_scoped3A_1196 = tpu.sem_alloc : memref<!tpu.dma_semaphore, #tpu.memory_space<semaphore_mem>>
      %dma_start3A_1197 = arith.constant 0 : i32
      %dma_start3A_1198 = tpu.memref_slice %arg17[%add3A_958, %dma_start3A_1197] : memref<10240x128xf32, #tpu.memory_space<vmem_shared>> -> memref<16x128xf32, #tpu.memory_space<vmem_shared>>
      %dma_start3A_1199 = arith.constant 0 : i32
      %dma_start3A_1200 = tpu.memref_slice %arg17[%add3A_958, %dma_start3A_1199] : memref<10240x128xf32, #tpu.memory_space<vmem_shared>> -> memref<16x128xf32, #tpu.memory_space<vmem_shared>>
      tpu.enqueue_dma source(%arg15 : memref<16x128xf32, #tpu.memory_space<vmem>>) target(%dma_start3A_1200 : memref<16x128xf32, #tpu.memory_space<vmem_shared>>) target_semaphore(%run_scoped3A_1196 : memref<!tpu.dma_semaphore, #tpu.memory_space<semaphore_mem>>)
      %dma_wait3A_1201 = arith.constant 0 : i32
      %dma_wait3A_1202 = tpu.memref_slice %arg17[%add3A_958, %dma_wait3A_1201] : memref<10240x128xf32, #tpu.memory_space<vmem_shared>> -> memref<16x128xf32, #tpu.memory_space<vmem_shared>>
      %dma_wait3A_1203 = arith.constant 0 : i32
      %dma_wait3A_1204 = tpu.memref_slice %arg17[%add3A_958, %dma_wait3A_1203] : memref<10240x128xf32, #tpu.memory_space<vmem_shared>> -> memref<16x128xf32, #tpu.memory_space<vmem_shared>>
      tpu.wait_dma2 semaphore(%run_scoped3A_1196 : memref<!tpu.dma_semaphore, #tpu.memory_space<semaphore_mem>>) src(%arg15 : memref<16x128xf32, #tpu.memory_space<vmem>>) dst(%dma_wait3A_1204 : memref<16x128xf32, #tpu.memory_space<vmem_shared>>)
      tpu.yield
    }) : () -> ()
    %mul3A_959 = arith.constant 640 : i32
    %mul3A_960 = arith.muli %arg1, %mul3A_959 : i32
    %add3A_961 = arith.constant 128 : i32
    %add3A_962 = arith.addi %mul3A_960, %add3A_961 : i32
    "tpu.region"() ({
      %run_scoped3A_1196 = tpu.sem_alloc : memref<!tpu.dma_semaphore, #tpu.memory_space<semaphore_mem>>
      %dma_start3A_1197 = arith.constant 0 : i32
      %dma_start3A_1198 = tpu.memref_slice %arg17[%add3A_962, %dma_start3A_1197] : memref<10240x128xf32, #tpu.memory_space<vmem_shared>> -> memref<16x128xf32, #tpu.memory_space<vmem_shared>>
      %dma_start3A_1199 = arith.constant 0 : i32
      %dma_start3A_1200 = tpu.memref_slice %arg17[%add3A_962, %dma_start3A_1199] : memref<10240x128xf32, #tpu.memory_space<vmem_shared>> -> memref<16x128xf32, #tpu.memory_space<vmem_shared>>
      tpu.enqueue_dma source(%arg15 : memref<16x128xf32, #tpu.memory_space<vmem>>) target(%dma_start3A_1200 : memref<16x128xf32, #tpu.memory_space<vmem_shared>>) target_semaphore(%run_scoped3A_1196 : memref<!tpu.dma_semaphore, #tpu.memory_space<semaphore_mem>>)
      %dma_wait3A_1201 = arith.constant 0 : i32
      %dma_wait3A_1202 = tpu.memref_slice %arg17[%add3A_962, %dma_wait3A_1201] : memref<10240x128xf32, #tpu.memory_space<vmem_shared>> -> memref<16x128xf32, #tpu.memory_space<vmem_shared>>
      %dma_wait3A_1203 = arith.constant 0 : i32
      %dma_wait3A_1204 = tpu.memref_slice %arg17[%add3A_962, %dma_wait3A_1203] : memref<10240x128xf32, #tpu.memory_space<vmem_shared>> -> memref<16x128xf32, #tpu.memory_space<vmem_shared>>
      tpu.wait_dma2 semaphore(%run_scoped3A_1196 : memref<!tpu.dma_semaphore, #tpu.memory_space<semaphore_mem>>) src(%arg15 : memref<16x128xf32, #tpu.memory_space<vmem>>) dst(%dma_wait3A_1204 : memref<16x128xf32, #tpu.memory_space<vmem_shared>>)
      tpu.yield
    }) : () -> ()
    %mul3A_963 = arith.constant 640 : i32
    %mul3A_964 = arith.muli %arg1, %mul3A_963 : i32
    %add3A_965 = arith.constant 144 : i32
    %add3A_966 = arith.addi %mul3A_964, %add3A_965 : i32
    "tpu.region"() ({
      %run_scoped3A_1196 = tpu.sem_alloc : memref<!tpu.dma_semaphore, #tpu.memory_space<semaphore_mem>>
      %dma_start3A_1197 = arith.constant 0 : i32
      %dma_start3A_1198 = tpu.memref_slice %arg17[%add3A_966, %dma_start3A_1197] : memref<10240x128xf32, #tpu.memory_space<vmem_shared>> -> memref<16x128xf32, #tpu.memory_space<vmem_shared>>
      %dma_start3A_1199 = arith.constant 0 : i32
      %dma_start3A_1200 = tpu.memref_slice %arg17[%add3A_966, %dma_start3A_1199] : memref<10240x128xf32, #tpu.memory_space<vmem_shared>> -> memref<16x128xf32, #tpu.memory_space<vmem_shared>>
      tpu.enqueue_dma source(%arg15 : memref<16x128xf32, #tpu.memory_space<vmem>>) target(%dma_start3A_1200 : memref<16x128xf32, #tpu.memory_space<vmem_shared>>) target_semaphore(%run_scoped3A_1196 : memref<!tpu.dma_semaphore, #tpu.memory_space<semaphore_mem>>)
      %dma_wait3A_1201 = arith.constant 0 : i32
      %dma_wait3A_1202 = tpu.memref_slice %arg17[%add3A_966, %dma_wait3A_1201] : memref<10240x128xf32, #tpu.memory_space<vmem_shared>> -> memref<16x128xf32, #tpu.memory_space<vmem_shared>>
      %dma_wait3A_1203 = arith.constant 0 : i32
      %dma_wait3A_1204 = tpu.memref_slice %arg17[%add3A_966, %dma_wait3A_1203] : memref<10240x128xf32, #tpu.memory_space<vmem_shared>> -> memref<16x128xf32, #tpu.memory_space<vmem_shared>>
      tpu.wait_dma2 semaphore(%run_scoped3A_1196 : memref<!tpu.dma_semaphore, #tpu.memory_space<semaphore_mem>>) src(%arg15 : memref<16x128xf32, #tpu.memory_space<vmem>>) dst(%dma_wait3A_1204 : memref<16x128xf32, #tpu.memory_space<vmem_shared>>)
      tpu.yield
    }) : () -> ()
    %mul3A_967 = arith.constant 640 : i32
    %mul3A_968 = arith.muli %arg1, %mul3A_967 : i32
    %add3A_969 = arith.constant 160 : i32
    %add3A_970 = arith.addi %mul3A_968, %add3A_969 : i32
    "tpu.region"() ({
      %run_scoped3A_1196 = tpu.sem_alloc : memref<!tpu.dma_semaphore, #tpu.memory_space<semaphore_mem>>
      %dma_start3A_1197 = arith.constant 0 : i32
      %dma_start3A_1198 = tpu.memref_slice %arg17[%add3A_970, %dma_start3A_1197] : memref<10240x128xf32, #tpu.memory_space<vmem_shared>> -> memref<16x128xf32, #tpu.memory_space<vmem_shared>>
      %dma_start3A_1199 = arith.constant 0 : i32
      %dma_start3A_1200 = tpu.memref_slice %arg17[%add3A_970, %dma_start3A_1199] : memref<10240x128xf32, #tpu.memory_space<vmem_shared>> -> memref<16x128xf32, #tpu.memory_space<vmem_shared>>
      tpu.enqueue_dma source(%arg15 : memref<16x128xf32, #tpu.memory_space<vmem>>) target(%dma_start3A_1200 : memref<16x128xf32, #tpu.memory_space<vmem_shared>>) target_semaphore(%run_scoped3A_1196 : memref<!tpu.dma_semaphore, #tpu.memory_space<semaphore_mem>>)
      %dma_wait3A_1201 = arith.constant 0 : i32
      %dma_wait3A_1202 = tpu.memref_slice %arg17[%add3A_970, %dma_wait3A_1201] : memref<10240x128xf32, #tpu.memory_space<vmem_shared>> -> memref<16x128xf32, #tpu.memory_space<vmem_shared>>
      %dma_wait3A_1203 = arith.constant 0 : i32
      %dma_wait3A_1204 = tpu.memref_slice %arg17[%add3A_970, %dma_wait3A_1203] : memref<10240x128xf32, #tpu.memory_space<vmem_shared>> -> memref<16x128xf32, #tpu.memory_space<vmem_shared>>
      tpu.wait_dma2 semaphore(%run_scoped3A_1196 : memref<!tpu.dma_semaphore, #tpu.memory_space<semaphore_mem>>) src(%arg15 : memref<16x128xf32, #tpu.memory_space<vmem>>) dst(%dma_wait3A_1204 : memref<16x128xf32, #tpu.memory_space<vmem_shared>>)
      tpu.yield
    }) : () -> ()
    %mul3A_971 = arith.constant 640 : i32
    %mul3A_972 = arith.muli %arg1, %mul3A_971 : i32
    %add3A_973 = arith.constant 176 : i32
    %add3A_974 = arith.addi %mul3A_972, %add3A_973 : i32
    "tpu.region"() ({
      %run_scoped3A_1196 = tpu.sem_alloc : memref<!tpu.dma_semaphore, #tpu.memory_space<semaphore_mem>>
      %dma_start3A_1197 = arith.constant 0 : i32
      %dma_start3A_1198 = tpu.memref_slice %arg17[%add3A_974, %dma_start3A_1197] : memref<10240x128xf32, #tpu.memory_space<vmem_shared>> -> memref<16x128xf32, #tpu.memory_space<vmem_shared>>
      %dma_start3A_1199 = arith.constant 0 : i32
      %dma_start3A_1200 = tpu.memref_slice %arg17[%add3A_974, %dma_start3A_1199] : memref<10240x128xf32, #tpu.memory_space<vmem_shared>> -> memref<16x128xf32, #tpu.memory_space<vmem_shared>>
      tpu.enqueue_dma source(%arg15 : memref<16x128xf32, #tpu.memory_space<vmem>>) target(%dma_start3A_1200 : memref<16x128xf32, #tpu.memory_space<vmem_shared>>) target_semaphore(%run_scoped3A_1196 : memref<!tpu.dma_semaphore, #tpu.memory_space<semaphore_mem>>)
      %dma_wait3A_1201 = arith.constant 0 : i32
      %dma_wait3A_1202 = tpu.memref_slice %arg17[%add3A_974, %dma_wait3A_1201] : memref<10240x128xf32, #tpu.memory_space<vmem_shared>> -> memref<16x128xf32, #tpu.memory_space<vmem_shared>>
      %dma_wait3A_1203 = arith.constant 0 : i32
      %dma_wait3A_1204 = tpu.memref_slice %arg17[%add3A_974, %dma_wait3A_1203] : memref<10240x128xf32, #tpu.memory_space<vmem_shared>> -> memref<16x128xf32, #tpu.memory_space<vmem_shared>>
      tpu.wait_dma2 semaphore(%run_scoped3A_1196 : memref<!tpu.dma_semaphore, #tpu.memory_space<semaphore_mem>>) src(%arg15 : memref<16x128xf32, #tpu.memory_space<vmem>>) dst(%dma_wait3A_1204 : memref<16x128xf32, #tpu.memory_space<vmem_shared>>)
      tpu.yield
    }) : () -> ()
    %mul3A_975 = arith.constant 640 : i32
    %mul3A_976 = arith.muli %arg1, %mul3A_975 : i32
    %add3A_977 = arith.constant 192 : i32
    %add3A_978 = arith.addi %mul3A_976, %add3A_977 : i32
    "tpu.region"() ({
      %run_scoped3A_1196 = tpu.sem_alloc : memref<!tpu.dma_semaphore, #tpu.memory_space<semaphore_mem>>
      %dma_start3A_1197 = arith.constant 0 : i32
      %dma_start3A_1198 = tpu.memref_slice %arg17[%add3A_978, %dma_start3A_1197] : memref<10240x128xf32, #tpu.memory_space<vmem_shared>> -> memref<16x128xf32, #tpu.memory_space<vmem_shared>>
      %dma_start3A_1199 = arith.constant 0 : i32
      %dma_start3A_1200 = tpu.memref_slice %arg17[%add3A_978, %dma_start3A_1199] : memref<10240x128xf32, #tpu.memory_space<vmem_shared>> -> memref<16x128xf32, #tpu.memory_space<vmem_shared>>
      tpu.enqueue_dma source(%arg15 : memref<16x128xf32, #tpu.memory_space<vmem>>) target(%dma_start3A_1200 : memref<16x128xf32, #tpu.memory_space<vmem_shared>>) target_semaphore(%run_scoped3A_1196 : memref<!tpu.dma_semaphore, #tpu.memory_space<semaphore_mem>>)
      %dma_wait3A_1201 = arith.constant 0 : i32
      %dma_wait3A_1202 = tpu.memref_slice %arg17[%add3A_978, %dma_wait3A_1201] : memref<10240x128xf32, #tpu.memory_space<vmem_shared>> -> memref<16x128xf32, #tpu.memory_space<vmem_shared>>
      %dma_wait3A_1203 = arith.constant 0 : i32
      %dma_wait3A_1204 = tpu.memref_slice %arg17[%add3A_978, %dma_wait3A_1203] : memref<10240x128xf32, #tpu.memory_space<vmem_shared>> -> memref<16x128xf32, #tpu.memory_space<vmem_shared>>
      tpu.wait_dma2 semaphore(%run_scoped3A_1196 : memref<!tpu.dma_semaphore, #tpu.memory_space<semaphore_mem>>) src(%arg15 : memref<16x128xf32, #tpu.memory_space<vmem>>) dst(%dma_wait3A_1204 : memref<16x128xf32, #tpu.memory_space<vmem_shared>>)
      tpu.yield
    }) : () -> ()
    %mul3A_979 = arith.constant 640 : i32
    %mul3A_980 = arith.muli %arg1, %mul3A_979 : i32
    %add3A_981 = arith.constant 208 : i32
    %add3A_982 = arith.addi %mul3A_980, %add3A_981 : i32
    "tpu.region"() ({
      %run_scoped3A_1196 = tpu.sem_alloc : memref<!tpu.dma_semaphore, #tpu.memory_space<semaphore_mem>>
      %dma_start3A_1197 = arith.constant 0 : i32
      %dma_start3A_1198 = tpu.memref_slice %arg17[%add3A_982, %dma_start3A_1197] : memref<10240x128xf32, #tpu.memory_space<vmem_shared>> -> memref<16x128xf32, #tpu.memory_space<vmem_shared>>
      %dma_start3A_1199 = arith.constant 0 : i32
      %dma_start3A_1200 = tpu.memref_slice %arg17[%add3A_982, %dma_start3A_1199] : memref<10240x128xf32, #tpu.memory_space<vmem_shared>> -> memref<16x128xf32, #tpu.memory_space<vmem_shared>>
      tpu.enqueue_dma source(%arg15 : memref<16x128xf32, #tpu.memory_space<vmem>>) target(%dma_start3A_1200 : memref<16x128xf32, #tpu.memory_space<vmem_shared>>) target_semaphore(%run_scoped3A_1196 : memref<!tpu.dma_semaphore, #tpu.memory_space<semaphore_mem>>)
      %dma_wait3A_1201 = arith.constant 0 : i32
      %dma_wait3A_1202 = tpu.memref_slice %arg17[%add3A_982, %dma_wait3A_1201] : memref<10240x128xf32, #tpu.memory_space<vmem_shared>> -> memref<16x128xf32, #tpu.memory_space<vmem_shared>>
      %dma_wait3A_1203 = arith.constant 0 : i32
      %dma_wait3A_1204 = tpu.memref_slice %arg17[%add3A_982, %dma_wait3A_1203] : memref<10240x128xf32, #tpu.memory_space<vmem_shared>> -> memref<16x128xf32, #tpu.memory_space<vmem_shared>>
      tpu.wait_dma2 semaphore(%run_scoped3A_1196 : memref<!tpu.dma_semaphore, #tpu.memory_space<semaphore_mem>>) src(%arg15 : memref<16x128xf32, #tpu.memory_space<vmem>>) dst(%dma_wait3A_1204 : memref<16x128xf32, #tpu.memory_space<vmem_shared>>)
      tpu.yield
    }) : () -> ()
    %mul3A_983 = arith.constant 640 : i32
    %mul3A_984 = arith.muli %arg1, %mul3A_983 : i32
    %add3A_985 = arith.constant 224 : i32
    %add3A_986 = arith.addi %mul3A_984, %add3A_985 : i32
    "tpu.region"() ({
      %run_scoped3A_1196 = tpu.sem_alloc : memref<!tpu.dma_semaphore, #tpu.memory_space<semaphore_mem>>
      %dma_start3A_1197 = arith.constant 0 : i32
      %dma_start3A_1198 = tpu.memref_slice %arg17[%add3A_986, %dma_start3A_1197] : memref<10240x128xf32, #tpu.memory_space<vmem_shared>> -> memref<16x128xf32, #tpu.memory_space<vmem_shared>>
      %dma_start3A_1199 = arith.constant 0 : i32
      %dma_start3A_1200 = tpu.memref_slice %arg17[%add3A_986, %dma_start3A_1199] : memref<10240x128xf32, #tpu.memory_space<vmem_shared>> -> memref<16x128xf32, #tpu.memory_space<vmem_shared>>
      tpu.enqueue_dma source(%arg15 : memref<16x128xf32, #tpu.memory_space<vmem>>) target(%dma_start3A_1200 : memref<16x128xf32, #tpu.memory_space<vmem_shared>>) target_semaphore(%run_scoped3A_1196 : memref<!tpu.dma_semaphore, #tpu.memory_space<semaphore_mem>>)
      %dma_wait3A_1201 = arith.constant 0 : i32
      %dma_wait3A_1202 = tpu.memref_slice %arg17[%add3A_986, %dma_wait3A_1201] : memref<10240x128xf32, #tpu.memory_space<vmem_shared>> -> memref<16x128xf32, #tpu.memory_space<vmem_shared>>
      %dma_wait3A_1203 = arith.constant 0 : i32
      %dma_wait3A_1204 = tpu.memref_slice %arg17[%add3A_986, %dma_wait3A_1203] : memref<10240x128xf32, #tpu.memory_space<vmem_shared>> -> memref<16x128xf32, #tpu.memory_space<vmem_shared>>
      tpu.wait_dma2 semaphore(%run_scoped3A_1196 : memref<!tpu.dma_semaphore, #tpu.memory_space<semaphore_mem>>) src(%arg15 : memref<16x128xf32, #tpu.memory_space<vmem>>) dst(%dma_wait3A_1204 : memref<16x128xf32, #tpu.memory_space<vmem_shared>>)
      tpu.yield
    }) : () -> ()
    %mul3A_987 = arith.constant 640 : i32
    %mul3A_988 = arith.muli %arg1, %mul3A_987 : i32
    %add3A_989 = arith.constant 240 : i32
    %add3A_990 = arith.addi %mul3A_988, %add3A_989 : i32
    "tpu.region"() ({
      %run_scoped3A_1196 = tpu.sem_alloc : memref<!tpu.dma_semaphore, #tpu.memory_space<semaphore_mem>>
      %dma_start3A_1197 = arith.constant 0 : i32
      %dma_start3A_1198 = tpu.memref_slice %arg17[%add3A_990, %dma_start3A_1197] : memref<10240x128xf32, #tpu.memory_space<vmem_shared>> -> memref<16x128xf32, #tpu.memory_space<vmem_shared>>
      %dma_start3A_1199 = arith.constant 0 : i32
      %dma_start3A_1200 = tpu.memref_slice %arg17[%add3A_990, %dma_start3A_1199] : memref<10240x128xf32, #tpu.memory_space<vmem_shared>> -> memref<16x128xf32, #tpu.memory_space<vmem_shared>>
      tpu.enqueue_dma source(%arg15 : memref<16x128xf32, #tpu.memory_space<vmem>>) target(%dma_start3A_1200 : memref<16x128xf32, #tpu.memory_space<vmem_shared>>) target_semaphore(%run_scoped3A_1196 : memref<!tpu.dma_semaphore, #tpu.memory_space<semaphore_mem>>)
      %dma_wait3A_1201 = arith.constant 0 : i32
      %dma_wait3A_1202 = tpu.memref_slice %arg17[%add3A_990, %dma_wait3A_1201] : memref<10240x128xf32, #tpu.memory_space<vmem_shared>> -> memref<16x128xf32, #tpu.memory_space<vmem_shared>>
      %dma_wait3A_1203 = arith.constant 0 : i32
      %dma_wait3A_1204 = tpu.memref_slice %arg17[%add3A_990, %dma_wait3A_1203] : memref<10240x128xf32, #tpu.memory_space<vmem_shared>> -> memref<16x128xf32, #tpu.memory_space<vmem_shared>>
      tpu.wait_dma2 semaphore(%run_scoped3A_1196 : memref<!tpu.dma_semaphore, #tpu.memory_space<semaphore_mem>>) src(%arg15 : memref<16x128xf32, #tpu.memory_space<vmem>>) dst(%dma_wait3A_1204 : memref<16x128xf32, #tpu.memory_space<vmem_shared>>)
      tpu.yield
    }) : () -> ()
    %mul3A_991 = arith.constant 640 : i32
    %mul3A_992 = arith.muli %arg1, %mul3A_991 : i32
    %add3A_993 = arith.constant 256 : i32
    %add3A_994 = arith.addi %mul3A_992, %add3A_993 : i32
    "tpu.region"() ({
      %run_scoped3A_1196 = tpu.sem_alloc : memref<!tpu.dma_semaphore, #tpu.memory_space<semaphore_mem>>
      %dma_start3A_1197 = arith.constant 0 : i32
      %dma_start3A_1198 = tpu.memref_slice %arg17[%add3A_994, %dma_start3A_1197] : memref<10240x128xf32, #tpu.memory_space<vmem_shared>> -> memref<16x128xf32, #tpu.memory_space<vmem_shared>>
      %dma_start3A_1199 = arith.constant 0 : i32
      %dma_start3A_1200 = tpu.memref_slice %arg17[%add3A_994, %dma_start3A_1199] : memref<10240x128xf32, #tpu.memory_space<vmem_shared>> -> memref<16x128xf32, #tpu.memory_space<vmem_shared>>
      tpu.enqueue_dma source(%arg15 : memref<16x128xf32, #tpu.memory_space<vmem>>) target(%dma_start3A_1200 : memref<16x128xf32, #tpu.memory_space<vmem_shared>>) target_semaphore(%run_scoped3A_1196 : memref<!tpu.dma_semaphore, #tpu.memory_space<semaphore_mem>>)
      %dma_wait3A_1201 = arith.constant 0 : i32
      %dma_wait3A_1202 = tpu.memref_slice %arg17[%add3A_994, %dma_wait3A_1201] : memref<10240x128xf32, #tpu.memory_space<vmem_shared>> -> memref<16x128xf32, #tpu.memory_space<vmem_shared>>
      %dma_wait3A_1203 = arith.constant 0 : i32
      %dma_wait3A_1204 = tpu.memref_slice %arg17[%add3A_994, %dma_wait3A_1203] : memref<10240x128xf32, #tpu.memory_space<vmem_shared>> -> memref<16x128xf32, #tpu.memory_space<vmem_shared>>
      tpu.wait_dma2 semaphore(%run_scoped3A_1196 : memref<!tpu.dma_semaphore, #tpu.memory_space<semaphore_mem>>) src(%arg15 : memref<16x128xf32, #tpu.memory_space<vmem>>) dst(%dma_wait3A_1204 : memref<16x128xf32, #tpu.memory_space<vmem_shared>>)
      tpu.yield
    }) : () -> ()
    %mul3A_995 = arith.constant 640 : i32
    %mul3A_996 = arith.muli %arg1, %mul3A_995 : i32
    %add3A_997 = arith.constant 272 : i32
    %add3A_998 = arith.addi %mul3A_996, %add3A_997 : i32
    "tpu.region"() ({
      %run_scoped3A_1196 = tpu.sem_alloc : memref<!tpu.dma_semaphore, #tpu.memory_space<semaphore_mem>>
      %dma_start3A_1197 = arith.constant 0 : i32
      %dma_start3A_1198 = tpu.memref_slice %arg17[%add3A_998, %dma_start3A_1197] : memref<10240x128xf32, #tpu.memory_space<vmem_shared>> -> memref<16x128xf32, #tpu.memory_space<vmem_shared>>
      %dma_start3A_1199 = arith.constant 0 : i32
      %dma_start3A_1200 = tpu.memref_slice %arg17[%add3A_998, %dma_start3A_1199] : memref<10240x128xf32, #tpu.memory_space<vmem_shared>> -> memref<16x128xf32, #tpu.memory_space<vmem_shared>>
      tpu.enqueue_dma source(%arg15 : memref<16x128xf32, #tpu.memory_space<vmem>>) target(%dma_start3A_1200 : memref<16x128xf32, #tpu.memory_space<vmem_shared>>) target_semaphore(%run_scoped3A_1196 : memref<!tpu.dma_semaphore, #tpu.memory_space<semaphore_mem>>)
      %dma_wait3A_1201 = arith.constant 0 : i32
      %dma_wait3A_1202 = tpu.memref_slice %arg17[%add3A_998, %dma_wait3A_1201] : memref<10240x128xf32, #tpu.memory_space<vmem_shared>> -> memref<16x128xf32, #tpu.memory_space<vmem_shared>>
      %dma_wait3A_1203 = arith.constant 0 : i32
      %dma_wait3A_1204 = tpu.memref_slice %arg17[%add3A_998, %dma_wait3A_1203] : memref<10240x128xf32, #tpu.memory_space<vmem_shared>> -> memref<16x128xf32, #tpu.memory_space<vmem_shared>>
      tpu.wait_dma2 semaphore(%run_scoped3A_1196 : memref<!tpu.dma_semaphore, #tpu.memory_space<semaphore_mem>>) src(%arg15 : memref<16x128xf32, #tpu.memory_space<vmem>>) dst(%dma_wait3A_1204 : memref<16x128xf32, #tpu.memory_space<vmem_shared>>)
      tpu.yield
    }) : () -> ()
    %mul3A_999 = arith.constant 640 : i32
    %mul3A_1000 = arith.muli %arg1, %mul3A_999 : i32
    %add3A_1001 = arith.constant 288 : i32
    %add3A_1002 = arith.addi %mul3A_1000, %add3A_1001 : i32
    "tpu.region"() ({
      %run_scoped3A_1196 = tpu.sem_alloc : memref<!tpu.dma_semaphore, #tpu.memory_space<semaphore_mem>>
      %dma_start3A_1197 = arith.constant 0 : i32
      %dma_start3A_1198 = tpu.memref_slice %arg17[%add3A_1002, %dma_start3A_1197] : memref<10240x128xf32, #tpu.memory_space<vmem_shared>> -> memref<16x128xf32, #tpu.memory_space<vmem_shared>>
      %dma_start3A_1199 = arith.constant 0 : i32
      %dma_start3A_1200 = tpu.memref_slice %arg17[%add3A_1002, %dma_start3A_1199] : memref<10240x128xf32, #tpu.memory_space<vmem_shared>> -> memref<16x128xf32, #tpu.memory_space<vmem_shared>>
      tpu.enqueue_dma source(%arg15 : memref<16x128xf32, #tpu.memory_space<vmem>>) target(%dma_start3A_1200 : memref<16x128xf32, #tpu.memory_space<vmem_shared>>) target_semaphore(%run_scoped3A_1196 : memref<!tpu.dma_semaphore, #tpu.memory_space<semaphore_mem>>)
      %dma_wait3A_1201 = arith.constant 0 : i32
      %dma_wait3A_1202 = tpu.memref_slice %arg17[%add3A_1002, %dma_wait3A_1201] : memref<10240x128xf32, #tpu.memory_space<vmem_shared>> -> memref<16x128xf32, #tpu.memory_space<vmem_shared>>
      %dma_wait3A_1203 = arith.constant 0 : i32
      %dma_wait3A_1204 = tpu.memref_slice %arg17[%add3A_1002, %dma_wait3A_1203] : memref<10240x128xf32, #tpu.memory_space<vmem_shared>> -> memref<16x128xf32, #tpu.memory_space<vmem_shared>>
      tpu.wait_dma2 semaphore(%run_scoped3A_1196 : memref<!tpu.dma_semaphore, #tpu.memory_space<semaphore_mem>>) src(%arg15 : memref<16x128xf32, #tpu.memory_space<vmem>>) dst(%dma_wait3A_1204 : memref<16x128xf32, #tpu.memory_space<vmem_shared>>)
      tpu.yield
    }) : () -> ()
    %mul3A_1003 = arith.constant 640 : i32
    %mul3A_1004 = arith.muli %arg1, %mul3A_1003 : i32
    %add3A_1005 = arith.constant 304 : i32
    %add3A_1006 = arith.addi %mul3A_1004, %add3A_1005 : i32
    "tpu.region"() ({
      %run_scoped3A_1196 = tpu.sem_alloc : memref<!tpu.dma_semaphore, #tpu.memory_space<semaphore_mem>>
      %dma_start3A_1197 = arith.constant 0 : i32
      %dma_start3A_1198 = tpu.memref_slice %arg17[%add3A_1006, %dma_start3A_1197] : memref<10240x128xf32, #tpu.memory_space<vmem_shared>> -> memref<16x128xf32, #tpu.memory_space<vmem_shared>>
      %dma_start3A_1199 = arith.constant 0 : i32
      %dma_start3A_1200 = tpu.memref_slice %arg17[%add3A_1006, %dma_start3A_1199] : memref<10240x128xf32, #tpu.memory_space<vmem_shared>> -> memref<16x128xf32, #tpu.memory_space<vmem_shared>>
      tpu.enqueue_dma source(%arg15 : memref<16x128xf32, #tpu.memory_space<vmem>>) target(%dma_start3A_1200 : memref<16x128xf32, #tpu.memory_space<vmem_shared>>) target_semaphore(%run_scoped3A_1196 : memref<!tpu.dma_semaphore, #tpu.memory_space<semaphore_mem>>)
      %dma_wait3A_1201 = arith.constant 0 : i32
      %dma_wait3A_1202 = tpu.memref_slice %arg17[%add3A_1006, %dma_wait3A_1201] : memref<10240x128xf32, #tpu.memory_space<vmem_shared>> -> memref<16x128xf32, #tpu.memory_space<vmem_shared>>
      %dma_wait3A_1203 = arith.constant 0 : i32
      %dma_wait3A_1204 = tpu.memref_slice %arg17[%add3A_1006, %dma_wait3A_1203] : memref<10240x128xf32, #tpu.memory_space<vmem_shared>> -> memref<16x128xf32, #tpu.memory_space<vmem_shared>>
      tpu.wait_dma2 semaphore(%run_scoped3A_1196 : memref<!tpu.dma_semaphore, #tpu.memory_space<semaphore_mem>>) src(%arg15 : memref<16x128xf32, #tpu.memory_space<vmem>>) dst(%dma_wait3A_1204 : memref<16x128xf32, #tpu.memory_space<vmem_shared>>)
      tpu.yield
    }) : () -> ()
    %mul3A_1007 = arith.constant 640 : i32
    %mul3A_1008 = arith.muli %arg1, %mul3A_1007 : i32
    %add3A_1009 = arith.constant 320 : i32
    %add3A_1010 = arith.addi %mul3A_1008, %add3A_1009 : i32
    "tpu.region"() ({
      %run_scoped3A_1196 = tpu.sem_alloc : memref<!tpu.dma_semaphore, #tpu.memory_space<semaphore_mem>>
      %dma_start3A_1197 = arith.constant 0 : i32
      %dma_start3A_1198 = tpu.memref_slice %arg17[%add3A_1010, %dma_start3A_1197] : memref<10240x128xf32, #tpu.memory_space<vmem_shared>> -> memref<16x128xf32, #tpu.memory_space<vmem_shared>>
      %dma_start3A_1199 = arith.constant 0 : i32
      %dma_start3A_1200 = tpu.memref_slice %arg17[%add3A_1010, %dma_start3A_1199] : memref<10240x128xf32, #tpu.memory_space<vmem_shared>> -> memref<16x128xf32, #tpu.memory_space<vmem_shared>>
      tpu.enqueue_dma source(%arg15 : memref<16x128xf32, #tpu.memory_space<vmem>>) target(%dma_start3A_1200 : memref<16x128xf32, #tpu.memory_space<vmem_shared>>) target_semaphore(%run_scoped3A_1196 : memref<!tpu.dma_semaphore, #tpu.memory_space<semaphore_mem>>)
      %dma_wait3A_1201 = arith.constant 0 : i32
      %dma_wait3A_1202 = tpu.memref_slice %arg17[%add3A_1010, %dma_wait3A_1201] : memref<10240x128xf32, #tpu.memory_space<vmem_shared>> -> memref<16x128xf32, #tpu.memory_space<vmem_shared>>
      %dma_wait3A_1203 = arith.constant 0 : i32
      %dma_wait3A_1204 = tpu.memref_slice %arg17[%add3A_1010, %dma_wait3A_1203] : memref<10240x128xf32, #tpu.memory_space<vmem_shared>> -> memref<16x128xf32, #tpu.memory_space<vmem_shared>>
      tpu.wait_dma2 semaphore(%run_scoped3A_1196 : memref<!tpu.dma_semaphore, #tpu.memory_space<semaphore_mem>>) src(%arg15 : memref<16x128xf32, #tpu.memory_space<vmem>>) dst(%dma_wait3A_1204 : memref<16x128xf32, #tpu.memory_space<vmem_shared>>)
      tpu.yield
    }) : () -> ()
    %mul3A_1011 = arith.constant 640 : i32
    %mul3A_1012 = arith.muli %arg1, %mul3A_1011 : i32
    %add3A_1013 = arith.constant 336 : i32
    %add3A_1014 = arith.addi %mul3A_1012, %add3A_1013 : i32
    "tpu.region"() ({
      %run_scoped3A_1196 = tpu.sem_alloc : memref<!tpu.dma_semaphore, #tpu.memory_space<semaphore_mem>>
      %dma_start3A_1197 = arith.constant 0 : i32
      %dma_start3A_1198 = tpu.memref_slice %arg17[%add3A_1014, %dma_start3A_1197] : memref<10240x128xf32, #tpu.memory_space<vmem_shared>> -> memref<16x128xf32, #tpu.memory_space<vmem_shared>>
      %dma_start3A_1199 = arith.constant 0 : i32
      %dma_start3A_1200 = tpu.memref_slice %arg17[%add3A_1014, %dma_start3A_1199] : memref<10240x128xf32, #tpu.memory_space<vmem_shared>> -> memref<16x128xf32, #tpu.memory_space<vmem_shared>>
      tpu.enqueue_dma source(%arg15 : memref<16x128xf32, #tpu.memory_space<vmem>>) target(%dma_start3A_1200 : memref<16x128xf32, #tpu.memory_space<vmem_shared>>) target_semaphore(%run_scoped3A_1196 : memref<!tpu.dma_semaphore, #tpu.memory_space<semaphore_mem>>)
      %dma_wait3A_1201 = arith.constant 0 : i32
      %dma_wait3A_1202 = tpu.memref_slice %arg17[%add3A_1014, %dma_wait3A_1201] : memref<10240x128xf32, #tpu.memory_space<vmem_shared>> -> memref<16x128xf32, #tpu.memory_space<vmem_shared>>
      %dma_wait3A_1203 = arith.constant 0 : i32
      %dma_wait3A_1204 = tpu.memref_slice %arg17[%add3A_1014, %dma_wait3A_1203] : memref<10240x128xf32, #tpu.memory_space<vmem_shared>> -> memref<16x128xf32, #tpu.memory_space<vmem_shared>>
      tpu.wait_dma2 semaphore(%run_scoped3A_1196 : memref<!tpu.dma_semaphore, #tpu.memory_space<semaphore_mem>>) src(%arg15 : memref<16x128xf32, #tpu.memory_space<vmem>>) dst(%dma_wait3A_1204 : memref<16x128xf32, #tpu.memory_space<vmem_shared>>)
      tpu.yield
    }) : () -> ()
    %mul3A_1015 = arith.constant 640 : i32
    %mul3A_1016 = arith.muli %arg1, %mul3A_1015 : i32
    %add3A_1017 = arith.constant 352 : i32
    %add3A_1018 = arith.addi %mul3A_1016, %add3A_1017 : i32
    "tpu.region"() ({
      %run_scoped3A_1196 = tpu.sem_alloc : memref<!tpu.dma_semaphore, #tpu.memory_space<semaphore_mem>>
      %dma_start3A_1197 = arith.constant 0 : i32
      %dma_start3A_1198 = tpu.memref_slice %arg17[%add3A_1018, %dma_start3A_1197] : memref<10240x128xf32, #tpu.memory_space<vmem_shared>> -> memref<16x128xf32, #tpu.memory_space<vmem_shared>>
      %dma_start3A_1199 = arith.constant 0 : i32
      %dma_start3A_1200 = tpu.memref_slice %arg17[%add3A_1018, %dma_start3A_1199] : memref<10240x128xf32, #tpu.memory_space<vmem_shared>> -> memref<16x128xf32, #tpu.memory_space<vmem_shared>>
      tpu.enqueue_dma source(%arg15 : memref<16x128xf32, #tpu.memory_space<vmem>>) target(%dma_start3A_1200 : memref<16x128xf32, #tpu.memory_space<vmem_shared>>) target_semaphore(%run_scoped3A_1196 : memref<!tpu.dma_semaphore, #tpu.memory_space<semaphore_mem>>)
      %dma_wait3A_1201 = arith.constant 0 : i32
      %dma_wait3A_1202 = tpu.memref_slice %arg17[%add3A_1018, %dma_wait3A_1201] : memref<10240x128xf32, #tpu.memory_space<vmem_shared>> -> memref<16x128xf32, #tpu.memory_space<vmem_shared>>
      %dma_wait3A_1203 = arith.constant 0 : i32
      %dma_wait3A_1204 = tpu.memref_slice %arg17[%add3A_1018, %dma_wait3A_1203] : memref<10240x128xf32, #tpu.memory_space<vmem_shared>> -> memref<16x128xf32, #tpu.memory_space<vmem_shared>>
      tpu.wait_dma2 semaphore(%run_scoped3A_1196 : memref<!tpu.dma_semaphore, #tpu.memory_space<semaphore_mem>>) src(%arg15 : memref<16x128xf32, #tpu.memory_space<vmem>>) dst(%dma_wait3A_1204 : memref<16x128xf32, #tpu.memory_space<vmem_shared>>)
      tpu.yield
    }) : () -> ()
    %mul3A_1019 = arith.constant 640 : i32
    %mul3A_1020 = arith.muli %arg1, %mul3A_1019 : i32
    %add3A_1021 = arith.constant 368 : i32
    %add3A_1022 = arith.addi %mul3A_1020, %add3A_1021 : i32
    "tpu.region"() ({
      %run_scoped3A_1196 = tpu.sem_alloc : memref<!tpu.dma_semaphore, #tpu.memory_space<semaphore_mem>>
      %dma_start3A_1197 = arith.constant 0 : i32
      %dma_start3A_1198 = tpu.memref_slice %arg17[%add3A_1022, %dma_start3A_1197] : memref<10240x128xf32, #tpu.memory_space<vmem_shared>> -> memref<16x128xf32, #tpu.memory_space<vmem_shared>>
      %dma_start3A_1199 = arith.constant 0 : i32
      %dma_start3A_1200 = tpu.memref_slice %arg17[%add3A_1022, %dma_start3A_1199] : memref<10240x128xf32, #tpu.memory_space<vmem_shared>> -> memref<16x128xf32, #tpu.memory_space<vmem_shared>>
      tpu.enqueue_dma source(%arg15 : memref<16x128xf32, #tpu.memory_space<vmem>>) target(%dma_start3A_1200 : memref<16x128xf32, #tpu.memory_space<vmem_shared>>) target_semaphore(%run_scoped3A_1196 : memref<!tpu.dma_semaphore, #tpu.memory_space<semaphore_mem>>)
      %dma_wait3A_1201 = arith.constant 0 : i32
      %dma_wait3A_1202 = tpu.memref_slice %arg17[%add3A_1022, %dma_wait3A_1201] : memref<10240x128xf32, #tpu.memory_space<vmem_shared>> -> memref<16x128xf32, #tpu.memory_space<vmem_shared>>
      %dma_wait3A_1203 = arith.constant 0 : i32
      %dma_wait3A_1204 = tpu.memref_slice %arg17[%add3A_1022, %dma_wait3A_1203] : memref<10240x128xf32, #tpu.memory_space<vmem_shared>> -> memref<16x128xf32, #tpu.memory_space<vmem_shared>>
      tpu.wait_dma2 semaphore(%run_scoped3A_1196 : memref<!tpu.dma_semaphore, #tpu.memory_space<semaphore_mem>>) src(%arg15 : memref<16x128xf32, #tpu.memory_space<vmem>>) dst(%dma_wait3A_1204 : memref<16x128xf32, #tpu.memory_space<vmem_shared>>)
      tpu.yield
    }) : () -> ()
    %mul3A_1023 = arith.constant 640 : i32
    %mul3A_1024 = arith.muli %arg1, %mul3A_1023 : i32
    %add3A_1025 = arith.constant 384 : i32
    %add3A_1026 = arith.addi %mul3A_1024, %add3A_1025 : i32
    "tpu.region"() ({
      %run_scoped3A_1196 = tpu.sem_alloc : memref<!tpu.dma_semaphore, #tpu.memory_space<semaphore_mem>>
      %dma_start3A_1197 = arith.constant 0 : i32
      %dma_start3A_1198 = tpu.memref_slice %arg17[%add3A_1026, %dma_start3A_1197] : memref<10240x128xf32, #tpu.memory_space<vmem_shared>> -> memref<16x128xf32, #tpu.memory_space<vmem_shared>>
      %dma_start3A_1199 = arith.constant 0 : i32
      %dma_start3A_1200 = tpu.memref_slice %arg17[%add3A_1026, %dma_start3A_1199] : memref<10240x128xf32, #tpu.memory_space<vmem_shared>> -> memref<16x128xf32, #tpu.memory_space<vmem_shared>>
      tpu.enqueue_dma source(%arg15 : memref<16x128xf32, #tpu.memory_space<vmem>>) target(%dma_start3A_1200 : memref<16x128xf32, #tpu.memory_space<vmem_shared>>) target_semaphore(%run_scoped3A_1196 : memref<!tpu.dma_semaphore, #tpu.memory_space<semaphore_mem>>)
      %dma_wait3A_1201 = arith.constant 0 : i32
      %dma_wait3A_1202 = tpu.memref_slice %arg17[%add3A_1026, %dma_wait3A_1201] : memref<10240x128xf32, #tpu.memory_space<vmem_shared>> -> memref<16x128xf32, #tpu.memory_space<vmem_shared>>
      %dma_wait3A_1203 = arith.constant 0 : i32
      %dma_wait3A_1204 = tpu.memref_slice %arg17[%add3A_1026, %dma_wait3A_1203] : memref<10240x128xf32, #tpu.memory_space<vmem_shared>> -> memref<16x128xf32, #tpu.memory_space<vmem_shared>>
      tpu.wait_dma2 semaphore(%run_scoped3A_1196 : memref<!tpu.dma_semaphore, #tpu.memory_space<semaphore_mem>>) src(%arg15 : memref<16x128xf32, #tpu.memory_space<vmem>>) dst(%dma_wait3A_1204 : memref<16x128xf32, #tpu.memory_space<vmem_shared>>)
      tpu.yield
    }) : () -> ()
    %mul3A_1027 = arith.constant 640 : i32
    %mul3A_1028 = arith.muli %arg1, %mul3A_1027 : i32
    %add3A_1029 = arith.constant 400 : i32
    %add3A_1030 = arith.addi %mul3A_1028, %add3A_1029 : i32
    "tpu.region"() ({
      %run_scoped3A_1196 = tpu.sem_alloc : memref<!tpu.dma_semaphore, #tpu.memory_space<semaphore_mem>>
      %dma_start3A_1197 = arith.constant 0 : i32
      %dma_start3A_1198 = tpu.memref_slice %arg17[%add3A_1030, %dma_start3A_1197] : memref<10240x128xf32, #tpu.memory_space<vmem_shared>> -> memref<16x128xf32, #tpu.memory_space<vmem_shared>>
      %dma_start3A_1199 = arith.constant 0 : i32
      %dma_start3A_1200 = tpu.memref_slice %arg17[%add3A_1030, %dma_start3A_1199] : memref<10240x128xf32, #tpu.memory_space<vmem_shared>> -> memref<16x128xf32, #tpu.memory_space<vmem_shared>>
      tpu.enqueue_dma source(%arg15 : memref<16x128xf32, #tpu.memory_space<vmem>>) target(%dma_start3A_1200 : memref<16x128xf32, #tpu.memory_space<vmem_shared>>) target_semaphore(%run_scoped3A_1196 : memref<!tpu.dma_semaphore, #tpu.memory_space<semaphore_mem>>)
      %dma_wait3A_1201 = arith.constant 0 : i32
      %dma_wait3A_1202 = tpu.memref_slice %arg17[%add3A_1030, %dma_wait3A_1201] : memref<10240x128xf32, #tpu.memory_space<vmem_shared>> -> memref<16x128xf32, #tpu.memory_space<vmem_shared>>
      %dma_wait3A_1203 = arith.constant 0 : i32
      %dma_wait3A_1204 = tpu.memref_slice %arg17[%add3A_1030, %dma_wait3A_1203] : memref<10240x128xf32, #tpu.memory_space<vmem_shared>> -> memref<16x128xf32, #tpu.memory_space<vmem_shared>>
      tpu.wait_dma2 semaphore(%run_scoped3A_1196 : memref<!tpu.dma_semaphore, #tpu.memory_space<semaphore_mem>>) src(%arg15 : memref<16x128xf32, #tpu.memory_space<vmem>>) dst(%dma_wait3A_1204 : memref<16x128xf32, #tpu.memory_space<vmem_shared>>)
      tpu.yield
    }) : () -> ()
    %mul3A_1031 = arith.constant 640 : i32
    %mul3A_1032 = arith.muli %arg1, %mul3A_1031 : i32
    %add3A_1033 = arith.constant 416 : i32
    %add3A_1034 = arith.addi %mul3A_1032, %add3A_1033 : i32
    "tpu.region"() ({
      %run_scoped3A_1196 = tpu.sem_alloc : memref<!tpu.dma_semaphore, #tpu.memory_space<semaphore_mem>>
      %dma_start3A_1197 = arith.constant 0 : i32
      %dma_start3A_1198 = tpu.memref_slice %arg17[%add3A_1034, %dma_start3A_1197] : memref<10240x128xf32, #tpu.memory_space<vmem_shared>> -> memref<16x128xf32, #tpu.memory_space<vmem_shared>>
      %dma_start3A_1199 = arith.constant 0 : i32
      %dma_start3A_1200 = tpu.memref_slice %arg17[%add3A_1034, %dma_start3A_1199] : memref<10240x128xf32, #tpu.memory_space<vmem_shared>> -> memref<16x128xf32, #tpu.memory_space<vmem_shared>>
      tpu.enqueue_dma source(%arg15 : memref<16x128xf32, #tpu.memory_space<vmem>>) target(%dma_start3A_1200 : memref<16x128xf32, #tpu.memory_space<vmem_shared>>) target_semaphore(%run_scoped3A_1196 : memref<!tpu.dma_semaphore, #tpu.memory_space<semaphore_mem>>)
      %dma_wait3A_1201 = arith.constant 0 : i32
      %dma_wait3A_1202 = tpu.memref_slice %arg17[%add3A_1034, %dma_wait3A_1201] : memref<10240x128xf32, #tpu.memory_space<vmem_shared>> -> memref<16x128xf32, #tpu.memory_space<vmem_shared>>
      %dma_wait3A_1203 = arith.constant 0 : i32
      %dma_wait3A_1204 = tpu.memref_slice %arg17[%add3A_1034, %dma_wait3A_1203] : memref<10240x128xf32, #tpu.memory_space<vmem_shared>> -> memref<16x128xf32, #tpu.memory_space<vmem_shared>>
      tpu.wait_dma2 semaphore(%run_scoped3A_1196 : memref<!tpu.dma_semaphore, #tpu.memory_space<semaphore_mem>>) src(%arg15 : memref<16x128xf32, #tpu.memory_space<vmem>>) dst(%dma_wait3A_1204 : memref<16x128xf32, #tpu.memory_space<vmem_shared>>)
      tpu.yield
    }) : () -> ()
    %mul3A_1035 = arith.constant 640 : i32
    %mul3A_1036 = arith.muli %arg1, %mul3A_1035 : i32
    %add3A_1037 = arith.constant 432 : i32
    %add3A_1038 = arith.addi %mul3A_1036, %add3A_1037 : i32
    "tpu.region"() ({
      %run_scoped3A_1196 = tpu.sem_alloc : memref<!tpu.dma_semaphore, #tpu.memory_space<semaphore_mem>>
      %dma_start3A_1197 = arith.constant 0 : i32
      %dma_start3A_1198 = tpu.memref_slice %arg17[%add3A_1038, %dma_start3A_1197] : memref<10240x128xf32, #tpu.memory_space<vmem_shared>> -> memref<16x128xf32, #tpu.memory_space<vmem_shared>>
      %dma_start3A_1199 = arith.constant 0 : i32
      %dma_start3A_1200 = tpu.memref_slice %arg17[%add3A_1038, %dma_start3A_1199] : memref<10240x128xf32, #tpu.memory_space<vmem_shared>> -> memref<16x128xf32, #tpu.memory_space<vmem_shared>>
      tpu.enqueue_dma source(%arg15 : memref<16x128xf32, #tpu.memory_space<vmem>>) target(%dma_start3A_1200 : memref<16x128xf32, #tpu.memory_space<vmem_shared>>) target_semaphore(%run_scoped3A_1196 : memref<!tpu.dma_semaphore, #tpu.memory_space<semaphore_mem>>)
      %dma_wait3A_1201 = arith.constant 0 : i32
      %dma_wait3A_1202 = tpu.memref_slice %arg17[%add3A_1038, %dma_wait3A_1201] : memref<10240x128xf32, #tpu.memory_space<vmem_shared>> -> memref<16x128xf32, #tpu.memory_space<vmem_shared>>
      %dma_wait3A_1203 = arith.constant 0 : i32
      %dma_wait3A_1204 = tpu.memref_slice %arg17[%add3A_1038, %dma_wait3A_1203] : memref<10240x128xf32, #tpu.memory_space<vmem_shared>> -> memref<16x128xf32, #tpu.memory_space<vmem_shared>>
      tpu.wait_dma2 semaphore(%run_scoped3A_1196 : memref<!tpu.dma_semaphore, #tpu.memory_space<semaphore_mem>>) src(%arg15 : memref<16x128xf32, #tpu.memory_space<vmem>>) dst(%dma_wait3A_1204 : memref<16x128xf32, #tpu.memory_space<vmem_shared>>)
      tpu.yield
    }) : () -> ()
    %mul3A_1039 = arith.constant 640 : i32
    %mul3A_1040 = arith.muli %arg1, %mul3A_1039 : i32
    %add3A_1041 = arith.constant 448 : i32
    %add3A_1042 = arith.addi %mul3A_1040, %add3A_1041 : i32
    "tpu.region"() ({
      %run_scoped3A_1196 = tpu.sem_alloc : memref<!tpu.dma_semaphore, #tpu.memory_space<semaphore_mem>>
      %dma_start3A_1197 = arith.constant 0 : i32
      %dma_start3A_1198 = tpu.memref_slice %arg17[%add3A_1042, %dma_start3A_1197] : memref<10240x128xf32, #tpu.memory_space<vmem_shared>> -> memref<16x128xf32, #tpu.memory_space<vmem_shared>>
      %dma_start3A_1199 = arith.constant 0 : i32
      %dma_start3A_1200 = tpu.memref_slice %arg17[%add3A_1042, %dma_start3A_1199] : memref<10240x128xf32, #tpu.memory_space<vmem_shared>> -> memref<16x128xf32, #tpu.memory_space<vmem_shared>>
      tpu.enqueue_dma source(%arg15 : memref<16x128xf32, #tpu.memory_space<vmem>>) target(%dma_start3A_1200 : memref<16x128xf32, #tpu.memory_space<vmem_shared>>) target_semaphore(%run_scoped3A_1196 : memref<!tpu.dma_semaphore, #tpu.memory_space<semaphore_mem>>)
      %dma_wait3A_1201 = arith.constant 0 : i32
      %dma_wait3A_1202 = tpu.memref_slice %arg17[%add3A_1042, %dma_wait3A_1201] : memref<10240x128xf32, #tpu.memory_space<vmem_shared>> -> memref<16x128xf32, #tpu.memory_space<vmem_shared>>
      %dma_wait3A_1203 = arith.constant 0 : i32
      %dma_wait3A_1204 = tpu.memref_slice %arg17[%add3A_1042, %dma_wait3A_1203] : memref<10240x128xf32, #tpu.memory_space<vmem_shared>> -> memref<16x128xf32, #tpu.memory_space<vmem_shared>>
      tpu.wait_dma2 semaphore(%run_scoped3A_1196 : memref<!tpu.dma_semaphore, #tpu.memory_space<semaphore_mem>>) src(%arg15 : memref<16x128xf32, #tpu.memory_space<vmem>>) dst(%dma_wait3A_1204 : memref<16x128xf32, #tpu.memory_space<vmem_shared>>)
      tpu.yield
    }) : () -> ()
    %mul3A_1043 = arith.constant 640 : i32
    %mul3A_1044 = arith.muli %arg1, %mul3A_1043 : i32
    %add3A_1045 = arith.constant 464 : i32
    %add3A_1046 = arith.addi %mul3A_1044, %add3A_1045 : i32
    "tpu.region"() ({
      %run_scoped3A_1196 = tpu.sem_alloc : memref<!tpu.dma_semaphore, #tpu.memory_space<semaphore_mem>>
      %dma_start3A_1197 = arith.constant 0 : i32
      %dma_start3A_1198 = tpu.memref_slice %arg17[%add3A_1046, %dma_start3A_1197] : memref<10240x128xf32, #tpu.memory_space<vmem_shared>> -> memref<16x128xf32, #tpu.memory_space<vmem_shared>>
      %dma_start3A_1199 = arith.constant 0 : i32
      %dma_start3A_1200 = tpu.memref_slice %arg17[%add3A_1046, %dma_start3A_1199] : memref<10240x128xf32, #tpu.memory_space<vmem_shared>> -> memref<16x128xf32, #tpu.memory_space<vmem_shared>>
      tpu.enqueue_dma source(%arg15 : memref<16x128xf32, #tpu.memory_space<vmem>>) target(%dma_start3A_1200 : memref<16x128xf32, #tpu.memory_space<vmem_shared>>) target_semaphore(%run_scoped3A_1196 : memref<!tpu.dma_semaphore, #tpu.memory_space<semaphore_mem>>)
      %dma_wait3A_1201 = arith.constant 0 : i32
      %dma_wait3A_1202 = tpu.memref_slice %arg17[%add3A_1046, %dma_wait3A_1201] : memref<10240x128xf32, #tpu.memory_space<vmem_shared>> -> memref<16x128xf32, #tpu.memory_space<vmem_shared>>
      %dma_wait3A_1203 = arith.constant 0 : i32
      %dma_wait3A_1204 = tpu.memref_slice %arg17[%add3A_1046, %dma_wait3A_1203] : memref<10240x128xf32, #tpu.memory_space<vmem_shared>> -> memref<16x128xf32, #tpu.memory_space<vmem_shared>>
      tpu.wait_dma2 semaphore(%run_scoped3A_1196 : memref<!tpu.dma_semaphore, #tpu.memory_space<semaphore_mem>>) src(%arg15 : memref<16x128xf32, #tpu.memory_space<vmem>>) dst(%dma_wait3A_1204 : memref<16x128xf32, #tpu.memory_space<vmem_shared>>)
      tpu.yield
    }) : () -> ()
    %mul3A_1047 = arith.constant 640 : i32
    %mul3A_1048 = arith.muli %arg1, %mul3A_1047 : i32
    %add3A_1049 = arith.constant 480 : i32
    %add3A_1050 = arith.addi %mul3A_1048, %add3A_1049 : i32
    "tpu.region"() ({
      %run_scoped3A_1196 = tpu.sem_alloc : memref<!tpu.dma_semaphore, #tpu.memory_space<semaphore_mem>>
      %dma_start3A_1197 = arith.constant 0 : i32
      %dma_start3A_1198 = tpu.memref_slice %arg17[%add3A_1050, %dma_start3A_1197] : memref<10240x128xf32, #tpu.memory_space<vmem_shared>> -> memref<16x128xf32, #tpu.memory_space<vmem_shared>>
      %dma_start3A_1199 = arith.constant 0 : i32
      %dma_start3A_1200 = tpu.memref_slice %arg17[%add3A_1050, %dma_start3A_1199] : memref<10240x128xf32, #tpu.memory_space<vmem_shared>> -> memref<16x128xf32, #tpu.memory_space<vmem_shared>>
      tpu.enqueue_dma source(%arg15 : memref<16x128xf32, #tpu.memory_space<vmem>>) target(%dma_start3A_1200 : memref<16x128xf32, #tpu.memory_space<vmem_shared>>) target_semaphore(%run_scoped3A_1196 : memref<!tpu.dma_semaphore, #tpu.memory_space<semaphore_mem>>)
      %dma_wait3A_1201 = arith.constant 0 : i32
      %dma_wait3A_1202 = tpu.memref_slice %arg17[%add3A_1050, %dma_wait3A_1201] : memref<10240x128xf32, #tpu.memory_space<vmem_shared>> -> memref<16x128xf32, #tpu.memory_space<vmem_shared>>
      %dma_wait3A_1203 = arith.constant 0 : i32
      %dma_wait3A_1204 = tpu.memref_slice %arg17[%add3A_1050, %dma_wait3A_1203] : memref<10240x128xf32, #tpu.memory_space<vmem_shared>> -> memref<16x128xf32, #tpu.memory_space<vmem_shared>>
      tpu.wait_dma2 semaphore(%run_scoped3A_1196 : memref<!tpu.dma_semaphore, #tpu.memory_space<semaphore_mem>>) src(%arg15 : memref<16x128xf32, #tpu.memory_space<vmem>>) dst(%dma_wait3A_1204 : memref<16x128xf32, #tpu.memory_space<vmem_shared>>)
      tpu.yield
    }) : () -> ()
    %mul3A_1051 = arith.constant 640 : i32
    %mul3A_1052 = arith.muli %arg1, %mul3A_1051 : i32
    %add3A_1053 = arith.constant 496 : i32
    %add3A_1054 = arith.addi %mul3A_1052, %add3A_1053 : i32
    "tpu.region"() ({
      %run_scoped3A_1196 = tpu.sem_alloc : memref<!tpu.dma_semaphore, #tpu.memory_space<semaphore_mem>>
      %dma_start3A_1197 = arith.constant 0 : i32
      %dma_start3A_1198 = tpu.memref_slice %arg17[%add3A_1054, %dma_start3A_1197] : memref<10240x128xf32, #tpu.memory_space<vmem_shared>> -> memref<16x128xf32, #tpu.memory_space<vmem_shared>>
      %dma_start3A_1199 = arith.constant 0 : i32
      %dma_start3A_1200 = tpu.memref_slice %arg17[%add3A_1054, %dma_start3A_1199] : memref<10240x128xf32, #tpu.memory_space<vmem_shared>> -> memref<16x128xf32, #tpu.memory_space<vmem_shared>>
      tpu.enqueue_dma source(%arg15 : memref<16x128xf32, #tpu.memory_space<vmem>>) target(%dma_start3A_1200 : memref<16x128xf32, #tpu.memory_space<vmem_shared>>) target_semaphore(%run_scoped3A_1196 : memref<!tpu.dma_semaphore, #tpu.memory_space<semaphore_mem>>)
      %dma_wait3A_1201 = arith.constant 0 : i32
      %dma_wait3A_1202 = tpu.memref_slice %arg17[%add3A_1054, %dma_wait3A_1201] : memref<10240x128xf32, #tpu.memory_space<vmem_shared>> -> memref<16x128xf32, #tpu.memory_space<vmem_shared>>
      %dma_wait3A_1203 = arith.constant 0 : i32
      %dma_wait3A_1204 = tpu.memref_slice %arg17[%add3A_1054, %dma_wait3A_1203] : memref<10240x128xf32, #tpu.memory_space<vmem_shared>> -> memref<16x128xf32, #tpu.memory_space<vmem_shared>>
      tpu.wait_dma2 semaphore(%run_scoped3A_1196 : memref<!tpu.dma_semaphore, #tpu.memory_space<semaphore_mem>>) src(%arg15 : memref<16x128xf32, #tpu.memory_space<vmem>>) dst(%dma_wait3A_1204 : memref<16x128xf32, #tpu.memory_space<vmem_shared>>)
      tpu.yield
    }) : () -> ()
    %mul3A_1055 = arith.constant 640 : i32
    %mul3A_1056 = arith.muli %arg1, %mul3A_1055 : i32
    %add3A_1057 = arith.constant 512 : i32
    %add3A_1058 = arith.addi %mul3A_1056, %add3A_1057 : i32
    "tpu.region"() ({
      %run_scoped3A_1196 = tpu.sem_alloc : memref<!tpu.dma_semaphore, #tpu.memory_space<semaphore_mem>>
      %dma_start3A_1197 = arith.constant 0 : i32
      %dma_start3A_1198 = tpu.memref_slice %arg17[%add3A_1058, %dma_start3A_1197] : memref<10240x128xf32, #tpu.memory_space<vmem_shared>> -> memref<16x128xf32, #tpu.memory_space<vmem_shared>>
      %dma_start3A_1199 = arith.constant 0 : i32
      %dma_start3A_1200 = tpu.memref_slice %arg17[%add3A_1058, %dma_start3A_1199] : memref<10240x128xf32, #tpu.memory_space<vmem_shared>> -> memref<16x128xf32, #tpu.memory_space<vmem_shared>>
      tpu.enqueue_dma source(%arg15 : memref<16x128xf32, #tpu.memory_space<vmem>>) target(%dma_start3A_1200 : memref<16x128xf32, #tpu.memory_space<vmem_shared>>) target_semaphore(%run_scoped3A_1196 : memref<!tpu.dma_semaphore, #tpu.memory_space<semaphore_mem>>)
      %dma_wait3A_1201 = arith.constant 0 : i32
      %dma_wait3A_1202 = tpu.memref_slice %arg17[%add3A_1058, %dma_wait3A_1201] : memref<10240x128xf32, #tpu.memory_space<vmem_shared>> -> memref<16x128xf32, #tpu.memory_space<vmem_shared>>
      %dma_wait3A_1203 = arith.constant 0 : i32
      %dma_wait3A_1204 = tpu.memref_slice %arg17[%add3A_1058, %dma_wait3A_1203] : memref<10240x128xf32, #tpu.memory_space<vmem_shared>> -> memref<16x128xf32, #tpu.memory_space<vmem_shared>>
      tpu.wait_dma2 semaphore(%run_scoped3A_1196 : memref<!tpu.dma_semaphore, #tpu.memory_space<semaphore_mem>>) src(%arg15 : memref<16x128xf32, #tpu.memory_space<vmem>>) dst(%dma_wait3A_1204 : memref<16x128xf32, #tpu.memory_space<vmem_shared>>)
      tpu.yield
    }) : () -> ()
    %mul3A_1059 = arith.constant 640 : i32
    %mul3A_1060 = arith.muli %arg1, %mul3A_1059 : i32
    %add3A_1061 = arith.constant 528 : i32
    %add3A_1062 = arith.addi %mul3A_1060, %add3A_1061 : i32
    "tpu.region"() ({
      %run_scoped3A_1196 = tpu.sem_alloc : memref<!tpu.dma_semaphore, #tpu.memory_space<semaphore_mem>>
      %dma_start3A_1197 = arith.constant 0 : i32
      %dma_start3A_1198 = tpu.memref_slice %arg17[%add3A_1062, %dma_start3A_1197] : memref<10240x128xf32, #tpu.memory_space<vmem_shared>> -> memref<16x128xf32, #tpu.memory_space<vmem_shared>>
      %dma_start3A_1199 = arith.constant 0 : i32
      %dma_start3A_1200 = tpu.memref_slice %arg17[%add3A_1062, %dma_start3A_1199] : memref<10240x128xf32, #tpu.memory_space<vmem_shared>> -> memref<16x128xf32, #tpu.memory_space<vmem_shared>>
      tpu.enqueue_dma source(%arg15 : memref<16x128xf32, #tpu.memory_space<vmem>>) target(%dma_start3A_1200 : memref<16x128xf32, #tpu.memory_space<vmem_shared>>) target_semaphore(%run_scoped3A_1196 : memref<!tpu.dma_semaphore, #tpu.memory_space<semaphore_mem>>)
      %dma_wait3A_1201 = arith.constant 0 : i32
      %dma_wait3A_1202 = tpu.memref_slice %arg17[%add3A_1062, %dma_wait3A_1201] : memref<10240x128xf32, #tpu.memory_space<vmem_shared>> -> memref<16x128xf32, #tpu.memory_space<vmem_shared>>
      %dma_wait3A_1203 = arith.constant 0 : i32
      %dma_wait3A_1204 = tpu.memref_slice %arg17[%add3A_1062, %dma_wait3A_1203] : memref<10240x128xf32, #tpu.memory_space<vmem_shared>> -> memref<16x128xf32, #tpu.memory_space<vmem_shared>>
      tpu.wait_dma2 semaphore(%run_scoped3A_1196 : memref<!tpu.dma_semaphore, #tpu.memory_space<semaphore_mem>>) src(%arg15 : memref<16x128xf32, #tpu.memory_space<vmem>>) dst(%dma_wait3A_1204 : memref<16x128xf32, #tpu.memory_space<vmem_shared>>)
      tpu.yield
    }) : () -> ()
    %mul3A_1063 = arith.constant 640 : i32
    %mul3A_1064 = arith.muli %arg1, %mul3A_1063 : i32
    %add3A_1065 = arith.constant 544 : i32
    %add3A_1066 = arith.addi %mul3A_1064, %add3A_1065 : i32
    "tpu.region"() ({
      %run_scoped3A_1196 = tpu.sem_alloc : memref<!tpu.dma_semaphore, #tpu.memory_space<semaphore_mem>>
      %dma_start3A_1197 = arith.constant 0 : i32
      %dma_start3A_1198 = tpu.memref_slice %arg17[%add3A_1066, %dma_start3A_1197] : memref<10240x128xf32, #tpu.memory_space<vmem_shared>> -> memref<16x128xf32, #tpu.memory_space<vmem_shared>>
      %dma_start3A_1199 = arith.constant 0 : i32
      %dma_start3A_1200 = tpu.memref_slice %arg17[%add3A_1066, %dma_start3A_1199] : memref<10240x128xf32, #tpu.memory_space<vmem_shared>> -> memref<16x128xf32, #tpu.memory_space<vmem_shared>>
      tpu.enqueue_dma source(%arg15 : memref<16x128xf32, #tpu.memory_space<vmem>>) target(%dma_start3A_1200 : memref<16x128xf32, #tpu.memory_space<vmem_shared>>) target_semaphore(%run_scoped3A_1196 : memref<!tpu.dma_semaphore, #tpu.memory_space<semaphore_mem>>)
      %dma_wait3A_1201 = arith.constant 0 : i32
      %dma_wait3A_1202 = tpu.memref_slice %arg17[%add3A_1066, %dma_wait3A_1201] : memref<10240x128xf32, #tpu.memory_space<vmem_shared>> -> memref<16x128xf32, #tpu.memory_space<vmem_shared>>
      %dma_wait3A_1203 = arith.constant 0 : i32
      %dma_wait3A_1204 = tpu.memref_slice %arg17[%add3A_1066, %dma_wait3A_1203] : memref<10240x128xf32, #tpu.memory_space<vmem_shared>> -> memref<16x128xf32, #tpu.memory_space<vmem_shared>>
      tpu.wait_dma2 semaphore(%run_scoped3A_1196 : memref<!tpu.dma_semaphore, #tpu.memory_space<semaphore_mem>>) src(%arg15 : memref<16x128xf32, #tpu.memory_space<vmem>>) dst(%dma_wait3A_1204 : memref<16x128xf32, #tpu.memory_space<vmem_shared>>)
      tpu.yield
    }) : () -> ()
    %mul3A_1067 = arith.constant 640 : i32
    %mul3A_1068 = arith.muli %arg1, %mul3A_1067 : i32
    %add3A_1069 = arith.constant 560 : i32
    %add3A_1070 = arith.addi %mul3A_1068, %add3A_1069 : i32
    "tpu.region"() ({
      %run_scoped3A_1196 = tpu.sem_alloc : memref<!tpu.dma_semaphore, #tpu.memory_space<semaphore_mem>>
      %dma_start3A_1197 = arith.constant 0 : i32
      %dma_start3A_1198 = tpu.memref_slice %arg17[%add3A_1070, %dma_start3A_1197] : memref<10240x128xf32, #tpu.memory_space<vmem_shared>> -> memref<16x128xf32, #tpu.memory_space<vmem_shared>>
      %dma_start3A_1199 = arith.constant 0 : i32
      %dma_start3A_1200 = tpu.memref_slice %arg17[%add3A_1070, %dma_start3A_1199] : memref<10240x128xf32, #tpu.memory_space<vmem_shared>> -> memref<16x128xf32, #tpu.memory_space<vmem_shared>>
      tpu.enqueue_dma source(%arg15 : memref<16x128xf32, #tpu.memory_space<vmem>>) target(%dma_start3A_1200 : memref<16x128xf32, #tpu.memory_space<vmem_shared>>) target_semaphore(%run_scoped3A_1196 : memref<!tpu.dma_semaphore, #tpu.memory_space<semaphore_mem>>)
      %dma_wait3A_1201 = arith.constant 0 : i32
      %dma_wait3A_1202 = tpu.memref_slice %arg17[%add3A_1070, %dma_wait3A_1201] : memref<10240x128xf32, #tpu.memory_space<vmem_shared>> -> memref<16x128xf32, #tpu.memory_space<vmem_shared>>
      %dma_wait3A_1203 = arith.constant 0 : i32
      %dma_wait3A_1204 = tpu.memref_slice %arg17[%add3A_1070, %dma_wait3A_1203] : memref<10240x128xf32, #tpu.memory_space<vmem_shared>> -> memref<16x128xf32, #tpu.memory_space<vmem_shared>>
      tpu.wait_dma2 semaphore(%run_scoped3A_1196 : memref<!tpu.dma_semaphore, #tpu.memory_space<semaphore_mem>>) src(%arg15 : memref<16x128xf32, #tpu.memory_space<vmem>>) dst(%dma_wait3A_1204 : memref<16x128xf32, #tpu.memory_space<vmem_shared>>)
      tpu.yield
    }) : () -> ()
    %mul3A_1071 = arith.constant 640 : i32
    %mul3A_1072 = arith.muli %arg1, %mul3A_1071 : i32
    %add3A_1073 = arith.constant 576 : i32
    %add3A_1074 = arith.addi %mul3A_1072, %add3A_1073 : i32
    "tpu.region"() ({
      %run_scoped3A_1196 = tpu.sem_alloc : memref<!tpu.dma_semaphore, #tpu.memory_space<semaphore_mem>>
      %dma_start3A_1197 = arith.constant 0 : i32
      %dma_start3A_1198 = tpu.memref_slice %arg17[%add3A_1074, %dma_start3A_1197] : memref<10240x128xf32, #tpu.memory_space<vmem_shared>> -> memref<16x128xf32, #tpu.memory_space<vmem_shared>>
      %dma_start3A_1199 = arith.constant 0 : i32
      %dma_start3A_1200 = tpu.memref_slice %arg17[%add3A_1074, %dma_start3A_1199] : memref<10240x128xf32, #tpu.memory_space<vmem_shared>> -> memref<16x128xf32, #tpu.memory_space<vmem_shared>>
      tpu.enqueue_dma source(%arg15 : memref<16x128xf32, #tpu.memory_space<vmem>>) target(%dma_start3A_1200 : memref<16x128xf32, #tpu.memory_space<vmem_shared>>) target_semaphore(%run_scoped3A_1196 : memref<!tpu.dma_semaphore, #tpu.memory_space<semaphore_mem>>)
      %dma_wait3A_1201 = arith.constant 0 : i32
      %dma_wait3A_1202 = tpu.memref_slice %arg17[%add3A_1074, %dma_wait3A_1201] : memref<10240x128xf32, #tpu.memory_space<vmem_shared>> -> memref<16x128xf32, #tpu.memory_space<vmem_shared>>
      %dma_wait3A_1203 = arith.constant 0 : i32
      %dma_wait3A_1204 = tpu.memref_slice %arg17[%add3A_1074, %dma_wait3A_1203] : memref<10240x128xf32, #tpu.memory_space<vmem_shared>> -> memref<16x128xf32, #tpu.memory_space<vmem_shared>>
      tpu.wait_dma2 semaphore(%run_scoped3A_1196 : memref<!tpu.dma_semaphore, #tpu.memory_space<semaphore_mem>>) src(%arg15 : memref<16x128xf32, #tpu.memory_space<vmem>>) dst(%dma_wait3A_1204 : memref<16x128xf32, #tpu.memory_space<vmem_shared>>)
      tpu.yield
    }) : () -> ()
    %mul3A_1075 = arith.constant 640 : i32
    %mul3A_1076 = arith.muli %arg1, %mul3A_1075 : i32
    %add3A_1077 = arith.constant 592 : i32
    %add3A_1078 = arith.addi %mul3A_1076, %add3A_1077 : i32
    "tpu.region"() ({
      %run_scoped3A_1196 = tpu.sem_alloc : memref<!tpu.dma_semaphore, #tpu.memory_space<semaphore_mem>>
      %dma_start3A_1197 = arith.constant 0 : i32
      %dma_start3A_1198 = tpu.memref_slice %arg17[%add3A_1078, %dma_start3A_1197] : memref<10240x128xf32, #tpu.memory_space<vmem_shared>> -> memref<16x128xf32, #tpu.memory_space<vmem_shared>>
      %dma_start3A_1199 = arith.constant 0 : i32
      %dma_start3A_1200 = tpu.memref_slice %arg17[%add3A_1078, %dma_start3A_1199] : memref<10240x128xf32, #tpu.memory_space<vmem_shared>> -> memref<16x128xf32, #tpu.memory_space<vmem_shared>>
      tpu.enqueue_dma source(%arg15 : memref<16x128xf32, #tpu.memory_space<vmem>>) target(%dma_start3A_1200 : memref<16x128xf32, #tpu.memory_space<vmem_shared>>) target_semaphore(%run_scoped3A_1196 : memref<!tpu.dma_semaphore, #tpu.memory_space<semaphore_mem>>)
      %dma_wait3A_1201 = arith.constant 0 : i32
      %dma_wait3A_1202 = tpu.memref_slice %arg17[%add3A_1078, %dma_wait3A_1201] : memref<10240x128xf32, #tpu.memory_space<vmem_shared>> -> memref<16x128xf32, #tpu.memory_space<vmem_shared>>
      %dma_wait3A_1203 = arith.constant 0 : i32
      %dma_wait3A_1204 = tpu.memref_slice %arg17[%add3A_1078, %dma_wait3A_1203] : memref<10240x128xf32, #tpu.memory_space<vmem_shared>> -> memref<16x128xf32, #tpu.memory_space<vmem_shared>>
      tpu.wait_dma2 semaphore(%run_scoped3A_1196 : memref<!tpu.dma_semaphore, #tpu.memory_space<semaphore_mem>>) src(%arg15 : memref<16x128xf32, #tpu.memory_space<vmem>>) dst(%dma_wait3A_1204 : memref<16x128xf32, #tpu.memory_space<vmem_shared>>)
      tpu.yield
    }) : () -> ()
    %mul3A_1079 = arith.constant 640 : i32
    %mul3A_1080 = arith.muli %arg1, %mul3A_1079 : i32
    %add3A_1081 = arith.constant 608 : i32
    %add3A_1082 = arith.addi %mul3A_1080, %add3A_1081 : i32
    "tpu.region"() ({
      %run_scoped3A_1196 = tpu.sem_alloc : memref<!tpu.dma_semaphore, #tpu.memory_space<semaphore_mem>>
      %dma_start3A_1197 = arith.constant 0 : i32
      %dma_start3A_1198 = tpu.memref_slice %arg17[%add3A_1082, %dma_start3A_1197] : memref<10240x128xf32, #tpu.memory_space<vmem_shared>> -> memref<16x128xf32, #tpu.memory_space<vmem_shared>>
      %dma_start3A_1199 = arith.constant 0 : i32
      %dma_start3A_1200 = tpu.memref_slice %arg17[%add3A_1082, %dma_start3A_1199] : memref<10240x128xf32, #tpu.memory_space<vmem_shared>> -> memref<16x128xf32, #tpu.memory_space<vmem_shared>>
      tpu.enqueue_dma source(%arg15 : memref<16x128xf32, #tpu.memory_space<vmem>>) target(%dma_start3A_1200 : memref<16x128xf32, #tpu.memory_space<vmem_shared>>) target_semaphore(%run_scoped3A_1196 : memref<!tpu.dma_semaphore, #tpu.memory_space<semaphore_mem>>)
      %dma_wait3A_1201 = arith.constant 0 : i32
      %dma_wait3A_1202 = tpu.memref_slice %arg17[%add3A_1082, %dma_wait3A_1201] : memref<10240x128xf32, #tpu.memory_space<vmem_shared>> -> memref<16x128xf32, #tpu.memory_space<vmem_shared>>
      %dma_wait3A_1203 = arith.constant 0 : i32
      %dma_wait3A_1204 = tpu.memref_slice %arg17[%add3A_1082, %dma_wait3A_1203] : memref<10240x128xf32, #tpu.memory_space<vmem_shared>> -> memref<16x128xf32, #tpu.memory_space<vmem_shared>>
      tpu.wait_dma2 semaphore(%run_scoped3A_1196 : memref<!tpu.dma_semaphore, #tpu.memory_space<semaphore_mem>>) src(%arg15 : memref<16x128xf32, #tpu.memory_space<vmem>>) dst(%dma_wait3A_1204 : memref<16x128xf32, #tpu.memory_space<vmem_shared>>)
      tpu.yield
    }) : () -> ()
    %mul3A_1083 = arith.constant 640 : i32
    %mul3A_1084 = arith.muli %arg1, %mul3A_1083 : i32
    %add3A_1085 = arith.constant 624 : i32
    %add3A_1086 = arith.addi %mul3A_1084, %add3A_1085 : i32
    "tpu.region"() ({
      %run_scoped3A_1196 = tpu.sem_alloc : memref<!tpu.dma_semaphore, #tpu.memory_space<semaphore_mem>>
      %dma_start3A_1197 = arith.constant 0 : i32
      %dma_start3A_1198 = tpu.memref_slice %arg17[%add3A_1086, %dma_start3A_1197] : memref<10240x128xf32, #tpu.memory_space<vmem_shared>> -> memref<16x128xf32, #tpu.memory_space<vmem_shared>>
      %dma_start3A_1199 = arith.constant 0 : i32
      %dma_start3A_1200 = tpu.memref_slice %arg17[%add3A_1086, %dma_start3A_1199] : memref<10240x128xf32, #tpu.memory_space<vmem_shared>> -> memref<16x128xf32, #tpu.memory_space<vmem_shared>>
      tpu.enqueue_dma source(%arg15 : memref<16x128xf32, #tpu.memory_space<vmem>>) target(%dma_start3A_1200 : memref<16x128xf32, #tpu.memory_space<vmem_shared>>) target_semaphore(%run_scoped3A_1196 : memref<!tpu.dma_semaphore, #tpu.memory_space<semaphore_mem>>)
      %dma_wait3A_1201 = arith.constant 0 : i32
      %dma_wait3A_1202 = tpu.memref_slice %arg17[%add3A_1086, %dma_wait3A_1201] : memref<10240x128xf32, #tpu.memory_space<vmem_shared>> -> memref<16x128xf32, #tpu.memory_space<vmem_shared>>
      %dma_wait3A_1203 = arith.constant 0 : i32
      %dma_wait3A_1204 = tpu.memref_slice %arg17[%add3A_1086, %dma_wait3A_1203] : memref<10240x128xf32, #tpu.memory_space<vmem_shared>> -> memref<16x128xf32, #tpu.memory_space<vmem_shared>>
      tpu.wait_dma2 semaphore(%run_scoped3A_1196 : memref<!tpu.dma_semaphore, #tpu.memory_space<semaphore_mem>>) src(%arg15 : memref<16x128xf32, #tpu.memory_space<vmem>>) dst(%dma_wait3A_1204 : memref<16x128xf32, #tpu.memory_space<vmem_shared>>)
      tpu.yield
    }) : () -> ()
    %mul3A_1087 = arith.constant 640 : i32
    %mul3A_1088 = arith.muli %arg1, %mul3A_1087 : i32
    "tpu.region"() ({
      %run_scoped3A_1196 = tpu.sem_alloc : memref<!tpu.dma_semaphore, #tpu.memory_space<semaphore_mem>>
      %dma_start3A_1197 = tpu.memref_slice %arg18[%mul3A_1088] : memref<10240xf32, #tpu.memory_space<vmem_shared>> -> memref<640xf32, #tpu.memory_space<vmem_shared>>
      %dma_start3A_1198 = tpu.memref_slice %arg18[%mul3A_1088] : memref<10240xf32, #tpu.memory_space<vmem_shared>> -> memref<640xf32, #tpu.memory_space<vmem_shared>>
      tpu.enqueue_dma source(%arg16 : memref<640xf32, #tpu.memory_space<vmem>>) target(%dma_start3A_1198 : memref<640xf32, #tpu.memory_space<vmem_shared>>) target_semaphore(%run_scoped3A_1196 : memref<!tpu.dma_semaphore, #tpu.memory_space<semaphore_mem>>)
      %dma_wait3A_1199 = tpu.memref_slice %arg18[%mul3A_1088] : memref<10240xf32, #tpu.memory_space<vmem_shared>> -> memref<640xf32, #tpu.memory_space<vmem_shared>>
      %dma_wait3A_1200 = tpu.memref_slice %arg18[%mul3A_1088] : memref<10240xf32, #tpu.memory_space<vmem_shared>> -> memref<640xf32, #tpu.memory_space<vmem_shared>>
      tpu.wait_dma2 semaphore(%run_scoped3A_1196 : memref<!tpu.dma_semaphore, #tpu.memory_space<semaphore_mem>>) src(%arg16 : memref<640xf32, #tpu.memory_space<vmem>>) dst(%dma_wait3A_1200 : memref<640xf32, #tpu.memory_space<vmem_shared>>)
      tpu.yield
    }) : () -> ()
    %run_scoped3A = arith.constant 0 : i32
    "tpu.region"() ({
      %run_scoped3A_1196 = tpu.sem_alloc : memref<!tpu.dma_semaphore, #tpu.memory_space<semaphore_mem>>
      %dma_start3A_1197 = arith.constant 0 : i32
      %dma_start3A_1198 = arith.constant 0 : i32
      %dma_start3A_1199 = tpu.memref_slice %arg2[%run_scoped3A, %add3A, %dma_start3A_1197, %dma_start3A_1198] : memref<2x32x125x80xi32, #tpu.memory_space<hbm>> -> memref<1x1x125x80xi32, #tpu.memory_space<hbm>>
      %dma_start3A_1200 = tpu.memref_squeeze %dma_start3A_1199 : memref<1x1x125x80xi32, #tpu.memory_space<hbm>> -> memref<125x80xi32, #tpu.memory_space<hbm>>
      %dma_start3A_1201 = arith.constant 0 : i32
      %dma_start3A_1202 = arith.constant 0 : i32
      %dma_start3A_1203 = tpu.memref_slice %arg2[%run_scoped3A, %add3A, %dma_start3A_1201, %dma_start3A_1202] : memref<2x32x125x80xi32, #tpu.memory_space<hbm>> -> memref<1x1x125x80xi32, #tpu.memory_space<hbm>>
      %dma_start3A_1204 = tpu.memref_squeeze %dma_start3A_1203 : memref<1x1x125x80xi32, #tpu.memory_space<hbm>> -> memref<125x80xi32, #tpu.memory_space<hbm>>
      tpu.enqueue_dma source(%dma_start3A_1204 : memref<125x80xi32, #tpu.memory_space<hbm>>) target(%arg8 : memref<125x80xi32, #tpu.memory_space<vmem>>) target_semaphore(%run_scoped3A_1196 : memref<!tpu.dma_semaphore, #tpu.memory_space<semaphore_mem>>)
      %dma_wait3A_1205 = arith.constant 0 : i32
      %dma_wait3A_1206 = arith.constant 0 : i32
      %dma_wait3A_1207 = tpu.memref_slice %arg2[%run_scoped3A, %add3A, %dma_wait3A_1205, %dma_wait3A_1206] : memref<2x32x125x80xi32, #tpu.memory_space<hbm>> -> memref<1x1x125x80xi32, #tpu.memory_space<hbm>>
      %dma_wait3A_1208 = tpu.memref_squeeze %dma_wait3A_1207 : memref<1x1x125x80xi32, #tpu.memory_space<hbm>> -> memref<125x80xi32, #tpu.memory_space<hbm>>
      %dma_wait3A_1209 = arith.constant 0 : i32
      %dma_wait3A_1210 = arith.constant 0 : i32
      %dma_wait3A_1211 = tpu.memref_slice %arg2[%run_scoped3A, %add3A, %dma_wait3A_1209, %dma_wait3A_1210] : memref<2x32x125x80xi32, #tpu.memory_space<hbm>> -> memref<1x1x125x80xi32, #tpu.memory_space<hbm>>
      %dma_wait3A_1212 = tpu.memref_squeeze %dma_wait3A_1211 : memref<1x1x125x80xi32, #tpu.memory_space<hbm>> -> memref<125x80xi32, #tpu.memory_space<hbm>>
      tpu.wait_dma2 semaphore(%run_scoped3A_1196 : memref<!tpu.dma_semaphore, #tpu.memory_space<semaphore_mem>>) src(%dma_wait3A_1212 : memref<125x80xi32, #tpu.memory_space<hbm>>) dst(%arg8 : memref<125x80xi32, #tpu.memory_space<vmem>>)
      tpu.yield
    }) : () -> ()
    %barrier3A = arith.constant 0 : index
    tpu.barrier barrier_id(%barrier3A)
    %run_scoped3A_1089 = arith.constant 1 : i32
    %run_scoped3A_1090 = arith.constant 0 : i32
    %run_scoped3A_1091 = arith.constant 0 : i32
    "tpu.region"() ({
      %run_scoped3A_1196 = tpu.sem_alloc : memref<!tpu.dma_semaphore, #tpu.memory_space<semaphore_mem>>
      %dma_start3A_1197 = arith.constant 0 : i32
      %dma_start3A_1198 = tpu.memref_slice %arg9[%run_scoped3A_1091, %dma_start3A_1197] : memref<2x80xi32, #tpu.memory_space<vmem>> -> memref<1x80xi32, #tpu.memory_space<vmem>>
      %dma_start3A_1199 = tpu.memref_squeeze %dma_start3A_1198 : memref<1x80xi32, #tpu.memory_space<vmem>> -> memref<80xi32, #tpu.memory_space<vmem>>
      %dma_start3A_1200 = arith.constant 0 : i32
      %dma_start3A_1201 = tpu.memref_slice %arg2[%run_scoped3A_1089, %add3A, %run_scoped3A_1090, %dma_start3A_1200] : memref<2x32x125x80xi32, #tpu.memory_space<hbm>> -> memref<1x1x1x80xi32, #tpu.memory_space<hbm>>
      %dma_start3A_1202 = tpu.memref_squeeze %dma_start3A_1201 : memref<1x1x1x80xi32, #tpu.memory_space<hbm>> -> memref<80xi32, #tpu.memory_space<hbm>>
      %dma_start3A_1203 = arith.constant 0 : i32
      %dma_start3A_1204 = tpu.memref_slice %arg9[%run_scoped3A_1091, %dma_start3A_1203] : memref<2x80xi32, #tpu.memory_space<vmem>> -> memref<1x80xi32, #tpu.memory_space<vmem>>
      %dma_start3A_1205 = tpu.memref_squeeze %dma_start3A_1204 : memref<1x80xi32, #tpu.memory_space<vmem>> -> memref<80xi32, #tpu.memory_space<vmem>>
      %dma_start3A_1206 = arith.constant 0 : i32
      %dma_start3A_1207 = tpu.memref_slice %arg2[%run_scoped3A_1089, %add3A, %run_scoped3A_1090, %dma_start3A_1206] : memref<2x32x125x80xi32, #tpu.memory_space<hbm>> -> memref<1x1x1x80xi32, #tpu.memory_space<hbm>>
      %dma_start3A_1208 = tpu.memref_squeeze %dma_start3A_1207 : memref<1x1x1x80xi32, #tpu.memory_space<hbm>> -> memref<80xi32, #tpu.memory_space<hbm>>
      tpu.enqueue_dma source(%dma_start3A_1208 : memref<80xi32, #tpu.memory_space<hbm>>) target(%dma_start3A_1205 : memref<80xi32, #tpu.memory_space<vmem>>) target_semaphore(%run_scoped3A_1196 : memref<!tpu.dma_semaphore, #tpu.memory_space<semaphore_mem>>)
      %dma_wait3A_1209 = arith.constant 0 : i32
      %dma_wait3A_1210 = tpu.memref_slice %arg9[%run_scoped3A_1091, %dma_wait3A_1209] : memref<2x80xi32, #tpu.memory_space<vmem>> -> memref<1x80xi32, #tpu.memory_space<vmem>>
      %dma_wait3A_1211 = tpu.memref_squeeze %dma_wait3A_1210 : memref<1x80xi32, #tpu.memory_space<vmem>> -> memref<80xi32, #tpu.memory_space<vmem>>
      %dma_wait3A_1212 = arith.constant 0 : i32
      %dma_wait3A_1213 = tpu.memref_slice %arg2[%run_scoped3A_1089, %add3A, %run_scoped3A_1090, %dma_wait3A_1212] : memref<2x32x125x80xi32, #tpu.memory_space<hbm>> -> memref<1x1x1x80xi32, #tpu.memory_space<hbm>>
      %dma_wait3A_1214 = tpu.memref_squeeze %dma_wait3A_1213 : memref<1x1x1x80xi32, #tpu.memory_space<hbm>> -> memref<80xi32, #tpu.memory_space<hbm>>
      %dma_wait3A_1215 = arith.constant 0 : i32
      %dma_wait3A_1216 = tpu.memref_slice %arg9[%run_scoped3A_1091, %dma_wait3A_1215] : memref<2x80xi32, #tpu.memory_space<vmem>> -> memref<1x80xi32, #tpu.memory_space<vmem>>
      %dma_wait3A_1217 = tpu.memref_squeeze %dma_wait3A_1216 : memref<1x80xi32, #tpu.memory_space<vmem>> -> memref<80xi32, #tpu.memory_space<vmem>>
      %dma_wait3A_1218 = arith.constant 0 : i32
      %dma_wait3A_1219 = tpu.memref_slice %arg2[%run_scoped3A_1089, %add3A, %run_scoped3A_1090, %dma_wait3A_1218] : memref<2x32x125x80xi32, #tpu.memory_space<hbm>> -> memref<1x1x1x80xi32, #tpu.memory_space<hbm>>
      %dma_wait3A_1220 = tpu.memref_squeeze %dma_wait3A_1219 : memref<1x1x1x80xi32, #tpu.memory_space<hbm>> -> memref<80xi32, #tpu.memory_space<hbm>>
      tpu.wait_dma2 semaphore(%run_scoped3A_1196 : memref<!tpu.dma_semaphore, #tpu.memory_space<semaphore_mem>>) src(%dma_wait3A_1220 : memref<80xi32, #tpu.memory_space<hbm>>) dst(%dma_wait3A_1217 : memref<80xi32, #tpu.memory_space<vmem>>)
      tpu.yield
    }) : () -> ()
    %dma_start3A = arith.constant 0 : i32
    %dma_start3A_1092 = arith.constant 0 : i32
    %dma_start3A_1093 = arith.constant 0 : i32
    %dma_start3A_1094 = tpu.memref_slice %arg10[%dma_start3A_1092, %dma_start3A_1093] : memref<2x80xf32, #tpu.memory_space<vmem>> -> memref<1x80xf32, #tpu.memory_space<vmem>>
    %dma_start3A_1095 = tpu.memref_squeeze %dma_start3A_1094 : memref<1x80xf32, #tpu.memory_space<vmem>> -> memref<80xf32, #tpu.memory_space<vmem>>
    %dma_start3A_1096 = arith.constant 0 : i32
    %dma_start3A_1097 = tpu.memref_slice %arg8[%dma_start3A, %dma_start3A_1096] : memref<125x80xi32, #tpu.memory_space<vmem>> -> memref<1x80xi32, #tpu.memory_space<vmem>>
    %dma_start3A_1098 = tpu.memref_squeeze %dma_start3A_1097 : memref<1x80xi32, #tpu.memory_space<vmem>> -> memref<80xi32, #tpu.memory_space<vmem>>
    %dma_start3A_1099 = arith.constant 0 : i32
    %dma_start3A_1100 = tpu.memref_slice %arg3[%dma_start3A_1099] : memref<10000xf32, #tpu.memory_space<hbm>> -> memref<10000xf32, #tpu.memory_space<hbm>>
    tpu.enqueue_indirect_dma source(%dma_start3A_1100 : memref<10000xf32, #tpu.memory_space<hbm>>) target(%dma_start3A_1095 : memref<80xf32, #tpu.memory_space<vmem>>) offsets(%dma_start3A_1098 : memref<80xi32, #tpu.memory_space<vmem>>) semaphore(%arg24 : memref<!tpu.dma_semaphore, #tpu.memory_space<semaphore_mem>>)
    %dma_start3A_1101 = arith.constant 0 : i32
    %dma_start3A_1102 = arith.constant 0 : i32
    %dma_start3A_1103 = arith.constant 0 : i32
    %dma_start3A_1104 = tpu.memref_slice %arg11[%dma_start3A_1102, %dma_start3A_1103] : memref<2x80xf32, #tpu.memory_space<vmem>> -> memref<1x80xf32, #tpu.memory_space<vmem>>
    %dma_start3A_1105 = tpu.memref_squeeze %dma_start3A_1104 : memref<1x80xf32, #tpu.memory_space<vmem>> -> memref<80xf32, #tpu.memory_space<vmem>>
    %dma_start3A_1106 = arith.constant 0 : i32
    %dma_start3A_1107 = tpu.memref_slice %arg9[%dma_start3A_1101, %dma_start3A_1106] : memref<2x80xi32, #tpu.memory_space<vmem>> -> memref<1x80xi32, #tpu.memory_space<vmem>>
    %dma_start3A_1108 = tpu.memref_squeeze %dma_start3A_1107 : memref<1x80xi32, #tpu.memory_space<vmem>> -> memref<80xi32, #tpu.memory_space<vmem>>
    %dma_start3A_1109 = arith.constant 0 : i32
    %dma_start3A_1110 = tpu.memref_slice %arg4[%dma_start3A_1109] : memref<10000xf32, #tpu.memory_space<hbm>> -> memref<10000xf32, #tpu.memory_space<hbm>>
    tpu.enqueue_indirect_dma source(%dma_start3A_1110 : memref<10000xf32, #tpu.memory_space<hbm>>) target(%dma_start3A_1105 : memref<80xf32, #tpu.memory_space<vmem>>) offsets(%dma_start3A_1108 : memref<80xi32, #tpu.memory_space<vmem>>) semaphore(%arg24 : memref<!tpu.dma_semaphore, #tpu.memory_space<semaphore_mem>>)
    %dma_start3A_1111 = arith.constant 0 : i32
    %dma_start3A_1112 = arith.constant 0 : i32
    %dma_start3A_1113 = arith.constant 0 : i32
    %dma_start3A_1114 = arith.constant 0 : i32
    %dma_start3A_1115 = tpu.memref_slice %arg13[%dma_start3A_1112, %dma_start3A_1113, %dma_start3A_1114] : memref<2x80x128xbf16, #tpu.memory_space<vmem>> -> memref<1x80x128xbf16, #tpu.memory_space<vmem>>
    %dma_start3A_1116 = tpu.memref_squeeze %dma_start3A_1115 : memref<1x80x128xbf16, #tpu.memory_space<vmem>> -> memref<80x128xbf16, #tpu.memory_space<vmem>>
    %dma_start3A_1117 = arith.constant 0 : i32
    %dma_start3A_1118 = tpu.memref_slice %arg9[%dma_start3A_1111, %dma_start3A_1117] : memref<2x80xi32, #tpu.memory_space<vmem>> -> memref<1x80xi32, #tpu.memory_space<vmem>>
    %dma_start3A_1119 = tpu.memref_squeeze %dma_start3A_1118 : memref<1x80xi32, #tpu.memory_space<vmem>> -> memref<80xi32, #tpu.memory_space<vmem>>
    %dma_start3A_1120 = arith.constant 0 : i32
    %dma_start3A_1121 = arith.constant 0 : i32
    %dma_start3A_1122 = tpu.memref_slice %arg5[%dma_start3A_1120, %dma_start3A_1121] : memref<10000x128xbf16, #tpu.memory_space<hbm>> -> memref<10000x128xbf16, #tpu.memory_space<hbm>>
    tpu.enqueue_indirect_dma source(%dma_start3A_1122 : memref<10000x128xbf16, #tpu.memory_space<hbm>>) target(%dma_start3A_1116 : memref<80x128xbf16, #tpu.memory_space<vmem>>) offsets(%dma_start3A_1119 : memref<80xi32, #tpu.memory_space<vmem>>) semaphore(%arg19 : memref<!tpu.dma_semaphore, #tpu.memory_space<semaphore_mem>>)
    %dma_start3A_1123 = arith.constant 1 : i32
    %dma_start3A_1124 = arith.constant 1 : i32
    %dma_start3A_1125 = arith.constant 1 : i32
    %dma_start3A_1126 = arith.constant 0 : i32
    %dma_start3A_1127 = tpu.memref_slice %arg9[%dma_start3A_1125, %dma_start3A_1126] : memref<2x80xi32, #tpu.memory_space<vmem>> -> memref<1x80xi32, #tpu.memory_space<vmem>>
    %dma_start3A_1128 = tpu.memref_squeeze %dma_start3A_1127 : memref<1x80xi32, #tpu.memory_space<vmem>> -> memref<80xi32, #tpu.memory_space<vmem>>
    %dma_start3A_1129 = arith.constant 0 : i32
    %dma_start3A_1130 = tpu.memref_slice %arg2[%dma_start3A_1123, %add3A, %dma_start3A_1124, %dma_start3A_1129] : memref<2x32x125x80xi32, #tpu.memory_space<hbm>> -> memref<1x1x1x80xi32, #tpu.memory_space<hbm>>
    %dma_start3A_1131 = tpu.memref_squeeze %dma_start3A_1130 : memref<1x1x1x80xi32, #tpu.memory_space<hbm>> -> memref<80xi32, #tpu.memory_space<hbm>>
    %dma_start3A_1132 = arith.constant 0 : i32
    %dma_start3A_1133 = tpu.memref_slice %arg9[%dma_start3A_1125, %dma_start3A_1132] : memref<2x80xi32, #tpu.memory_space<vmem>> -> memref<1x80xi32, #tpu.memory_space<vmem>>
    %dma_start3A_1134 = tpu.memref_squeeze %dma_start3A_1133 : memref<1x80xi32, #tpu.memory_space<vmem>> -> memref<80xi32, #tpu.memory_space<vmem>>
    %dma_start3A_1135 = arith.constant 0 : i32
    %dma_start3A_1136 = tpu.memref_slice %arg2[%dma_start3A_1123, %add3A, %dma_start3A_1124, %dma_start3A_1135] : memref<2x32x125x80xi32, #tpu.memory_space<hbm>> -> memref<1x1x1x80xi32, #tpu.memory_space<hbm>>
    %dma_start3A_1137 = tpu.memref_squeeze %dma_start3A_1136 : memref<1x1x1x80xi32, #tpu.memory_space<hbm>> -> memref<80xi32, #tpu.memory_space<hbm>>
    tpu.enqueue_dma source(%dma_start3A_1137 : memref<80xi32, #tpu.memory_space<hbm>>) target(%dma_start3A_1134 : memref<80xi32, #tpu.memory_space<vmem>>) target_semaphore(%arg25 : memref<!tpu.dma_semaphore, #tpu.memory_space<semaphore_mem>>)
    %scan3A = arith.constant 0 : i32
    %scan3A_1138 = arith.constant 0 : i32
    %scan3A_1139 = arith.constant 125 : i32
    %scan3A_1140 = arith.addi %scan3A_1138, %scan3A_1139 : i32
    %scan3A_1141 = arith.constant 1 : i32
    %scan3A_1142 = scf.for %scan3A_1196 = %scan3A_1138 to %scan3A_1140 step %scan3A_1141 iter_args(%scan3A_1197 = %scan3A) -> (i32)  : i32 {
      %rem3A = arith.constant 2 : i32
      %rem3A_1198 = arith.remsi %scan3A_1196, %rem3A : i32
      %dma_wait3A_1199 = arith.constant 0 : i32
      %dma_wait3A_1200 = tpu.memref_slice %arg10[%rem3A_1198, %dma_wait3A_1199] : memref<2x80xf32, #tpu.memory_space<vmem>> -> memref<1x80xf32, #tpu.memory_space<vmem>>
      %dma_wait3A_1201 = tpu.memref_squeeze %dma_wait3A_1200 : memref<1x80xf32, #tpu.memory_space<vmem>> -> memref<80xf32, #tpu.memory_space<vmem>>
      %dma_wait3A_1202 = arith.constant 0 : i32
      %dma_wait3A_1203 = tpu.memref_slice %arg8[%scan3A_1196, %dma_wait3A_1202] : memref<125x80xi32, #tpu.memory_space<vmem>> -> memref<1x80xi32, #tpu.memory_space<vmem>>
      %dma_wait3A_1204 = tpu.memref_squeeze %dma_wait3A_1203 : memref<1x80xi32, #tpu.memory_space<vmem>> -> memref<80xi32, #tpu.memory_space<vmem>>
      %dma_wait3A_1205 = arith.constant 0 : i32
      %dma_wait3A_1206 = tpu.memref_slice %arg3[%dma_wait3A_1205] : memref<10000xf32, #tpu.memory_space<hbm>> -> memref<10000xf32, #tpu.memory_space<hbm>>
      tpu.wait_indirect_dma semaphore(%arg24 : memref<!tpu.dma_semaphore, #tpu.memory_space<semaphore_mem>>) src(%dma_wait3A_1206 : memref<10000xf32, #tpu.memory_space<hbm>>) dst(%dma_wait3A_1201 : memref<80xf32, #tpu.memory_space<vmem>>)
      %dma_wait3A_1207 = arith.constant 0 : i32
      %dma_wait3A_1208 = tpu.memref_slice %arg11[%rem3A_1198, %dma_wait3A_1207] : memref<2x80xf32, #tpu.memory_space<vmem>> -> memref<1x80xf32, #tpu.memory_space<vmem>>
      %dma_wait3A_1209 = tpu.memref_squeeze %dma_wait3A_1208 : memref<1x80xf32, #tpu.memory_space<vmem>> -> memref<80xf32, #tpu.memory_space<vmem>>
      %dma_wait3A_1210 = arith.constant 0 : i32
      %dma_wait3A_1211 = tpu.memref_slice %arg9[%rem3A_1198, %dma_wait3A_1210] : memref<2x80xi32, #tpu.memory_space<vmem>> -> memref<1x80xi32, #tpu.memory_space<vmem>>
      %dma_wait3A_1212 = tpu.memref_squeeze %dma_wait3A_1211 : memref<1x80xi32, #tpu.memory_space<vmem>> -> memref<80xi32, #tpu.memory_space<vmem>>
      %dma_wait3A_1213 = arith.constant 0 : i32
      %dma_wait3A_1214 = tpu.memref_slice %arg4[%dma_wait3A_1213] : memref<10000xf32, #tpu.memory_space<hbm>> -> memref<10000xf32, #tpu.memory_space<hbm>>
      tpu.wait_indirect_dma semaphore(%arg24 : memref<!tpu.dma_semaphore, #tpu.memory_space<semaphore_mem>>) src(%dma_wait3A_1214 : memref<10000xf32, #tpu.memory_space<hbm>>) dst(%dma_wait3A_1209 : memref<80xf32, #tpu.memory_space<vmem>>)
      %add3A_1215 = arith.constant 1 : i32
      %add3A_1216 = arith.addi %scan3A_1196, %add3A_1215 : i32
      %lt3A = arith.constant 125 : i32
      %lt3A_1217 = arith.cmpi slt, %add3A_1216, %lt3A : i32
      %convert_element_type3A = arith.extui %lt3A_1217 : i1 to i32
      %cond3A = arith.constant 0 : i32
      %cond3A_1218 = arith.cmpi ne, %convert_element_type3A, %cond3A : i32
      scf.if %cond3A_1218 {
        %add3A_1358 = arith.constant 1 : i32
        %add3A_1359 = arith.addi %scan3A_1196, %add3A_1358 : i32
        %sub3A = arith.constant 1 : i32
        %sub3A_1360 = arith.subi %sub3A, %rem3A_1198 : i32
        %dma_wait3A_1361 = arith.constant 1 : i32
        %dma_wait3A_1362 = arith.constant 0 : i32
        %dma_wait3A_1363 = tpu.memref_slice %arg9[%sub3A_1360, %dma_wait3A_1362] : memref<2x80xi32, #tpu.memory_space<vmem>> -> memref<1x80xi32, #tpu.memory_space<vmem>>
        %dma_wait3A_1364 = tpu.memref_squeeze %dma_wait3A_1363 : memref<1x80xi32, #tpu.memory_space<vmem>> -> memref<80xi32, #tpu.memory_space<vmem>>
        %dma_wait3A_1365 = arith.constant 0 : i32
        %dma_wait3A_1366 = tpu.memref_slice %arg2[%dma_wait3A_1361, %add3A, %add3A_1359, %dma_wait3A_1365] : memref<2x32x125x80xi32, #tpu.memory_space<hbm>> -> memref<1x1x1x80xi32, #tpu.memory_space<hbm>>
        %dma_wait3A_1367 = tpu.memref_squeeze %dma_wait3A_1366 : memref<1x1x1x80xi32, #tpu.memory_space<hbm>> -> memref<80xi32, #tpu.memory_space<hbm>>
        %dma_wait3A_1368 = arith.constant 0 : i32
        %dma_wait3A_1369 = tpu.memref_slice %arg9[%sub3A_1360, %dma_wait3A_1368] : memref<2x80xi32, #tpu.memory_space<vmem>> -> memref<1x80xi32, #tpu.memory_space<vmem>>
        %dma_wait3A_1370 = tpu.memref_squeeze %dma_wait3A_1369 : memref<1x80xi32, #tpu.memory_space<vmem>> -> memref<80xi32, #tpu.memory_space<vmem>>
        %dma_wait3A_1371 = arith.constant 0 : i32
        %dma_wait3A_1372 = tpu.memref_slice %arg2[%dma_wait3A_1361, %add3A, %add3A_1359, %dma_wait3A_1371] : memref<2x32x125x80xi32, #tpu.memory_space<hbm>> -> memref<1x1x1x80xi32, #tpu.memory_space<hbm>>
        %dma_wait3A_1373 = tpu.memref_squeeze %dma_wait3A_1372 : memref<1x1x1x80xi32, #tpu.memory_space<hbm>> -> memref<80xi32, #tpu.memory_space<hbm>>
        tpu.wait_dma2 semaphore(%arg25 : memref<!tpu.dma_semaphore, #tpu.memory_space<semaphore_mem>>) src(%dma_wait3A_1373 : memref<80xi32, #tpu.memory_space<hbm>>) dst(%dma_wait3A_1370 : memref<80xi32, #tpu.memory_space<vmem>>)
        %add3A_1374 = arith.constant 1 : i32
        %add3A_1375 = arith.addi %scan3A_1196, %add3A_1374 : i32
        %sub3A_1376 = arith.constant 1 : i32
        %sub3A_1377 = arith.subi %sub3A_1376, %rem3A_1198 : i32
        %dma_start3A_1378 = arith.constant 0 : i32
        %dma_start3A_1379 = tpu.memref_slice %arg10[%sub3A_1377, %dma_start3A_1378] : memref<2x80xf32, #tpu.memory_space<vmem>> -> memref<1x80xf32, #tpu.memory_space<vmem>>
        %dma_start3A_1380 = tpu.memref_squeeze %dma_start3A_1379 : memref<1x80xf32, #tpu.memory_space<vmem>> -> memref<80xf32, #tpu.memory_space<vmem>>
        %dma_start3A_1381 = arith.constant 0 : i32
        %dma_start3A_1382 = tpu.memref_slice %arg8[%add3A_1375, %dma_start3A_1381] : memref<125x80xi32, #tpu.memory_space<vmem>> -> memref<1x80xi32, #tpu.memory_space<vmem>>
        %dma_start3A_1383 = tpu.memref_squeeze %dma_start3A_1382 : memref<1x80xi32, #tpu.memory_space<vmem>> -> memref<80xi32, #tpu.memory_space<vmem>>
        %dma_start3A_1384 = arith.constant 0 : i32
        %dma_start3A_1385 = tpu.memref_slice %arg3[%dma_start3A_1384] : memref<10000xf32, #tpu.memory_space<hbm>> -> memref<10000xf32, #tpu.memory_space<hbm>>
        tpu.enqueue_indirect_dma source(%dma_start3A_1385 : memref<10000xf32, #tpu.memory_space<hbm>>) target(%dma_start3A_1380 : memref<80xf32, #tpu.memory_space<vmem>>) offsets(%dma_start3A_1383 : memref<80xi32, #tpu.memory_space<vmem>>) semaphore(%arg24 : memref<!tpu.dma_semaphore, #tpu.memory_space<semaphore_mem>>)
        %sub3A_1386 = arith.constant 1 : i32
        %sub3A_1387 = arith.subi %sub3A_1386, %rem3A_1198 : i32
        %sub3A_1388 = arith.constant 1 : i32
        %sub3A_1389 = arith.subi %sub3A_1388, %rem3A_1198 : i32
        %dma_start3A_1390 = arith.constant 0 : i32
        %dma_start3A_1391 = tpu.memref_slice %arg11[%sub3A_1389, %dma_start3A_1390] : memref<2x80xf32, #tpu.memory_space<vmem>> -> memref<1x80xf32, #tpu.memory_space<vmem>>
        %dma_start3A_1392 = tpu.memref_squeeze %dma_start3A_1391 : memref<1x80xf32, #tpu.memory_space<vmem>> -> memref<80xf32, #tpu.memory_space<vmem>>
        %dma_start3A_1393 = arith.constant 0 : i32
        %dma_start3A_1394 = tpu.memref_slice %arg9[%sub3A_1387, %dma_start3A_1393] : memref<2x80xi32, #tpu.memory_space<vmem>> -> memref<1x80xi32, #tpu.memory_space<vmem>>
        %dma_start3A_1395 = tpu.memref_squeeze %dma_start3A_1394 : memref<1x80xi32, #tpu.memory_space<vmem>> -> memref<80xi32, #tpu.memory_space<vmem>>
        %dma_start3A_1396 = arith.constant 0 : i32
        %dma_start3A_1397 = tpu.memref_slice %arg4[%dma_start3A_1396] : memref<10000xf32, #tpu.memory_space<hbm>> -> memref<10000xf32, #tpu.memory_space<hbm>>
        tpu.enqueue_indirect_dma source(%dma_start3A_1397 : memref<10000xf32, #tpu.memory_space<hbm>>) target(%dma_start3A_1392 : memref<80xf32, #tpu.memory_space<vmem>>) offsets(%dma_start3A_1395 : memref<80xi32, #tpu.memory_space<vmem>>) semaphore(%arg24 : memref<!tpu.dma_semaphore, #tpu.memory_space<semaphore_mem>>)
        %sub3A_1398 = arith.constant 1 : i32
        %sub3A_1399 = arith.subi %sub3A_1398, %rem3A_1198 : i32
        %sub3A_1400 = arith.constant 1 : i32
        %sub3A_1401 = arith.subi %sub3A_1400, %rem3A_1198 : i32
        %dma_start3A_1402 = arith.constant 0 : i32
        %dma_start3A_1403 = arith.constant 0 : i32
        %dma_start3A_1404 = tpu.memref_slice %arg13[%sub3A_1401, %dma_start3A_1402, %dma_start3A_1403] : memref<2x80x128xbf16, #tpu.memory_space<vmem>> -> memref<1x80x128xbf16, #tpu.memory_space<vmem>>
        %dma_start3A_1405 = tpu.memref_squeeze %dma_start3A_1404 : memref<1x80x128xbf16, #tpu.memory_space<vmem>> -> memref<80x128xbf16, #tpu.memory_space<vmem>>
        %dma_start3A_1406 = arith.constant 0 : i32
        %dma_start3A_1407 = tpu.memref_slice %arg9[%sub3A_1399, %dma_start3A_1406] : memref<2x80xi32, #tpu.memory_space<vmem>> -> memref<1x80xi32, #tpu.memory_space<vmem>>
        %dma_start3A_1408 = tpu.memref_squeeze %dma_start3A_1407 : memref<1x80xi32, #tpu.memory_space<vmem>> -> memref<80xi32, #tpu.memory_space<vmem>>
        %dma_start3A_1409 = arith.constant 0 : i32
        %dma_start3A_1410 = arith.constant 0 : i32
        %dma_start3A_1411 = tpu.memref_slice %arg5[%dma_start3A_1409, %dma_start3A_1410] : memref<10000x128xbf16, #tpu.memory_space<hbm>> -> memref<10000x128xbf16, #tpu.memory_space<hbm>>
        tpu.enqueue_indirect_dma source(%dma_start3A_1411 : memref<10000x128xbf16, #tpu.memory_space<hbm>>) target(%dma_start3A_1405 : memref<80x128xbf16, #tpu.memory_space<vmem>>) offsets(%dma_start3A_1408 : memref<80xi32, #tpu.memory_space<vmem>>) semaphore(%arg19 : memref<!tpu.dma_semaphore, #tpu.memory_space<semaphore_mem>>)
      } else {
      }
      %ge3A = arith.constant 2 : i32
      %ge3A_1219 = arith.cmpi sge, %scan3A_1196, %ge3A : i32
      %eq3A = arith.constant 0 : i32
      %eq3A_1220 = arith.cmpi eq, %rem3A_1198, %eq3A : i32
      %and3A = arith.andi %ge3A_1219, %eq3A_1220 : i1
      %convert_element_type3A_1221 = arith.extui %and3A : i1 to i32
      %cond3A_1222 = arith.constant 0 : i32
      %cond3A_1223 = arith.cmpi ne, %convert_element_type3A_1221, %cond3A_1222 : i32
      scf.if %cond3A_1223 {
        %sub3A = arith.constant 2 : i32
        %sub3A_1358 = arith.subi %scan3A_1196, %sub3A : i32
        %dma_wait3A_1359 = arith.constant 0 : i32
        %dma_wait3A_1360 = tpu.memref_slice %arg12[%rem3A_1198, %dma_wait3A_1359] : memref<2x80xf32, #tpu.memory_space<vmem>> -> memref<1x80xf32, #tpu.memory_space<vmem>>
        %dma_wait3A_1361 = tpu.memref_squeeze %dma_wait3A_1360 : memref<1x80xf32, #tpu.memory_space<vmem>> -> memref<80xf32, #tpu.memory_space<vmem>>
        %dma_wait3A_1362 = arith.constant 0 : i32
        %dma_wait3A_1363 = tpu.memref_slice %arg8[%sub3A_1358, %dma_wait3A_1362] : memref<125x80xi32, #tpu.memory_space<vmem>> -> memref<1x80xi32, #tpu.memory_space<vmem>>
        %dma_wait3A_1364 = tpu.memref_squeeze %dma_wait3A_1363 : memref<1x80xi32, #tpu.memory_space<vmem>> -> memref<80xi32, #tpu.memory_space<vmem>>
        %dma_wait3A_1365 = arith.constant 0 : i32
        %dma_wait3A_1366 = tpu.memref_slice %arg18[%dma_wait3A_1365] : memref<10240xf32, #tpu.memory_space<vmem_shared>> -> memref<10240xf32, #tpu.memory_space<vmem_shared>>
        tpu.wait_indirect_dma semaphore(%arg22 : memref<!tpu.dma_semaphore, #tpu.memory_space<semaphore_mem>>) src(%dma_wait3A_1361 : memref<80xf32, #tpu.memory_space<vmem>>) dst(%dma_wait3A_1366 : memref<10240xf32, #tpu.memory_space<vmem_shared>>)
        %sub3A_1367 = arith.constant 2 : i32
        %sub3A_1368 = arith.subi %scan3A_1196, %sub3A_1367 : i32
        %dma_wait3A_1369 = arith.constant 0 : i32
        %dma_wait3A_1370 = arith.constant 0 : i32
        %dma_wait3A_1371 = tpu.memref_slice %arg14[%rem3A_1198, %dma_wait3A_1369, %dma_wait3A_1370] : memref<2x80x128xf32, #tpu.memory_space<vmem>> -> memref<1x80x128xf32, #tpu.memory_space<vmem>>
        %dma_wait3A_1372 = tpu.memref_squeeze %dma_wait3A_1371 : memref<1x80x128xf32, #tpu.memory_space<vmem>> -> memref<80x128xf32, #tpu.memory_space<vmem>>
        %dma_wait3A_1373 = arith.constant 0 : i32
        %dma_wait3A_1374 = tpu.memref_slice %arg8[%sub3A_1368, %dma_wait3A_1373] : memref<125x80xi32, #tpu.memory_space<vmem>> -> memref<1x80xi32, #tpu.memory_space<vmem>>
        %dma_wait3A_1375 = tpu.memref_squeeze %dma_wait3A_1374 : memref<1x80xi32, #tpu.memory_space<vmem>> -> memref<80xi32, #tpu.memory_space<vmem>>
        %dma_wait3A_1376 = arith.constant 0 : i32
        %dma_wait3A_1377 = arith.constant 0 : i32
        %dma_wait3A_1378 = tpu.memref_slice %arg17[%dma_wait3A_1376, %dma_wait3A_1377] : memref<10240x128xf32, #tpu.memory_space<vmem_shared>> -> memref<10240x128xf32, #tpu.memory_space<vmem_shared>>
        tpu.wait_indirect_dma semaphore(%arg20 : memref<!tpu.dma_semaphore, #tpu.memory_space<semaphore_mem>>) src(%dma_wait3A_1372 : memref<80x128xf32, #tpu.memory_space<vmem>>) dst(%dma_wait3A_1378 : memref<10240x128xf32, #tpu.memory_space<vmem_shared>>)
      } else {
      }
      %ge3A_1224 = arith.constant 2 : i32
      %ge3A_1225 = arith.cmpi sge, %scan3A_1196, %ge3A_1224 : i32
      %eq3A_1226 = arith.constant 1 : i32
      %eq3A_1227 = arith.cmpi eq, %rem3A_1198, %eq3A_1226 : i32
      %and3A_1228 = arith.andi %ge3A_1225, %eq3A_1227 : i1
      %convert_element_type3A_1229 = arith.extui %and3A_1228 : i1 to i32
      %cond3A_1230 = arith.constant 0 : i32
      %cond3A_1231 = arith.cmpi ne, %convert_element_type3A_1229, %cond3A_1230 : i32
      scf.if %cond3A_1231 {
        %sub3A = arith.constant 2 : i32
        %sub3A_1358 = arith.subi %scan3A_1196, %sub3A : i32
        %dma_wait3A_1359 = arith.constant 0 : i32
        %dma_wait3A_1360 = tpu.memref_slice %arg12[%rem3A_1198, %dma_wait3A_1359] : memref<2x80xf32, #tpu.memory_space<vmem>> -> memref<1x80xf32, #tpu.memory_space<vmem>>
        %dma_wait3A_1361 = tpu.memref_squeeze %dma_wait3A_1360 : memref<1x80xf32, #tpu.memory_space<vmem>> -> memref<80xf32, #tpu.memory_space<vmem>>
        %dma_wait3A_1362 = arith.constant 0 : i32
        %dma_wait3A_1363 = tpu.memref_slice %arg8[%sub3A_1358, %dma_wait3A_1362] : memref<125x80xi32, #tpu.memory_space<vmem>> -> memref<1x80xi32, #tpu.memory_space<vmem>>
        %dma_wait3A_1364 = tpu.memref_squeeze %dma_wait3A_1363 : memref<1x80xi32, #tpu.memory_space<vmem>> -> memref<80xi32, #tpu.memory_space<vmem>>
        %dma_wait3A_1365 = arith.constant 0 : i32
        %dma_wait3A_1366 = tpu.memref_slice %arg18[%dma_wait3A_1365] : memref<10240xf32, #tpu.memory_space<vmem_shared>> -> memref<10240xf32, #tpu.memory_space<vmem_shared>>
        tpu.wait_indirect_dma semaphore(%arg23 : memref<!tpu.dma_semaphore, #tpu.memory_space<semaphore_mem>>) src(%dma_wait3A_1361 : memref<80xf32, #tpu.memory_space<vmem>>) dst(%dma_wait3A_1366 : memref<10240xf32, #tpu.memory_space<vmem_shared>>)
        %sub3A_1367 = arith.constant 2 : i32
        %sub3A_1368 = arith.subi %scan3A_1196, %sub3A_1367 : i32
        %dma_wait3A_1369 = arith.constant 0 : i32
        %dma_wait3A_1370 = arith.constant 0 : i32
        %dma_wait3A_1371 = tpu.memref_slice %arg14[%rem3A_1198, %dma_wait3A_1369, %dma_wait3A_1370] : memref<2x80x128xf32, #tpu.memory_space<vmem>> -> memref<1x80x128xf32, #tpu.memory_space<vmem>>
        %dma_wait3A_1372 = tpu.memref_squeeze %dma_wait3A_1371 : memref<1x80x128xf32, #tpu.memory_space<vmem>> -> memref<80x128xf32, #tpu.memory_space<vmem>>
        %dma_wait3A_1373 = arith.constant 0 : i32
        %dma_wait3A_1374 = tpu.memref_slice %arg8[%sub3A_1368, %dma_wait3A_1373] : memref<125x80xi32, #tpu.memory_space<vmem>> -> memref<1x80xi32, #tpu.memory_space<vmem>>
        %dma_wait3A_1375 = tpu.memref_squeeze %dma_wait3A_1374 : memref<1x80xi32, #tpu.memory_space<vmem>> -> memref<80xi32, #tpu.memory_space<vmem>>
        %dma_wait3A_1376 = arith.constant 0 : i32
        %dma_wait3A_1377 = arith.constant 0 : i32
        %dma_wait3A_1378 = tpu.memref_slice %arg17[%dma_wait3A_1376, %dma_wait3A_1377] : memref<10240x128xf32, #tpu.memory_space<vmem_shared>> -> memref<10240x128xf32, #tpu.memory_space<vmem_shared>>
        tpu.wait_indirect_dma semaphore(%arg21 : memref<!tpu.dma_semaphore, #tpu.memory_space<semaphore_mem>>) src(%dma_wait3A_1372 : memref<80x128xf32, #tpu.memory_space<vmem>>) dst(%dma_wait3A_1378 : memref<10240x128xf32, #tpu.memory_space<vmem_shared>>)
      } else {
      }
      %get3A = arith.index_cast %rem3A_1198 : i32 to index
      %get3A_1232 = arith.constant 0 : index
      %get3A_1233 = tpu.vector_load %arg10[%get3A, %get3A_1232] {strides = array<i32>} : memref<2x80xf32, #tpu.memory_space<vmem>>, vector<16xf32>,
      %get3A_1234 = arith.index_cast %rem3A_1198 : i32 to index
      %get3A_1235 = arith.constant 0 : index
      %get3A_1236 = tpu.vector_load %arg11[%get3A_1234, %get3A_1235] {strides = array<i32>} : memref<2x80xf32, #tpu.memory_space<vmem>>, vector<16xf32>,
      %add3A_1237 = arith.addf %get3A_1233, %get3A_1236 : vector<16xf32>
      %gt3A = arith.constant 0.000000e+00 : f32
      %gt3A_1238 = vector.broadcast %gt3A : f32 to vector<16xf32>
      %gt3A_1239 = arith.cmpf ogt, %add3A_1237, %gt3A_1238 : vector<16xf32>
      %mul3A_1240 = arith.constant 2.000000e-01 : f32
      %mul3A_1241 = vector.broadcast %mul3A_1240 : f32 to vector<16xf32>
      %mul3A_1242 = arith.mulf %mul3A_1241, %add3A_1237 : vector<16xf32>
      %select_n3A = arith.select %gt3A_1239, %add3A_1237, %mul3A_1242 : vector<16xi1>, vector<16xf32>
      %exp3A = math.exp %select_n3A : vector<16xf32>
      %swap3A_1243 = arith.index_cast %rem3A_1198 : i32 to index
      %swap3A_1244 = arith.constant 0 : index
      %swap3A_1245 = tpu.vector_load %arg12[%swap3A_1243, %swap3A_1244] {strides = array<i32>} : memref<2x80xf32, #tpu.memory_space<vmem>>, vector<16xf32>,
      tpu.vector_store %arg12[%swap3A_1243, %swap3A_1244], %exp3A {strides = array<i32>} : memref<2x80xf32, #tpu.memory_space<vmem>>, vector<16xf32>,
      %get3A_1246 = arith.index_cast %rem3A_1198 : i32 to index
      %get3A_1247 = arith.constant 16 : index
      %get3A_1248 = tpu.vector_load %arg10[%get3A_1246, %get3A_1247] {strides = array<i32>} : memref<2x80xf32, #tpu.memory_space<vmem>>, vector<16xf32>,
      %get3A_1249 = arith.index_cast %rem3A_1198 : i32 to index
      %get3A_1250 = arith.constant 16 : index
      %get3A_1251 = tpu.vector_load %arg11[%get3A_1249, %get3A_1250] {strides = array<i32>} : memref<2x80xf32, #tpu.memory_space<vmem>>, vector<16xf32>,
      %add3A_1252 = arith.addf %get3A_1248, %get3A_1251 : vector<16xf32>
      %gt3A_1253 = arith.constant 0.000000e+00 : f32
      %gt3A_1254 = vector.broadcast %gt3A_1253 : f32 to vector<16xf32>
      %gt3A_1255 = arith.cmpf ogt, %add3A_1252, %gt3A_1254 : vector<16xf32>
      %mul3A_1256 = arith.constant 2.000000e-01 : f32
      %mul3A_1257 = vector.broadcast %mul3A_1256 : f32 to vector<16xf32>
      %mul3A_1258 = arith.mulf %mul3A_1257, %add3A_1252 : vector<16xf32>
      %select_n3A_1259 = arith.select %gt3A_1255, %add3A_1252, %mul3A_1258 : vector<16xi1>, vector<16xf32>
      %exp3A_1260 = math.exp %select_n3A_1259 : vector<16xf32>
      %swap3A_1261 = arith.index_cast %rem3A_1198 : i32 to index
      %swap3A_1262 = arith.constant 16 : index
      %swap3A_1263 = tpu.vector_load %arg12[%swap3A_1261, %swap3A_1262] {strides = array<i32>} : memref<2x80xf32, #tpu.memory_space<vmem>>, vector<16xf32>,
      tpu.vector_store %arg12[%swap3A_1261, %swap3A_1262], %exp3A_1260 {strides = array<i32>} : memref<2x80xf32, #tpu.memory_space<vmem>>, vector<16xf32>,
      %get3A_1264 = arith.index_cast %rem3A_1198 : i32 to index
      %get3A_1265 = arith.constant 32 : index
      %get3A_1266 = tpu.vector_load %arg10[%get3A_1264, %get3A_1265] {strides = array<i32>} : memref<2x80xf32, #tpu.memory_space<vmem>>, vector<16xf32>,
      %get3A_1267 = arith.index_cast %rem3A_1198 : i32 to index
      %get3A_1268 = arith.constant 32 : index
      %get3A_1269 = tpu.vector_load %arg11[%get3A_1267, %get3A_1268] {strides = array<i32>} : memref<2x80xf32, #tpu.memory_space<vmem>>, vector<16xf32>,
      %add3A_1270 = arith.addf %get3A_1266, %get3A_1269 : vector<16xf32>
      %gt3A_1271 = arith.constant 0.000000e+00 : f32
      %gt3A_1272 = vector.broadcast %gt3A_1271 : f32 to vector<16xf32>
      %gt3A_1273 = arith.cmpf ogt, %add3A_1270, %gt3A_1272 : vector<16xf32>
      %mul3A_1274 = arith.constant 2.000000e-01 : f32
      %mul3A_1275 = vector.broadcast %mul3A_1274 : f32 to vector<16xf32>
      %mul3A_1276 = arith.mulf %mul3A_1275, %add3A_1270 : vector<16xf32>
      %select_n3A_1277 = arith.select %gt3A_1273, %add3A_1270, %mul3A_1276 : vector<16xi1>, vector<16xf32>
      %exp3A_1278 = math.exp %select_n3A_1277 : vector<16xf32>
      %swap3A_1279 = arith.index_cast %rem3A_1198 : i32 to index
      %swap3A_1280 = arith.constant 32 : index
      %swap3A_1281 = tpu.vector_load %arg12[%swap3A_1279, %swap3A_1280] {strides = array<i32>} : memref<2x80xf32, #tpu.memory_space<vmem>>, vector<16xf32>,
      tpu.vector_store %arg12[%swap3A_1279, %swap3A_1280], %exp3A_1278 {strides = array<i32>} : memref<2x80xf32, #tpu.memory_space<vmem>>, vector<16xf32>,
      %get3A_1282 = arith.index_cast %rem3A_1198 : i32 to index
      %get3A_1283 = arith.constant 48 : index
      %get3A_1284 = tpu.vector_load %arg10[%get3A_1282, %get3A_1283] {strides = array<i32>} : memref<2x80xf32, #tpu.memory_space<vmem>>, vector<16xf32>,
      %get3A_1285 = arith.index_cast %rem3A_1198 : i32 to index
      %get3A_1286 = arith.constant 48 : index
      %get3A_1287 = tpu.vector_load %arg11[%get3A_1285, %get3A_1286] {strides = array<i32>} : memref<2x80xf32, #tpu.memory_space<vmem>>, vector<16xf32>,
      %add3A_1288 = arith.addf %get3A_1284, %get3A_1287 : vector<16xf32>
      %gt3A_1289 = arith.constant 0.000000e+00 : f32
      %gt3A_1290 = vector.broadcast %gt3A_1289 : f32 to vector<16xf32>
      %gt3A_1291 = arith.cmpf ogt, %add3A_1288, %gt3A_1290 : vector<16xf32>
      %mul3A_1292 = arith.constant 2.000000e-01 : f32
      %mul3A_1293 = vector.broadcast %mul3A_1292 : f32 to vector<16xf32>
      %mul3A_1294 = arith.mulf %mul3A_1293, %add3A_1288 : vector<16xf32>
      %select_n3A_1295 = arith.select %gt3A_1291, %add3A_1288, %mul3A_1294 : vector<16xi1>, vector<16xf32>
      %exp3A_1296 = math.exp %select_n3A_1295 : vector<16xf32>
      %swap3A_1297 = arith.index_cast %rem3A_1198 : i32 to index
      %swap3A_1298 = arith.constant 48 : index
      %swap3A_1299 = tpu.vector_load %arg12[%swap3A_1297, %swap3A_1298] {strides = array<i32>} : memref<2x80xf32, #tpu.memory_space<vmem>>, vector<16xf32>,
      tpu.vector_store %arg12[%swap3A_1297, %swap3A_1298], %exp3A_1296 {strides = array<i32>} : memref<2x80xf32, #tpu.memory_space<vmem>>, vector<16xf32>,
      %get3A_1300 = arith.index_cast %rem3A_1198 : i32 to index
      %get3A_1301 = arith.constant 64 : index
      %get3A_1302 = tpu.vector_load %arg10[%get3A_1300, %get3A_1301] {strides = array<i32>} : memref<2x80xf32, #tpu.memory_space<vmem>>, vector<16xf32>,
      %get3A_1303 = arith.index_cast %rem3A_1198 : i32 to index
      %get3A_1304 = arith.constant 64 : index
      %get3A_1305 = tpu.vector_load %arg11[%get3A_1303, %get3A_1304] {strides = array<i32>} : memref<2x80xf32, #tpu.memory_space<vmem>>, vector<16xf32>,
      %add3A_1306 = arith.addf %get3A_1302, %get3A_1305 : vector<16xf32>
      %gt3A_1307 = arith.constant 0.000000e+00 : f32
      %gt3A_1308 = vector.broadcast %gt3A_1307 : f32 to vector<16xf32>
      %gt3A_1309 = arith.cmpf ogt, %add3A_1306, %gt3A_1308 : vector<16xf32>
      %mul3A_1310 = arith.constant 2.000000e-01 : f32
      %mul3A_1311 = vector.broadcast %mul3A_1310 : f32 to vector<16xf32>
      %mul3A_1312 = arith.mulf %mul3A_1311, %add3A_1306 : vector<16xf32>
      %select_n3A_1313 = arith.select %gt3A_1309, %add3A_1306, %mul3A_1312 : vector<16xi1>, vector<16xf32>
      %exp3A_1314 = math.exp %select_n3A_1313 : vector<16xf32>
      %swap3A_1315 = arith.index_cast %rem3A_1198 : i32 to index
      %swap3A_1316 = arith.constant 64 : index
      %swap3A_1317 = tpu.vector_load %arg12[%swap3A_1315, %swap3A_1316] {strides = array<i32>} : memref<2x80xf32, #tpu.memory_space<vmem>>, vector<16xf32>,
      tpu.vector_store %arg12[%swap3A_1315, %swap3A_1316], %exp3A_1314 {strides = array<i32>} : memref<2x80xf32, #tpu.memory_space<vmem>>, vector<16xf32>,
      %eq3A_1318 = arith.constant 0 : i32
      %eq3A_1319 = arith.cmpi eq, %rem3A_1198, %eq3A_1318 : i32
      %convert_element_type3A_1320 = arith.extui %eq3A_1319 : i1 to i32
      %cond3A_1321 = arith.constant 0 : i32
      %cond3A_1322 = arith.cmpi ne, %convert_element_type3A_1320, %cond3A_1321 : i32
      scf.if %cond3A_1322 {
        %dma_start3A_1358 = arith.constant 0 : i32
        %dma_start3A_1359 = tpu.memref_slice %arg12[%rem3A_1198, %dma_start3A_1358] : memref<2x80xf32, #tpu.memory_space<vmem>> -> memref<1x80xf32, #tpu.memory_space<vmem>>
        %dma_start3A_1360 = tpu.memref_squeeze %dma_start3A_1359 : memref<1x80xf32, #tpu.memory_space<vmem>> -> memref<80xf32, #tpu.memory_space<vmem>>
        %dma_start3A_1361 = arith.constant 0 : i32
        %dma_start3A_1362 = tpu.memref_slice %arg8[%scan3A_1196, %dma_start3A_1361] : memref<125x80xi32, #tpu.memory_space<vmem>> -> memref<1x80xi32, #tpu.memory_space<vmem>>
        %dma_start3A_1363 = tpu.memref_squeeze %dma_start3A_1362 : memref<1x80xi32, #tpu.memory_space<vmem>> -> memref<80xi32, #tpu.memory_space<vmem>>
        %dma_start3A_1364 = arith.constant 0 : i32
        %dma_start3A_1365 = tpu.memref_slice %arg18[%dma_start3A_1364] : memref<10240xf32, #tpu.memory_space<vmem_shared>> -> memref<10240xf32, #tpu.memory_space<vmem_shared>>
        tpu.enqueue_indirect_dma source(%dma_start3A_1360 : memref<80xf32, #tpu.memory_space<vmem>>) target(%dma_start3A_1365 : memref<10240xf32, #tpu.memory_space<vmem_shared>>) offsets(%dma_start3A_1363 : memref<80xi32, #tpu.memory_space<vmem>>) semaphore(%arg22 : memref<!tpu.dma_semaphore, #tpu.memory_space<semaphore_mem>>) {add = true}
      } else {
      }
      %eq3A_1323 = arith.constant 1 : i32
      %eq3A_1324 = arith.cmpi eq, %rem3A_1198, %eq3A_1323 : i32
      %convert_element_type3A_1325 = arith.extui %eq3A_1324 : i1 to i32
      %cond3A_1326 = arith.constant 0 : i32
      %cond3A_1327 = arith.cmpi ne, %convert_element_type3A_1325, %cond3A_1326 : i32
      scf.if %cond3A_1327 {
        %dma_start3A_1358 = arith.constant 0 : i32
        %dma_start3A_1359 = tpu.memref_slice %arg12[%rem3A_1198, %dma_start3A_1358] : memref<2x80xf32, #tpu.memory_space<vmem>> -> memref<1x80xf32, #tpu.memory_space<vmem>>
        %dma_start3A_1360 = tpu.memref_squeeze %dma_start3A_1359 : memref<1x80xf32, #tpu.memory_space<vmem>> -> memref<80xf32, #tpu.memory_space<vmem>>
        %dma_start3A_1361 = arith.constant 0 : i32
        %dma_start3A_1362 = tpu.memref_slice %arg8[%scan3A_1196, %dma_start3A_1361] : memref<125x80xi32, #tpu.memory_space<vmem>> -> memref<1x80xi32, #tpu.memory_space<vmem>>
        %dma_start3A_1363 = tpu.memref_squeeze %dma_start3A_1362 : memref<1x80xi32, #tpu.memory_space<vmem>> -> memref<80xi32, #tpu.memory_space<vmem>>
        %dma_start3A_1364 = arith.constant 0 : i32
        %dma_start3A_1365 = tpu.memref_slice %arg18[%dma_start3A_1364] : memref<10240xf32, #tpu.memory_space<vmem_shared>> -> memref<10240xf32, #tpu.memory_space<vmem_shared>>
        tpu.enqueue_indirect_dma source(%dma_start3A_1360 : memref<80xf32, #tpu.memory_space<vmem>>) target(%dma_start3A_1365 : memref<10240xf32, #tpu.memory_space<vmem_shared>>) offsets(%dma_start3A_1363 : memref<80xi32, #tpu.memory_space<vmem>>) semaphore(%arg23 : memref<!tpu.dma_semaphore, #tpu.memory_space<semaphore_mem>>) {add = true}
      } else {
      }
      %dma_wait3A_1328 = arith.constant 0 : i32
      %dma_wait3A_1329 = arith.constant 0 : i32
      %dma_wait3A_1330 = tpu.memref_slice %arg13[%rem3A_1198, %dma_wait3A_1328, %dma_wait3A_1329] : memref<2x80x128xbf16, #tpu.memory_space<vmem>> -> memref<1x80x128xbf16, #tpu.memory_space<vmem>>
      %dma_wait3A_1331 = tpu.memref_squeeze %dma_wait3A_1330 : memref<1x80x128xbf16, #tpu.memory_space<vmem>> -> memref<80x128xbf16, #tpu.memory_space<vmem>>
      %dma_wait3A_1332 = arith.constant 0 : i32
      %dma_wait3A_1333 = tpu.memref_slice %arg9[%rem3A_1198, %dma_wait3A_1332] : memref<2x80xi32, #tpu.memory_space<vmem>> -> memref<1x80xi32, #tpu.memory_space<vmem>>
      %dma_wait3A_1334 = tpu.memref_squeeze %dma_wait3A_1333 : memref<1x80xi32, #tpu.memory_space<vmem>> -> memref<80xi32, #tpu.memory_space<vmem>>
      %dma_wait3A_1335 = arith.constant 0 : i32
      %dma_wait3A_1336 = arith.constant 0 : i32
      %dma_wait3A_1337 = tpu.memref_slice %arg5[%dma_wait3A_1335, %dma_wait3A_1336] : memref<10000x128xbf16, #tpu.memory_space<hbm>> -> memref<10000x128xbf16, #tpu.memory_space<hbm>>
      tpu.wait_indirect_dma semaphore(%arg19 : memref<!tpu.dma_semaphore, #tpu.memory_space<semaphore_mem>>) src(%dma_wait3A_1337 : memref<10000x128xbf16, #tpu.memory_space<hbm>>) dst(%dma_wait3A_1331 : memref<80x128xbf16, #tpu.memory_space<vmem>>)
      %parallel_loop3A = arith.constant 0 : i32
      %parallel_loop3A_1338 = arith.constant 80 : i32
      %parallel_loop3A_1339 = arith.constant 1 : i32
      scf.for %parallel_loop3A_1358 = %parallel_loop3A to %parallel_loop3A_1338 step %parallel_loop3A_1339  : i32 {
        %parallel_loop3A_1359 = vector.broadcast %rem3A_1198 : i32 to vector<16xi32>
        %parallel_loop3A_1360 = vector.broadcast %parallel_loop3A_1358 : i32 to vector<16xi32>
        %parallel_loop3A_1361 = tpu.vector_load_idx %arg12[%parallel_loop3A_1359, %parallel_loop3A_1360] : memref<2x80xf32, #tpu.memory_space<vmem>>[vector<16xi32>, vector<16xi32>], vector<16xf32>,
        %parallel_loop3A_1362 = arith.index_cast %rem3A_1198 : i32 to index
        %parallel_loop3A_1363 = arith.index_cast %parallel_loop3A_1358 : i32 to index
        %parallel_loop3A_1364 = arith.constant 0 : index
        %parallel_loop3A_1365 = tpu.vector_load %arg13[%parallel_loop3A_1362, %parallel_loop3A_1363, %parallel_loop3A_1364] {strides = array<i32>} : memref<2x80x128xbf16, #tpu.memory_space<vmem>>, vector<32xbf16>,
        %parallel_loop3A_1366 = tpu.unpack_subelements %parallel_loop3A_1365, 0 {pack_format = #tpu.pack_format<interleaved>} : vector<32xbf16> -> vector<16xf32>
        %parallel_loop3A_1367 = tpu.unpack_subelements %parallel_loop3A_1365, 1 {pack_format = #tpu.pack_format<interleaved>} : vector<32xbf16> -> vector<16xf32>
        %parallel_loop3A_1368 = arith.mulf %parallel_loop3A_1366, %parallel_loop3A_1361 : vector<16xf32>
        %parallel_loop3A_1369 = arith.index_cast %rem3A_1198 : i32 to index
        %parallel_loop3A_1370 = arith.index_cast %parallel_loop3A_1358 : i32 to index
        %parallel_loop3A_1371 = arith.constant 0 : index
        %parallel_loop3A_1372 = tpu.vector_load %arg14[%parallel_loop3A_1369, %parallel_loop3A_1370, %parallel_loop3A_1371] {strides = array<i32>} : memref<2x80x128xf32, #tpu.memory_space<vmem>>, vector<16xf32>,
        tpu.vector_store %arg14[%parallel_loop3A_1369, %parallel_loop3A_1370, %parallel_loop3A_1371], %parallel_loop3A_1368 {strides = array<i32>} : memref<2x80x128xf32, #tpu.memory_space<vmem>>, vector<16xf32>,
        %parallel_loop3A_1373 = arith.mulf %parallel_loop3A_1367, %parallel_loop3A_1361 : vector<16xf32>
        %parallel_loop3A_1374 = arith.index_cast %rem3A_1198 : i32 to index
        %parallel_loop3A_1375 = arith.index_cast %parallel_loop3A_1358 : i32 to index
        %parallel_loop3A_1376 = arith.constant 16 : index
        %parallel_loop3A_1377 = tpu.vector_load %arg14[%parallel_loop3A_1374, %parallel_loop3A_1375, %parallel_loop3A_1376] {strides = array<i32>} : memref<2x80x128xf32, #tpu.memory_space<vmem>>, vector<16xf32>,
        tpu.vector_store %arg14[%parallel_loop3A_1374, %parallel_loop3A_1375, %parallel_loop3A_1376], %parallel_loop3A_1373 {strides = array<i32>} : memref<2x80x128xf32, #tpu.memory_space<vmem>>, vector<16xf32>,
        %parallel_loop3A_1378 = arith.index_cast %rem3A_1198 : i32 to index
        %parallel_loop3A_1379 = arith.index_cast %parallel_loop3A_1358 : i32 to index
        %parallel_loop3A_1380 = arith.constant 32 : index
        %parallel_loop3A_1381 = tpu.vector_load %arg13[%parallel_loop3A_1378, %parallel_loop3A_1379, %parallel_loop3A_1380] {strides = array<i32>} : memref<2x80x128xbf16, #tpu.memory_space<vmem>>, vector<32xbf16>,
        %parallel_loop3A_1382 = tpu.unpack_subelements %parallel_loop3A_1381, 0 {pack_format = #tpu.pack_format<interleaved>} : vector<32xbf16> -> vector<16xf32>
        %parallel_loop3A_1383 = tpu.unpack_subelements %parallel_loop3A_1381, 1 {pack_format = #tpu.pack_format<interleaved>} : vector<32xbf16> -> vector<16xf32>
        %parallel_loop3A_1384 = arith.mulf %parallel_loop3A_1382, %parallel_loop3A_1361 : vector<16xf32>
        %parallel_loop3A_1385 = arith.index_cast %rem3A_1198 : i32 to index
        %parallel_loop3A_1386 = arith.index_cast %parallel_loop3A_1358 : i32 to index
        %parallel_loop3A_1387 = arith.constant 32 : index
        %parallel_loop3A_1388 = tpu.vector_load %arg14[%parallel_loop3A_1385, %parallel_loop3A_1386, %parallel_loop3A_1387] {strides = array<i32>} : memref<2x80x128xf32, #tpu.memory_space<vmem>>, vector<16xf32>,
        tpu.vector_store %arg14[%parallel_loop3A_1385, %parallel_loop3A_1386, %parallel_loop3A_1387], %parallel_loop3A_1384 {strides = array<i32>} : memref<2x80x128xf32, #tpu.memory_space<vmem>>, vector<16xf32>,
        %parallel_loop3A_1389 = arith.mulf %parallel_loop3A_1383, %parallel_loop3A_1361 : vector<16xf32>
        %parallel_loop3A_1390 = arith.index_cast %rem3A_1198 : i32 to index
        %parallel_loop3A_1391 = arith.index_cast %parallel_loop3A_1358 : i32 to index
        %parallel_loop3A_1392 = arith.constant 48 : index
        %parallel_loop3A_1393 = tpu.vector_load %arg14[%parallel_loop3A_1390, %parallel_loop3A_1391, %parallel_loop3A_1392] {strides = array<i32>} : memref<2x80x128xf32, #tpu.memory_space<vmem>>, vector<16xf32>,
        tpu.vector_store %arg14[%parallel_loop3A_1390, %parallel_loop3A_1391, %parallel_loop3A_1392], %parallel_loop3A_1389 {strides = array<i32>} : memref<2x80x128xf32, #tpu.memory_space<vmem>>, vector<16xf32>,
        %parallel_loop3A_1394 = arith.index_cast %rem3A_1198 : i32 to index
        %parallel_loop3A_1395 = arith.index_cast %parallel_loop3A_1358 : i32 to index
        %parallel_loop3A_1396 = arith.constant 64 : index
        %parallel_loop3A_1397 = tpu.vector_load %arg13[%parallel_loop3A_1394, %parallel_loop3A_1395, %parallel_loop3A_1396] {strides = array<i32>} : memref<2x80x128xbf16, #tpu.memory_space<vmem>>, vector<32xbf16>,
        %parallel_loop3A_1398 = tpu.unpack_subelements %parallel_loop3A_1397, 0 {pack_format = #tpu.pack_format<interleaved>} : vector<32xbf16> -> vector<16xf32>
        %parallel_loop3A_1399 = tpu.unpack_subelements %parallel_loop3A_1397, 1 {pack_format = #tpu.pack_format<interleaved>} : vector<32xbf16> -> vector<16xf32>
        %parallel_loop3A_1400 = arith.mulf %parallel_loop3A_1398, %parallel_loop3A_1361 : vector<16xf32>
        %parallel_loop3A_1401 = arith.index_cast %rem3A_1198 : i32 to index
        %parallel_loop3A_1402 = arith.index_cast %parallel_loop3A_1358 : i32 to index
        %parallel_loop3A_1403 = arith.constant 64 : index
        %parallel_loop3A_1404 = tpu.vector_load %arg14[%parallel_loop3A_1401, %parallel_loop3A_1402, %parallel_loop3A_1403] {strides = array<i32>} : memref<2x80x128xf32, #tpu.memory_space<vmem>>, vector<16xf32>,
        tpu.vector_store %arg14[%parallel_loop3A_1401, %parallel_loop3A_1402, %parallel_loop3A_1403], %parallel_loop3A_1400 {strides = array<i32>} : memref<2x80x128xf32, #tpu.memory_space<vmem>>, vector<16xf32>,
        %parallel_loop3A_1405 = arith.mulf %parallel_loop3A_1399, %parallel_loop3A_1361 : vector<16xf32>
        %parallel_loop3A_1406 = arith.index_cast %rem3A_1198 : i32 to index
        %parallel_loop3A_1407 = arith.index_cast %parallel_loop3A_1358 : i32 to index
        %parallel_loop3A_1408 = arith.constant 80 : index
        %parallel_loop3A_1409 = tpu.vector_load %arg14[%parallel_loop3A_1406, %parallel_loop3A_1407, %parallel_loop3A_1408] {strides = array<i32>} : memref<2x80x128xf32, #tpu.memory_space<vmem>>, vector<16xf32>,
        tpu.vector_store %arg14[%parallel_loop3A_1406, %parallel_loop3A_1407, %parallel_loop3A_1408], %parallel_loop3A_1405 {strides = array<i32>} : memref<2x80x128xf32, #tpu.memory_space<vmem>>, vector<16xf32>,
        %parallel_loop3A_1410 = arith.index_cast %rem3A_1198 : i32 to index
        %parallel_loop3A_1411 = arith.index_cast %parallel_loop3A_1358 : i32 to index
        %parallel_loop3A_1412 = arith.constant 96 : index
        %parallel_loop3A_1413 = tpu.vector_load %arg13[%parallel_loop3A_1410, %parallel_loop3A_1411, %parallel_loop3A_1412] {strides = array<i32>} : memref<2x80x128xbf16, #tpu.memory_space<vmem>>, vector<32xbf16>,
        %parallel_loop3A_1414 = tpu.unpack_subelements %parallel_loop3A_1413, 0 {pack_format = #tpu.pack_format<interleaved>} : vector<32xbf16> -> vector<16xf32>
        %parallel_loop3A_1415 = tpu.unpack_subelements %parallel_loop3A_1413, 1 {pack_format = #tpu.pack_format<interleaved>} : vector<32xbf16> -> vector<16xf32>
        %parallel_loop3A_1416 = arith.mulf %parallel_loop3A_1414, %parallel_loop3A_1361 : vector<16xf32>
        %parallel_loop3A_1417 = arith.index_cast %rem3A_1198 : i32 to index
        %parallel_loop3A_1418 = arith.index_cast %parallel_loop3A_1358 : i32 to index
        %parallel_loop3A_1419 = arith.constant 96 : index
        %parallel_loop3A_1420 = tpu.vector_load %arg14[%parallel_loop3A_1417, %parallel_loop3A_1418, %parallel_loop3A_1419] {strides = array<i32>} : memref<2x80x128xf32, #tpu.memory_space<vmem>>, vector<16xf32>,
        tpu.vector_store %arg14[%parallel_loop3A_1417, %parallel_loop3A_1418, %parallel_loop3A_1419], %parallel_loop3A_1416 {strides = array<i32>} : memref<2x80x128xf32, #tpu.memory_space<vmem>>, vector<16xf32>,
        %parallel_loop3A_1421 = arith.mulf %parallel_loop3A_1415, %parallel_loop3A_1361 : vector<16xf32>
        %parallel_loop3A_1422 = arith.index_cast %rem3A_1198 : i32 to index
        %parallel_loop3A_1423 = arith.index_cast %parallel_loop3A_1358 : i32 to index
        %parallel_loop3A_1424 = arith.constant 112 : index
        %parallel_loop3A_1425 = tpu.vector_load %arg14[%parallel_loop3A_1422, %parallel_loop3A_1423, %parallel_loop3A_1424] {strides = array<i32>} : memref<2x80x128xf32, #tpu.memory_space<vmem>>, vector<16xf32>,
        tpu.vector_store %arg14[%parallel_loop3A_1422, %parallel_loop3A_1423, %parallel_loop3A_1424], %parallel_loop3A_1421 {strides = array<i32>} : memref<2x80x128xf32, #tpu.memory_space<vmem>>, vector<16xf32>,
      } {sc.loop_unroll_factor = 8 : i64, sc.parallel_access}
      %eq3A_1340 = arith.constant 0 : i32
      %eq3A_1341 = arith.cmpi eq, %rem3A_1198, %eq3A_1340 : i32
      %convert_element_type3A_1342 = arith.extui %eq3A_1341 : i1 to i32
      %cond3A_1343 = arith.constant 0 : i32
      %cond3A_1344 = arith.cmpi ne, %convert_element_type3A_1342, %cond3A_1343 : i32
      scf.if %cond3A_1344 {
        %dma_start3A_1358 = arith.constant 0 : i32
        %dma_start3A_1359 = arith.constant 0 : i32
        %dma_start3A_1360 = tpu.memref_slice %arg14[%rem3A_1198, %dma_start3A_1358, %dma_start3A_1359] : memref<2x80x128xf32, #tpu.memory_space<vmem>> -> memref<1x80x128xf32, #tpu.memory_space<vmem>>
        %dma_start3A_1361 = tpu.memref_squeeze %dma_start3A_1360 : memref<1x80x128xf32, #tpu.memory_space<vmem>> -> memref<80x128xf32, #tpu.memory_space<vmem>>
        %dma_start3A_1362 = arith.constant 0 : i32
        %dma_start3A_1363 = tpu.memref_slice %arg8[%scan3A_1196, %dma_start3A_1362] : memref<125x80xi32, #tpu.memory_space<vmem>> -> memref<1x80xi32, #tpu.memory_space<vmem>>
        %dma_start3A_1364 = tpu.memref_squeeze %dma_start3A_1363 : memref<1x80xi32, #tpu.memory_space<vmem>> -> memref<80xi32, #tpu.memory_space<vmem>>
        %dma_start3A_1365 = arith.constant 0 : i32
        %dma_start3A_1366 = arith.constant 0 : i32
        %dma_start3A_1367 = tpu.memref_slice %arg17[%dma_start3A_1365, %dma_start3A_1366] : memref<10240x128xf32, #tpu.memory_space<vmem_shared>> -> memref<10240x128xf32, #tpu.memory_space<vmem_shared>>
        tpu.enqueue_indirect_dma source(%dma_start3A_1361 : memref<80x128xf32, #tpu.memory_space<vmem>>) target(%dma_start3A_1367 : memref<10240x128xf32, #tpu.memory_space<vmem_shared>>) offsets(%dma_start3A_1364 : memref<80xi32, #tpu.memory_space<vmem>>) semaphore(%arg20 : memref<!tpu.dma_semaphore, #tpu.memory_space<semaphore_mem>>) {add = true}
      } else {
      }
      %eq3A_1345 = arith.constant 1 : i32
      %eq3A_1346 = arith.cmpi eq, %rem3A_1198, %eq3A_1345 : i32
      %convert_element_type3A_1347 = arith.extui %eq3A_1346 : i1 to i32
      %cond3A_1348 = arith.constant 0 : i32
      %cond3A_1349 = arith.cmpi ne, %convert_element_type3A_1347, %cond3A_1348 : i32
      scf.if %cond3A_1349 {
        %dma_start3A_1358 = arith.constant 0 : i32
        %dma_start3A_1359 = arith.constant 0 : i32
        %dma_start3A_1360 = tpu.memref_slice %arg14[%rem3A_1198, %dma_start3A_1358, %dma_start3A_1359] : memref<2x80x128xf32, #tpu.memory_space<vmem>> -> memref<1x80x128xf32, #tpu.memory_space<vmem>>
        %dma_start3A_1361 = tpu.memref_squeeze %dma_start3A_1360 : memref<1x80x128xf32, #tpu.memory_space<vmem>> -> memref<80x128xf32, #tpu.memory_space<vmem>>
        %dma_start3A_1362 = arith.constant 0 : i32
        %dma_start3A_1363 = tpu.memref_slice %arg8[%scan3A_1196, %dma_start3A_1362] : memref<125x80xi32, #tpu.memory_space<vmem>> -> memref<1x80xi32, #tpu.memory_space<vmem>>
        %dma_start3A_1364 = tpu.memref_squeeze %dma_start3A_1363 : memref<1x80xi32, #tpu.memory_space<vmem>> -> memref<80xi32, #tpu.memory_space<vmem>>
        %dma_start3A_1365 = arith.constant 0 : i32
        %dma_start3A_1366 = arith.constant 0 : i32
        %dma_start3A_1367 = tpu.memref_slice %arg17[%dma_start3A_1365, %dma_start3A_1366] : memref<10240x128xf32, #tpu.memory_space<vmem_shared>> -> memref<10240x128xf32, #tpu.memory_space<vmem_shared>>
        tpu.enqueue_indirect_dma source(%dma_start3A_1361 : memref<80x128xf32, #tpu.memory_space<vmem>>) target(%dma_start3A_1367 : memref<10240x128xf32, #tpu.memory_space<vmem_shared>>) offsets(%dma_start3A_1364 : memref<80xi32, #tpu.memory_space<vmem>>) semaphore(%arg21 : memref<!tpu.dma_semaphore, #tpu.memory_space<semaphore_mem>>) {add = true}
      } else {
      }
      %add3A_1350 = arith.constant 2 : i32
      %add3A_1351 = arith.addi %scan3A_1196, %add3A_1350 : i32
      %lt3A_1352 = arith.constant 125 : i32
      %lt3A_1353 = arith.cmpi slt, %add3A_1351, %lt3A_1352 : i32
      %convert_element_type3A_1354 = arith.extui %lt3A_1353 : i1 to i32
      %cond3A_1355 = arith.constant 0 : i32
      %cond3A_1356 = arith.cmpi ne, %convert_element_type3A_1354, %cond3A_1355 : i32
      scf.if %cond3A_1356 {
        %add3A_1358 = arith.constant 2 : i32
        %add3A_1359 = arith.addi %scan3A_1196, %add3A_1358 : i32
        %dma_start3A_1360 = arith.constant 1 : i32
        %dma_start3A_1361 = arith.constant 0 : i32
        %dma_start3A_1362 = tpu.memref_slice %arg9[%rem3A_1198, %dma_start3A_1361] : memref<2x80xi32, #tpu.memory_space<vmem>> -> memref<1x80xi32, #tpu.memory_space<vmem>>
        %dma_start3A_1363 = tpu.memref_squeeze %dma_start3A_1362 : memref<1x80xi32, #tpu.memory_space<vmem>> -> memref<80xi32, #tpu.memory_space<vmem>>
        %dma_start3A_1364 = arith.constant 0 : i32
        %dma_start3A_1365 = tpu.memref_slice %arg2[%dma_start3A_1360, %add3A, %add3A_1359, %dma_start3A_1364] : memref<2x32x125x80xi32, #tpu.memory_space<hbm>> -> memref<1x1x1x80xi32, #tpu.memory_space<hbm>>
        %dma_start3A_1366 = tpu.memref_squeeze %dma_start3A_1365 : memref<1x1x1x80xi32, #tpu.memory_space<hbm>> -> memref<80xi32, #tpu.memory_space<hbm>>
        %dma_start3A_1367 = arith.constant 0 : i32
        %dma_start3A_1368 = tpu.memref_slice %arg9[%rem3A_1198, %dma_start3A_1367] : memref<2x80xi32, #tpu.memory_space<vmem>> -> memref<1x80xi32, #tpu.memory_space<vmem>>
        %dma_start3A_1369 = tpu.memref_squeeze %dma_start3A_1368 : memref<1x80xi32, #tpu.memory_space<vmem>> -> memref<80xi32, #tpu.memory_space<vmem>>
        %dma_start3A_1370 = arith.constant 0 : i32
        %dma_start3A_1371 = tpu.memref_slice %arg2[%dma_start3A_1360, %add3A, %add3A_1359, %dma_start3A_1370] : memref<2x32x125x80xi32, #tpu.memory_space<hbm>> -> memref<1x1x1x80xi32, #tpu.memory_space<hbm>>
        %dma_start3A_1372 = tpu.memref_squeeze %dma_start3A_1371 : memref<1x1x1x80xi32, #tpu.memory_space<hbm>> -> memref<80xi32, #tpu.memory_space<hbm>>
        tpu.enqueue_dma source(%dma_start3A_1372 : memref<80xi32, #tpu.memory_space<hbm>>) target(%dma_start3A_1369 : memref<80xi32, #tpu.memory_space<vmem>>) target_semaphore(%arg25 : memref<!tpu.dma_semaphore, #tpu.memory_space<semaphore_mem>>)
      } else {
      }
      %scan3A_1357 = arith.constant 0 : i32
      scf.yield %scan3A_1357 : i32
    }
    %scan3A_1143 = arith.constant 125 : i32
    %dma_wait3A = arith.constant 0 : i32
    %dma_wait3A_1144 = arith.constant 0 : i32
    %dma_wait3A_1145 = arith.constant 0 : i32
    %dma_wait3A_1146 = tpu.memref_slice %arg12[%dma_wait3A, %dma_wait3A_1145] : memref<2x80xf32, #tpu.memory_space<vmem>> -> memref<1x80xf32, #tpu.memory_space<vmem>>
    %dma_wait3A_1147 = tpu.memref_squeeze %dma_wait3A_1146 : memref<1x80xf32, #tpu.memory_space<vmem>> -> memref<80xf32, #tpu.memory_space<vmem>>
    %dma_wait3A_1148 = arith.constant 0 : i32
    %dma_wait3A_1149 = tpu.memref_slice %arg8[%dma_wait3A_1144, %dma_wait3A_1148] : memref<125x80xi32, #tpu.memory_space<vmem>> -> memref<1x80xi32, #tpu.memory_space<vmem>>
    %dma_wait3A_1150 = tpu.memref_squeeze %dma_wait3A_1149 : memref<1x80xi32, #tpu.memory_space<vmem>> -> memref<80xi32, #tpu.memory_space<vmem>>
    %dma_wait3A_1151 = arith.constant 0 : i32
    %dma_wait3A_1152 = tpu.memref_slice %arg18[%dma_wait3A_1151] : memref<10240xf32, #tpu.memory_space<vmem_shared>> -> memref<10240xf32, #tpu.memory_space<vmem_shared>>
    tpu.wait_indirect_dma semaphore(%arg22 : memref<!tpu.dma_semaphore, #tpu.memory_space<semaphore_mem>>) src(%dma_wait3A_1147 : memref<80xf32, #tpu.memory_space<vmem>>) dst(%dma_wait3A_1152 : memref<10240xf32, #tpu.memory_space<vmem_shared>>)
    %dma_wait3A_1153 = arith.constant 1 : i32
    %dma_wait3A_1154 = arith.constant 0 : i32
    %dma_wait3A_1155 = arith.constant 0 : i32
    %dma_wait3A_1156 = tpu.memref_slice %arg12[%dma_wait3A_1153, %dma_wait3A_1155] : memref<2x80xf32, #tpu.memory_space<vmem>> -> memref<1x80xf32, #tpu.memory_space<vmem>>
    %dma_wait3A_1157 = tpu.memref_squeeze %dma_wait3A_1156 : memref<1x80xf32, #tpu.memory_space<vmem>> -> memref<80xf32, #tpu.memory_space<vmem>>
    %dma_wait3A_1158 = arith.constant 0 : i32
    %dma_wait3A_1159 = tpu.memref_slice %arg8[%dma_wait3A_1154, %dma_wait3A_1158] : memref<125x80xi32, #tpu.memory_space<vmem>> -> memref<1x80xi32, #tpu.memory_space<vmem>>
    %dma_wait3A_1160 = tpu.memref_squeeze %dma_wait3A_1159 : memref<1x80xi32, #tpu.memory_space<vmem>> -> memref<80xi32, #tpu.memory_space<vmem>>
    %dma_wait3A_1161 = arith.constant 0 : i32
    %dma_wait3A_1162 = tpu.memref_slice %arg18[%dma_wait3A_1161] : memref<10240xf32, #tpu.memory_space<vmem_shared>> -> memref<10240xf32, #tpu.memory_space<vmem_shared>>
    tpu.wait_indirect_dma semaphore(%arg23 : memref<!tpu.dma_semaphore, #tpu.memory_space<semaphore_mem>>) src(%dma_wait3A_1157 : memref<80xf32, #tpu.memory_space<vmem>>) dst(%dma_wait3A_1162 : memref<10240xf32, #tpu.memory_space<vmem_shared>>)
    %dma_wait3A_1163 = arith.constant 0 : i32
    %dma_wait3A_1164 = arith.constant 0 : i32
    %dma_wait3A_1165 = arith.constant 0 : i32
    %dma_wait3A_1166 = arith.constant 0 : i32
    %dma_wait3A_1167 = tpu.memref_slice %arg14[%dma_wait3A_1163, %dma_wait3A_1165, %dma_wait3A_1166] : memref<2x80x128xf32, #tpu.memory_space<vmem>> -> memref<1x80x128xf32, #tpu.memory_space<vmem>>
    %dma_wait3A_1168 = tpu.memref_squeeze %dma_wait3A_1167 : memref<1x80x128xf32, #tpu.memory_space<vmem>> -> memref<80x128xf32, #tpu.memory_space<vmem>>
    %dma_wait3A_1169 = arith.constant 0 : i32
    %dma_wait3A_1170 = tpu.memref_slice %arg8[%dma_wait3A_1164, %dma_wait3A_1169] : memref<125x80xi32, #tpu.memory_space<vmem>> -> memref<1x80xi32, #tpu.memory_space<vmem>>
    %dma_wait3A_1171 = tpu.memref_squeeze %dma_wait3A_1170 : memref<1x80xi32, #tpu.memory_space<vmem>> -> memref<80xi32, #tpu.memory_space<vmem>>
    %dma_wait3A_1172 = arith.constant 0 : i32
    %dma_wait3A_1173 = arith.constant 0 : i32
    %dma_wait3A_1174 = tpu.memref_slice %arg17[%dma_wait3A_1172, %dma_wait3A_1173] : memref<10240x128xf32, #tpu.memory_space<vmem_shared>> -> memref<10240x128xf32, #tpu.memory_space<vmem_shared>>
    tpu.wait_indirect_dma semaphore(%arg20 : memref<!tpu.dma_semaphore, #tpu.memory_space<semaphore_mem>>) src(%dma_wait3A_1168 : memref<80x128xf32, #tpu.memory_space<vmem>>) dst(%dma_wait3A_1174 : memref<10240x128xf32, #tpu.memory_space<vmem_shared>>)
    %dma_wait3A_1175 = arith.constant 1 : i32
    %dma_wait3A_1176 = arith.constant 0 : i32
    %dma_wait3A_1177 = arith.constant 0 : i32
    %dma_wait3A_1178 = arith.constant 0 : i32
    %dma_wait3A_1179 = tpu.memref_slice %arg14[%dma_wait3A_1175, %dma_wait3A_1177, %dma_wait3A_1178] : memref<2x80x128xf32, #tpu.memory_space<vmem>> -> memref<1x80x128xf32, #tpu.memory_space<vmem>>
    %dma_wait3A_1180 = tpu.memref_squeeze %dma_wait3A_1179 : memref<1x80x128xf32, #tpu.memory_space<vmem>> -> memref<80x128xf32, #tpu.memory_space<vmem>>
    %dma_wait3A_1181 = arith.constant 0 : i32
    %dma_wait3A_1182 = tpu.memref_slice %arg8[%dma_wait3A_1176, %dma_wait3A_1181] : memref<125x80xi32, #tpu.memory_space<vmem>> -> memref<1x80xi32, #tpu.memory_space<vmem>>
    %dma_wait3A_1183 = tpu.memref_squeeze %dma_wait3A_1182 : memref<1x80xi32, #tpu.memory_space<vmem>> -> memref<80xi32, #tpu.memory_space<vmem>>
    %dma_wait3A_1184 = arith.constant 0 : i32
    %dma_wait3A_1185 = arith.constant 0 : i32
    %dma_wait3A_1186 = tpu.memref_slice %arg17[%dma_wait3A_1184, %dma_wait3A_1185] : memref<10240x128xf32, #tpu.memory_space<vmem_shared>> -> memref<10240x128xf32, #tpu.memory_space<vmem_shared>>
    tpu.wait_indirect_dma semaphore(%arg21 : memref<!tpu.dma_semaphore, #tpu.memory_space<semaphore_mem>>) src(%dma_wait3A_1180 : memref<80x128xf32, #tpu.memory_space<vmem>>) dst(%dma_wait3A_1186 : memref<10240x128xf32, #tpu.memory_space<vmem_shared>>)
    %barrier3A_1187 = arith.constant 0 : index
    tpu.barrier barrier_id(%barrier3A_1187)
    %mul3A_1188 = arith.constant 640 : i32
    %mul3A_1189 = arith.muli %arg1, %mul3A_1188 : i32
    %mul3A_1190 = arith.constant 640 : i32
    %mul3A_1191 = arith.muli %arg1, %mul3A_1190 : i32
    "tpu.region"() ({
      %run_scoped3A_1196 = tpu.sem_alloc : memref<!tpu.dma_semaphore, #tpu.memory_space<semaphore_mem>>
      %dma_start3A_1197 = arith.constant 0 : i32
      %dma_start3A_1198 = tpu.memref_slice %arg6[%arg0, %mul3A_1191, %dma_start3A_1197] : memref<2x10240x128xf32, #tpu.memory_space<hbm>> -> memref<1x640x128xf32, #tpu.memory_space<hbm>>
      %dma_start3A_1199 = tpu.memref_squeeze %dma_start3A_1198 : memref<1x640x128xf32, #tpu.memory_space<hbm>> -> memref<640x128xf32, #tpu.memory_space<hbm>>
      %dma_start3A_1200 = arith.constant 0 : i32
      %dma_start3A_1201 = tpu.memref_slice %arg17[%mul3A_1189, %dma_start3A_1200] : memref<10240x128xf32, #tpu.memory_space<vmem_shared>> -> memref<640x128xf32, #tpu.memory_space<vmem_shared>>
      tpu.enqueue_dma source(%dma_start3A_1201 : memref<640x128xf32, #tpu.memory_space<vmem_shared>>) target(%dma_start3A_1199 : memref<640x128xf32, #tpu.memory_space<hbm>>) target_semaphore(%run_scoped3A_1196 : memref<!tpu.dma_semaphore, #tpu.memory_space<semaphore_mem>>)
      %dma_wait3A_1202 = arith.constant 0 : i32
      %dma_wait3A_1203 = tpu.memref_slice %arg6[%arg0, %mul3A_1191, %dma_wait3A_1202] : memref<2x10240x128xf32, #tpu.memory_space<hbm>> -> memref<1x640x128xf32, #tpu.memory_space<hbm>>
      %dma_wait3A_1204 = tpu.memref_squeeze %dma_wait3A_1203 : memref<1x640x128xf32, #tpu.memory_space<hbm>> -> memref<640x128xf32, #tpu.memory_space<hbm>>
      %dma_wait3A_1205 = arith.constant 0 : i32
      %dma_wait3A_1206 = tpu.memref_slice %arg17[%mul3A_1189, %dma_wait3A_1205] : memref<10240x128xf32, #tpu.memory_space<vmem_shared>> -> memref<640x128xf32, #tpu.memory_space<vmem_shared>>
      tpu.wait_dma2 semaphore(%run_scoped3A_1196 : memref<!tpu.dma_semaphore, #tpu.memory_space<semaphore_mem>>) src(%dma_wait3A_1206 : memref<640x128xf32, #tpu.memory_space<vmem_shared>>) dst(%dma_wait3A_1204 : memref<640x128xf32, #tpu.memory_space<hbm>>)
      tpu.yield
    }) : () -> ()
    %mul3A_1192 = arith.constant 640 : i32
    %mul3A_1193 = arith.muli %arg1, %mul3A_1192 : i32
    %mul3A_1194 = arith.constant 640 : i32
    %mul3A_1195 = arith.muli %arg1, %mul3A_1194 : i32
    "tpu.region"() ({
      %run_scoped3A_1196 = tpu.sem_alloc : memref<!tpu.dma_semaphore, #tpu.memory_space<semaphore_mem>>
      %dma_start3A_1197 = tpu.memref_slice %arg7[%arg0, %mul3A_1195] : memref<2x10240xf32, #tpu.memory_space<hbm>> -> memref<1x640xf32, #tpu.memory_space<hbm>>
      %dma_start3A_1198 = tpu.memref_squeeze %dma_start3A_1197 : memref<1x640xf32, #tpu.memory_space<hbm>> -> memref<640xf32, #tpu.memory_space<hbm>>
      %dma_start3A_1199 = tpu.memref_slice %arg18[%mul3A_1193] : memref<10240xf32, #tpu.memory_space<vmem_shared>> -> memref<640xf32, #tpu.memory_space<vmem_shared>>
      tpu.enqueue_dma source(%dma_start3A_1199 : memref<640xf32, #tpu.memory_space<vmem_shared>>) target(%dma_start3A_1198 : memref<640xf32, #tpu.memory_space<hbm>>) target_semaphore(%run_scoped3A_1196 : memref<!tpu.dma_semaphore, #tpu.memory_space<semaphore_mem>>)
      %dma_wait3A_1200 = tpu.memref_slice %arg7[%arg0, %mul3A_1195] : memref<2x10240xf32, #tpu.memory_space<hbm>> -> memref<1x640xf32, #tpu.memory_space<hbm>>
      %dma_wait3A_1201 = tpu.memref_squeeze %dma_wait3A_1200 : memref<1x640xf32, #tpu.memory_space<hbm>> -> memref<640xf32, #tpu.memory_space<hbm>>
      %dma_wait3A_1202 = tpu.memref_slice %arg18[%mul3A_1193] : memref<10240xf32, #tpu.memory_space<vmem_shared>> -> memref<640xf32, #tpu.memory_space<vmem_shared>>
      tpu.wait_dma2 semaphore(%run_scoped3A_1196 : memref<!tpu.dma_semaphore, #tpu.memory_space<semaphore_mem>>) src(%dma_wait3A_1202 : memref<640xf32, #tpu.memory_space<vmem_shared>>) dst(%dma_wait3A_1201 : memref<640xf32, #tpu.memory_space<hbm>>)
      tpu.yield
    }) : () -> ()
    return
  }
}

module attributes {stable_mosaic.version = 14 : i64} {
  func.func @_prep_body(%arg0: i32, %arg1: memref<1000x128xf32, #tpu.memory_space<vmem>>, %arg2: memref<128x128xf32, #tpu.memory_space<vmem>>, %arg3: memref<1x256xf32, #tpu.memory_space<vmem>>, %arg4: memref<1000x128xbf16, #tpu.memory_space<vmem>>, %arg5: memref<1000x2xf32, #tpu.memory_space<vmem>>) attributes {dimension_semantics = [#tpu.dimension_semantics<arbitrary>], iteration_bounds = array<i64: 10>, scalar_prefetch = 0 : i64, scratch_operands = 0 : i64, tpu.core_type = #tpu.core_type<tc>, window_params = [{transform_indices = @transform_0, window_bounds = array<i64: 1000, 128>}, {pipeline_mode = #tpu.pipeline_mode<synchronous>, transform_indices = @transform_1, window_bounds = array<i64: 128, 128>}, {pipeline_mode = #tpu.pipeline_mode<synchronous>, transform_indices = @transform_2, window_bounds = array<i64: 1, 256>}, {transform_indices = @transform_3, window_bounds = array<i64: 1000, 128>}, {transform_indices = @transform_4, window_bounds = array<i64: 1000, 2>}]} {
    %get3A = arith.constant 0 : index
    %get3A_0 = arith.constant 0 : index
    %get3A_1 = vector.load %arg1[%get3A, %get3A_0] : memref<1000x128xf32, #tpu.memory_space<vmem>>, vector<1000x128xf32>
    %get3A_2 = arith.constant 0 : index
    %get3A_3 = arith.constant 0 : index
    %get3A_4 = vector.load %arg2[%get3A_2, %get3A_3] : memref<128x128xf32, #tpu.memory_space<vmem>>, vector<128x128xf32>
    %dot_general3A = arith.constant dense<0.000000e+00> : vector<1000x128xf32>
    %dot_general3A_5 = tpu.matmul %get3A_1, %get3A_4, %dot_general3A {dimension_numbers = #tpu.dot_dimension_numbers<[1], [0], [0], [1], [0, 0, 1, 1], [], []>, transpose_lhs_hint = false} : vector<1000x128xf32>, vector<128x128xf32>, vector<1000x128xf32> -> vector<1000x128xf32>
    %get3A_6 = arith.constant 0 : index
    %get3A_7 = arith.constant 0 : index
    %get3A_8 = vector.load %arg3[%get3A_6, %get3A_7] : memref<1x256xf32, #tpu.memory_space<vmem>>, vector<1x256xf32>
    %reshape3A = vector.shape_cast %get3A_8 : vector<1x256xf32> to vector<2x128xf32>
    %dot_general3A_9 = arith.constant dense<0.000000e+00> : vector<1000x2xf32>
    %dot_general3A_10 = tpu.matmul %dot_general3A_5, %reshape3A, %dot_general3A_9 {dimension_numbers = #tpu.dot_dimension_numbers<[1], [1], [0], [0], [0, 0, 1, 0], [], []>, transpose_lhs_hint = false} : vector<1000x128xf32>, vector<2x128xf32>, vector<1000x2xf32> -> vector<1000x2xf32>
    %swap3A = arith.constant 0 : index
    %swap3A_11 = arith.constant 0 : index
    %swap3A_12 = vector.load %arg5[%swap3A, %swap3A_11] : memref<1000x2xf32, #tpu.memory_space<vmem>>, vector<1000x2xf32>
    tpu.vector_store %arg5[%swap3A, %swap3A_11], %dot_general3A_10 {strides = array<i32>} : memref<1000x2xf32, #tpu.memory_space<vmem>>, vector<1000x2xf32>,
    %iota3A = tpu.iota {dimensions = array<i32: 0>} : vector<128x128xi32>
    %iota3A_13 = tpu.iota {dimensions = array<i32: 1>} : vector<128x128xi32>
    %jit3A = arith.constant 32 : i32
    %div3A = vector.broadcast %jit3A : i32 to vector<128x128xi32>
    %div3A_14 = arith.divsi %iota3A_13, %div3A : vector<128x128xi32>
    %sign3A = arith.constant 0 : i32
    %sign3A_15 = vector.broadcast %sign3A : i32 to vector<128x128xi32>
    %sign3A_16 = arith.cmpi sgt, %iota3A_13, %sign3A_15 : vector<128x128xi32>
    %sign3A_17 = arith.extui %sign3A_16 : vector<128x128xi1> to vector<128x128xi32>
    %sign3A_18 = arith.constant 0 : i32
    %sign3A_19 = vector.broadcast %sign3A_18 : i32 to vector<128x128xi32>
    %sign3A_20 = arith.cmpi slt, %iota3A_13, %sign3A_19 : vector<128x128xi32>
    %sign3A_21 = arith.extui %sign3A_20 : vector<128x128xi1> to vector<128x128xi32>
    %sign3A_22 = arith.subi %sign3A_17, %sign3A_21 : vector<128x128xi32>
    %sign3A_23 = arith.constant 0 : i32
    %sign3A_24 = arith.cmpi sgt, %jit3A, %sign3A_23 : i32
    %sign3A_25 = arith.extui %sign3A_24 : i1 to i32
    %sign3A_26 = arith.constant 0 : i32
    %sign3A_27 = arith.cmpi slt, %jit3A, %sign3A_26 : i32
    %sign3A_28 = arith.extui %sign3A_27 : i1 to i32
    %sign3A_29 = arith.subi %sign3A_25, %sign3A_28 : i32
    %ne3A = vector.broadcast %sign3A_29 : i32 to vector<128x128xi32>
    %ne3A_30 = arith.cmpi ne, %sign3A_22, %ne3A : vector<128x128xi32>
    %rem3A = vector.broadcast %jit3A : i32 to vector<128x128xi32>
    %rem3A_31 = arith.remsi %iota3A_13, %rem3A : vector<128x128xi32>
    %ne3A_32 = arith.constant 0 : i32
    %ne3A_33 = vector.broadcast %ne3A_32 : i32 to vector<128x128xi32>
    %ne3A_34 = arith.cmpi ne, %rem3A_31, %ne3A_33 : vector<128x128xi32>
    %and3A = arith.andi %ne3A_30, %ne3A_34 : vector<128x128xi1>
    %sub3A = arith.constant 1 : i32
    %sub3A_35 = vector.broadcast %sub3A : i32 to vector<128x128xi32>
    %sub3A_36 = arith.subi %div3A_14, %sub3A_35 : vector<128x128xi32>
    %select_n3A = arith.select %and3A, %sub3A_36, %div3A_14 : vector<128x128xi1>, vector<128x128xi32>
    %mul3A = arith.constant 32 : i32
    %mul3A_37 = vector.broadcast %mul3A : i32 to vector<128x128xi32>
    %mul3A_38 = arith.muli %select_n3A, %mul3A_37 : vector<128x128xi32>
    %jit3A_39 = arith.constant 2 : i32
    %eq3A = arith.constant 0 : i32
    %eq3A_40 = arith.cmpi eq, %jit3A_39, %eq3A : i32
    %jit3A_41 = arith.constant 1 : i32
    %select_n3A_42 = arith.select %eq3A_40, %jit3A_41, %jit3A_39 : i32
    %rem3A_43 = vector.broadcast %select_n3A_42 : i32 to vector<128x128xi32>
    %rem3A_44 = arith.remsi %iota3A_13, %rem3A_43 : vector<128x128xi32>
    %ne3A_45 = arith.constant 0 : i32
    %ne3A_46 = vector.broadcast %ne3A_45 : i32 to vector<128x128xi32>
    %ne3A_47 = arith.cmpi ne, %rem3A_44, %ne3A_46 : vector<128x128xi32>
    %lt3A = arith.constant 0 : i32
    %lt3A_48 = vector.broadcast %lt3A : i32 to vector<128x128xi32>
    %lt3A_49 = arith.cmpi slt, %rem3A_44, %lt3A_48 : vector<128x128xi32>
    %lt3A_50 = arith.constant 0 : i32
    %lt3A_51 = arith.cmpi slt, %select_n3A_42, %lt3A_50 : i32
    %ne3A_52 = vector.broadcast %lt3A_51 : i1 to vector<128x128xi1>
    %ne3A_53 = vector.broadcast %ne3A_52 : vector<128x128xi1> to vector<128x128xi1>
    %ne3A_54 = arith.xori %lt3A_49, %ne3A_53 : vector<128x128xi1>
    %and3A_55 = arith.andi %ne3A_54, %ne3A_47 : vector<128x128xi1>
    %add3A = vector.broadcast %select_n3A_42 : i32 to vector<128x128xi32>
    %add3A_56 = arith.addi %rem3A_44, %add3A : vector<128x128xi32>
    %select_n3A_57 = arith.select %and3A_55, %add3A_56, %rem3A_44 : vector<128x128xi1>, vector<128x128xi32>
    %mul3A_58 = arith.constant 16 : i32
    %mul3A_59 = vector.broadcast %mul3A_58 : i32 to vector<128x128xi32>
    %mul3A_60 = arith.muli %select_n3A_57, %mul3A_59 : vector<128x128xi32>
    %add3A_61 = arith.addi %mul3A_38, %mul3A_60 : vector<128x128xi32>
    %jit3A_62 = arith.constant 32 : i32
    %eq3A_63 = arith.constant 0 : i32
    %eq3A_64 = arith.cmpi eq, %jit3A_62, %eq3A_63 : i32
    %jit3A_65 = arith.constant 1 : i32
    %select_n3A_66 = arith.select %eq3A_64, %jit3A_65, %jit3A_62 : i32
    %rem3A_67 = vector.broadcast %select_n3A_66 : i32 to vector<128x128xi32>
    %rem3A_68 = arith.remsi %iota3A_13, %rem3A_67 : vector<128x128xi32>
    %ne3A_69 = arith.constant 0 : i32
    %ne3A_70 = vector.broadcast %ne3A_69 : i32 to vector<128x128xi32>
    %ne3A_71 = arith.cmpi ne, %rem3A_68, %ne3A_70 : vector<128x128xi32>
    %lt3A_72 = arith.constant 0 : i32
    %lt3A_73 = vector.broadcast %lt3A_72 : i32 to vector<128x128xi32>
    %lt3A_74 = arith.cmpi slt, %rem3A_68, %lt3A_73 : vector<128x128xi32>
    %lt3A_75 = arith.constant 0 : i32
    %lt3A_76 = arith.cmpi slt, %select_n3A_66, %lt3A_75 : i32
    %ne3A_77 = vector.broadcast %lt3A_76 : i1 to vector<128x128xi1>
    %ne3A_78 = vector.broadcast %ne3A_77 : vector<128x128xi1> to vector<128x128xi1>
    %ne3A_79 = arith.xori %lt3A_74, %ne3A_78 : vector<128x128xi1>
    %and3A_80 = arith.andi %ne3A_79, %ne3A_71 : vector<128x128xi1>
    %add3A_81 = vector.broadcast %select_n3A_66 : i32 to vector<128x128xi32>
    %add3A_82 = arith.addi %rem3A_68, %add3A_81 : vector<128x128xi32>
    %select_n3A_83 = arith.select %and3A_80, %add3A_82, %rem3A_68 : vector<128x128xi1>, vector<128x128xi32>
    %jit3A_84 = arith.constant 2 : i32
    %div3A_85 = vector.broadcast %jit3A_84 : i32 to vector<128x128xi32>
    %div3A_86 = arith.divsi %select_n3A_83, %div3A_85 : vector<128x128xi32>
    %sign3A_87 = arith.constant 0 : i32
    %sign3A_88 = vector.broadcast %sign3A_87 : i32 to vector<128x128xi32>
    %sign3A_89 = arith.cmpi sgt, %select_n3A_83, %sign3A_88 : vector<128x128xi32>
    %sign3A_90 = arith.extui %sign3A_89 : vector<128x128xi1> to vector<128x128xi32>
    %sign3A_91 = arith.constant 0 : i32
    %sign3A_92 = vector.broadcast %sign3A_91 : i32 to vector<128x128xi32>
    %sign3A_93 = arith.cmpi slt, %select_n3A_83, %sign3A_92 : vector<128x128xi32>
    %sign3A_94 = arith.extui %sign3A_93 : vector<128x128xi1> to vector<128x128xi32>
    %sign3A_95 = arith.subi %sign3A_90, %sign3A_94 : vector<128x128xi32>
    %sign3A_96 = arith.constant 0 : i32
    %sign3A_97 = arith.cmpi sgt, %jit3A_84, %sign3A_96 : i32
    %sign3A_98 = arith.extui %sign3A_97 : i1 to i32
    %sign3A_99 = arith.constant 0 : i32
    %sign3A_100 = arith.cmpi slt, %jit3A_84, %sign3A_99 : i32
    %sign3A_101 = arith.extui %sign3A_100 : i1 to i32
    %sign3A_102 = arith.subi %sign3A_98, %sign3A_101 : i32
    %ne3A_103 = vector.broadcast %sign3A_102 : i32 to vector<128x128xi32>
    %ne3A_104 = arith.cmpi ne, %sign3A_95, %ne3A_103 : vector<128x128xi32>
    %rem3A_105 = vector.broadcast %jit3A_84 : i32 to vector<128x128xi32>
    %rem3A_106 = arith.remsi %select_n3A_83, %rem3A_105 : vector<128x128xi32>
    %ne3A_107 = arith.constant 0 : i32
    %ne3A_108 = vector.broadcast %ne3A_107 : i32 to vector<128x128xi32>
    %ne3A_109 = arith.cmpi ne, %rem3A_106, %ne3A_108 : vector<128x128xi32>
    %and3A_110 = arith.andi %ne3A_104, %ne3A_109 : vector<128x128xi1>
    %sub3A_111 = arith.constant 1 : i32
    %sub3A_112 = vector.broadcast %sub3A_111 : i32 to vector<128x128xi32>
    %sub3A_113 = arith.subi %div3A_86, %sub3A_112 : vector<128x128xi32>
    %select_n3A_114 = arith.select %and3A_110, %sub3A_113, %div3A_86 : vector<128x128xi1>, vector<128x128xi32>
    %add3A_115 = arith.addi %add3A_61, %select_n3A_114 : vector<128x128xi32>
    %eq3A_116 = arith.cmpi eq, %iota3A, %add3A_115 : vector<128x128xi32>
    %jit3A_117 = arith.constant 1.000000e+00 : f32
    %jit3A_118 = arith.constant 0.000000e+00 : f32
    %broadcast_in_dim3A = vector.broadcast %jit3A_117 : f32 to vector<128x128xf32>
    %broadcast_in_dim3A_119 = vector.broadcast %jit3A_118 : f32 to vector<128x128xf32>
    %select_n3A_120 = arith.select %eq3A_116, %broadcast_in_dim3A, %broadcast_in_dim3A_119 : vector<128x128xi1>, vector<128x128xf32>
    %dot_general3A_121 = arith.constant dense<0.000000e+00> : vector<1000x128xf32>
    %dot_general3A_122 = tpu.matmul %dot_general3A_5, %select_n3A_120, %dot_general3A_121 {dimension_numbers = #tpu.dot_dimension_numbers<[1], [0], [0], [1], [0, 0, 1, 1], [], []>, transpose_lhs_hint = false} : vector<1000x128xf32>, vector<128x128xf32>, vector<1000x128xf32> -> vector<1000x128xf32>
    %convert_element_type3A = arith.truncf %dot_general3A_122 : vector<1000x128xf32> to vector<1000x128xbf16>
    %swap3A_123 = arith.constant 0 : index
    %swap3A_124 = arith.constant 0 : index
    %swap3A_125 = vector.load %arg4[%swap3A_123, %swap3A_124] : memref<1000x128xbf16, #tpu.memory_space<vmem>>, vector<1000x128xbf16>
    tpu.vector_store %arg4[%swap3A_123, %swap3A_124], %convert_element_type3A {strides = array<i32>} : memref<1000x128xbf16, #tpu.memory_space<vmem>>, vector<1000x128xbf16>,
    return
  }
  func.func @transform_0(%arg0: i32) -> (i32, i32) {
    %c0_i32 = arith.constant 0 : i32
    %c0_i32_0 = arith.constant 0 : i32
    return %arg0, %c0_i32 : i32, i32
  }
  func.func @transform_1(%arg0: i32) -> (i32, i32) {
    %c0_i32 = arith.constant 0 : i32
    %c0_i32_0 = arith.constant 0 : i32
    %c0_i32_1 = arith.constant 0 : i32
    return %c0_i32, %c0_i32_0 : i32, i32
  }
  func.func @transform_2(%arg0: i32) -> (i32, i32) {
    %c0_i32 = arith.constant 0 : i32
    %c0_i32_0 = arith.constant 0 : i32
    %c0_i32_1 = arith.constant 0 : i32
    return %c0_i32, %c0_i32_0 : i32, i32
  }
  func.func @transform_3(%arg0: i32) -> (i32, i32) {
    %c0_i32 = arith.constant 0 : i32
    %c0_i32_0 = arith.constant 0 : i32
    return %arg0, %c0_i32 : i32, i32
  }
  func.func @transform_4(%arg0: i32) -> (i32, i32) {
    %c0_i32 = arith.constant 0 : i32
    %c0_i32_0 = arith.constant 0 : i32
    return %arg0, %c0_i32 : i32, i32
  }
}

module attributes {stable_mosaic.version = 14 : i64} {
  func.func @_combine_body(%arg0: i32, %arg1: memref<2x1024x128xf32, #tpu.memory_space<vmem>>, %arg2: memref<2x1024xf32, #tpu.memory_space<vmem>>, %arg3: memref<1024x128xf32, #tpu.memory_space<vmem>>) attributes {dimension_semantics = [#tpu.dimension_semantics<arbitrary>], iteration_bounds = array<i64: 10>, scalar_prefetch = 0 : i64, scratch_operands = 0 : i64, tpu.core_type = #tpu.core_type<tc>, window_params = [{transform_indices = @transform_0, window_bounds = array<i64: 2, 1024, 128>}, {transform_indices = @transform_1, window_bounds = array<i64: 2, 1024>}, {transform_indices = @transform_2, window_bounds = array<i64: 1024, 128>}]} {
    %get3A = arith.constant 0 : index
    %get3A_0 = arith.constant 0 : index
    %get3A_1 = arith.constant 0 : index
    %get3A_2 = vector.load %arg1[%get3A, %get3A_0, %get3A_1] : memref<2x1024x128xf32, #tpu.memory_space<vmem>>, vector<1x1024x128xf32>
    %get3A_3 = vector.shape_cast %get3A_2 : vector<1x1024x128xf32> to vector<1024x128xf32>
    %get3A_4 = arith.constant 1 : index
    %get3A_5 = arith.constant 0 : index
    %get3A_6 = arith.constant 0 : index
    %get3A_7 = vector.load %arg1[%get3A_4, %get3A_5, %get3A_6] : memref<2x1024x128xf32, #tpu.memory_space<vmem>>, vector<1x1024x128xf32>
    %get3A_8 = vector.shape_cast %get3A_7 : vector<1x1024x128xf32> to vector<1024x128xf32>
    %add3A = arith.addf %get3A_3, %get3A_8 : vector<1024x128xf32>
    %get3A_9 = arith.constant 0 : index
    %get3A_10 = arith.constant 0 : index
    %get3A_11 = vector.load %arg2[%get3A_9, %get3A_10] : memref<2x1024xf32, #tpu.memory_space<vmem>>, vector<1x1024xf32>
    %get3A_12 = vector.shape_cast %get3A_11 : vector<1x1024xf32> to vector<1024xf32>
    %get3A_13 = arith.constant 1 : index
    %get3A_14 = arith.constant 0 : index
    %get3A_15 = vector.load %arg2[%get3A_13, %get3A_14] : memref<2x1024xf32, #tpu.memory_space<vmem>>, vector<1x1024xf32>
    %get3A_16 = vector.shape_cast %get3A_15 : vector<1x1024xf32> to vector<1024xf32>
    %add3A_17 = arith.addf %get3A_12, %get3A_16 : vector<1024xf32>
    %gt3A = arith.constant 0.000000e+00 : f32
    %gt3A_18 = vector.broadcast %gt3A : f32 to vector<1024xf32>
    %gt3A_19 = arith.cmpf ogt, %add3A_17, %gt3A_18 : vector<1024xf32>
    %jit3A = arith.constant 1.000000e+00 : f32
    %broadcast_in_dim3A = vector.broadcast %jit3A : f32 to vector<1024xf32>
    %select_n3A = arith.select %gt3A_19, %add3A_17, %broadcast_in_dim3A : vector<1024xi1>, vector<1024xf32>
    %broadcast_in_dim3A_20 = vector.shape_cast %select_n3A : vector<1024xf32> to vector<1024x1xf32>
    %div3A = vector.broadcast %broadcast_in_dim3A_20 : vector<1024x1xf32> to vector<1024x128xf32>
    %div3A_21 = arith.divf %add3A, %div3A : vector<1024x128xf32>
    %gt3A_22 = arith.constant 0.000000e+00 : f32
    %gt3A_23 = vector.broadcast %gt3A_22 : f32 to vector<1024x128xf32>
    %gt3A_24 = arith.cmpf ogt, %div3A_21, %gt3A_23 : vector<1024x128xf32>
    %min3A = arith.constant 0.000000e+00 : f32
    %min3A_25 = vector.broadcast %min3A : f32 to vector<1024x128xf32>
    %min3A_26 = arith.minimumf %div3A_21, %min3A_25 : vector<1024x128xf32>
    %exp3A = math.exp %min3A_26 : vector<1024x128xf32>
    %sub3A = arith.constant 1.000000e+00 : f32
    %sub3A_27 = vector.broadcast %sub3A : f32 to vector<1024x128xf32>
    %sub3A_28 = arith.subf %exp3A, %sub3A_27 : vector<1024x128xf32>
    %select_n3A_29 = arith.select %gt3A_24, %div3A_21, %sub3A_28 : vector<1024x128xi1>, vector<1024x128xf32>
    %swap3A = arith.constant 0 : index
    %swap3A_30 = arith.constant 0 : index
    %swap3A_31 = vector.load %arg3[%swap3A, %swap3A_30] : memref<1024x128xf32, #tpu.memory_space<vmem>>, vector<1024x128xf32>
    tpu.vector_store %arg3[%swap3A, %swap3A_30], %select_n3A_29 {strides = array<i32>} : memref<1024x128xf32, #tpu.memory_space<vmem>>, vector<1024x128xf32>,
    return
  }
  func.func @transform_0(%arg0: i32) -> (i32, i32, i32) {
    %c0_i32 = arith.constant 0 : i32
    %c0_i32_0 = arith.constant 0 : i32
    %c0_i32_1 = arith.constant 0 : i32
    return %c0_i32, %arg0, %c0_i32_0 : i32, i32, i32
  }
  func.func @transform_1(%arg0: i32) -> (i32, i32) {
    %c0_i32 = arith.constant 0 : i32
    %c0_i32_0 = arith.constant 0 : i32
    return %c0_i32, %arg0 : i32, i32
  }
  func.func @transform_2(%arg0: i32) -> (i32, i32) {
    %c0_i32 = arith.constant 0 : i32
    %c0_i32_0 = arith.constant 0 : i32
    return %arg0, %c0_i32 : i32, i32
  }
}

</mosaic_0001>

<sc_bundles>
// kernel: kernel.5.cloned.1.call-start
scs
__scs_entry_jumppad:
0x0: {  	(pc) =	sbr.rel $0x88, $3  }
0x1: {  	(tag) =	ssettag $0x0;
	lr =	simm.s32 $0x1  }
0x2: {  	[smem:$0x3F9D] =	sst lr;
	_ =	strace $0xD0000000  }
0x3: {  	_ = 	snop  }
0x4: {  	_ = 	snop  }
0x5: {  	_ = 	snop  }
0x6: {  	_ = 	snop  }
0x7: {  	_ = 	snop  }
__scs_overlays_trampoline_lowered:
0x8: {  	[smem:$0x3FAC] =	sst s0  }
0x9: {  	[smem:$0x3FAD] =	sst s1  }
0xa: {  	[smem:$0x3FAE] =	sst s2  }
0xb: {  	[smem:$0x3FAF] =	sst s3  }
0xc: {  	[smem:$0x3FB0] =	sst s4  }
0xd: {  	[smem:$0x3FB1] =	sst s5  }
0xe: {  	[smem:$0x3FB2] =	sst s6  }
0xf: {  	[smem:$0x3FB3] =	sst s7  }
0x10: {  	[smem:$0x3FB4] =	sst s8  }
0x11: {  	[smem:$0x3FB5] =	sst s9;
	s0 =	simm.s32 @!p0 $0x0  }
0x12: {  	s1 =	sld [smem:$0x3F9B];
	s0 =	simm.s32 @p0 $0x1  }
0x13: {  	[smem:$0x3FB6] =	sst s0;
	s0 =	simm.s32 @!p1 $0x0  }
0x14: {  	s2 =	sld [smem:$0x3F9A];
	s0 =	simm.s32 @p1 $0x1  }
0x15: {  	[smem:$0x3FB7] =	sst s0;
	s0 =	simm.s32 @!p2 $0x0  }
0x16: {  	s3 =	sld [smem:$0x3FDB];
	s0 =	simm.s32 @p2 $0x1  }
0x17: {  	s4 =	simm.s32 $0x1BF5;
	[smem:$0x3FB9] =	sst s0  }
0x18: {  	s0 =	sld [smem:$0x3F9C];
	_ =	swait.ge [sflag:s4], $0x0  }
0x19: {  	s7 =	sld [smem:$0x3F9D]  }
0x1a: {  	s8 =	sadd.s32 $0xFFFFE003, lr  }
0x1b: {  	s9 =	sadd.s32 $0xFFFFFEF7, lr;
	s5 =	simm.s32 $0xFFFFFFFF;
	p2 =	slt.u32 s8, $0xFFFFF086  }
0x1c: {  	p1 =	slt.u32 s9, $0xF7A;
	s5 =	simm.s32 @!p2 $0x0  }
0x1d: {  	s5 =	simm.s32 @p1 $0x1;
	p0 =	seq.s32 s7, s2  }
0x1e: {  	s7 =	smul.u32 @!p0 $0xF7A, s2;
	p2 =	seq.s32 @!p0 s5, $0x0  }
0x1f: {  	s9 =	smul.u32 $0xF7A, s1;
	s8 =	simm.s32 @!p0 $0x1BF5;
	p2 =	por !p2, p0  }
0x20: {  	[sflag:s8] =	ssyncset.s32 @!p0 $0xFFFFF086;
	s6 =	sadd.s32 @!p0 s3, s7;
	s7 =	simm.s32 @!p0 $0x108  }
0x21: {  	s3 =	sadd.s32 s3, s9;
	s6 =	sadd.s32 @!p0 $0x88, s6;
	s7 =	simm.s32 @p2 $0x1082  }
0x22: {  	[simem:s7], [sflag:s8] =	dma.local @!p0 [hbm:s6], $0xF7A  }
0x23: {  	s9 =	sor.u32 $0xD0000000, s2;
	s6 =	simm.s32 $0x108;
	_ =	swait.ge @!p0 [sflag:s8], $0x0  }
0x24: {  	s3 =	sadd.s32 $0x88, s3;
	s6 =	simm.s32 @!p1 $0x1082;
	[sflag:s4] =	ssyncset.s32 $0xFFFFF086  }
0x25: {  	[simem:s6], [sflag:s4] =	dma.local [hbm:s3], $0xF7A  }
0x26: {  	[smem:$0x3F9D] =	sst s1;
	(tag) =	ssettag s2;
	_ =	strace s9  }
0x27: {  	s1 =	sld [smem:$0x3FAD]  }
0x28: {  	s2 =	sld [smem:$0x3FAE]  }
0x29: {  	s4 =	sld [smem:$0x3FB0]  }
0x2a: {  	p0 =	seq.s32 s5, $0x0;
	s5 =	sld [smem:$0x3FB1]  }
0x2b: {  	s6 =	sld [smem:$0x3FB2]  }
0x2c: {  	s7 =	sld [smem:$0x3FB3]  }
0x2d: {  	s3 =	simm.s32 $0x108;
	s8 =	sld [smem:$0x3FB4]  }
0x2e: {  	s3 =	simm.s32 @!p0 $0x1082;
	s9 =	sld [smem:$0x3FB5]  }
0x2f: {  	lr =	sadd.s32 s0, s3;
	s0 =	sld [smem:$0x3FAC]  }
0x30: {  	s3 =	sld [smem:$0x3FAF]  }
0x31: {  	[smem:$0x3FB8] =	sst s10  }
0x32: {  	s10 =	sld [smem:$0x3FB6];
	_ =	sdelay $0x3  }
0x33: {  	p0 =	seq.s32 s10, $0x1;
	s10 =	sld [smem:$0x3FB8];
	_ =	sdelay $0x3  }
0x34: {  	[smem:$0x3FB8] =	sst s10  }
0x35: {  	s10 =	sld [smem:$0x3FB7];
	_ =	sdelay $0x3  }
0x36: {  	p1 =	seq.s32 s10, $0x1;
	s10 =	sld [smem:$0x3FB8];
	_ =	sdelay $0x3  }
0x37: {  	[smem:$0x3FB8] =	sst s10  }
0x38: {  	s10 =	sld [smem:$0x3FB9]  }
0x39: {  	_ = 	snop;
	(pc) =	sbr.ind lr, $3  }
0x3a: {  	_ = 	snop  }
0x3b: {  	_ = 	snop  }
0x3c: {  	p2 =	seq.s32 s10, $0x1;
	s10 =	sld [smem:$0x3FB8]  }
0x3d: {  	_ =	shalt  }
0x3e: {  	_ =	shalt  }
0x3f: {  	_ =	shalt  }
0x40: {  	_ =	shalt  }
0x41: {  	_ =	shalt  }
0x42: {  	_ =	shalt  }
0x43: {  	_ =	shalt  }
0x44: {  	_ =	shalt  }
0x45: {  	_ =	shalt  }
0x46: {  	_ =	shalt  }
0x47: {  	_ =	shalt  }
0x48: {  	_ =	shalt  }
0x49: {  	_ =	shalt  }
0x4a: {  	_ =	shalt  }
0x4b: {  	_ =	shalt  }
0x4c: {  	_ =	shalt  }
0x4d: {  	_ =	shalt  }
0x4e: {  	_ =	shalt  }
0x4f: {  	_ =	shalt  }
0x50: {  	_ =	shalt  }
0x51: {  	_ =	shalt  }
0x52: {  	_ =	shalt  }
0x53: {  	_ =	shalt  }
0x54: {  	_ =	shalt  }
0x55: {  	_ =	shalt  }
0x56: {  	_ =	shalt  }
0x57: {  	_ =	shalt  }
0x58: {  	_ =	shalt  }
0x59: {  	_ =	shalt  }
0x5a: {  	_ =	shalt  }
0x5b: {  	_ =	shalt  }
0x5c: {  	_ =	shalt  }
0x5d: {  	_ =	shalt  }
0x5e: {  	_ =	shalt  }
0x5f: {  	_ =	shalt  }
0x60: {  	_ =	shalt  }
0x61: {  	_ =	shalt  }
0x62: {  	_ =	shalt  }
0x63: {  	_ =	shalt  }
0x64: {  	_ =	shalt  }
0x65: {  	_ =	shalt  }
0x66: {  	_ =	shalt  }
0x67: {  	_ =	shalt  }
0x68: {  	_ =	shalt  }
0x69: {  	_ =	shalt  }
0x6a: {  	_ =	shalt  }
0x6b: {  	_ =	shalt  }
0x6c: {  	_ =	shalt  }
0x6d: {  	_ =	shalt  }
0x6e: {  	_ =	shalt  }
0x6f: {  	_ =	shalt  }
0x70: {  	_ =	shalt  }
0x71: {  	_ =	shalt  }
0x72: {  	_ =	shalt  }
0x73: {  	_ =	shalt  }
0x74: {  	_ =	shalt  }
0x75: {  	_ =	shalt  }
0x76: {  	_ =	shalt  }
0x77: {  	_ =	shalt  }
0x78: {  	_ =	shalt  }
0x79: {  	_ =	shalt  }
0x7a: {  	_ =	shalt  }
0x7b: {  	_ =	shalt  }
0x7c: {  	_ =	shalt  }
0x7d: {  	_ =	shalt  }
0x7e: {  	_ =	shalt  }
0x7f: {  	_ =	shalt  }
0x80: {  	_ =	shalt  }
0x81: {  	_ =	shalt  }
0x82: {  	_ =	shalt  }
0x83: {  	_ =	shalt  }
0x84: {  	_ =	shalt  }
0x85: {  	_ =	shalt  }
0x86: {  	_ =	shalt  }
0x87: {  	_ =	shalt  }
.Lfunc_end0:
.L_simem_size_0:
called_computation_lowered:
.L_overlay_start_0:
0x88: {  	s2 =	sld [smem:$0x3FD9]  }
0x89: {  	s3 =	sld [smem:$0x3FFE];
	_ =	sdelay $0x1  }
0x8a: {  	s1 =	srdreg.scid  }
0x8b: {  	s0 =	sand.u32 $0x1, s1  }
0x8c: {  	s17 =	sshll.u32 s0, $0xA;
	s2 =	sadd.s32 s3, s2  }
0x8d: {  	s2 =	sadd.s32 s2, s17  }
0x8e: {  	[smem:$0x3FC4] =	sst s2  }
0x8f: {  	_ = 	snop  }
0x90: {  	s2 =	sld [smem:$0x3FD0];
	(tm) =	ssettm $0x1  }
0x91: {  	s18 =	sld [smem:$0x3FFB];
	_ =	sdelay $0x3  }
0x92: {  	_ =	strace s18  }
0x93: {  	s3 =	sld [smem:$0x3FFC];
	_ =	sdelay $0x3  }
0x94: {  	_ =	strace s3  }
0x95: {  	s3 =	sld [smem:$0x3FFD];
	_ =	sdelay $0x3  }
0x96: {  	_ =	strace s3  }
0x97: {  	_ =	strace $0x8FFFFFFF  }
0x98: {  	s19 =	sld [smem:$0x3FDB];
	_ =	sdelay $0x1  }
0x99: {  	s4 =	simm.s32 $_scs_section_size  }
0x9a: {  	s5 =	simm.s32 $_size__tile_overlayer_lowered;
	s6 =	simm.s32 $_tile_overlayer_lowered  }
0x9b: {  	s22 =	simm.s32 $0x1BFF;
	s21 =	sshll.u32 s6, $0x1;
	s3 =	sadd.s32 s4, s19  }
0x9c: {  	s7 =	simm.s32 $0x0;
	s20 =	sshll.u32 s5, $0x1;
	s5 =	sadd.s32 s21, s3  }
0x9d: {  	[timem:s7], [sflag:s22] =	dma.local [hbm:s5], s20  }
0x9e: {  	_ =	swait.ge [sflag:s22], s20  }
0x9f: {  	s4 =	ssub.s32 $0x0, s20;
	[sflag:s22] =	ssyncset.done $0x0  }
0xa0: {  	[sflag:s22] =	ssyncadd.s32 s4;
	_ =	sdelay $0x1  }
0xa1: {  	s23 =	simm.s32 $0x1B8B  }
0xa2: {  	_ =	swait.ge [sflag:s23], $0x1  }
0xa3: {  	[sflag:s23] =	ssyncset.done $0x0  }
0xa4: {  	s25 =	simm.s32 $0x1B8E;
	s24 =	sld [smem:$0x3FFE];
	[sflag:s23] =	ssyncadd.s32 $0xFFFFFFFF  }
0xa5: {  	s26 =	simm.s32 $execute0_lowered;
	[smem:$0x3FD2] =	sst s25  }
0xa6: {  	s5 =	sshll.u32 s26, $0x1;
	_ =	strace $0x80000046;
	[dreg:$0x1] =	wrdreg $0xFFFFFFFF  }
0xa7: {  	s28 =	simm.s32 $_size_execute0_lowered;
	s3 =	sadd.s32 s3, s5;
	[dreg:$0x0] =	wrdreg $0x0  }
0xa8: {  	s5 =	sshll.u32 s28, $0x1;
	[dreg:$0x2] =	wrdreg s3  }
0xa9: {  	[dreg:$0x3] =	wrdreg s5  }
0xaa: {  	[dreg:$0x4] =	wrdreg $0xC0  }
0xab: {  	_ =	task [dreg:s7], $0x5FFFF  }
0xac: {  	[dreg:$0x1] =	wrdreg $0xFFFFFFFF  }
0xad: {  	[dreg:$0x0] =	wrdreg $0x60  }
0xae: {  	[dreg:$0x2] =	wrdreg s2  }
0xaf: {  	[dreg:$0x3] =	wrdreg s24  }
0xb0: {  	[dreg:$0x4] =	wrdreg $0xAC100  }
0xb1: {  	[dreg:$0x5] =	wrdreg $0x1EC100  }
0xb2: {  	[dreg:$0x6] =	wrdreg $0x9  }
0xb3: {  	_ =	task.clear_ibuf [dreg:s7], $0x7FFFF;
	_ =	strace $0x90000046  }
0xb4: {  	s29 =	simm.s32 $0x9;
	_ =	strace $0x80000048  }
0xb5: {  	_ =	swait.ge [sflag:s29], $0x1  }
0xb6: {  	[sflag:s29] =	ssyncadd.s32 $0xFFFFFFFF  }
0xb7: {  	_ =	strace $0x90000048  }
0xb8: {  	_ =	sfence  }
0xb9: {  	s30 =	sld [smem:$0x0];
	_ =	sdelay $0x2  }
0xba: {  	s31 =	sshll.u32 s1, $0xD;
	s1 =	sshrl.u32 s1, $0x2  }
0xbb: {  	s3 =	sand.u32 $0x4000, s31;
	s1 =	sadd.s32 s1, s30  }
0xbc: {  	s0 =	sor.u32 s3, s0;
	s1 =	sshll.u32 s1, $0x11  }
0xbd: {  	s0 =	sor.u32 s1, s0  }
0xbe: {  	s0 =	sadd.s32 $0x8F2B, s0  }
0xbf: {  	[sflag:s0] =	ssyncadd.remote.s32 $0x1  }
0xc0: {  	_ =	sfence.sel $0xFFFF  }
0xc1: {  	[dreg:$0x0] =	wrdreg $0xFFFFFFFF;
	(pc) =	sbr.abs _section_cstart, $3  }
0xc2: {  	[dreg:$0x1] =	wrdreg $0xFFFFFFFF  }
0xc3: {  	_ =	task.clear_ibuf [dreg:s7], $0x2FFFF;
	_ =	strace $0x9FFFFFFF  }
0xc4: {  	(tm) =	ssettm $0x7FFFFFFF  }
0xc5: {  	_ =	shalt  }
tec
execute0_lowered:
.L_overlay_start_1:
0x0: {  	(tag) =	ssettag $0x1  }
0x1: {  	s1 =	rddreg [dreg:$0x0];
	s15 =	stileid.u32  }
0x2: {  	s0 =	rddreg [dreg:$0x1];
	s9 =	smul.u32 $0x14000, s15  }
0x3: {  	s2 =	srdreg.scid;
	s10 =	smul.u32 $0x280, s15  }
0x4: {  	s3 =	rddreg [dreg:$0x2];
	s2 =	sand.u32 $0x1, s2;
	s14 =	smul.u32 $0x50000, s15  }
0x5: {  	s4 =	rddreg [dreg:$0x3];
	s5 =	simm.s32 $0x0;
	s8 =	smul.u32 $0x140000, s2  }
0x6: {  	s6 =	sadd.s32 $0x1000, s0;
	s11 =	smul.u32 $0x2800, s2;
	s13 =	ssub.s32 $0x2, s2  }
0x7: {  	s7 =	sadd.s32 $0xA00, s0;
	s31 =	sshrl.u32 s13, $0x1;
	s12 =	sadd.s32 s9, s8  }
0x8: {  	s14 =	sshrl.u32 s14, $0x2;
	s11 =	sadd.s32 s10, s11;
	s12 =	sshrl.u32 s12, $0x3  }
0x9: {  	s8 =	sadd.s32 $0x1600, s0;
	s11 =	sshrl.u32 s11, $0x3;
	s12 =	sadd.s32 s12, s0  }
0xa: {  	s0 =	sadd.s32 s11, s0;
	s11 =	ssub.s32 s13, s31;
	s13 =	sadd.s32 s14, s3  }
0xb: {  	[smem:$0x7FF] =	sst s5;
	s16 =	sadd.s32 $0x800, s13  }
0xc: {  	_ =	strace $0x80000047;
	s17 =	sadd.s32 $0x1000, s13;
	[dreg:$0x5] =	wrdreg s16  }
0xd: {  	s18 =	sadd.s32 $0x1800, s13;
	[dreg:$0x6] =	wrdreg s17  }
0xe: {  	s19 =	sadd.s32 $0x2000, s13;
	[dreg:$0x7] =	wrdreg s18  }
0xf: {  	s20 =	sadd.s32 $0x2800, s13;
	[dreg:$0x8] =	wrdreg s19  }
0x10: {  	s21 =	sadd.s32 $0x3000, s13;
	[dreg:$0x9] =	wrdreg s20  }
0x11: {  	s22 =	sadd.s32 $0x3800, s13;
	[dreg:$0xa] =	wrdreg s21  }
0x12: {  	s23 =	sadd.s32 $0x4000, s13;
	[dreg:$0xb] =	wrdreg s22  }
0x13: {  	s24 =	sadd.s32 $0x4800, s13;
	[dreg:$0xc] =	wrdreg s23  }
0x14: {  	s25 =	sadd.s32 $0x5000, s13;
	[dreg:$0xd] =	wrdreg s24  }
0x15: {  	s26 =	sadd.s32 $0x5800, s13;
	[dreg:$0xe] =	wrdreg s25  }
0x16: {  	s28 =	sadd.s32 $0x6000, s13;
	[dreg:$0xf] =	wrdreg s26  }
0x17: {  	s30 =	sadd.s32 $0x6800, s13;
	[dreg:$0x10] =	wrdreg s28  }
0x18: {  	s2 =	sshll.u32 s2, $0x4;
	s31 =	sadd.s32 $0x7000, s13;
	[dreg:$0x11] =	wrdreg s30  }
0x19: {  	s2 =	sor.u32 s15, s2;
	s15 =	sadd.s32 $0x7800, s13;
	[dreg:$0x12] =	wrdreg s31  }
0x1a: {  	s0 =	sadd.s32 $0x15000, s0;
	[dreg:$0x13] =	wrdreg s15  }
0x1b: {  	s16 =	sadd.s32 $0x8000, s13;
	[smem:$0x7F9] =	sst s0  }
0x1c: {  	s17 =	sadd.s32 $0x8800, s13;
	[dreg:$0x14] =	wrdreg s16  }
0x1d: {  	s18 =	sadd.s32 $0x9000, s13;
	[dreg:$0x15] =	wrdreg s17  }
0x1e: {  	s19 =	sadd.s32 $0x9800, s13;
	[dreg:$0x16] =	wrdreg s18  }
0x1f: {  	s20 =	sadd.s32 $0xA000, s13;
	[dreg:$0x17] =	wrdreg s19  }
0x20: {  	s21 =	sadd.s32 $0xA800, s13;
	[dreg:$0x18] =	wrdreg s20  }
0x21: {  	s22 =	sadd.s32 $0xB000, s13;
	[dreg:$0x19] =	wrdreg s21  }
0x22: {  	s23 =	sadd.s32 $0xB800, s13;
	[dreg:$0x1a] =	wrdreg s22  }
0x23: {  	s24 =	sadd.s32 $0xC000, s13;
	[dreg:$0x1b] =	wrdreg s23  }
0x24: {  	s25 =	sadd.s32 $0xC800, s13;
	[dreg:$0x1c] =	wrdreg s24  }
0x25: {  	s26 =	sadd.s32 $0xD000, s13;
	[dreg:$0x1d] =	wrdreg s25  }
0x26: {  	s28 =	sadd.s32 $0xD800, s13;
	[dreg:$0x1e] =	wrdreg s26  }
0x27: {  	s30 =	sadd.s32 $0xE000, s13;
	[dreg:$0x1f] =	wrdreg s28  }
0x28: {  	s31 =	sadd.s32 $0xE800, s13;
	[smem:$0x7EC] =	sst s30  }
0x29: {  	s15 =	sadd.s32 $0xF000, s13;
	[smem:$0x7ED] =	sst s31  }
0x2a: {  	[smem:$0x7EE] =	sst s15;
	s16 =	sadd.s32 $0xF800, s13  }
0x2b: {  	s17 =	sadd.s32 $0x10000, s13;
	[smem:$0x7EF] =	sst s16  }
0x2c: {  	s18 =	sadd.s32 $0x10800, s13;
	[smem:$0x7F0] =	sst s17  }
0x2d: {  	s19 =	sadd.s32 $0x11000, s13;
	[smem:$0x7F1] =	sst s18  }
0x2e: {  	s2 =	smul.u32 $0x2710, s2;
	s20 =	sadd.s32 $0x11800, s13;
	[smem:$0x7F2] =	sst s19  }
0x2f: {  	s9 =	sadd.s32 s9, s3;
	s21 =	sadd.s32 $0x12000, s13;
	[smem:$0x7F3] =	sst s20  }
0x30: {  	s29 =	sadd.s32 $0x4E2A0, s2;
	s22 =	sadd.s32 $0x12800, s13;
	[smem:$0x7F4] =	sst s21  }
0x31: {  	s23 =	sadd.s32 $0x13000, s13;
	s13 =	sadd.s32 $0x13800, s13;
	[smem:$0x7F5] =	sst s22  }
0x32: {  	s26 =	sadd.s32 s10, s4;
	s24 =	sshrl.u32 s2, $0x3;
	[smem:$0x7F6] =	sst s23  }
0x33: {  	s25 =	sadd.s32 $0x15A00, s12;
	s28 =	smax.u32 s11, $0x1;
	[smem:$0x7F7] =	sst s13  }
0x34: {  	s11 =	simm.s32 $0xA190;
	s12 =	simm.s32 $0x8;
	[smem:$0x7F8] =	sst s25  }
0x35: {  	s15 =	simm.s32 $0x1;
	s10 =	sadd.s32 s1, s24;
	[smem:$0x7FA] =	sst s28  }
0x36: {  	s16 =	simm.s32 $0x6;
	s17 =	simm.s32 $0x28F0;
	s18 =	simm.s32 $0x4  }
0x37: {  	s19 =	simm.s32 $0x5;
	s30 =	sadd.s32 $0x9C40, s10;
	[smem:$0x7FC] =	sst s10  }
0x38: {  	v1 =	vimm.s32 $0x0;
	vm0 =	vcmask $0x300;
	s20 =	simm.s32 $0x2;
	s31 =	sadd.s32 $0x9C4A, s10;
	[smem:$0x7FB] =	sst s30  }
0x39: {  	v0 =	vimm.f32 $0.0e+00;
	v1 =	vsel vm0, $0x3, v1;
	s21 =	simm.s32 $0x3;
	s22 =	simm.s32 $0x0;
	[smem:$0x7FD] =	sst s31  }
.LBB2_1:
0x3a: {  	[tilespmem:$0xA190] =	vst v0  }
0x3b: {  	[tilespmem:$0xA1A0] =	vst v0  }
0x3c: {  	[tilespmem:$0xA1B0] =	vst v0  }
0x3d: {  	[tilespmem:$0xA1C0] =	vst v0  }
0x3e: {  	[tilespmem:$0xA1D0] =	vst v0  }
0x3f: {  	[tilespmem:$0xA1E0] =	vst v0  }
0x40: {  	[tilespmem:$0xA1F0] =	vst v0  }
0x41: {  	[tilespmem:$0xA200] =	vst v0  }
0x42: {  	[tilespmem:$0xA210] =	vst v0  }
0x43: {  	[tilespmem:$0xA220] =	vst v0  }
0x44: {  	[tilespmem:$0xA230] =	vst v0  }
0x45: {  	[tilespmem:$0xA240] =	vst v0  }
0x46: {  	[tilespmem:$0xA250] =	vst v0  }
0x47: {  	[tilespmem:$0xA260] =	vst v0  }
0x48: {  	[tilespmem:$0xA270] =	vst v0  }
0x49: {  	[tilespmem:$0xA280] =	vst v0  }
0x4a: {  	[tilespmem:$0xA290] =	vst v0  }
0x4b: {  	[tilespmem:$0xA2A0] =	vst v0  }
0x4c: {  	[tilespmem:$0xA2B0] =	vst v0  }
0x4d: {  	[tilespmem:$0xA2C0] =	vst v0  }
0x4e: {  	[tilespmem:$0xA2D0] =	vst v0  }
0x4f: {  	[tilespmem:$0xA2E0] =	vst v0  }
0x50: {  	[tilespmem:$0xA2F0] =	vst v0  }
0x51: {  	[tilespmem:$0xA300] =	vst v0  }
0x52: {  	[tilespmem:$0xA310] =	vst v0  }
0x53: {  	[tilespmem:$0xA320] =	vst v0  }
0x54: {  	[tilespmem:$0xA330] =	vst v0  }
0x55: {  	[tilespmem:$0xA340] =	vst v0  }
0x56: {  	[tilespmem:$0xA350] =	vst v0  }
0x57: {  	[tilespmem:$0xA360] =	vst v0  }
0x58: {  	[tilespmem:$0xA370] =	vst v0  }
0x59: {  	[tilespmem:$0xA380] =	vst v0  }
0x5a: {  	[tilespmem:$0xA390] =	vst v0  }
0x5b: {  	[tilespmem:$0xA3A0] =	vst v0  }
0x5c: {  	[tilespmem:$0xA3B0] =	vst v0  }
0x5d: {  	[tilespmem:$0xA3C0] =	vst v0  }
0x5e: {  	[tilespmem:$0xA3D0] =	vst v0  }
0x5f: {  	[tilespmem:$0xA3E0] =	vst v0  }
0x60: {  	[tilespmem:$0xA3F0] =	vst v0  }
0x61: {  	[tilespmem:$0xA400] =	vst v0  }
0x62: {  	[tilespmem:$0xA410] =	vst v0  }
0x63: {  	[tilespmem:$0xA420] =	vst v0  }
0x64: {  	[tilespmem:$0xA430] =	vst v0  }
0x65: {  	[tilespmem:$0xA440] =	vst v0  }
0x66: {  	[tilespmem:$0xA450] =	vst v0  }
0x67: {  	[tilespmem:$0xA460] =	vst v0  }
0x68: {  	[tilespmem:$0xA470] =	vst v0  }
0x69: {  	[tilespmem:$0xA480] =	vst v0  }
0x6a: {  	[tilespmem:$0xA490] =	vst v0  }
0x6b: {  	[tilespmem:$0xA4A0] =	vst v0  }
0x6c: {  	[tilespmem:$0xA4B0] =	vst v0  }
0x6d: {  	[tilespmem:$0xA4C0] =	vst v0  }
0x6e: {  	[tilespmem:$0xA4D0] =	vst v0  }
0x6f: {  	[tilespmem:$0xA4E0] =	vst v0  }
0x70: {  	[tilespmem:$0xA4F0] =	vst v0  }
0x71: {  	[tilespmem:$0xA500] =	vst v0  }
0x72: {  	[tilespmem:$0xA510] =	vst v0  }
0x73: {  	[tilespmem:$0xA520] =	vst v0  }
0x74: {  	[tilespmem:$0xA530] =	vst v0  }
0x75: {  	[tilespmem:$0xA540] =	vst v0  }
0x76: {  	[tilespmem:$0xA550] =	vst v0  }
0x77: {  	[tilespmem:$0xA560] =	vst v0  }
0x78: {  	[tilespmem:$0xA570] =	vst v0  }
0x79: {  	[tilespmem:$0xA580] =	vst v0  }
0x7a: {  	[tilespmem:$0xA590] =	vst v0  }
0x7b: {  	[tilespmem:$0xA5A0] =	vst v0  }
0x7c: {  	[tilespmem:$0xA5B0] =	vst v0  }
0x7d: {  	[tilespmem:$0xA5C0] =	vst v0  }
0x7e: {  	[tilespmem:$0xA5D0] =	vst v0  }
0x7f: {  	[tilespmem:$0xA5E0] =	vst v0  }
0x80: {  	[tilespmem:$0xA5F0] =	vst v0  }
0x81: {  	[tilespmem:$0xA600] =	vst v0  }
0x82: {  	[tilespmem:$0xA610] =	vst v0  }
0x83: {  	[tilespmem:$0xA620] =	vst v0  }
0x84: {  	[tilespmem:$0xA630] =	vst v0  }
0x85: {  	[tilespmem:$0xA640] =	vst v0  }
0x86: {  	[tilespmem:$0xA650] =	vst v0  }
0x87: {  	[tilespmem:$0xA660] =	vst v0  }
0x88: {  	[tilespmem:$0xA670] =	vst v0  }
0x89: {  	[tilespmem:$0xA680] =	vst v0  }
0x8a: {  	[tilespmem:$0xA690] =	vst v0  }
0x8b: {  	[tilespmem:$0xA6A0] =	vst v0  }
0x8c: {  	[tilespmem:$0xA6B0] =	vst v0  }
0x8d: {  	[tilespmem:$0xA6C0] =	vst v0  }
0x8e: {  	[tilespmem:$0xA6D0] =	vst v0  }
0x8f: {  	[tilespmem:$0xA6E0] =	vst v0  }
0x90: {  	[tilespmem:$0xA6F0] =	vst v0  }
0x91: {  	[tilespmem:$0xA700] =	vst v0  }
0x92: {  	[tilespmem:$0xA710] =	vst v0  }
0x93: {  	[tilespmem:$0xA720] =	vst v0  }
0x94: {  	[tilespmem:$0xA730] =	vst v0  }
0x95: {  	[tilespmem:$0xA740] =	vst v0  }
0x96: {  	[tilespmem:$0xA750] =	vst v0  }
0x97: {  	[tilespmem:$0xA760] =	vst v0  }
0x98: {  	[tilespmem:$0xA770] =	vst v0  }
0x99: {  	[tilespmem:$0xA780] =	vst v0  }
0x9a: {  	[tilespmem:$0xA790] =	vst v0  }
0x9b: {  	[tilespmem:$0xA7A0] =	vst v0  }
0x9c: {  	[tilespmem:$0xA7B0] =	vst v0  }
0x9d: {  	[tilespmem:$0xA7C0] =	vst v0  }
0x9e: {  	[tilespmem:$0xA7D0] =	vst v0  }
0x9f: {  	[tilespmem:$0xA7E0] =	vst v0  }
0xa0: {  	[tilespmem:$0xA7F0] =	vst v0  }
0xa1: {  	[tilespmem:$0xA800] =	vst v0  }
0xa2: {  	[tilespmem:$0xA810] =	vst v0  }
0xa3: {  	[tilespmem:$0xA820] =	vst v0  }
0xa4: {  	[tilespmem:$0xA830] =	vst v0  }
0xa5: {  	[tilespmem:$0xA840] =	vst v0  }
0xa6: {  	[tilespmem:$0xA850] =	vst v0  }
0xa7: {  	[tilespmem:$0xA860] =	vst v0  }
0xa8: {  	[tilespmem:$0xA870] =	vst v0  }
0xa9: {  	[tilespmem:$0xA880] =	vst v0  }
0xaa: {  	[tilespmem:$0xA890] =	vst v0  }
0xab: {  	[tilespmem:$0xA8A0] =	vst v0  }
0xac: {  	[tilespmem:$0xA8B0] =	vst v0  }
0xad: {  	[tilespmem:$0xA8C0] =	vst v0  }
0xae: {  	[tilespmem:$0xA8D0] =	vst v0  }
0xaf: {  	[tilespmem:$0xA8E0] =	vst v0  }
0xb0: {  	[tilespmem:$0xA8F0] =	vst v0  }
0xb1: {  	[tilespmem:$0xA900] =	vst v0  }
0xb2: {  	[tilespmem:$0xA910] =	vst v0  }
0xb3: {  	[tilespmem:$0xA920] =	vst v0  }
0xb4: {  	[tilespmem:$0xA930] =	vst v0  }
0xb5: {  	[tilespmem:$0xA940] =	vst v0  }
0xb6: {  	[tilespmem:$0xA950] =	vst v0  }
0xb7: {  	[tilespmem:$0xA960] =	vst v0  }
0xb8: {  	[tilespmem:$0xA970] =	vst v0  }
0xb9: {  	[tilespmem:$0xA980] =	vst v0  }
0xba: {  	[tilespmem:$0xA990] =	vst v0  }
0xbb: {  	[tilespmem:$0xA9A0] =	vst v0  }
0xbc: {  	[tilespmem:$0xA9B0] =	vst v0  }
0xbd: {  	[tilespmem:$0xA9C0] =	vst v0  }
0xbe: {  	[tilespmem:$0xA9D0] =	vst v0  }
0xbf: {  	[tilespmem:$0xA9E0] =	vst v0  }
0xc0: {  	[tilespmem:$0xA9F0] =	vst v0  }
0xc1: {  	[tilespmem:$0xAA00] =	vst v0  }
0xc2: {  	[tilespmem:$0xAA10] =	vst v0  }
0xc3: {  	[tilespmem:$0xAA20] =	vst v0  }
0xc4: {  	[tilespmem:$0xAA30] =	vst v0  }
0xc5: {  	[tilespmem:$0xAA40] =	vst v0  }
0xc6: {  	[tilespmem:$0xAA50] =	vst v0  }
0xc7: {  	[tilespmem:$0xAA60] =	vst v0  }
0xc8: {  	[tilespmem:$0xAA70] =	vst v0  }
0xc9: {  	[tilespmem:$0xAA80] =	vst v0  }
0xca: {  	[tilespmem:$0xAA90] =	vst v0  }
0xcb: {  	[tilespmem:$0xAAA0] =	vst v0  }
0xcc: {  	[tilespmem:$0xAAB0] =	vst v0  }
0xcd: {  	[tilespmem:$0xAAC0] =	vst v0  }
0xce: {  	[tilespmem:$0xAAD0] =	vst v0  }
0xcf: {  	[tilespmem:$0xAAE0] =	vst v0  }
0xd0: {  	[tilespmem:$0xAAF0] =	vst v0  }
0xd1: {  	[tilespmem:$0xAB00] =	vst v0  }
0xd2: {  	[tilespmem:$0xAB10] =	vst v0  }
0xd3: {  	[tilespmem:$0xAB20] =	vst v0  }
0xd4: {  	[tilespmem:$0xAB30] =	vst v0  }
0xd5: {  	[tilespmem:$0xAB40] =	vst v0  }
0xd6: {  	[tilespmem:$0xAB50] =	vst v0  }
0xd7: {  	[tilespmem:$0xAB60] =	vst v0  }
0xd8: {  	[tilespmem:$0xAB70] =	vst v0  }
0xd9: {  	[tilespmem:$0xAB80] =	vst v0  }
0xda: {  	[tilespmem:$0xAB90] =	vst v0  }
0xdb: {  	[tilespmem:$0xABA0] =	vst v0  }
0xdc: {  	[tilespmem:$0xABB0] =	vst v0  }
0xdd: {  	[tilespmem:$0xABC0] =	vst v0  }
0xde: {  	[tilespmem:$0xABD0] =	vst v0  }
0xdf: {  	[tilespmem:$0xABE0] =	vst v0  }
0xe0: {  	[tilespmem:$0xABF0] =	vst v0  }
0xe1: {  	[tilespmem:$0xAC00] =	vst v0  }
0xe2: {  	[spmem:s9] =	stream.linear.scatter [tilespmem:s11], [sflag:$0x8], $0x800, $0x38;
	[tilespmem:$0x1EE90] =	vst v63  }
0xe3: {  	_ =	swait.ge [sflag:s12], $0x800  }
0xe4: {  	[sflag:s12] =	ssyncset.done $0x0  }
0xe5: {  	s0 =	rddreg [dreg:$0x5];
	[sflag:s12] =	ssyncadd.s32 $0xFFFFF800  }
0xe6: {  	[spmem:s0] =	stream.linear.scatter [tilespmem:s11], [sflag:$0x8], $0x800, $0x38;
	[tilespmem:$0x1EE90] =	vst v63  }
0xe7: {  	_ =	swait.ge [sflag:s12], $0x800  }
0xe8: {  	[sflag:s12] =	ssyncset.done $0x0  }
0xe9: {  	s23 =	rddreg [dreg:$0x6];
	[sflag:s12] =	ssyncadd.s32 $0xFFFFF800  }
0xea: {  	[spmem:s23] =	stream.linear.scatter [tilespmem:s11], [sflag:$0x8], $0x800, $0x38;
	[tilespmem:$0x1EE90] =	vst v63  }
0xeb: {  	_ =	swait.ge [sflag:s12], $0x800  }
0xec: {  	[sflag:s12] =	ssyncset.done $0x0  }
0xed: {  	s24 =	rddreg [dreg:$0x7];
	[sflag:s12] =	ssyncadd.s32 $0xFFFFF800  }
0xee: {  	[spmem:s24] =	stream.linear.scatter [tilespmem:s11], [sflag:$0x8], $0x800, $0x38;
	[tilespmem:$0x1EE90] =	vst v63  }
0xef: {  	_ =	swait.ge [sflag:s12], $0x800  }
0xf0: {  	[sflag:s12] =	ssyncset.done $0x0  }
0xf1: {  	s25 =	rddreg [dreg:$0x8];
	[sflag:s12] =	ssyncadd.s32 $0xFFFFF800  }
0xf2: {  	[spmem:s25] =	stream.linear.scatter [tilespmem:s11], [sflag:$0x8], $0x800, $0x38;
	[tilespmem:$0x1EE90] =	vst v63  }
0xf3: {  	_ =	swait.ge [sflag:s12], $0x800  }
0xf4: {  	[sflag:s12] =	ssyncset.done $0x0  }
0xf5: {  	s28 =	rddreg [dreg:$0x9];
	[sflag:s12] =	ssyncadd.s32 $0xFFFFF800  }
0xf6: {  	[spmem:s28] =	stream.linear.scatter [tilespmem:s11], [sflag:$0x8], $0x800, $0x38;
	[tilespmem:$0x1EE90] =	vst v63  }
0xf7: {  	_ =	swait.ge [sflag:s12], $0x800  }
0xf8: {  	[sflag:s12] =	ssyncset.done $0x0  }
0xf9: {  	s30 =	rddreg [dreg:$0xa];
	[sflag:s12] =	ssyncadd.s32 $0xFFFFF800  }
0xfa: {  	[spmem:s30] =	stream.linear.scatter [tilespmem:s11], [sflag:$0x8], $0x800, $0x38;
	[tilespmem:$0x1EE90] =	vst v63  }
0xfb: {  	_ =	swait.ge [sflag:s12], $0x800  }
0xfc: {  	[sflag:s12] =	ssyncset.done $0x0  }
0xfd: {  	s31 =	rddreg [dreg:$0xb];
	[sflag:s12] =	ssyncadd.s32 $0xFFFFF800  }
0xfe: {  	[spmem:s31] =	stream.linear.scatter [tilespmem:s11], [sflag:$0x8], $0x800, $0x38;
	[tilespmem:$0x1EE90] =	vst v63  }
0xff: {  	_ =	swait.ge [sflag:s12], $0x800  }
0x100: {  	[sflag:s12] =	ssyncset.done $0x0  }
0x101: {  	s2 =	rddreg [dreg:$0xc];
	[sflag:s12] =	ssyncadd.s32 $0xFFFFF800  }
0x102: {  	[spmem:s2] =	stream.linear.scatter [tilespmem:s11], [sflag:$0x8], $0x800, $0x38;
	[tilespmem:$0x1EE90] =	vst v63  }
0x103: {  	_ =	swait.ge [sflag:s12], $0x800  }
0x104: {  	[sflag:s12] =	ssyncset.done $0x0  }
0x105: {  	s10 =	rddreg [dreg:$0xd];
	[sflag:s12] =	ssyncadd.s32 $0xFFFFF800  }
0x106: {  	[spmem:s10] =	stream.linear.scatter [tilespmem:s11], [sflag:$0x8], $0x800, $0x38;
	[tilespmem:$0x1EE90] =	vst v63  }
0x107: {  	_ =	swait.ge [sflag:s12], $0x800  }
0x108: {  	[sflag:s12] =	ssyncset.done $0x0  }
0x109: {  	s13 =	rddreg [dreg:$0xe];
	[sflag:s12] =	ssyncadd.s32 $0xFFFFF800  }
0x10a: {  	[spmem:s13] =	stream.linear.scatter [tilespmem:s11], [sflag:$0x8], $0x800, $0x38;
	[tilespmem:$0x1EE90] =	vst v63  }
0x10b: {  	_ =	swait.ge [sflag:s12], $0x800  }
0x10c: {  	[sflag:s12] =	ssyncset.done $0x0  }
0x10d: {  	s14 =	rddreg [dreg:$0xf];
	[sflag:s12] =	ssyncadd.s32 $0xFFFFF800  }
0x10e: {  	[spmem:s14] =	stream.linear.scatter [tilespmem:s11], [sflag:$0x8], $0x800, $0x38;
	[tilespmem:$0x1EE90] =	vst v63  }
0x10f: {  	_ =	swait.ge [sflag:s12], $0x800  }
0x110: {  	[sflag:s12] =	ssyncset.done $0x0  }
0x111: {  	s23 =	rddreg [dreg:$0x10];
	[sflag:s12] =	ssyncadd.s32 $0xFFFFF800  }
0x112: {  	[spmem:s23] =	stream.linear.scatter [tilespmem:s11], [sflag:$0x8], $0x800, $0x38;
	[tilespmem:$0x1EE90] =	vst v63  }
0x113: {  	_ =	swait.ge [sflag:s12], $0x800  }
0x114: {  	[sflag:s12] =	ssyncset.done $0x0  }
0x115: {  	s24 =	rddreg [dreg:$0x11];
	[sflag:s12] =	ssyncadd.s32 $0xFFFFF800  }
0x116: {  	[spmem:s24] =	stream.linear.scatter [tilespmem:s11], [sflag:$0x8], $0x800, $0x38;
	[tilespmem:$0x1EE90] =	vst v63  }
0x117: {  	_ =	swait.ge [sflag:s12], $0x800  }
0x118: {  	[sflag:s12] =	ssyncset.done $0x0  }
0x119: {  	s25 =	rddreg [dreg:$0x12];
	[sflag:s12] =	ssyncadd.s32 $0xFFFFF800  }
0x11a: {  	[spmem:s25] =	stream.linear.scatter [tilespmem:s11], [sflag:$0x8], $0x800, $0x38;
	[tilespmem:$0x1EE90] =	vst v63  }
0x11b: {  	_ =	swait.ge [sflag:s12], $0x800  }
0x11c: {  	[sflag:s12] =	ssyncset.done $0x0  }
0x11d: {  	s28 =	rddreg [dreg:$0x13];
	[sflag:s12] =	ssyncadd.s32 $0xFFFFF800  }
0x11e: {  	[spmem:s28] =	stream.linear.scatter [tilespmem:s11], [sflag:$0x8], $0x800, $0x38;
	[tilespmem:$0x1EE90] =	vst v63  }
0x11f: {  	_ =	swait.ge [sflag:s12], $0x800  }
0x120: {  	[sflag:s12] =	ssyncset.done $0x0  }
0x121: {  	s30 =	rddreg [dreg:$0x14];
	[sflag:s12] =	ssyncadd.s32 $0xFFFFF800  }
0x122: {  	[spmem:s30] =	stream.linear.scatter [tilespmem:s11], [sflag:$0x8], $0x800, $0x38;
	[tilespmem:$0x1EE90] =	vst v63  }
0x123: {  	_ =	swait.ge [sflag:s12], $0x800  }
0x124: {  	[sflag:s12] =	ssyncset.done $0x0  }
0x125: {  	s31 =	rddreg [dreg:$0x15];
	[sflag:s12] =	ssyncadd.s32 $0xFFFFF800  }
0x126: {  	[spmem:s31] =	stream.linear.scatter [tilespmem:s11], [sflag:$0x8], $0x800, $0x38;
	[tilespmem:$0x1EE90] =	vst v63  }
0x127: {  	_ =	swait.ge [sflag:s12], $0x800  }
0x128: {  	[sflag:s12] =	ssyncset.done $0x0  }
0x129: {  	s2 =	rddreg [dreg:$0x16];
	[sflag:s12] =	ssyncadd.s32 $0xFFFFF800  }
0x12a: {  	[spmem:s2] =	stream.linear.scatter [tilespmem:s11], [sflag:$0x8], $0x800, $0x38;
	[tilespmem:$0x1EE90] =	vst v63  }
0x12b: {  	_ =	swait.ge [sflag:s12], $0x800  }
0x12c: {  	[sflag:s12] =	ssyncset.done $0x0  }
0x12d: {  	s10 =	rddreg [dreg:$0x17];
	[sflag:s12] =	ssyncadd.s32 $0xFFFFF800  }
0x12e: {  	[spmem:s10] =	stream.linear.scatter [tilespmem:s11], [sflag:$0x8], $0x800, $0x38;
	[tilespmem:$0x1EE90] =	vst v63  }
0x12f: {  	_ =	swait.ge [sflag:s12], $0x800  }
0x130: {  	[sflag:s12] =	ssyncset.done $0x0  }
0x131: {  	s13 =	rddreg [dreg:$0x18];
	[sflag:s12] =	ssyncadd.s32 $0xFFFFF800  }
0x132: {  	[spmem:s13] =	stream.linear.scatter [tilespmem:s11], [sflag:$0x8], $0x800, $0x38;
	[tilespmem:$0x1EE90] =	vst v63  }
0x133: {  	_ =	swait.ge [sflag:s12], $0x800  }
0x134: {  	[sflag:s12] =	ssyncset.done $0x0  }
0x135: {  	s14 =	rddreg [dreg:$0x19];
	[sflag:s12] =	ssyncadd.s32 $0xFFFFF800  }
0x136: {  	[spmem:s14] =	stream.linear.scatter [tilespmem:s11], [sflag:$0x8], $0x800, $0x38;
	[tilespmem:$0x1EE90] =	vst v63  }
0x137: {  	_ =	swait.ge [sflag:s12], $0x800  }
0x138: {  	[sflag:s12] =	ssyncset.done $0x0  }
0x139: {  	s23 =	rddreg [dreg:$0x1a];
	[sflag:s12] =	ssyncadd.s32 $0xFFFFF800  }
0x13a: {  	[spmem:s23] =	stream.linear.scatter [tilespmem:s11], [sflag:$0x8], $0x800, $0x38;
	[tilespmem:$0x1EE90] =	vst v63  }
0x13b: {  	_ =	swait.ge [sflag:s12], $0x800  }
0x13c: {  	[sflag:s12] =	ssyncset.done $0x0  }
0x13d: {  	s24 =	rddreg [dreg:$0x1b];
	[sflag:s12] =	ssyncadd.s32 $0xFFFFF800  }
0x13e: {  	[spmem:s24] =	stream.linear.scatter [tilespmem:s11], [sflag:$0x8], $0x800, $0x38;
	[tilespmem:$0x1EE90] =	vst v63  }
0x13f: {  	_ =	swait.ge [sflag:s12], $0x800  }
0x140: {  	[sflag:s12] =	ssyncset.done $0x0  }
0x141: {  	s25 =	rddreg [dreg:$0x1c];
	[sflag:s12] =	ssyncadd.s32 $0xFFFFF800  }
0x142: {  	[spmem:s25] =	stream.linear.scatter [tilespmem:s11], [sflag:$0x8], $0x800, $0x38;
	[tilespmem:$0x1EE90] =	vst v63  }
0x143: {  	_ =	swait.ge [sflag:s12], $0x800  }
0x144: {  	[sflag:s12] =	ssyncset.done $0x0  }
0x145: {  	s28 =	rddreg [dreg:$0x1d];
	[sflag:s12] =	ssyncadd.s32 $0xFFFFF800  }
0x146: {  	[spmem:s28] =	stream.linear.scatter [tilespmem:s11], [sflag:$0x8], $0x800, $0x38;
	[tilespmem:$0x1EE90] =	vst v63  }
0x147: {  	_ =	swait.ge [sflag:s12], $0x800  }
0x148: {  	[sflag:s12] =	ssyncset.done $0x0  }
0x149: {  	s30 =	rddreg [dreg:$0x1e];
	[sflag:s12] =	ssyncadd.s32 $0xFFFFF800  }
0x14a: {  	[spmem:s30] =	stream.linear.scatter [tilespmem:s11], [sflag:$0x8], $0x800, $0x38;
	[tilespmem:$0x1EE90] =	vst v63  }
0x14b: {  	_ =	swait.ge [sflag:s12], $0x800  }
0x14c: {  	[sflag:s12] =	ssyncset.done $0x0  }
0x14d: {  	s31 =	rddreg [dreg:$0x1f];
	[sflag:s12] =	ssyncadd.s32 $0xFFFFF800  }
0x14e: {  	[spmem:s31] =	stream.linear.scatter [tilespmem:s11], [sflag:$0x8], $0x800, $0x38;
	[tilespmem:$0x1EE90] =	vst v63  }
0x14f: {  	_ =	swait.ge [sflag:s12], $0x800  }
0x150: {  	s2 =	sld [smem:$0x7EC]  }
0x151: {  	[sflag:s12] =	ssyncset.done $0x0  }
0x152: {  	[sflag:s12] =	ssyncadd.s32 $0xFFFFF800  }
0x153: {  	[spmem:s2] =	stream.linear.scatter [tilespmem:s11], [sflag:$0x8], $0x800, $0x38;
	[tilespmem:$0x1EE90] =	vst v63  }
0x154: {  	_ =	swait.ge [sflag:s12], $0x800  }
0x155: {  	s10 =	sld [smem:$0x7ED]  }
0x156: {  	[sflag:s12] =	ssyncset.done $0x0  }
0x157: {  	[sflag:s12] =	ssyncadd.s32 $0xFFFFF800  }
0x158: {  	[spmem:s10] =	stream.linear.scatter [tilespmem:s11], [sflag:$0x8], $0x800, $0x38;
	[tilespmem:$0x1EE90] =	vst v63  }
0x159: {  	_ =	swait.ge [sflag:s12], $0x800  }
0x15a: {  	s13 =	sld [smem:$0x7EE]  }
0x15b: {  	[sflag:s12] =	ssyncset.done $0x0  }
0x15c: {  	[sflag:s12] =	ssyncadd.s32 $0xFFFFF800  }
0x15d: {  	[spmem:s13] =	stream.linear.scatter [tilespmem:s11], [sflag:$0x8], $0x800, $0x38;
	[tilespmem:$0x1EE90] =	vst v63  }
0x15e: {  	_ =	swait.ge [sflag:s12], $0x800  }
0x15f: {  	s14 =	sld [smem:$0x7EF]  }
0x160: {  	[sflag:s12] =	ssyncset.done $0x0  }
0x161: {  	[sflag:s12] =	ssyncadd.s32 $0xFFFFF800  }
0x162: {  	[spmem:s14] =	stream.linear.scatter [tilespmem:s11], [sflag:$0x8], $0x800, $0x38;
	[tilespmem:$0x1EE90] =	vst v63  }
0x163: {  	_ =	swait.ge [sflag:s12], $0x800  }
0x164: {  	s23 =	sld [smem:$0x7F0]  }
0x165: {  	[sflag:s12] =	ssyncset.done $0x0  }
0x166: {  	[sflag:s12] =	ssyncadd.s32 $0xFFFFF800  }
0x167: {  	[spmem:s23] =	stream.linear.scatter [tilespmem:s11], [sflag:$0x8], $0x800, $0x38;
	[tilespmem:$0x1EE90] =	vst v63  }
0x168: {  	_ =	swait.ge [sflag:s12], $0x800  }
0x169: {  	s24 =	sld [smem:$0x7F1]  }
0x16a: {  	[sflag:s12] =	ssyncset.done $0x0  }
0x16b: {  	[sflag:s12] =	ssyncadd.s32 $0xFFFFF800  }
0x16c: {  	[spmem:s24] =	stream.linear.scatter [tilespmem:s11], [sflag:$0x8], $0x800, $0x38;
	[tilespmem:$0x1EE90] =	vst v63  }
0x16d: {  	_ =	swait.ge [sflag:s12], $0x800  }
0x16e: {  	s25 =	sld [smem:$0x7F2]  }
0x16f: {  	[sflag:s12] =	ssyncset.done $0x0  }
0x170: {  	[sflag:s12] =	ssyncadd.s32 $0xFFFFF800  }
0x171: {  	[spmem:s25] =	stream.linear.scatter [tilespmem:s11], [sflag:$0x8], $0x800, $0x38;
	[tilespmem:$0x1EE90] =	vst v63  }
0x172: {  	_ =	swait.ge [sflag:s12], $0x800  }
0x173: {  	s28 =	sld [smem:$0x7F3]  }
0x174: {  	[sflag:s12] =	ssyncset.done $0x0  }
0x175: {  	[sflag:s12] =	ssyncadd.s32 $0xFFFFF800  }
0x176: {  	[spmem:s28] =	stream.linear.scatter [tilespmem:s11], [sflag:$0x8], $0x800, $0x38;
	[tilespmem:$0x1EE90] =	vst v63  }
0x177: {  	_ =	swait.ge [sflag:s12], $0x800  }
0x178: {  	s30 =	sld [smem:$0x7F4]  }
0x179: {  	[sflag:s12] =	ssyncset.done $0x0  }
0x17a: {  	[sflag:s12] =	ssyncadd.s32 $0xFFFFF800  }
0x17b: {  	[spmem:s30] =	stream.linear.scatter [tilespmem:s11], [sflag:$0x8], $0x800, $0x38;
	[tilespmem:$0x1EE90] =	vst v63  }
0x17c: {  	_ =	swait.ge [sflag:s12], $0x800  }
0x17d: {  	s31 =	sld [smem:$0x7F5]  }
0x17e: {  	[sflag:s12] =	ssyncset.done $0x0  }
0x17f: {  	[sflag:s12] =	ssyncadd.s32 $0xFFFFF800  }
0x180: {  	[spmem:s31] =	stream.linear.scatter [tilespmem:s11], [sflag:$0x8], $0x800, $0x38;
	[tilespmem:$0x1EE90] =	vst v63  }
0x181: {  	_ =	swait.ge [sflag:s12], $0x800  }
0x182: {  	s2 =	sld [smem:$0x7F6]  }
0x183: {  	[sflag:s12] =	ssyncset.done $0x0  }
0x184: {  	[sflag:s12] =	ssyncadd.s32 $0xFFFFF800  }
0x185: {  	[spmem:s2] =	stream.linear.scatter [tilespmem:s11], [sflag:$0x8], $0x800, $0x38;
	[tilespmem:$0x1EE90] =	vst v63  }
0x186: {  	_ =	swait.ge [sflag:s12], $0x800  }
0x187: {  	s10 =	sld [smem:$0x7F7]  }
0x188: {  	[sflag:s12] =	ssyncset.done $0x0  }
0x189: {  	[sflag:s12] =	ssyncadd.s32 $0xFFFFF800  }
0x18a: {  	[spmem:s10] =	stream.linear.scatter [tilespmem:s11], [sflag:$0x8], $0x800, $0x38;
	[tilespmem:$0x1EE90] =	vst v63  }
0x18b: {  	_ =	swait.ge [sflag:s12], $0x800  }
0x18c: {  	[sflag:s12] =	ssyncset.done $0x0  }
0x18d: {  	s13 =	simm.s32 $0xA990;
	[sflag:s12] =	ssyncadd.s32 $0xFFFFF800  }
0x18e: {  	[spmem:s26] =	stream.linear.scatter [tilespmem:s13], [sflag:$0x8], $0x280, $0x38;
	[tilespmem:$0x1EE90] =	vst v63  }
0x18f: {  	_ =	swait.ge [sflag:s12], $0x280  }
0x190: {  	s14 =	sld [smem:$0x7FC]  }
0x191: {  	[sflag:s12] =	ssyncset.done $0x0  }
0x192: {  	[sflag:s12] =	ssyncadd.s32 $0xFFFFFD80  }
0x193: {  	[tilespmem:s5], [sflag:$0x8] =	stream.linear.gather [hbm4b:s14+s5], $0x2710, $0x38;
	[tilespmem:$0x1EE90] =	vst v63  }
0x194: {  	_ =	swait.ge [sflag:s12], $0x2710  }
0x195: {  	[sflag:s12] =	ssyncset.done $0x0  }
0x196: {  	[sflag:s12] =	ssyncadd.s32 $0xFFFFD8F0  }
0x197: {  	[bflag:$0x0] =	sbarrier.arrive $0xFFFF  }
0x198: {  	s23 =	sld [smem:$0x7FB];
	_ =	sdelay $0x1  }
0x199: {  	s2 =	simm.s32 $0x2710  }
0x19a: {  	[tilespmem:s2], [sflag:$0x8] =	stream.linear.gather [hbm4b:s23+s5], $0x50, $0x38;
	[tilespmem:$0x1EE90] =	vst v63  }
0x19b: {  	_ =	swait.ge [sflag:s12], $0x50  }
0x19c: {  	[sflag:s12] =	ssyncset.done $0x0  }
0x19d: {  	s24 =	simm.s32 $0x50;
	s10 =	simm.s32 $0x27B0;
	[sflag:s12] =	ssyncadd.s32 $0xFFFFFFB0  }
0x19e: {  	[tilespmem:s10], [sflag:$0x6] =	stream.indirect.gather [hbm4b:s6+s24], $0x1, s5, s24, $0xb8;
	[tilespmem:$0x1EE90] =	vst v63  }
0x19f: {  	s25 =	simm.s32 $0x2850  }
0x1a0: {  	[tilespmem:s25], [sflag:$0x6] =	stream.indirect.gather [hbm4b:s7+s24], $0x1, s2, s24, $0xb8;
	[tilespmem:$0x1EE90] =	vst v63  }
0x1a1: {  	s28 =	simm.s32 $0x2990;
	s30 =	sld [smem:$0x7FD]  }
0x1a2: {  	[tilespmem:s28], [sflag:$0x1] =	stream.indirect.gather [hbm4b:s8+s24], $0x40, s2, s24, $0xb8;
	[tilespmem:$0x1EE90] =	vst v63  }
0x1a3: {  	p0 =	por $0x0, $0x0;
	s31 =	simm.s32 $0x2760;
	s23 =	simm.s32 $0x0  }
0x1a4: {  	[tilespmem:s31], [sflag:$0x7] =	stream.linear.gather [hbm4b:s30+s5], $0x50, $0x38;
	[tilespmem:$0x1EE90] =	vst v63  }
.LBB2_2:
0x1a5: {  	_ =	swait.ge [sflag:s16], $0x50  }
0x1a6: {  	[sflag:s16] =	ssyncset.done $0x0  }
0x1a7: {  	[sflag:s16] =	ssyncadd.s32 $0xFFFFFFB0  }
0x1a8: {  	s0 =	sand.u32 $0x1, s23;
	p1 =	seq.s32 s23, $0x7C;
	_ =	swait.ge [sflag:s16], $0x50  }
0x1a9: {  	s24 =	sadd.s32 $0x1, s23;
	s2 =	sxor.u32 @!p1 $0x1, s0;
	[sflag:s16] =	ssyncset.done $0x0  }
0x1aa: {  	s10 =	simm.s32 @!p1 $0x7;
	s25 =	smul.u32 @!p1 $0x140, s24;
	[sflag:s16] =	ssyncadd.s32 $0xFFFFFFB0  }
0x1ab: {  	s13 =	smul.u32 @!p1 $0x50, s2;
	_ =	swait.ge @!p1 [sflag:s10], $0x50  }
0x1ac: {  	s28 =	simm.s32 @!p1 $0x50;
	s2 =	smul.u32 @!p1 $0x5000, s2;
	[sflag:s10] =	ssyncset.done @!p1 $0x0  }
0x1ad: {  	s25 =	sshra.s32 @!p1 s25, $0x2;
	[sflag:s10] =	ssyncadd.s32 @!p1 $0xFFFFFFB0;
	s10 =	sadd.s32 @!p1 $0x27B0, s13  }
0x1ae: {  	[tilespmem:s10], [sflag:$0x6] =	stream.indirect.gather @!p1 [hbm4b:s6+s28], $0x1, s25, s28, $0xb8;
	[tilespmem:$0x1EE90] =	vst v63  }
0x1af: {  	s2 =	sshrl.u32 @!p1 s2, $0x2;
	s10 =	sadd.s32 @!p1 $0x2710, s13;
	s13 =	sadd.s32 @!p1 $0x2850, s13  }
0x1b0: {  	[tilespmem:s13], [sflag:$0x6] =	stream.indirect.gather @!p1 [hbm4b:s7+s28], $0x1, s10, s28, $0xb8;
	[tilespmem:$0x1EE90] =	vst v63  }
0x1b1: {  	p2 =	slt.u32 s23, $0x2;
	s2 =	sadd.s32 @!p1 $0x2990, s2  }
0x1b2: {  	[tilespmem:s2], [sflag:$0x1] =	stream.indirect.gather @!p1 [hbm4b:s8+s28], $0x40, s10, s28, $0xb8;
	[tilespmem:$0x1EE90] =	vst v63  }
0x1b3: {  	p1 =	sne.s32 @!p2 s0, $0x0  }
0x1b4: {  	p3 =	por p1, p2  }
0x1b5: {  	s2 =	simm.s32 @!p3 $0x4  }
0x1b6: {  	_ =	swait.ge @!p3 [sflag:s2], $0x50  }
0x1b7: {  	[sflag:s2] =	ssyncset.done @!p3 $0x0  }
0x1b8: {  	[sflag:s2] =	ssyncadd.s32 @!p3 $0xFFFFFFB0;
	s2 =	simm.s32 @!p3 $0x2  }
0x1b9: {  	p1 =	seq.s32 s0, $0x1;
	_ =	swait.ge @!p3 [sflag:s2], $0x2800  }
0x1ba: {  	p2 =	por !p1, p2;
	[sflag:s2] =	ssyncset.done @!p3 $0x0  }
0x1bb: {  	[sflag:s2] =	ssyncadd.s32 @!p3 $0xFFFFD800;
	s2 =	simm.s32 @!p2 $0x5  }
0x1bc: {  	_ =	swait.ge @!p2 [sflag:s2], $0x50  }
0x1bd: {  	[sflag:s2] =	ssyncset.done @!p2 $0x0  }
0x1be: {  	[sflag:s2] =	ssyncadd.s32 @!p2 $0xFFFFFFB0;
	s2 =	simm.s32 @!p2 $0x3  }
0x1bf: {  	_ =	swait.ge @!p2 [sflag:s2], $0x2800  }
0x1c0: {  	s25 =	smul.u32 $0x50, s0;
	[sflag:s2] =	ssyncset.done @!p2 $0x0  }
0x1c1: {  	[sflag:s2] =	ssyncadd.s32 @!p2 $0xFFFFD800  }
0x1c2: {  	v2 =	vld [tilespmem:s25+$0x27B0]  }
0x1c3: {  	v3 =	vld [tilespmem:s25+$0x2850]  }
0x1c4: {  	v4 =	vld [tilespmem:s25+$0x27C0]  }
0x1c5: {  	v5 =	vld [tilespmem:s25+$0x2860]  }
0x1c6: {  	v6 =	vld [tilespmem:s25+$0x27D0]  }
0x1c7: {  	v7 =	vld [tilespmem:s25+$0x2870]  }
0x1c8: {  	v8 =	vld [tilespmem:s25+$0x2880];
	v2 =	vadd.f32 v3, v2  }
0x1c9: {  	v10 =	vld [tilespmem:s25+$0x27F0]  }
0x1ca: {  	v3 =	vld [tilespmem:s25+$0x27E0];
	v9 =	vmul.f32 $2.000000030e-01, v2  }
0x1cb: {  	v11 =	vld [tilespmem:s25+$0x2890];
	vm0 =	vgt.f32 v2, $0.0e+00  }
0x1cc: {  	v4 =	vadd.f32 v5, v4;
	v2 =	vsel vm0, v2, v9  }
0x1cd: {  	v2 =	vmul.f32 $1.442695020e+00, v2  }
0x1ce: {  	v6 =	vadd.f32 v7, v6;
	v5 =	vmul.f32 $2.000000030e-01, v4  }
0x1cf: {  	vm12 =	vgt.f32 v4, $0.0e+00;
	(erf) = vpow2.f32 v2;
	v2 =	vadd.f32 v8, v3  }
0x1d0: {  	v3 =	vsel vm12, v4, v5;
	v4 =	vmul.f32 $2.000000030e-01, v6;
	v5 =	vadd.f32 v11, v10  }
0x1d1: {  	vm13 =	vgt.f32 v6, $0.0e+00;
	v3 =	vmul.f32 $1.442695020e+00, v3;
	v7 =	vmul.f32 $2.000000030e-01, v2  }
0x1d2: {  	v4 =	vsel vm13, v6, v4;
	vm14 =	vgt.f32 v2, $0.0e+00;
	v6 =	vmul.f32 $2.000000030e-01, v5  }
0x1d3: {  	vm15 =	vgt.f32 v5, $0.0e+00;
	v4 =	vmul.f32 $1.442695020e+00, v4;
	v2 =	vsel vm14, v2, v7  }
0x1d4: {  	(erf) = vpow2.f32 v3;
	v3 =	vsel vm15, v5, v6;
	v2 =	vmul.f32 $1.442695020e+00, v2  }
0x1d5: {  	(erf) = vpow2.f32 v4;
	v3 =	vmul.f32 $1.442695020e+00, v3  }
0x1d6: {  	(erf) = vpow2.f32 v2  }
0x1d7: {  	(erf) = vpow2.f32 v3;
	_ =	sdelay $0x3  }
0x1d8: {  	v3 =	vmov s0  }
0x1d9: {  	v2 =	vpop (erf)  }
0x1da: {  	s14 =	simm.s32 $0x1;
	s13 =	simm.s32 $0x7;
	[tilespmem:s25+$0x28F0] =	vst v2;
	v4 =	vpop (erf)  }
0x1db: {  	p2 =	sne.s32 s0, $0x0;
	s2 =	simm.s32 $0x1;
	v8 =	vmov s14;
	s14 =	simm.s32 $0x3;
	v2 =	vmul.u32 $0x50, v3;
	[tilespmem:s25+$0x2900] =	vst v4;
	v3 =	vpop (erf)  }
0x1dc: {  	s2 =	simm.s32 @!p0 $0x0;
	v9 =	vmov s14;
	s0 =	smul.u32 @!p2 $0x140, s23;
	[tilespmem:s25+$0x2910] =	vst v3;
	v3 =	vmov s13;
	v5 =	vpop (erf)  }
0x1dd: {  	s31 =	simm.s32 $0x2;
	s28 =	sadd.s32 $0x28F0, s25;
	s10 =	smul.u32 $0x5000, s2;
	v9 =	vshrl.u32 v9, $0x3;
	v3 =	vshrl.u32 v3, $0x3;
	[tilespmem:s25+$0x2920] =	vst v5;
	v5 =	vpop (erf)  }
0x1de: {  	s30 =	sshra.s32 @!p2 s0, $0x2;
	s0 =	simm.s32 @!p2 $0x50;
	v7 =	vor.u32 $0x7, v2;
	v4 =	vor.u32 $0x1, v2;
	s13 =	smul.u32 @p1 $0x140, s23;
	v3 =	vshll.u32 v3, v1;
	[tilespmem:s25+$0x2930] =	vst v5  }
0x1df: {  	v5 =	vshrl.u32 v8, $0x3;
	v8 =	vmov s31;
	v3 =	vadd.s32 v3, v7;
	[spmem:s4] =	stream.indirect.scatter.add.f32 @!p2 [tilespmem:s28], [sflag:$0x4], $0x1, s30, s0, $0xb8;
	[tilespmem:$0x1EE90] =	vst v63  }
0x1e0: {  	s14 =	simm.s32 $0x4;
	s31 =	sshra.s32 @p1 s13, $0x2;
	v5 =	vshll.u32 v5, v1;
	s0 =	simm.s32 @p1 $0x50;
	v8 =	vshrl.u32 v8, $0x3;
	v3 =	vbroadcast v3, $0x0  }
0x1e1: {  	v6 =	vor.u32 $0x2, v2;
	v5 =	vadd.s32 v5, v4;
	v10 =	vshll.u32 v8, v1;
	[spmem:s4] =	stream.indirect.scatter.add.f32 @p1 [tilespmem:s28], [sflag:$0x5], $0x1, s31, s0, $0xb8;
	[tilespmem:$0x1EE90] =	vst v63  }
0x1e2: {  	v11 =	vmov s14;
	v5 =	vbroadcast v5, $0x0;
	v10 =	vadd.s32 v10, v6;
	_ =	swait.ge [sflag:s15], $0x1400  }
0x1e3: {  	s10 =	sshrl.u32 s10, $0x2;
	v9 =	vshll.u32 v9, v1;
	v8 =	vor.u32 $0x3, v2;
	v10 =	vbroadcast v10, $0x0;
	[sflag:s15] =	ssyncset.done $0x0  }
0x1e4: {  	v11 =	vshrl.u32 v11, $0x3;
	s0 =	sadd.s32 $0x2A90, s10;
	v12 =	vadd.s32 v9, v8;
	[sflag:s15] =	ssyncadd.s32 $0xFFFFEC00  }
0x1e5: {  	v11 =	vshll.u32 v11, v1;
	v9 =	vor.u32 $0x4, v2;
	v12 =	vbroadcast v12, $0x0;
	v13 =	vld [tilespmem:s0+$0xC0]  }
0x1e6: {  	s13 =	simm.s32 $0x5;
	v11 =	vadd.s32 v11, v9;
	v14 =	vld.idx.msk [tilespmem:v3+s17+$0x0], $0xffff  }
0x1e7: {  	s14 =	simm.s32 $0x6;
	v11 =	vbroadcast v11, $0x0;
	v3 =	vmov s13;
	v19 =	vld [tilespmem:s0+$0xFFFFFF40]  }
0x1e8: {  	v15 =	vmov s14;
	s13 =	simm.s32 $0x0;
	v18 =	vshrl.u32 v3, $0x3;
	v3 =	vor.u32 $0x6, v2;
	v16 =	vld.idx.msk [tilespmem:v5+s17+$0x0], $0xffff  }
0x1e9: {  	v20 =	vmov s13;
	v5 =	vor.u32 $0x5, v2;
	v17 =	vld.idx.msk [tilespmem:v10+s17+$0x0], $0xffff;
	v10 =	vshll.u32 v18, v1  }
0x1ea: {  	s2 =	smul.u32 $0xA000, s2;
	v21 =	vld [tilespmem:s0+$0xFFFFFF80];
	v18 =	vshrl.u32 v15, $0x3;
	v10 =	vadd.s32 v10, v5;
	v22 =	vunpack.i.l.bf16.f32 v13  }
0x1eb: {  	v15 =	vld.idx.msk [tilespmem:v12+s17+$0x0], $0xffff;
	v12 =	vshll.u32 v18, v1;
	v13 =	vunpack.i.u.bf16.f32 v13;
	v18 =	vmul.f32 v22, v14  }
0x1ec: {  	s2 =	sshrl.u32 s2, $0x2;
	v23 =	vld [tilespmem:s0+$0xFFFFFFC0];
	v20 =	vshrl.u32 v20, $0x3;
	v22 =	vbroadcast v10, $0x0;
	v13 =	vmul.f32 v13, v14  }
0x1ed: {  	s2 =	sadd.s32 $0x5390, s2;
	v10 =	vld.idx.msk [tilespmem:v11+s17+$0x0], $0xffff;
	v11 =	vadd.s32 v12, v3;
	v12 =	vshll.u32 v20, v1;
	v20 =	vunpack.i.l.bf16.f32 v19  }
0x1ee: {  	v19 =	vunpack.i.u.bf16.f32 v19;
	v11 =	vbroadcast v11, $0x0;
	v20 =	vmul.f32 v20, v16;
	[tilespmem:s2+$0x180] =	vst v18;
	v18 =	vld [tilespmem:s0+$0x0]  }
0x1ef: {  	v12 =	vadd.s32 v2, v12;
	v19 =	vmul.f32 v19, v16;
	[tilespmem:s2+$0x190] =	vst v13;
	v13 =	vunpack.i.l.bf16.f32 v21  }
0x1f0: {  	v25 =	vbroadcast v12, $0x0;
	v12 =	vunpack.i.u.bf16.f32 v21;
	v24 =	vld [tilespmem:s0+$0xD0];
	[tilespmem:s2+$0xFFFFFE80] =	vst v20;
	v13 =	vmul.f32 v13, v17  }
0x1f1: {  	v21 =	vunpack.i.l.bf16.f32 v23;
	[tilespmem:s2+$0xFFFFFE90] =	vst v19;
	v12 =	vmul.f32 v12, v17  }
0x1f2: {  	v23 =	vunpack.i.u.bf16.f32 v23;
	v19 =	vld [tilespmem:s0+$0x40];
	v21 =	vmul.f32 v21, v15;
	[tilespmem:s2+$0xFFFFFF00] =	vst v13  }
0x1f3: {  	v23 =	vmul.f32 v23, v15;
	[tilespmem:s2+$0xFFFFFF10] =	vst v12;
	v13 =	vld.idx.msk [tilespmem:v22+s17+$0x0], $0xffff;
	v22 =	vunpack.i.l.bf16.f32 v18  }
0x1f4: {  	v26 =	vld [tilespmem:s0+$0x80];
	[tilespmem:s2+$0xFFFFFF80] =	vst v21;
	v18 =	vunpack.i.u.bf16.f32 v18;
	v22 =	vmul.f32 v22, v10  }
0x1f5: {  	[tilespmem:s2+$0xFFFFFF90] =	vst v23;
	v12 =	vld.idx.msk [tilespmem:v11+s17+$0x0], $0xffff;
	v21 =	vunpack.i.l.bf16.f32 v24;
	v18 =	vmul.f32 v18, v10  }
0x1f6: {  	v20 =	vld [tilespmem:s0+$0xFFFFFF00];
	v23 =	vunpack.i.u.bf16.f32 v24;
	v21 =	vmul.f32 v21, v14;
	[tilespmem:s2+$0x0] =	vst v22  }
0x1f7: {  	v11 =	vld.idx.msk [tilespmem:v25+s17+$0x0], $0xffff;
	v22 =	vmul.f32 v23, v14;
	v23 =	vunpack.i.l.bf16.f32 v19;
	[tilespmem:s2+$0x10] =	vst v18  }
0x1f8: {  	v24 =	vld [tilespmem:s0+$0xFFFFFF50];
	v19 =	vunpack.i.u.bf16.f32 v19;
	[tilespmem:s2+$0x1A0] =	vst v21;
	v23 =	vmul.f32 v23, v13  }
0x1f9: {  	v25 =	vunpack.i.u.bf16.f32 v26;
	v19 =	vmul.f32 v19, v13;
	[tilespmem:s2+$0x1B0] =	vst v22  }
0x1fa: {  	v21 =	vld [tilespmem:s0+$0xFFFFFF90];
	v22 =	vunpack.i.l.bf16.f32 v26;
	v25 =	vmul.f32 v25, v12;
	[tilespmem:s2+$0x80] =	vst v23  }
0x1fb: {  	v18 =	vld [tilespmem:s0+$0xE0];
	v22 =	vmul.f32 v22, v12;
	v23 =	vunpack.i.l.bf16.f32 v20;
	[tilespmem:s2+$0x90] =	vst v19  }
0x1fc: {  	v19 =	vunpack.i.u.bf16.f32 v20;
	v20 =	vmul.f32 v23, v11;
	[tilespmem:s2+$0x110] =	vst v25  }
0x1fd: {  	v26 =	vld [tilespmem:s0+$0xFFFFFFD0];
	v19 =	vmul.f32 v19, v11;
	[tilespmem:s2+$0x100] =	vst v22;
	v22 =	vunpack.i.l.bf16.f32 v24  }
0x1fe: {  	v23 =	vunpack.i.u.bf16.f32 v24;
	v27 =	vld [tilespmem:s0+$0x50];
	v22 =	vmul.f32 v22, v16;
	[tilespmem:s2+$0xFFFFFE00] =	vst v20  }
0x1ff: {  	v23 =	vmul.f32 v23, v16;
	v24 =	vld [tilespmem:s0+$0x10];
	v25 =	vunpack.i.u.bf16.f32 v21;
	[tilespmem:s2+$0xFFFFFE10] =	vst v19  }
0x200: {  	v28 =	vld [tilespmem:s0+$0x90];
	v20 =	vunpack.i.l.bf16.f32 v18;
	[tilespmem:s2+$0xFFFFFEA0] =	vst v22;
	v22 =	vmul.f32 v25, v17  }
0x201: {  	v21 =	vunpack.i.l.bf16.f32 v21;
	[tilespmem:s2+$0xFFFFFEB0] =	vst v23;
	v18 =	vunpack.i.u.bf16.f32 v18;
	v19 =	vmul.f32 v20, v14  }
0x202: {  	v20 =	vmul.f32 v21, v17;
	v21 =	vunpack.i.l.bf16.f32 v26;
	v18 =	vmul.f32 v18, v14;
	[tilespmem:s2+$0xFFFFFF30] =	vst v22  }
0x203: {  	v25 =	vunpack.i.u.bf16.f32 v26;
	v26 =	vld [tilespmem:s0+$0xFFFFFF10];
	v21 =	vmul.f32 v21, v15;
	[tilespmem:s2+$0x1C0] =	vst v19  }
0x204: {  	v30 =	vld [tilespmem:s0+$0xFFFFFF60];
	v19 =	vmul.f32 v25, v15;
	v25 =	vunpack.i.u.bf16.f32 v24;
	v24 =	vunpack.i.l.bf16.f32 v24;
	[tilespmem:s2+$0x1D0] =	vst v18  }
0x205: {  	v29 =	vunpack.i.l.bf16.f32 v28;
	[tilespmem:s2+$0xFFFFFF20] =	vst v20;
	v18 =	vmul.f32 v25, v10;
	v25 =	vunpack.i.l.bf16.f32 v27  }
0x206: {  	v24 =	vmul.f32 v24, v10;
	v27 =	vunpack.i.u.bf16.f32 v27;
	[tilespmem:s2+$0xFFFFFFA0] =	vst v21;
	v25 =	vmul.f32 v25, v13  }
0x207: {  	s13 =	simm.s32 $0xA;
	v20 =	vmul.f32 v27, v13;
	v27 =	vunpack.i.u.bf16.f32 v28;
	v28 =	vmul.f32 v29, v12;
	[tilespmem:s2+$0xFFFFFFB0] =	vst v19  }
0x208: {  	v23 =	vld [tilespmem:s0+$0xF0];
	v19 =	vmov s13;
	v22 =	vmul.f32 v27, v12;
	v27 =	vunpack.i.u.bf16.f32 v26;
	[tilespmem:s2+$0x20] =	vst v24  }
0x209: {  	v26 =	vunpack.i.l.bf16.f32 v26;
	v32 =	vunpack.i.u.bf16.f32 v30;
	v30 =	vunpack.i.l.bf16.f32 v30;
	[tilespmem:s2+$0x30] =	vst v18  }
0x20a: {  	s14 =	simm.s32 $0x9;
	v29 =	vld [tilespmem:s0+$0xFFFFFFA0];
	v19 =	vshrl.u32 v19, $0x3;
	v21 =	vmul.f32 v26, v11;
	v26 =	vmul.f32 v27, v11;
	[tilespmem:s2+$0xA0] =	vst v25  }
0x20b: {  	v31 =	vld [tilespmem:s0+$0xFFFFFFE0];
	v27 =	vmov s14;
	v30 =	vmul.f32 v30, v16;
	[tilespmem:s2+$0xB0] =	vst v20;
	v19 =	vshll.u32 v19, v1  }
0x20c: {  	v32 =	vmul.f32 v32, v16;
	v33 =	vld [tilespmem:s0+$0x20];
	[tilespmem:s2+$0x120] =	vst v28;
	v20 =	vshrl.u32 v27, $0x3;
	v19 =	vadd.s32 v19, v6  }
0x20d: {  	s14 =	simm.s32 $0xB;
	v24 =	vunpack.i.u.bf16.f32 v23;
	v23 =	vunpack.i.l.bf16.f32 v23;
	v20 =	vshll.u32 v20, v1;
	[tilespmem:s2+$0xFFFFFEC0] =	vst v30  }
0x20e: {  	[tilespmem:s2+$0xFFFFFED0] =	vst v32;
	v19 =	vbroadcast v19, $0x0;
	v18 =	vmul.f32 v24, v14;
	v24 =	vmov s14  }
0x20f: {  	[tilespmem:s2+$0x130] =	vst v22;
	v25 =	vunpack.i.u.bf16.f32 v29;
	v29 =	vunpack.i.l.bf16.f32 v29;
	v14 =	vmul.f32 v23, v14;
	v32 =	vld [tilespmem:s0+$0xFFFFFF70]  }
0x210: {  	[tilespmem:s2+$0xFFFFFE20] =	vst v21;
	v23 =	vmul.f32 v29, v17;
	v27 =	vunpack.i.u.bf16.f32 v31;
	v29 =	vunpack.i.l.bf16.f32 v31;
	v31 =	vld [tilespmem:s0+$0x60]  }
0x211: {  	s13 =	simm.s32 $0xC;
	[tilespmem:s2+$0xFFFFFE30] =	vst v26;
	v20 =	vadd.s32 v20, v4;
	v22 =	vshrl.u32 v24, $0x3;
	v24 =	vunpack.i.l.bf16.f32 v33  }
0x212: {  	[tilespmem:s2+$0x1F0] =	vst v18;
	v18 =	vmov s13;
	v21 =	vunpack.i.u.bf16.f32 v33;
	v24 =	vmul.f32 v24, v10  }
0x213: {  	v28 =	vmul.f32 v29, v15;
	v29 =	vld [tilespmem:s0+$0xA0];
	v18 =	vshrl.u32 v18, $0x3;
	v21 =	vmul.f32 v21, v10;
	[tilespmem:s2+$0xFFFFFF40] =	vst v23  }
0x214: {  	v26 =	vld [tilespmem:s0+$0xFFFFFF20];
	v25 =	vmul.f32 v25, v17;
	v27 =	vmul.f32 v27, v15;
	v30 =	vshll.u32 v18, v1;
	[tilespmem:s2+$0x40] =	vst v24  }
0x215: {  	v24 =	vunpack.i.l.bf16.f32 v32;
	[tilespmem:s2+$0x50] =	vst v21;
	v21 =	vadd.s32 v30, v9;
	v18 =	vunpack.i.u.bf16.f32 v31  }
0x216: {  	[tilespmem:s2+$0xFFFFFF50] =	vst v25;
	v31 =	vunpack.i.l.bf16.f32 v31;
	v24 =	vmul.f32 v24, v16;
	v21 =	vbroadcast v21, $0x0  }
0x217: {  	v22 =	vshll.u32 v22, v1;
	v25 =	vld [tilespmem:s0+$0xFFFFFFB0];
	[tilespmem:s2+$0xFFFFFFC0] =	vst v28;
	v31 =	vmul.f32 v31, v13;
	v63 =	vmul.f32 v18, v13  }
0x218: {  	[tilespmem:s2+$0xFFFFFFD0] =	vst v27;
	v18 =	vbroadcast v20, $0x0;
	v20 =	vunpack.i.u.bf16.f32 v29;
	v23 =	vunpack.i.l.bf16.f32 v29  }
0x219: {  	v36 =	vld [tilespmem:s0+$0xFFFFFFF0];
	v34 =	vmul.f32 v23, v12;
	v35 =	vmul.f32 v20, v12;
	v23 =	vunpack.i.l.bf16.f32 v26  }
0x21a: {  	v20 =	vunpack.i.u.bf16.f32 v26;
	v26 =	vadd.s32 v22, v8;
	v27 =	vmul.f32 v23, v11  }
0x21b: {  	v29 =	vld [tilespmem:s0+$0x30];
	v22 =	vmul.f32 v20, v11;
	v20 =	vbroadcast v26, $0x0;
	v23 =	vunpack.i.u.bf16.f32 v32;
	[tilespmem:s2+$0xC0] =	vst v31  }
0x21c: {  	s14 =	simm.s32 $0xF;
	[tilespmem:s2+$0xD0] =	vst v63;
	v23 =	vmul.f32 v23, v16;
	v16 =	vunpack.i.u.bf16.f32 v25;
	v25 =	vunpack.i.l.bf16.f32 v25  }
0x21d: {  	v26 =	vmov s14;
	[tilespmem:s2+$0x140] =	vst v34;
	v28 =	vmul.f32 v25, v17;
	v25 =	vmul.f32 v16, v17;
	v16 =	vld [tilespmem:s0+$0x70]  }
0x21e: {  	v30 =	vunpack.i.l.bf16.f32 v36;
	[tilespmem:s2+$0x150] =	vst v35;
	v17 =	vshrl.u32 v26, $0x3;
	v26 =	vunpack.i.u.bf16.f32 v36  }
0x21f: {  	s28 =	simm.s32 $0x8;
	s10 =	smov.u32 s2;
	s13 =	simm.s32 $0x10;
	[tilespmem:s2+$0xFFFFFE40] =	vst v27;
	v30 =	vmul.f32 v30, v15;
	v27 =	vld [tilespmem:s0+$0xB0];
	v17 =	vshll.u32 v17, v1;
	v26 =	vmul.f32 v26, v15  }
.LBB2_3:
0x220: {  	p3 =	slt.u32 s13, $0x48;
	v15 =	vadd.s32 v17, v7;
	[tilespmem:s2+$0xFFFFFE50] =	vst v22;
	v22 =	vunpack.i.u.bf16.f32 v29;
	v17 =	vunpack.i.l.bf16.f32 v29  }
0x221: {  	v29 =	vbroadcast v15, $0x0;
	v31 =	vld [tilespmem:s0+$0xFFFFFF30];
	[tilespmem:s2+$0xFFFFFEE0] =	vst v24;
	v24 =	vmul.f32 v17, v10  }
0x222: {  	s14 =	sadd.s32 $0x5, s28;
	v22 =	vmul.f32 v22, v10;
	v17 =	vld.idx.msk [tilespmem:v18+s17+$0x0], $0xffff;
	[tilespmem:s2+$0xFFFFFEF0] =	vst v23;
	v10 =	vunpack.i.u.bf16.f32 v16;
	v15 =	vunpack.i.l.bf16.f32 v16  }
0x223: {  	v18 =	vmov s14;
	s14 =	sadd.s32 $0x6, s28;
	v16 =	vld.idx.msk [tilespmem:v19+s17+$0x0], $0xffff;
	[tilespmem:s2+$0xFFFFFF60] =	vst v28;
	v19 =	vmul.f32 v15, v13;
	v13 =	vmul.f32 v10, v13  }
0x224: {  	v15 =	vld.idx.msk [tilespmem:v20+s17+$0x0], $0xffff;
	v20 =	vmov s14;
	[tilespmem:s2+$0xFFFFFF70] =	vst v25;
	v23 =	vunpack.i.u.bf16.f32 v27;
	v25 =	vunpack.i.l.bf16.f32 v27  }
0x225: {  	s0 =	sadd.s32 $0x200, s0;
	v18 =	vshrl.u32 v18, $0x3;
	v10 =	vld.idx.msk [tilespmem:v21+s17+$0x0], $0xffff;
	[tilespmem:s2+$0xFFFFFFE0] =	vst v30;
	v21 =	vmul.f32 v25, v12;
	v12 =	vmul.f32 v23, v12  }
0x226: {  	v23 =	vshll.u32 v18, v1;
	v25 =	vld [tilespmem:s0+$0xC0];
	v27 =	vunpack.i.u.bf16.f32 v31;
	v28 =	vunpack.i.l.bf16.f32 v31;
	[tilespmem:s2+$0xFFFFFFF0] =	vst v26  }
0x227: {  	v20 =	vshrl.u32 v20, $0x3;
	v18 =	vld.idx.msk [tilespmem:v29+s17+$0x0], $0xffff;
	v26 =	vmul.f32 v28, v11;
	v11 =	vmul.f32 v27, v11;
	[tilespmem:s2+$0x60] =	vst v24  }
0x228: {  	v23 =	vadd.s32 v23, v5;
	v20 =	vshll.u32 v20, v1;
	v24 =	vmov s28;
	s28 =	smov.u32 s13;
	v27 =	vld [tilespmem:s0+$0xFFFFFF00];
	[tilespmem:s2+$0x70] =	vst v22  }
0x229: {  	v23 =	vbroadcast v23, $0x0;
	v20 =	vadd.s32 v20, v3;
	v22 =	vshrl.u32 v24, $0x3;
	v24 =	vld [tilespmem:s0+$0xFFFFFF40];
	[tilespmem:s2+$0xE0] =	vst v19  }
0x22a: {  	v20 =	vbroadcast v20, $0x0;
	v19 =	vshll.u32 v22, v1;
	v22 =	vld [tilespmem:s0+$0xFFFFFF80];
	[tilespmem:s2+$0xF0] =	vst v13  }
0x22b: {  	v13 =	vadd.s32 v2, v19;
	v19 =	vld [tilespmem:s0+$0xFFFFFFC0];
	[tilespmem:s2+$0x160] =	vst v21  }
0x22c: {  	v21 =	vbroadcast v13, $0x0;
	v13 =	vunpack.i.l.bf16.f32 v25;
	v28 =	vld [tilespmem:s0+$0x0];
	[tilespmem:s2+$0x170] =	vst v12  }
0x22d: {  	v12 =	vunpack.i.u.bf16.f32 v25;
	v25 =	vmul.f32 v13, v18;
	v29 =	vunpack.i.u.bf16.f32 v27;
	v30 =	vld [tilespmem:s0+$0x40];
	[tilespmem:s2+$0x1E0] =	vst v14  }
0x22e: {  	v14 =	vunpack.i.l.bf16.f32 v27;
	v32 =	vmul.f32 v12, v18;
	s2 =	sadd.s32 $0x400, s2;
	v27 =	vunpack.i.u.bf16.f32 v24;
	v31 =	vld [tilespmem:s0+$0x80];
	[tilespmem:s10+$0xFFFFFE60] =	vst v26  }
0x22f: {  	v12 =	vunpack.i.l.bf16.f32 v24;
	v24 =	vunpack.i.u.bf16.f32 v22;
	v22 =	vunpack.i.l.bf16.f32 v22;
	v13 =	vld.idx.msk [tilespmem:v23+s17+$0x0], $0xffff;
	[tilespmem:s2+$0x180] =	vst v25  }
0x230: {  	v23 =	vmul.f32 v12, v17;
	v25 =	vunpack.i.u.bf16.f32 v19;
	v19 =	vunpack.i.l.bf16.f32 v19;
	v12 =	vld.idx.msk [tilespmem:v20+s17+$0x0], $0xffff;
	[tilespmem:s2+$0x190] =	vst v32  }
0x231: {  	v20 =	vmul.f32 v27, v17;
	v26 =	vunpack.i.u.bf16.f32 v28;
	v27 =	vunpack.i.l.bf16.f32 v28;
	v28 =	vld [tilespmem:s0+$0xD0];
	[tilespmem:s10+$0xFFFFFE70] =	vst v11;
	s10 =	smov.u32 s2  }
0x232: {  	v22 =	vmul.f32 v22, v16;
	[tilespmem:s2+$0xFFFFFE80] =	vst v23;
	v23 =	vunpack.i.u.bf16.f32 v30;
	v30 =	vunpack.i.l.bf16.f32 v30  }
0x233: {  	v11 =	vld.idx.msk [tilespmem:v21+s17+$0x0], $0xffff;
	[tilespmem:s2+$0xFFFFFE90] =	vst v20;
	v20 =	vmul.f32 v24, v16;
	v21 =	vunpack.i.u.bf16.f32 v31;
	v24 =	vunpack.i.l.bf16.f32 v31  }
0x234: {  	v19 =	vmul.f32 v19, v15;
	v31 =	vld [tilespmem:s0+$0xFFFFFF50];
	[tilespmem:s2+$0xFFFFFF00] =	vst v22;
	v22 =	vmul.f32 v25, v15  }
0x235: {  	v25 =	vmul.f32 v26, v10;
	[tilespmem:s2+$0xFFFFFF10] =	vst v20;
	v20 =	vmul.f32 v27, v10  }
0x236: {  	v23 =	vmul.f32 v23, v13;
	v26 =	vld [tilespmem:s0+$0xFFFFFF90];
	[tilespmem:s2+$0xFFFFFF80] =	vst v19;
	v19 =	vmul.f32 v30, v13;
	v27 =	vunpack.i.l.bf16.f32 v28  }
0x237: {  	[tilespmem:s2+$0xFFFFFF90] =	vst v22;
	v22 =	vmul.f32 v24, v12;
	v24 =	vunpack.i.u.bf16.f32 v28;
	v27 =	vmul.f32 v27, v18  }
0x238: {  	v28 =	vld [tilespmem:s0+$0xFFFFFFD0];
	[tilespmem:s2+$0x0] =	vst v20;
	v20 =	vmul.f32 v21, v12;
	v21 =	vmul.f32 v24, v18  }
0x239: {  	v14 =	vmul.f32 v14, v11;
	v24 =	vmul.f32 v29, v11;
	v29 =	vunpack.i.u.bf16.f32 v31;
	[tilespmem:s2+$0x1A0] =	vst v27  }
0x23a: {  	v27 =	vunpack.i.l.bf16.f32 v31;
	v29 =	vmul.f32 v29, v17;
	[tilespmem:s2+$0x1B0] =	vst v21  }
0x23b: {  	v21 =	vmul.f32 v27, v17;
	v27 =	vunpack.i.u.bf16.f32 v26;
	v26 =	vunpack.i.l.bf16.f32 v26;
	[tilespmem:s2+$0x10] =	vst v25;
	v25 =	vld [tilespmem:s0+$0xE0]  }
0x23c: {  	v26 =	vmul.f32 v26, v16;
	v27 =	vmul.f32 v27, v16;
	v30 =	vld [tilespmem:s0+$0x10];
	[tilespmem:s2+$0x80] =	vst v19  }
0x23d: {  	v19 =	vunpack.i.u.bf16.f32 v28;
	v28 =	vunpack.i.l.bf16.f32 v28;
	[tilespmem:s2+$0x90] =	vst v23  }
0x23e: {  	v23 =	vmul.f32 v28, v15;
	v19 =	vmul.f32 v19, v15;
	v28 =	vld [tilespmem:s0+$0x50];
	[tilespmem:s2+$0x100] =	vst v22  }
0x23f: {  	[tilespmem:s2+$0x110] =	vst v20  }
0x240: {  	[tilespmem:s2+$0xFFFFFE00] =	vst v14;
	v14 =	vld [tilespmem:s0+$0x90];
	v20 =	vunpack.i.l.bf16.f32 v25  }
0x241: {  	[tilespmem:s2+$0xFFFFFE10] =	vst v24;
	v22 =	vunpack.i.u.bf16.f32 v30;
	v24 =	vunpack.i.u.bf16.f32 v25;
	v20 =	vmul.f32 v20, v18  }
0x242: {  	v25 =	vld [tilespmem:s0+$0xFFFFFF10];
	[tilespmem:s2+$0xFFFFFEA0] =	vst v21;
	v21 =	vunpack.i.l.bf16.f32 v30;
	v22 =	vmul.f32 v22, v10;
	v24 =	vmul.f32 v24, v18  }
0x243: {  	v21 =	vmul.f32 v21, v10;
	v30 =	vunpack.i.u.bf16.f32 v28;
	v28 =	vunpack.i.l.bf16.f32 v28;
	[tilespmem:s2+$0x1C0] =	vst v20  }
0x244: {  	v20 =	vmul.f32 v28, v13;
	v28 =	vmul.f32 v30, v13;
	[tilespmem:s2+$0x1D0] =	vst v24  }
0x245: {  	[tilespmem:s2+$0xFFFFFEB0] =	vst v29;
	v24 =	vunpack.i.u.bf16.f32 v14;
	v14 =	vunpack.i.l.bf16.f32 v14;
	v29 =	vld [tilespmem:s0+$0xF0]  }
0x246: {  	v30 =	vld [tilespmem:s0+$0xFFFFFF60];
	[tilespmem:s2+$0xFFFFFF20] =	vst v26;
	v26 =	vmul.f32 v14, v12;
	v24 =	vmul.f32 v24, v12  }
0x247: {  	v14 =	vunpack.i.u.bf16.f32 v25;
	v25 =	vunpack.i.l.bf16.f32 v25;
	[tilespmem:s2+$0xFFFFFF30] =	vst v27  }
0x248: {  	s14 =	sadd.s32 $0x1, s13;
	v25 =	vmul.f32 v25, v11;
	v27 =	vmul.f32 v14, v11;
	v14 =	vld [tilespmem:s0+$0xFFFFFFA0];
	[tilespmem:s2+$0xFFFFFFA0] =	vst v23  }
0x249: {  	v23 =	vmov s14;
	s14 =	sadd.s32 $0x2, s13;
	[tilespmem:s2+$0xFFFFFFB0] =	vst v19  }
0x24a: {  	v19 =	vmov s14;
	v31 =	vld [tilespmem:s0+$0xFFFFFFE0];
	[tilespmem:s2+$0x20] =	vst v21;
	v21 =	vunpack.i.u.bf16.f32 v29;
	v29 =	vunpack.i.l.bf16.f32 v29  }
0x24b: {  	s14 =	sadd.s32 $0x3, s13;
	v32 =	vunpack.i.u.bf16.f32 v30;
	v30 =	vunpack.i.l.bf16.f32 v30;
	[tilespmem:s2+$0x30] =	vst v22;
	v21 =	vmul.f32 v21, v18  }
0x24c: {  	v22 =	vmov s14;
	v30 =	vmul.f32 v30, v17;
	v32 =	vmul.f32 v32, v17;
	v33 =	vld [tilespmem:s0+$0x20];
	[tilespmem:s2+$0xA0] =	vst v20  }
0x24d: {  	s14 =	sadd.s32 $0x4, s13;
	v20 =	vunpack.i.u.bf16.f32 v14;
	v34 =	vunpack.i.l.bf16.f32 v14;
	v14 =	vmul.f32 v29, v18;
	[tilespmem:s2+$0x1F0] =	vst v21  }
0x24e: {  	v18 =	vmov s14;
	v21 =	vmul.f32 v34, v16;
	v20 =	vmul.f32 v20, v16;
	[tilespmem:s2+$0xB0] =	vst v28  }
0x24f: {  	v23 =	vshrl.u32 v23, $0x3;
	v28 =	vunpack.i.u.bf16.f32 v31;
	v29 =	vunpack.i.l.bf16.f32 v31;
	v31 =	vld [tilespmem:s0+$0x60];
	[tilespmem:s2+$0x120] =	vst v26  }
0x250: {  	v19 =	vshrl.u32 v19, $0x3;
	v26 =	vmul.f32 v29, v15;
	v28 =	vmul.f32 v28, v15;
	[tilespmem:s2+$0x130] =	vst v24  }
0x251: {  	v22 =	vshrl.u32 v22, $0x3;
	[tilespmem:s2+$0xFFFFFE20] =	vst v25;
	v24 =	vunpack.i.u.bf16.f32 v33;
	v25 =	vunpack.i.l.bf16.f32 v33;
	v29 =	vld [tilespmem:s0+$0xA0]  }
0x252: {  	v18 =	vshrl.u32 v18, $0x3;
	[tilespmem:s2+$0xFFFFFE30] =	vst v27;
	v25 =	vmul.f32 v25, v10;
	v24 =	vmul.f32 v24, v10  }
0x253: {  	v23 =	vshll.u32 v23, v1;
	v19 =	vshll.u32 v19, v1;
	v22 =	vshll.u32 v22, v1;
	v27 =	vld [tilespmem:s0+$0xFFFFFF20];
	[tilespmem:s2+$0xFFFFFEC0] =	vst v30  }
0x254: {  	v30 =	vshll.u32 v18, v1;
	[tilespmem:s2+$0xFFFFFED0] =	vst v32;
	v18 =	vunpack.i.u.bf16.f32 v31;
	v31 =	vunpack.i.l.bf16.f32 v31  }
0x255: {  	v23 =	vadd.s32 v23, v4;
	v32 =	vld [tilespmem:s0+$0xFFFFFF70];
	[tilespmem:s2+$0xFFFFFF40] =	vst v21;
	v21 =	vmul.f32 v31, v13;
	v31 =	vmul.f32 v18, v13  }
0x256: {  	v18 =	vbroadcast v23, $0x0;
	[tilespmem:s2+$0xFFFFFF50] =	vst v20;
	v20 =	vunpack.i.u.bf16.f32 v29;
	v23 =	vunpack.i.l.bf16.f32 v29  }
0x257: {  	v19 =	vadd.s32 v19, v6;
	v33 =	vld [tilespmem:s0+$0xFFFFFFB0];
	[tilespmem:s2+$0xFFFFFFC0] =	vst v26;
	v26 =	vmul.f32 v23, v12;
	v34 =	vmul.f32 v20, v12  }
0x258: {  	v19 =	vbroadcast v19, $0x0;
	v20 =	vunpack.i.u.bf16.f32 v27;
	v23 =	vunpack.i.l.bf16.f32 v27;
	[tilespmem:s2+$0xFFFFFFD0] =	vst v28  }
0x259: {  	v27 =	vadd.s32 v22, v8;
	v35 =	vmul.f32 v23, v11;
	v22 =	vmul.f32 v20, v11;
	v36 =	vld [tilespmem:s0+$0xFFFFFFF0];
	[tilespmem:s2+$0x40] =	vst v25  }
0x25a: {  	v20 =	vbroadcast v27, $0x0;
	v23 =	vunpack.i.u.bf16.f32 v32;
	v25 =	vunpack.i.l.bf16.f32 v32;
	[tilespmem:s2+$0x50] =	vst v24  }
.Ltmp0:
0x25b: {  	v27 =	vadd.s32 v30, v9;
	v24 =	vmul.f32 v25, v17;
	v23 =	vmul.f32 v23, v17;
	v29 =	vld [tilespmem:s0+$0x30];
	[tilespmem:s2+$0xC0] =	vst v21;
	(pc) =	sbr.rel @p3 .LBB2_3-.Ltmp0, $4  }
0x25c: {  	s14 =	sadd.s32 $0x7, s13;
	v21 =	vbroadcast v27, $0x0;
	v17 =	vunpack.i.u.bf16.f32 v33;
	v25 =	vunpack.i.l.bf16.f32 v33;
	[tilespmem:s2+$0xD0] =	vst v31  }
0x25d: {  	v27 =	vmov s14;
	v28 =	vmul.f32 v25, v16;
	v25 =	vmul.f32 v17, v16;
	v16 =	vld [tilespmem:s0+$0x70];
	[tilespmem:s2+$0x140] =	vst v26  }
0x25e: {  	v17 =	vshrl.u32 v27, $0x3;
	v26 =	vunpack.i.u.bf16.f32 v36;
	v27 =	vunpack.i.l.bf16.f32 v36;
	[tilespmem:s2+$0x150] =	vst v34  }
0x25f: {  	s13 =	sadd.s32 $0x8, s13;
	v17 =	vshll.u32 v17, v1;
	[tilespmem:s2+$0xFFFFFE40] =	vst v35;
	v30 =	vmul.f32 v27, v15;
	v26 =	vmul.f32 v26, v15;
	v27 =	vld [tilespmem:s0+$0xB0]  }
0x260: {  	[tilespmem:s2+$0xFFFFFE50] =	vst v22  }
0x261: {  	[tilespmem:s2+$0xFFFFFEE0] =	vst v24  }
0x262: {  	[tilespmem:s2+$0xFFFFFEF0] =	vst v23  }
0x263: {  	v4 =	vadd.s32 v17, v7;
	[tilespmem:s2+$0xFFFFFF60] =	vst v28  }
0x264: {  	v6 =	vunpack.i.l.bf16.f32 v29;
	[tilespmem:s2+$0xFFFFFF70] =	vst v25;
	v37 =	vunpack.i.u.bf16.f32 v29;
	v4 =	vbroadcast v4, $0x0;
	v8 =	vld [tilespmem:s0+$0xFFFFFF30];
	s0 =	sadd.s32 $0x200, s0  }
0x265: {  	s13 =	sadd.s32 $0x5, s28;
	s14 =	sadd.s32 $0x6, s28;
	v50 =	vmov s28;
	[tilespmem:s2+$0x1E0] =	vst v14;
	v6 =	vmul.f32 v6, v10;
	v7 =	vmul.f32 v37, v10;
	v39 =	vld [tilespmem:s0+$0xC0]  }
0x266: {  	[tilespmem:s2+$0xFFFFFFE0] =	vst v30;
	v15 =	vmov s13;
	v40 =	vmov s14;
	v56 =	vshrl.u32 v50, $0x3;
	v46 =	vld [tilespmem:s0+$0xFFFFFF40]  }
0x267: {  	[tilespmem:s2+$0xFFFFFFF0] =	vst v26;
	v9 =	vunpack.i.l.bf16.f32 v16;
	v38 =	vunpack.i.u.bf16.f32 v16;
	v15 =	vshrl.u32 v15, $0x3;
	v51 =	vld [tilespmem:s0+$0xFFFFFF80]  }
0x268: {  	v47 =	vshrl.u32 v40, $0x3;
	v57 =	vld [tilespmem:s0+$0xFFFFFFC0];
	v59 =	vshll.u32 v56, v1;
	v9 =	vmul.f32 v9, v13;
	[tilespmem:s2+$0x60] =	vst v6  }
0x269: {  	v10 =	vmul.f32 v38, v13;
	[tilespmem:s2+$0x70] =	vst v7;
	v6 =	vld.idx.msk [tilespmem:v18+s17+$0x0], $0xffff;
	v44 =	vshll.u32 v15, v1;
	v41 =	vunpack.i.l.bf16.f32 v27  }
0x26a: {  	v60 =	vld [tilespmem:s0+$0x0];
	v2 =	vadd.s32 v2, v59;
	v42 =	vunpack.i.u.bf16.f32 v27;
	v17 =	vmul.f32 v41, v12;
	[tilespmem:s2+$0xE0] =	vst v9  }
0x26b: {  	v7 =	vld.idx.msk [tilespmem:v19+s17+$0x0], $0xffff;
	v53 =	vadd.s32 v44, v5;
	v43 =	vmul.f32 v42, v12;
	[tilespmem:s2+$0xF0] =	vst v10;
	v45 =	vunpack.i.l.bf16.f32 v8  }
0x26c: {  	v24 =	vld [tilespmem:s0+$0x80];
	v10 =	vshll.u32 v47, v1;
	v8 =	vunpack.i.u.bf16.f32 v8;
	v48 =	vmul.f32 v45, v11;
	[tilespmem:s2+$0x160] =	vst v17  }
0x26d: {  	v9 =	vbroadcast v53, $0x0;
	v4 =	vld.idx.msk [tilespmem:v4+s17+$0x0], $0xffff;
	v49 =	vmul.f32 v8, v11;
	[tilespmem:s2+$0x170] =	vst v43;
	v58 =	vunpack.i.l.bf16.f32 v46  }
0x26e: {  	v3 =	vadd.s32 v10, v3;
	v8 =	vld.idx.msk [tilespmem:v20+s17+$0x0], $0xffff;
	v61 =	vunpack.i.u.bf16.f32 v46;
	v10 =	vmul.f32 v58, v6;
	[tilespmem:s10+$0xFFFFFE60] =	vst v48  }
0x26f: {  	s28 =	sadd.s32 $0x400, s2;
	v5 =	vld.idx.msk [tilespmem:v21+s17+$0x0], $0xffff;
	v3 =	vbroadcast v3, $0x0;
	v62 =	vunpack.i.l.bf16.f32 v51;
	v14 =	vmul.f32 v61, v6;
	[tilespmem:s10+$0xFFFFFE70] =	vst v49  }
0x270: {  	v21 =	vld [tilespmem:s0+$0x40];
	v12 =	vbroadcast v2, $0x0;
	v19 =	vunpack.i.u.bf16.f32 v51;
	v20 =	vmul.f32 v62, v7;
	[tilespmem:s28+$0xFFFFFE80] =	vst v10  }
0x271: {  	v27 =	vld [tilespmem:s0+$0xFFFFFF00];
	v52 =	vunpack.i.l.bf16.f32 v39;
	v11 =	vmul.f32 v19, v7;
	[tilespmem:s28+$0xFFFFFE90] =	vst v14  }
0x272: {  	v54 =	vunpack.i.u.bf16.f32 v39;
	v2 =	vunpack.i.l.bf16.f32 v57;
	[tilespmem:s28+$0xFFFFFF00] =	vst v20;
	v31 =	vld [tilespmem:s0+$0xFFFFFF50];
	v55 =	vmul.f32 v52, v4  }
0x273: {  	v23 =	vunpack.i.l.bf16.f32 v60;
	[tilespmem:s28+$0xFFFFFF10] =	vst v11;
	v16 =	vmul.f32 v54, v4;
	v22 =	vmul.f32 v2, v8;
	v2 =	vld.idx.msk [tilespmem:v9+s17+$0x0], $0xffff  }
0x274: {  	v37 =	vld [tilespmem:s0+$0xFFFFFF90];
	v9 =	vmul.f32 v23, v5;
	[tilespmem:s28+$0x180] =	vst v55  }
0x275: {  	v15 =	vunpack.i.u.bf16.f32 v57;
	v3 =	vld.idx.msk [tilespmem:v3+s17+$0x0], $0xffff;
	[tilespmem:s28+$0x190] =	vst v16  }
0x276: {  	v13 =	vunpack.i.u.bf16.f32 v60;
	v15 =	vmul.f32 v15, v8;
	[tilespmem:s28+$0x0] =	vst v9;
	v9 =	vld.idx.msk [tilespmem:v12+s17+$0x0], $0xffff  }
0x277: {  	v28 =	vunpack.i.l.bf16.f32 v21;
	v29 =	vmul.f32 v13, v5;
	[tilespmem:s28+$0xFFFFFF80] =	vst v22;
	v63 =	vld [tilespmem:s0+$0xD0]  }
0x278: {  	[tilespmem:s28+$0xFFFFFF90] =	vst v15;
	v13 =	vunpack.i.u.bf16.f32 v31;
	v32 =	vmul.f32 v28, v2  }
0x279: {  	[tilespmem:s28+$0x10] =	vst v29;
	v39 =	vld [tilespmem:s0+$0xFFFFFFD0];
	v45 =	vunpack.i.u.bf16.f32 v37;
	v13 =	vmul.f32 v13, v6  }
0x27a: {  	v11 =	vunpack.i.u.bf16.f32 v24;
	v47 =	vmul.f32 v45, v7;
	[tilespmem:s28+$0x80] =	vst v32  }
0x27b: {  	v35 =	vunpack.i.l.bf16.f32 v27;
	v11 =	vmul.f32 v11, v3;
	[tilespmem:s28+$0xFFFFFEB0] =	vst v13  }
0x27c: {  	v14 =	vmul.f32 v35, v9;
	[tilespmem:s28+$0xFFFFFF30] =	vst v47;
	v25 =	vunpack.i.l.bf16.f32 v63  }
0x27d: {  	v43 =	vld [tilespmem:s0+$0x10];
	v26 =	vunpack.i.u.bf16.f32 v63;
	[tilespmem:s28+$0x110] =	vst v11;
	v10 =	vmul.f32 v25, v4  }
0x27e: {  	v48 =	vunpack.i.l.bf16.f32 v39;
	v15 =	vmul.f32 v26, v4;
	[tilespmem:s28+$0xFFFFFE00] =	vst v14  }
0x27f: {  	v11 =	vunpack.i.u.bf16.f32 v39;
	v12 =	vmul.f32 v48, v8;
	[tilespmem:s28+$0x1A0] =	vst v10  }
0x280: {  	v30 =	vunpack.i.u.bf16.f32 v21;
	v11 =	vmul.f32 v11, v8;
	[tilespmem:s28+$0x1B0] =	vst v15  }
0x281: {  	v33 =	vunpack.i.l.bf16.f32 v24;
	v10 =	vmul.f32 v30, v2;
	[tilespmem:s28+$0xFFFFFFA0] =	vst v12;
	v34 =	vld [tilespmem:s0+$0xE0]  }
0x282: {  	v50 =	vunpack.i.l.bf16.f32 v43;
	v15 =	vmul.f32 v33, v3;
	[tilespmem:s28+$0xFFFFFFB0] =	vst v11  }
0x283: {  	v38 =	vunpack.i.l.bf16.f32 v31;
	v52 =	vmul.f32 v50, v5;
	v22 =	vld [tilespmem:s0+$0xFFFFFFE0];
	[tilespmem:s28+$0x90] =	vst v10  }
0x284: {  	v36 =	vunpack.i.u.bf16.f32 v27;
	[tilespmem:s28+$0x100] =	vst v15;
	v15 =	vmul.f32 v38, v6  }
0x285: {  	v44 =	vunpack.i.l.bf16.f32 v37;
	[tilespmem:s28+$0x20] =	vst v52;
	v10 =	vmul.f32 v36, v9;
	v46 =	vld [tilespmem:s0+$0x50]  }
0x286: {  	[tilespmem:s28+$0xFFFFFEA0] =	vst v15;
	v15 =	vmul.f32 v44, v7;
	v40 =	vunpack.i.l.bf16.f32 v34  }
0x287: {  	v49 =	vld [tilespmem:s0+$0x90];
	[tilespmem:s28+$0xFFFFFE10] =	vst v10;
	v41 =	vunpack.i.u.bf16.f32 v34;
	v42 =	vmul.f32 v40, v4  }
0x288: {  	[tilespmem:s28+$0xFFFFFF20] =	vst v15;
	v29 =	vunpack.i.l.bf16.f32 v22;
	v10 =	vmul.f32 v41, v4  }
0x289: {  	v51 =	vunpack.i.u.bf16.f32 v43;
	v53 =	vld [tilespmem:s0+$0xFFFFFF10];
	v31 =	vmul.f32 v29, v8;
	[tilespmem:s28+$0x1C0] =	vst v42  }
0x28a: {  	v54 =	vunpack.i.l.bf16.f32 v46;
	[tilespmem:s28+$0x1D0] =	vst v10;
	v10 =	vmul.f32 v51, v5  }
0x28b: {  	v57 =	vld [tilespmem:s0+$0xFFFFFF60];
	v16 =	vunpack.i.u.bf16.f32 v46;
	v55 =	vmul.f32 v54, v2;
	[tilespmem:s28+$0xFFFFFFC0] =	vst v31  }
0x28c: {  	v60 =	vunpack.i.l.bf16.f32 v49;
	v59 =	vmul.f32 v16, v2;
	[tilespmem:s28+$0x30] =	vst v10  }
0x28d: {  	v63 =	vld [tilespmem:s0+$0xFFFFFFA0];
	v61 =	vunpack.i.u.bf16.f32 v49;
	v62 =	vmul.f32 v60, v3;
	[tilespmem:s28+$0xA0] =	vst v55  }
0x28e: {  	v20 =	vmul.f32 v61, v3;
	v21 =	vunpack.i.l.bf16.f32 v53;
	[tilespmem:s28+$0xB0] =	vst v59  }
0x28f: {  	v12 =	vunpack.i.u.bf16.f32 v53;
	v11 =	vmul.f32 v21, v9;
	[tilespmem:s28+$0x120] =	vst v62  }
0x290: {  	v13 =	vld [tilespmem:s0+$0xF0];
	v23 =	vunpack.i.l.bf16.f32 v57;
	v12 =	vmul.f32 v12, v9;
	[tilespmem:s28+$0x130] =	vst v20  }
0x291: {  	v24 =	vunpack.i.u.bf16.f32 v57;
	v15 =	vmul.f32 v23, v6;
	v25 =	vld [tilespmem:s0+$0x20];
	[tilespmem:s28+$0xFFFFFE20] =	vst v11  }
0x292: {  	v10 =	vmul.f32 v24, v6;
	v26 =	vunpack.i.l.bf16.f32 v63;
	[tilespmem:s28+$0xFFFFFE30] =	vst v12  }
0x293: {  	v27 =	vunpack.i.u.bf16.f32 v63;
	v28 =	vld [tilespmem:s0+$0x60];
	v11 =	vmul.f32 v26, v7;
	[tilespmem:s28+$0xFFFFFEC0] =	vst v15  }
0x294: {  	v30 =	vunpack.i.u.bf16.f32 v22;
	v12 =	vmul.f32 v27, v7;
	[tilespmem:s28+$0xFFFFFED0] =	vst v10  }
0x295: {  	v32 =	vld [tilespmem:s0+$0xA0];
	v10 =	vmul.f32 v30, v8;
	v56 =	vunpack.i.u.bf16.f32 v13;
	[tilespmem:s28+$0xFFFFFF40] =	vst v11  }
0x296: {  	[tilespmem:s28+$0xFFFFFF50] =	vst v12;
	v58 =	vmul.f32 v56, v4;
	v33 =	vunpack.i.l.bf16.f32 v25  }
0x297: {  	v35 =	vld [tilespmem:s0+$0xFFFFFF20];
	[tilespmem:s28+$0xFFFFFFD0] =	vst v10;
	v34 =	vunpack.i.u.bf16.f32 v25;
	v11 =	vmul.f32 v33, v5  }
0x298: {  	v36 =	vunpack.i.l.bf16.f32 v28;
	[tilespmem:s28+$0x1F0] =	vst v58;
	v12 =	vmul.f32 v34, v5  }
0x299: {  	v38 =	vld [tilespmem:s0+$0xFFFFFF70];
	v37 =	vunpack.i.u.bf16.f32 v28;
	v14 =	vmul.f32 v36, v2;
	[tilespmem:s28+$0x40] =	vst v11  }
0x29a: {  	v39 =	vunpack.i.l.bf16.f32 v32;
	v10 =	vmul.f32 v37, v2;
	[tilespmem:s28+$0x50] =	vst v12  }
0x29b: {  	v41 =	vld [tilespmem:s0+$0xFFFFFFB0];
	v40 =	vunpack.i.u.bf16.f32 v32;
	v11 =	vmul.f32 v39, v3;
	[tilespmem:s28+$0xC0] =	vst v14  }
0x29c: {  	v42 =	vunpack.i.l.bf16.f32 v35;
	v12 =	vmul.f32 v40, v3;
	[tilespmem:s28+$0xD0] =	vst v10  }
0x29d: {  	v44 =	vld [tilespmem:s0+$0xFFFFFFF0];
	v43 =	vunpack.i.u.bf16.f32 v35;
	v14 =	vmul.f32 v42, v9;
	[tilespmem:s28+$0x140] =	vst v11  }
0x29e: {  	v45 =	vunpack.i.l.bf16.f32 v38;
	v10 =	vmul.f32 v43, v9;
	[tilespmem:s28+$0x150] =	vst v12  }
0x29f: {  	v46 =	vunpack.i.u.bf16.f32 v38;
	v47 =	vld [tilespmem:s0+$0x30];
	v11 =	vmul.f32 v45, v6;
	[tilespmem:s28+$0xFFFFFE40] =	vst v14  }
0x2a0: {  	v48 =	vunpack.i.l.bf16.f32 v41;
	v6 =	vmul.f32 v46, v6;
	[tilespmem:s28+$0xFFFFFE50] =	vst v10  }
0x2a1: {  	v49 =	vunpack.i.u.bf16.f32 v41;
	v50 =	vld [tilespmem:s0+$0x70];
	v12 =	vmul.f32 v48, v7;
	[tilespmem:s28+$0xFFFFFEE0] =	vst v11  }
0x2a2: {  	v51 =	vunpack.i.l.bf16.f32 v44;
	v7 =	vmul.f32 v49, v7;
	[tilespmem:s28+$0xFFFFFEF0] =	vst v6  }
0x2a3: {  	v52 =	vunpack.i.u.bf16.f32 v44;
	v10 =	vmul.f32 v51, v8;
	v53 =	vld [tilespmem:s0+$0xB0];
	[tilespmem:s28+$0xFFFFFF60] =	vst v12  }
0x2a4: {  	v6 =	vmul.f32 v52, v8;
	[tilespmem:s28+$0xFFFFFF70] =	vst v7;
	v54 =	vunpack.i.l.bf16.f32 v47  }
0x2a5: {  	[tilespmem:s28+$0xFFFFFFE0] =	vst v10;
	v55 =	vunpack.i.u.bf16.f32 v47;
	v8 =	vmul.f32 v54, v5  }
0x2a6: {  	v56 =	vld [tilespmem:s0+$0xFFFFFF30];
	v57 =	vunpack.i.l.bf16.f32 v50;
	[tilespmem:s28+$0xFFFFFFF0] =	vst v6;
	v5 =	vmul.f32 v55, v5  }
0x2a7: {  	v58 =	vunpack.i.u.bf16.f32 v50;
	v7 =	vmul.f32 v57, v2;
	[tilespmem:s28+$0x60] =	vst v8  }
0x2a8: {  	v2 =	vmul.f32 v58, v2;
	v59 =	vunpack.i.l.bf16.f32 v53;
	[tilespmem:s28+$0x70] =	vst v5  }
0x2a9: {  	v60 =	vunpack.i.u.bf16.f32 v53;
	v6 =	vmul.f32 v59, v3;
	[tilespmem:s28+$0xE0] =	vst v7  }
0x2aa: {  	v61 =	vunpack.i.l.bf16.f32 v13;
	v3 =	vmul.f32 v60, v3;
	[tilespmem:s28+$0xF0] =	vst v2  }
0x2ab: {  	v62 =	vunpack.i.l.bf16.f32 v56;
	v2 =	vmul.f32 v61, v4;
	[tilespmem:s28+$0x160] =	vst v6  }
0x2ac: {  	v63 =	vunpack.i.u.bf16.f32 v56;
	v4 =	vmul.f32 v62, v9;
	[tilespmem:s28+$0x170] =	vst v3  }
0x2ad: {  	v3 =	vmul.f32 v63, v9;
	[tilespmem:s28+$0x1E0] =	vst v2  }
0x2ae: {  	[tilespmem:s28+$0xFFFFFE60] =	vst v4  }
0x2af: {  	s2 =	simm.s32 @!p2 $0x5190;
	s0 =	simm.s32 @!p2 $0x50;
	[tilespmem:s28+$0xFFFFFE70] =	vst v3  }
0x2b0: {  	[spmem:s3] =	stream.indirect.scatter.add.f32 @!p2 [tilespmem:s2], [sflag:$0x2], $0x80, s30, s0, $0xb8;
	[tilespmem:$0x1EE90] =	vst v63  }
0x2b1: {  	p2 =	sgt.u32 s23, $0x7A;
	s0 =	simm.s32 @p1 $0x50;
	s2 =	simm.s32 @p1 $0x7990  }
0x2b2: {  	[spmem:s3] =	stream.indirect.scatter.add.f32 @p1 [tilespmem:s2], [sflag:$0x3], $0x80, s31, s0, $0xb8;
	[tilespmem:$0x1EE90] =	vst v63  }
0x2b3: {  	s10 =	smul.u32 @!p2 $0x50, s23;
	p1 =	sne.s32 s24, $0x7D  }
.Ltmp1:
0x2b4: {  	_ = 	snop;
	(pc) =	sbr.rel @p1 .LBB2_2-.Ltmp1, $4  }
0x2b5: {  	s0 =	sadd.s32 @!p2 s10, s29  }
0x2b6: {  	p0 =	por !p0, !p0;
	s23 =	smov.u32 s24;
	s0 =	sshrl.u32 @!p2 s0, $0x3  }
0x2b7: {  	s2 =	sadd.s32 @!p2 $0x2710, s25;
	s10 =	simm.s32 @!p2 $0x0;
	s0 =	sadd.s32 @!p2 s1, s0  }
0x2b8: {  	[tilespmem:s2], [sflag:$0x7] =	stream.linear.gather @!p2 [hbm4b:s0+s10], $0x50, $0x38;
	[tilespmem:$0x1EE90] =	vst v63  }
0x2b9: {  	_ =	swait.ge [sflag:s18], $0x50  }
0x2ba: {  	[sflag:s18] =	ssyncset.done $0x0  }
0x2bb: {  	[sflag:s18] =	ssyncadd.s32 $0xFFFFFFB0  }
0x2bc: {  	_ =	swait.ge [sflag:s19], $0x50  }
0x2bd: {  	[sflag:s19] =	ssyncset.done $0x0  }
0x2be: {  	[sflag:s19] =	ssyncadd.s32 $0xFFFFFFB0  }
0x2bf: {  	_ =	swait.ge [sflag:s20], $0x2800  }
0x2c0: {  	[sflag:s20] =	ssyncset.done $0x0  }
0x2c1: {  	[sflag:s20] =	ssyncadd.s32 $0xFFFFD800  }
0x2c2: {  	_ =	swait.ge [sflag:s21], $0x2800  }
0x2c3: {  	[sflag:s21] =	ssyncset.done $0x0  }
0x2c4: {  	[sflag:s21] =	ssyncadd.s32 $0xFFFFD800  }
0x2c5: {  	[bflag:$0x0] =	sbarrier.arrive $0xFFFF  }
0x2c6: {  	s0 =	stileid.u32;
	s10 =	sld [smem:$0x7F8]  }
0x2c7: {  	s0 =	sshll.u32 s0, $0x6  }
0x2c8: {  	s2 =	sshrl.u32 s9, $0x3;
	s0 =	sor.u32 $0x1C08, s0  }
0x2c9: {  	[hbm:s10], [sflag:s0] =	dma.local [spmem:s2], $0x2800  }
0x2ca: {  	_ =	swait.ge [sflag:s12], $0x2800  }
0x2cb: {  	s30 =	sld [smem:$0x7F9]  }
0x2cc: {  	[sflag:s12] =	ssyncset.done $0x0  }
0x2cd: {  	s28 =	sshrl.u32 s26, $0x3;
	[sflag:s12] =	ssyncadd.s32 $0xFFFFD800  }
0x2ce: {  	[hbm:s30], [sflag:s0] =	dma.local [spmem:s28], $0x50  }
0x2cf: {  	_ =	swait.ge [sflag:s12], $0x50  }
0x2d0: {  	s31 =	sld [smem:$0x7FA];
	_ =	sdelay $0x1  }
0x2d1: {  	s22 =	sadd.s32 $0x1, s22  }
0x2d2: {  	p0 =	sne.s32 s22, s31  }
.Ltmp2:
0x2d3: {  	_ = 	snop;
	(pc) =	sbr.rel @p0 .LBB2_1-.Ltmp2, $3  }
0x2d4: {  	_ =	sdelay $0x1  }
0x2d5: {  	[sflag:s12] =	ssyncset.done $0x0  }
0x2d6: {  	[sflag:s12] =	ssyncadd.s32 $0xFFFFFFB0  }
0x2d7: {  	_ =	sfence.sel $0x180000  }
0x2d8: {  	[bflag:$0x0] =	sbarrier.arrive $0xFFFF  }
0x2d9: {  	_ =	strace $0x90000047  }
0x2da: {  	s0 =	stileid.u32;
	[bflag:$0x2] =	sbarrier.arrive $0xFFFF  }
0x2db: {  	p0 =	sne.s32 s0, $0x0;
	s0 =	rddreg [dreg:$0x4]  }
0x2dc: {  	s0 =	sadd.s32 @!p0 $0x100000, s0  }
0x2dd: {  	[sflag:s0] =	ssyncadd.tile.s32 @!p0 $0x1;
	_ =	shalt  }
.Lfunc_end2:
_tile_overlayer_lowered:
.L_overlay_start_2:
0x2de: {  	(tag) =	ssettag $0x2  }
0x2df: {  	s0 =	rddreg [dreg:$0x0];
	s2 =	stileid.u32  }
0x2e0: {  	s1 =	rddreg [dreg:$0x1];
	p0 =	sne.s32 s2, $0x0  }
0x2e1: {  	s3 =	rddreg [dreg:$0x2];
	[bflag:$0x3] =	sbarrier.arrive $0xFFFF;
	s2 =	simm.s32 @!p0 $0x1C08  }
0x2e2: {  	[timem:s3], [sflag:s2] =	dma.local @!p0 [hbm:s0], s1  }
0x2e3: {  	s0 =	simm.s32 @!p0 $0x8  }
0x2e4: {  	_ =	swait.ge @!p0 [sflag:s0], s1  }
0x2e5: {  	s1 =	ssub.s32 @!p0 $0x0, s1;
	[sflag:s0] =	ssyncset.done @!p0 $0x0  }
0x2e6: {  	[sflag:s0] =	ssyncadd.s32 @!p0 s1  }
0x2e7: {  	[bflag:$0x3] =	sbarrier.arrive $0xFFFF  }
0x2e8: {  	_ =	shalt  }

</sc_bundles>
